<compile_context>
chip_gen: v7x
topology: tpu7x:2x2x1
jax: 0.10.2.dev20260603
libtpu: 0.0.44.dev20260713+nightly
codegen_flags: <defaults>
</compile_context>

<pallas_src>
import functools

import jax
import jax.numpy as jnp
from jax import lax
from jax.experimental import pallas as pl
from jax.experimental.pallas import tpu as pltpu
from jax.experimental.pallas import tpu_sc as plsc

_LANES = 16
_BATCH = 8
_DEPTH = 8


def _make_gather(V, D, B):
    info = plsc.get_sparse_core_info()
    NC, NS = info.num_cores, info.num_subcores
    assert D == 2 * 8 and NC == 2
    b_per_w = B // NS
    assert b_per_w % _BATCH == 0 and B % (8 * NS) == 0
    nbatches = b_per_w // _BATCH
    mesh = plsc.VectorSubcoreMesh(core_axis_name="c", subcore_axis_name="s")

    @functools.partial(
        pl.kernel,
        mesh=mesh,
        out_type=jax.ShapeDtypeStruct((D, B), jnp.float32),
        scratch_types=[
            pltpu.VMEM((b_per_w + _LANES,), jnp.int32),
            pltpu.VMEM((_DEPTH, 8, _BATCH * 128), jnp.float32),
            pltpu.VMEM((8, b_per_w), jnp.float32),
        ]
        + [pltpu.SemaphoreType.DMA] * _DEPTH,
        compiler_params=pltpu.CompilerParams(needs_layout_passes=False),
    )
    def k(tableT_hbm, idx_hbm, outT_hbm, idx_v, ring_v, buf_v, *sems):
        jb = lax.axis_index("c")
        sid = lax.axis_index("s")
        jrow = jb * 8
        base = sid * b_per_w
        pltpu.sync_copy(idx_hbm.at[pl.ds(base, b_per_w)], idx_v.at[pl.ds(0, b_per_w)])
        lane = lax.iota(jnp.int32, _LANES)
        js = lane & 7
        hi = lane >= 8

        def issue(g, sem):
            par = g % _DEPTH
            for t0 in range(0, _BATCH, _LANES):
                rv = idx_v[pl.ds(g * _BATCH + t0, _LANES)]
                cv = (rv >> 7) * 128
                for t in range(min(_BATCH, _LANES)):
                    c = pl.multiple_of(cv[t], 128)
                    pltpu.async_copy(
                        tableT_hbm.at[pl.ds(jrow, 8), pl.ds(c, 128)],
                        ring_v.at[par, :, pl.ds((t0 + t) * 128, 128)],
                        sem,
                    )

        def drain_extract(g, sem):
            par = g % _DEPTH
            pltpu.make_async_copy(
                tableT_hbm.at[pl.ds(0, 8), pl.ds(0, _BATCH * 128)],
                ring_v.at[par],
                sem,
            ).wait()
            for t0 in range(0, _BATCH, _LANES):
                rv = idx_v[pl.ds(g * _BATCH + t0, _LANES)]
                colv = rv & 127
                for t in range(0, min(_BATCH, _LANES), 2):
                    i = g * _BATCH + t0 + t
                    parv = jnp.full((_LANES,), par, jnp.int32)
                    cols = jnp.where(
                        hi,
                        jnp.full((_LANES,), (t0 + t + 1) * 128, jnp.int32)
                        + colv[t + 1],
                        jnp.full((_LANES,), (t0 + t) * 128, jnp.int32)
                        + colv[t],
                    )
                    ks = jnp.where(
                        hi,
                        jnp.full((_LANES,), i + 1, jnp.int32),
                        jnp.full((_LANES,), i, jnp.int32),
                    )
                    vals = plsc.load_gather(ring_v, [parv, js, cols])
                    plsc.store_scatter(buf_v, [js, ks], vals)

        for q in range(_DEPTH):
            issue(q, sems[q])

        def body(g, _):
            for q in range(_DEPTH):
                drain_extract(g + q, sems[q])

                @pl.when(g + q + _DEPTH < nbatches)
                def _():
                    issue(g + q + _DEPTH, sems[q])

            return 0

        lax.fori_loop(0, nbatches // _DEPTH, lambda p, c: body(p * _DEPTH, c), 0)
        pltpu.sync_copy(
            buf_v, outT_hbm.at[pl.ds(jrow, 8), pl.ds(base, b_per_w)]
        )

    return k


def kernel(batch, table):
    B = batch.shape[0]
    V, D = table.shape
    outT = _make_gather(V, D, B)(table.T, batch.astype(jnp.int32))
    return outT.T

# --- scband reference (transcript-rebuilt; emitter-appended) ---
"""Pipeline reference for scband-batch-embedding-33818572489114 (READ-ONLY COPY).

The authoritative reference and input builder live on the scoring server;
editing this copy changes nothing except your own understanding.
"""

import jax, jax.numpy as jnp
import numpy as np

N_BATCHES = 1000000
EMB_DIM = 16
BATCH = 16384

def setup_inputs(seed: int = 0) -> dict:
    key = jax.random.key(seed)
    k_idx, k_tab = jax.random.split(key)
    batch = jax.random.randint(k_idx, (BATCH,), 0, N_BATCHES, dtype=jnp.int64 if jax.config.jax_enable_x64 else jnp.int32)
    table = jax.random.normal(k_tab, (N_BATCHES, EMB_DIM), dtype=jnp.float32)
    return {"batch": batch, "table": table}

def reference(batch, table):
    # nn.Embedding forward == row gather from the table
    return jnp.take(table, batch, axis=0)

if __name__ == "__main__":
    import jax
    _d = setup_inputs()
    print(jax.jit(kernel)(*tuple(_d.values())))

</pallas_src>

<mosaic_0001>
#map = affine_map<(d0, d1) -> (0, 0)>
#map1 = affine_map<(d0, d1) -> (0)>
module attributes {stable_mosaic.version = 14 : i64} {
  func.func @k(%arg0: i32, %arg1: i32, %arg2: memref<16x1000000xf32, #tpu.memory_space<hbm>>, %arg3: memref<16384xi32, #tpu.memory_space<hbm>>, %arg4: memref<16x16384xf32, #tpu.memory_space<hbm>>, %arg5: memref<1040xi32, #tpu.memory_space<vmem>>, %arg6: memref<8x8x1024xf32, #tpu.memory_space<vmem>>, %arg7: memref<8x1024xf32, #tpu.memory_space<vmem>>, %arg8: memref<!tpu.dma_semaphore, #tpu.memory_space<semaphore_mem>>, %arg9: memref<!tpu.dma_semaphore, #tpu.memory_space<semaphore_mem>>, %arg10: memref<!tpu.dma_semaphore, #tpu.memory_space<semaphore_mem>>, %arg11: memref<!tpu.dma_semaphore, #tpu.memory_space<semaphore_mem>>, %arg12: memref<!tpu.dma_semaphore, #tpu.memory_space<semaphore_mem>>, %arg13: memref<!tpu.dma_semaphore, #tpu.memory_space<semaphore_mem>>, %arg14: memref<!tpu.dma_semaphore, #tpu.memory_space<semaphore_mem>>, %arg15: memref<!tpu.dma_semaphore, #tpu.memory_space<semaphore_mem>>) attributes {dimension_semantics = [#tpu.dimension_semantics<core_parallel>, #tpu.dimension_semantics<subcore_parallel>], iteration_bounds = array<i64: 2, 16>, scalar_prefetch = 0 : i64, scratch_operands = 11 : i64, tpu.core_type = #tpu.core_type<sc_vector_subcore>, window_params = [{transform_indices = #map}, {transform_indices = #map1}, {transform_indices = #map}]} {
    %mul3A = arith.constant 8 : i32
    %mul3A_0 = arith.muli %arg0, %mul3A : i32
    %mul3A_1 = arith.constant 1024 : i32
    %mul3A_2 = arith.muli %arg1, %mul3A_1 : i32
    "tpu.region"() ({
      %run_scoped3A = tpu.sem_alloc : memref<!tpu.dma_semaphore, #tpu.memory_space<semaphore_mem>>
      %dma_start3A_967 = arith.constant 0 : i32
      %dma_start3A_968 = tpu.memref_slice %arg5[%dma_start3A_967] : memref<1040xi32, #tpu.memory_space<vmem>> -> memref<1024xi32, #tpu.memory_space<vmem>>
      %dma_start3A_969 = tpu.memref_slice %arg3[%mul3A_2] : memref<16384xi32, #tpu.memory_space<hbm>> -> memref<1024xi32, #tpu.memory_space<hbm>>
      %dma_start3A_970 = arith.constant 0 : i32
      %dma_start3A_971 = tpu.memref_slice %arg5[%dma_start3A_970] : memref<1040xi32, #tpu.memory_space<vmem>> -> memref<1024xi32, #tpu.memory_space<vmem>>
      %dma_start3A_972 = tpu.memref_slice %arg3[%mul3A_2] : memref<16384xi32, #tpu.memory_space<hbm>> -> memref<1024xi32, #tpu.memory_space<hbm>>
      tpu.enqueue_dma source(%dma_start3A_972 : memref<1024xi32, #tpu.memory_space<hbm>>) target(%dma_start3A_971 : memref<1024xi32, #tpu.memory_space<vmem>>) target_semaphore(%run_scoped3A : memref<!tpu.dma_semaphore, #tpu.memory_space<semaphore_mem>>)
      %dma_wait3A = arith.constant 0 : i32
      %dma_wait3A_973 = tpu.memref_slice %arg5[%dma_wait3A] : memref<1040xi32, #tpu.memory_space<vmem>> -> memref<1024xi32, #tpu.memory_space<vmem>>
      %dma_wait3A_974 = tpu.memref_slice %arg3[%mul3A_2] : memref<16384xi32, #tpu.memory_space<hbm>> -> memref<1024xi32, #tpu.memory_space<hbm>>
      %dma_wait3A_975 = arith.constant 0 : i32
      %dma_wait3A_976 = tpu.memref_slice %arg5[%dma_wait3A_975] : memref<1040xi32, #tpu.memory_space<vmem>> -> memref<1024xi32, #tpu.memory_space<vmem>>
      %dma_wait3A_977 = tpu.memref_slice %arg3[%mul3A_2] : memref<16384xi32, #tpu.memory_space<hbm>> -> memref<1024xi32, #tpu.memory_space<hbm>>
      tpu.wait_dma2 semaphore(%run_scoped3A : memref<!tpu.dma_semaphore, #tpu.memory_space<semaphore_mem>>) src(%dma_wait3A_977 : memref<1024xi32, #tpu.memory_space<hbm>>) dst(%dma_wait3A_976 : memref<1024xi32, #tpu.memory_space<vmem>>)
      tpu.yield
    }) : () -> ()
    %iota3A = tpu.iota {dimensions = array<i32: 0>} : vector<16xi32>
    %and3A = arith.constant 7 : i32
    %and3A_3 = vector.broadcast %and3A : i32 to vector<16xi32>
    %and3A_4 = arith.andi %iota3A, %and3A_3 : vector<16xi32>
    %ge3A = arith.constant 8 : i32
    %ge3A_5 = vector.broadcast %ge3A : i32 to vector<16xi32>
    %ge3A_6 = arith.cmpi sge, %iota3A, %ge3A_5 : vector<16xi32>
    %get3A = arith.constant 0 : index
    %get3A_7 = tpu.vector_load %arg5[%get3A] {strides = array<i32>} : memref<1040xi32, #tpu.memory_space<vmem>>, vector<16xi32>,
    %shift_right_arithmetic3A = arith.constant 7 : i32
    %shift_right_arithmetic3A_8 = vector.broadcast %shift_right_arithmetic3A : i32 to vector<16xi32>
    %shift_right_arithmetic3A_9 = arith.shrsi %get3A_7, %shift_right_arithmetic3A_8 : vector<16xi32>
    %mul3A_10 = arith.constant 128 : i32
    %mul3A_11 = vector.broadcast %mul3A_10 : i32 to vector<16xi32>
    %mul3A_12 = arith.muli %shift_right_arithmetic3A_9, %mul3A_11 : vector<16xi32>
    %slice3A = vector.extract_strided_slice %mul3A_12 {offsets = [0], sizes = [1], strides = [1]} : vector<16xi32> to vector<1xi32>
    %squeeze3A = vector.extract %slice3A[0] : i32 from vector<1xi32>
    %multiple_of3A = tpu.assume_multiple %squeeze3A, 128 : i32
    %dma_start3A = arith.constant 0 : i32
    %dma_start3A_13 = arith.constant 0 : i32
    %dma_start3A_14 = arith.constant 0 : i32
    %dma_start3A_15 = tpu.memref_slice %arg6[%dma_start3A, %dma_start3A_13, %dma_start3A_14] : memref<8x8x1024xf32, #tpu.memory_space<vmem>> -> memref<1x8x128xf32, #tpu.memory_space<vmem>>
    %dma_start3A_16 = tpu.memref_squeeze %dma_start3A_15 : memref<1x8x128xf32, #tpu.memory_space<vmem>> -> memref<8x128xf32, #tpu.memory_space<vmem>>
    %dma_start3A_17 = tpu.memref_slice %arg2[%mul3A_0, %multiple_of3A] : memref<16x1000000xf32, #tpu.memory_space<hbm>> -> memref<8x128xf32, #tpu.memory_space<hbm>>
    %dma_start3A_18 = arith.constant 0 : i32
    %dma_start3A_19 = arith.constant 0 : i32
    %dma_start3A_20 = tpu.memref_slice %arg6[%dma_start3A, %dma_start3A_18, %dma_start3A_19] : memref<8x8x1024xf32, #tpu.memory_space<vmem>> -> memref<1x8x128xf32, #tpu.memory_space<vmem>>
    %dma_start3A_21 = tpu.memref_squeeze %dma_start3A_20 : memref<1x8x128xf32, #tpu.memory_space<vmem>> -> memref<8x128xf32, #tpu.memory_space<vmem>>
    %dma_start3A_22 = tpu.memref_slice %arg2[%mul3A_0, %multiple_of3A] : memref<16x1000000xf32, #tpu.memory_space<hbm>> -> memref<8x128xf32, #tpu.memory_space<hbm>>
    tpu.enqueue_dma source(%dma_start3A_22 : memref<8x128xf32, #tpu.memory_space<hbm>>) target(%dma_start3A_21 : memref<8x128xf32, #tpu.memory_space<vmem>>) target_semaphore(%arg8 : memref<!tpu.dma_semaphore, #tpu.memory_space<semaphore_mem>>)
    %slice3A_23 = vector.extract_strided_slice %mul3A_12 {offsets = [1], sizes = [1], strides = [1]} : vector<16xi32> to vector<1xi32>
    %squeeze3A_24 = vector.extract %slice3A_23[0] : i32 from vector<1xi32>
    %multiple_of3A_25 = tpu.assume_multiple %squeeze3A_24, 128 : i32
    %dma_start3A_26 = arith.constant 0 : i32
    %dma_start3A_27 = arith.constant 0 : i32
    %dma_start3A_28 = arith.constant 128 : i32
    %dma_start3A_29 = tpu.memref_slice %arg6[%dma_start3A_26, %dma_start3A_27, %dma_start3A_28] : memref<8x8x1024xf32, #tpu.memory_space<vmem>> -> memref<1x8x128xf32, #tpu.memory_space<vmem>>
    %dma_start3A_30 = tpu.memref_squeeze %dma_start3A_29 : memref<1x8x128xf32, #tpu.memory_space<vmem>> -> memref<8x128xf32, #tpu.memory_space<vmem>>
    %dma_start3A_31 = tpu.memref_slice %arg2[%mul3A_0, %multiple_of3A_25] : memref<16x1000000xf32, #tpu.memory_space<hbm>> -> memref<8x128xf32, #tpu.memory_space<hbm>>
    %dma_start3A_32 = arith.constant 0 : i32
    %dma_start3A_33 = arith.constant 128 : i32
    %dma_start3A_34 = tpu.memref_slice %arg6[%dma_start3A_26, %dma_start3A_32, %dma_start3A_33] : memref<8x8x1024xf32, #tpu.memory_space<vmem>> -> memref<1x8x128xf32, #tpu.memory_space<vmem>>
    %dma_start3A_35 = tpu.memref_squeeze %dma_start3A_34 : memref<1x8x128xf32, #tpu.memory_space<vmem>> -> memref<8x128xf32, #tpu.memory_space<vmem>>
    %dma_start3A_36 = tpu.memref_slice %arg2[%mul3A_0, %multiple_of3A_25] : memref<16x1000000xf32, #tpu.memory_space<hbm>> -> memref<8x128xf32, #tpu.memory_space<hbm>>
    tpu.enqueue_dma source(%dma_start3A_36 : memref<8x128xf32, #tpu.memory_space<hbm>>) target(%dma_start3A_35 : memref<8x128xf32, #tpu.memory_space<vmem>>) target_semaphore(%arg8 : memref<!tpu.dma_semaphore, #tpu.memory_space<semaphore_mem>>)
    %slice3A_37 = vector.extract_strided_slice %mul3A_12 {offsets = [2], sizes = [1], strides = [1]} : vector<16xi32> to vector<1xi32>
    %squeeze3A_38 = vector.extract %slice3A_37[0] : i32 from vector<1xi32>
    %multiple_of3A_39 = tpu.assume_multiple %squeeze3A_38, 128 : i32
    %dma_start3A_40 = arith.constant 0 : i32
    %dma_start3A_41 = arith.constant 0 : i32
    %dma_start3A_42 = arith.constant 256 : i32
    %dma_start3A_43 = tpu.memref_slice %arg6[%dma_start3A_40, %dma_start3A_41, %dma_start3A_42] : memref<8x8x1024xf32, #tpu.memory_space<vmem>> -> memref<1x8x128xf32, #tpu.memory_space<vmem>>
    %dma_start3A_44 = tpu.memref_squeeze %dma_start3A_43 : memref<1x8x128xf32, #tpu.memory_space<vmem>> -> memref<8x128xf32, #tpu.memory_space<vmem>>
    %dma_start3A_45 = tpu.memref_slice %arg2[%mul3A_0, %multiple_of3A_39] : memref<16x1000000xf32, #tpu.memory_space<hbm>> -> memref<8x128xf32, #tpu.memory_space<hbm>>
    %dma_start3A_46 = arith.constant 0 : i32
    %dma_start3A_47 = arith.constant 256 : i32
    %dma_start3A_48 = tpu.memref_slice %arg6[%dma_start3A_40, %dma_start3A_46, %dma_start3A_47] : memref<8x8x1024xf32, #tpu.memory_space<vmem>> -> memref<1x8x128xf32, #tpu.memory_space<vmem>>
    %dma_start3A_49 = tpu.memref_squeeze %dma_start3A_48 : memref<1x8x128xf32, #tpu.memory_space<vmem>> -> memref<8x128xf32, #tpu.memory_space<vmem>>
    %dma_start3A_50 = tpu.memref_slice %arg2[%mul3A_0, %multiple_of3A_39] : memref<16x1000000xf32, #tpu.memory_space<hbm>> -> memref<8x128xf32, #tpu.memory_space<hbm>>
    tpu.enqueue_dma source(%dma_start3A_50 : memref<8x128xf32, #tpu.memory_space<hbm>>) target(%dma_start3A_49 : memref<8x128xf32, #tpu.memory_space<vmem>>) target_semaphore(%arg8 : memref<!tpu.dma_semaphore, #tpu.memory_space<semaphore_mem>>)
    %slice3A_51 = vector.extract_strided_slice %mul3A_12 {offsets = [3], sizes = [1], strides = [1]} : vector<16xi32> to vector<1xi32>
    %squeeze3A_52 = vector.extract %slice3A_51[0] : i32 from vector<1xi32>
    %multiple_of3A_53 = tpu.assume_multiple %squeeze3A_52, 128 : i32
    %dma_start3A_54 = arith.constant 0 : i32
    %dma_start3A_55 = arith.constant 0 : i32
    %dma_start3A_56 = arith.constant 384 : i32
    %dma_start3A_57 = tpu.memref_slice %arg6[%dma_start3A_54, %dma_start3A_55, %dma_start3A_56] : memref<8x8x1024xf32, #tpu.memory_space<vmem>> -> memref<1x8x128xf32, #tpu.memory_space<vmem>>
    %dma_start3A_58 = tpu.memref_squeeze %dma_start3A_57 : memref<1x8x128xf32, #tpu.memory_space<vmem>> -> memref<8x128xf32, #tpu.memory_space<vmem>>
    %dma_start3A_59 = tpu.memref_slice %arg2[%mul3A_0, %multiple_of3A_53] : memref<16x1000000xf32, #tpu.memory_space<hbm>> -> memref<8x128xf32, #tpu.memory_space<hbm>>
    %dma_start3A_60 = arith.constant 0 : i32
    %dma_start3A_61 = arith.constant 384 : i32
    %dma_start3A_62 = tpu.memref_slice %arg6[%dma_start3A_54, %dma_start3A_60, %dma_start3A_61] : memref<8x8x1024xf32, #tpu.memory_space<vmem>> -> memref<1x8x128xf32, #tpu.memory_space<vmem>>
    %dma_start3A_63 = tpu.memref_squeeze %dma_start3A_62 : memref<1x8x128xf32, #tpu.memory_space<vmem>> -> memref<8x128xf32, #tpu.memory_space<vmem>>
    %dma_start3A_64 = tpu.memref_slice %arg2[%mul3A_0, %multiple_of3A_53] : memref<16x1000000xf32, #tpu.memory_space<hbm>> -> memref<8x128xf32, #tpu.memory_space<hbm>>
    tpu.enqueue_dma source(%dma_start3A_64 : memref<8x128xf32, #tpu.memory_space<hbm>>) target(%dma_start3A_63 : memref<8x128xf32, #tpu.memory_space<vmem>>) target_semaphore(%arg8 : memref<!tpu.dma_semaphore, #tpu.memory_space<semaphore_mem>>)
    %slice3A_65 = vector.extract_strided_slice %mul3A_12 {offsets = [4], sizes = [1], strides = [1]} : vector<16xi32> to vector<1xi32>
    %squeeze3A_66 = vector.extract %slice3A_65[0] : i32 from vector<1xi32>
    %multiple_of3A_67 = tpu.assume_multiple %squeeze3A_66, 128 : i32
    %dma_start3A_68 = arith.constant 0 : i32
    %dma_start3A_69 = arith.constant 0 : i32
    %dma_start3A_70 = arith.constant 512 : i32
    %dma_start3A_71 = tpu.memref_slice %arg6[%dma_start3A_68, %dma_start3A_69, %dma_start3A_70] : memref<8x8x1024xf32, #tpu.memory_space<vmem>> -> memref<1x8x128xf32, #tpu.memory_space<vmem>>
    %dma_start3A_72 = tpu.memref_squeeze %dma_start3A_71 : memref<1x8x128xf32, #tpu.memory_space<vmem>> -> memref<8x128xf32, #tpu.memory_space<vmem>>
    %dma_start3A_73 = tpu.memref_slice %arg2[%mul3A_0, %multiple_of3A_67] : memref<16x1000000xf32, #tpu.memory_space<hbm>> -> memref<8x128xf32, #tpu.memory_space<hbm>>
    %dma_start3A_74 = arith.constant 0 : i32
    %dma_start3A_75 = arith.constant 512 : i32
    %dma_start3A_76 = tpu.memref_slice %arg6[%dma_start3A_68, %dma_start3A_74, %dma_start3A_75] : memref<8x8x1024xf32, #tpu.memory_space<vmem>> -> memref<1x8x128xf32, #tpu.memory_space<vmem>>
    %dma_start3A_77 = tpu.memref_squeeze %dma_start3A_76 : memref<1x8x128xf32, #tpu.memory_space<vmem>> -> memref<8x128xf32, #tpu.memory_space<vmem>>
    %dma_start3A_78 = tpu.memref_slice %arg2[%mul3A_0, %multiple_of3A_67] : memref<16x1000000xf32, #tpu.memory_space<hbm>> -> memref<8x128xf32, #tpu.memory_space<hbm>>
    tpu.enqueue_dma source(%dma_start3A_78 : memref<8x128xf32, #tpu.memory_space<hbm>>) target(%dma_start3A_77 : memref<8x128xf32, #tpu.memory_space<vmem>>) target_semaphore(%arg8 : memref<!tpu.dma_semaphore, #tpu.memory_space<semaphore_mem>>)
    %slice3A_79 = vector.extract_strided_slice %mul3A_12 {offsets = [5], sizes = [1], strides = [1]} : vector<16xi32> to vector<1xi32>
    %squeeze3A_80 = vector.extract %slice3A_79[0] : i32 from vector<1xi32>
    %multiple_of3A_81 = tpu.assume_multiple %squeeze3A_80, 128 : i32
    %dma_start3A_82 = arith.constant 0 : i32
    %dma_start3A_83 = arith.constant 0 : i32
    %dma_start3A_84 = arith.constant 640 : i32
    %dma_start3A_85 = tpu.memref_slice %arg6[%dma_start3A_82, %dma_start3A_83, %dma_start3A_84] : memref<8x8x1024xf32, #tpu.memory_space<vmem>> -> memref<1x8x128xf32, #tpu.memory_space<vmem>>
    %dma_start3A_86 = tpu.memref_squeeze %dma_start3A_85 : memref<1x8x128xf32, #tpu.memory_space<vmem>> -> memref<8x128xf32, #tpu.memory_space<vmem>>
    %dma_start3A_87 = tpu.memref_slice %arg2[%mul3A_0, %multiple_of3A_81] : memref<16x1000000xf32, #tpu.memory_space<hbm>> -> memref<8x128xf32, #tpu.memory_space<hbm>>
    %dma_start3A_88 = arith.constant 0 : i32
    %dma_start3A_89 = arith.constant 640 : i32
    %dma_start3A_90 = tpu.memref_slice %arg6[%dma_start3A_82, %dma_start3A_88, %dma_start3A_89] : memref<8x8x1024xf32, #tpu.memory_space<vmem>> -> memref<1x8x128xf32, #tpu.memory_space<vmem>>
    %dma_start3A_91 = tpu.memref_squeeze %dma_start3A_90 : memref<1x8x128xf32, #tpu.memory_space<vmem>> -> memref<8x128xf32, #tpu.memory_space<vmem>>
    %dma_start3A_92 = tpu.memref_slice %arg2[%mul3A_0, %multiple_of3A_81] : memref<16x1000000xf32, #tpu.memory_space<hbm>> -> memref<8x128xf32, #tpu.memory_space<hbm>>
    tpu.enqueue_dma source(%dma_start3A_92 : memref<8x128xf32, #tpu.memory_space<hbm>>) target(%dma_start3A_91 : memref<8x128xf32, #tpu.memory_space<vmem>>) target_semaphore(%arg8 : memref<!tpu.dma_semaphore, #tpu.memory_space<semaphore_mem>>)
    %slice3A_93 = vector.extract_strided_slice %mul3A_12 {offsets = [6], sizes = [1], strides = [1]} : vector<16xi32> to vector<1xi32>
    %squeeze3A_94 = vector.extract %slice3A_93[0] : i32 from vector<1xi32>
    %multiple_of3A_95 = tpu.assume_multiple %squeeze3A_94, 128 : i32
    %dma_start3A_96 = arith.constant 0 : i32
    %dma_start3A_97 = arith.constant 0 : i32
    %dma_start3A_98 = arith.constant 768 : i32
    %dma_start3A_99 = tpu.memref_slice %arg6[%dma_start3A_96, %dma_start3A_97, %dma_start3A_98] : memref<8x8x1024xf32, #tpu.memory_space<vmem>> -> memref<1x8x128xf32, #tpu.memory_space<vmem>>
    %dma_start3A_100 = tpu.memref_squeeze %dma_start3A_99 : memref<1x8x128xf32, #tpu.memory_space<vmem>> -> memref<8x128xf32, #tpu.memory_space<vmem>>
    %dma_start3A_101 = tpu.memref_slice %arg2[%mul3A_0, %multiple_of3A_95] : memref<16x1000000xf32, #tpu.memory_space<hbm>> -> memref<8x128xf32, #tpu.memory_space<hbm>>
    %dma_start3A_102 = arith.constant 0 : i32
    %dma_start3A_103 = arith.constant 768 : i32
    %dma_start3A_104 = tpu.memref_slice %arg6[%dma_start3A_96, %dma_start3A_102, %dma_start3A_103] : memref<8x8x1024xf32, #tpu.memory_space<vmem>> -> memref<1x8x128xf32, #tpu.memory_space<vmem>>
    %dma_start3A_105 = tpu.memref_squeeze %dma_start3A_104 : memref<1x8x128xf32, #tpu.memory_space<vmem>> -> memref<8x128xf32, #tpu.memory_space<vmem>>
    %dma_start3A_106 = tpu.memref_slice %arg2[%mul3A_0, %multiple_of3A_95] : memref<16x1000000xf32, #tpu.memory_space<hbm>> -> memref<8x128xf32, #tpu.memory_space<hbm>>
    tpu.enqueue_dma source(%dma_start3A_106 : memref<8x128xf32, #tpu.memory_space<hbm>>) target(%dma_start3A_105 : memref<8x128xf32, #tpu.memory_space<vmem>>) target_semaphore(%arg8 : memref<!tpu.dma_semaphore, #tpu.memory_space<semaphore_mem>>)
    %slice3A_107 = vector.extract_strided_slice %mul3A_12 {offsets = [7], sizes = [1], strides = [1]} : vector<16xi32> to vector<1xi32>
    %squeeze3A_108 = vector.extract %slice3A_107[0] : i32 from vector<1xi32>
    %multiple_of3A_109 = tpu.assume_multiple %squeeze3A_108, 128 : i32
    %dma_start3A_110 = arith.constant 0 : i32
    %dma_start3A_111 = arith.constant 0 : i32
    %dma_start3A_112 = arith.constant 896 : i32
    %dma_start3A_113 = tpu.memref_slice %arg6[%dma_start3A_110, %dma_start3A_111, %dma_start3A_112] : memref<8x8x1024xf32, #tpu.memory_space<vmem>> -> memref<1x8x128xf32, #tpu.memory_space<vmem>>
    %dma_start3A_114 = tpu.memref_squeeze %dma_start3A_113 : memref<1x8x128xf32, #tpu.memory_space<vmem>> -> memref<8x128xf32, #tpu.memory_space<vmem>>
    %dma_start3A_115 = tpu.memref_slice %arg2[%mul3A_0, %multiple_of3A_109] : memref<16x1000000xf32, #tpu.memory_space<hbm>> -> memref<8x128xf32, #tpu.memory_space<hbm>>
    %dma_start3A_116 = arith.constant 0 : i32
    %dma_start3A_117 = arith.constant 896 : i32
    %dma_start3A_118 = tpu.memref_slice %arg6[%dma_start3A_110, %dma_start3A_116, %dma_start3A_117] : memref<8x8x1024xf32, #tpu.memory_space<vmem>> -> memref<1x8x128xf32, #tpu.memory_space<vmem>>
    %dma_start3A_119 = tpu.memref_squeeze %dma_start3A_118 : memref<1x8x128xf32, #tpu.memory_space<vmem>> -> memref<8x128xf32, #tpu.memory_space<vmem>>
    %dma_start3A_120 = tpu.memref_slice %arg2[%mul3A_0, %multiple_of3A_109] : memref<16x1000000xf32, #tpu.memory_space<hbm>> -> memref<8x128xf32, #tpu.memory_space<hbm>>
    tpu.enqueue_dma source(%dma_start3A_120 : memref<8x128xf32, #tpu.memory_space<hbm>>) target(%dma_start3A_119 : memref<8x128xf32, #tpu.memory_space<vmem>>) target_semaphore(%arg8 : memref<!tpu.dma_semaphore, #tpu.memory_space<semaphore_mem>>)
    %get3A_121 = arith.constant 8 : index
    %get3A_122 = tpu.vector_load %arg5[%get3A_121] {strides = array<i32>} : memref<1040xi32, #tpu.memory_space<vmem>>, vector<16xi32>,
    %shift_right_arithmetic3A_123 = arith.constant 7 : i32
    %shift_right_arithmetic3A_124 = vector.broadcast %shift_right_arithmetic3A_123 : i32 to vector<16xi32>
    %shift_right_arithmetic3A_125 = arith.shrsi %get3A_122, %shift_right_arithmetic3A_124 : vector<16xi32>
    %mul3A_126 = arith.constant 128 : i32
    %mul3A_127 = vector.broadcast %mul3A_126 : i32 to vector<16xi32>
    %mul3A_128 = arith.muli %shift_right_arithmetic3A_125, %mul3A_127 : vector<16xi32>
    %slice3A_129 = vector.extract_strided_slice %mul3A_128 {offsets = [0], sizes = [1], strides = [1]} : vector<16xi32> to vector<1xi32>
    %squeeze3A_130 = vector.extract %slice3A_129[0] : i32 from vector<1xi32>
    %multiple_of3A_131 = tpu.assume_multiple %squeeze3A_130, 128 : i32
    %dma_start3A_132 = arith.constant 1 : i32
    %dma_start3A_133 = arith.constant 0 : i32
    %dma_start3A_134 = arith.constant 0 : i32
    %dma_start3A_135 = tpu.memref_slice %arg6[%dma_start3A_132, %dma_start3A_133, %dma_start3A_134] : memref<8x8x1024xf32, #tpu.memory_space<vmem>> -> memref<1x8x128xf32, #tpu.memory_space<vmem>>
    %dma_start3A_136 = tpu.memref_squeeze %dma_start3A_135 : memref<1x8x128xf32, #tpu.memory_space<vmem>> -> memref<8x128xf32, #tpu.memory_space<vmem>>
    %dma_start3A_137 = tpu.memref_slice %arg2[%mul3A_0, %multiple_of3A_131] : memref<16x1000000xf32, #tpu.memory_space<hbm>> -> memref<8x128xf32, #tpu.memory_space<hbm>>
    %dma_start3A_138 = arith.constant 0 : i32
    %dma_start3A_139 = arith.constant 0 : i32
    %dma_start3A_140 = tpu.memref_slice %arg6[%dma_start3A_132, %dma_start3A_138, %dma_start3A_139] : memref<8x8x1024xf32, #tpu.memory_space<vmem>> -> memref<1x8x128xf32, #tpu.memory_space<vmem>>
    %dma_start3A_141 = tpu.memref_squeeze %dma_start3A_140 : memref<1x8x128xf32, #tpu.memory_space<vmem>> -> memref<8x128xf32, #tpu.memory_space<vmem>>
    %dma_start3A_142 = tpu.memref_slice %arg2[%mul3A_0, %multiple_of3A_131] : memref<16x1000000xf32, #tpu.memory_space<hbm>> -> memref<8x128xf32, #tpu.memory_space<hbm>>
    tpu.enqueue_dma source(%dma_start3A_142 : memref<8x128xf32, #tpu.memory_space<hbm>>) target(%dma_start3A_141 : memref<8x128xf32, #tpu.memory_space<vmem>>) target_semaphore(%arg9 : memref<!tpu.dma_semaphore, #tpu.memory_space<semaphore_mem>>)
    %slice3A_143 = vector.extract_strided_slice %mul3A_128 {offsets = [1], sizes = [1], strides = [1]} : vector<16xi32> to vector<1xi32>
    %squeeze3A_144 = vector.extract %slice3A_143[0] : i32 from vector<1xi32>
    %multiple_of3A_145 = tpu.assume_multiple %squeeze3A_144, 128 : i32
    %dma_start3A_146 = arith.constant 1 : i32
    %dma_start3A_147 = arith.constant 0 : i32
    %dma_start3A_148 = arith.constant 128 : i32
    %dma_start3A_149 = tpu.memref_slice %arg6[%dma_start3A_146, %dma_start3A_147, %dma_start3A_148] : memref<8x8x1024xf32, #tpu.memory_space<vmem>> -> memref<1x8x128xf32, #tpu.memory_space<vmem>>
    %dma_start3A_150 = tpu.memref_squeeze %dma_start3A_149 : memref<1x8x128xf32, #tpu.memory_space<vmem>> -> memref<8x128xf32, #tpu.memory_space<vmem>>
    %dma_start3A_151 = tpu.memref_slice %arg2[%mul3A_0, %multiple_of3A_145] : memref<16x1000000xf32, #tpu.memory_space<hbm>> -> memref<8x128xf32, #tpu.memory_space<hbm>>
    %dma_start3A_152 = arith.constant 0 : i32
    %dma_start3A_153 = arith.constant 128 : i32
    %dma_start3A_154 = tpu.memref_slice %arg6[%dma_start3A_146, %dma_start3A_152, %dma_start3A_153] : memref<8x8x1024xf32, #tpu.memory_space<vmem>> -> memref<1x8x128xf32, #tpu.memory_space<vmem>>
    %dma_start3A_155 = tpu.memref_squeeze %dma_start3A_154 : memref<1x8x128xf32, #tpu.memory_space<vmem>> -> memref<8x128xf32, #tpu.memory_space<vmem>>
    %dma_start3A_156 = tpu.memref_slice %arg2[%mul3A_0, %multiple_of3A_145] : memref<16x1000000xf32, #tpu.memory_space<hbm>> -> memref<8x128xf32, #tpu.memory_space<hbm>>
    tpu.enqueue_dma source(%dma_start3A_156 : memref<8x128xf32, #tpu.memory_space<hbm>>) target(%dma_start3A_155 : memref<8x128xf32, #tpu.memory_space<vmem>>) target_semaphore(%arg9 : memref<!tpu.dma_semaphore, #tpu.memory_space<semaphore_mem>>)
    %slice3A_157 = vector.extract_strided_slice %mul3A_128 {offsets = [2], sizes = [1], strides = [1]} : vector<16xi32> to vector<1xi32>
    %squeeze3A_158 = vector.extract %slice3A_157[0] : i32 from vector<1xi32>
    %multiple_of3A_159 = tpu.assume_multiple %squeeze3A_158, 128 : i32
    %dma_start3A_160 = arith.constant 1 : i32
    %dma_start3A_161 = arith.constant 0 : i32
    %dma_start3A_162 = arith.constant 256 : i32
    %dma_start3A_163 = tpu.memref_slice %arg6[%dma_start3A_160, %dma_start3A_161, %dma_start3A_162] : memref<8x8x1024xf32, #tpu.memory_space<vmem>> -> memref<1x8x128xf32, #tpu.memory_space<vmem>>
    %dma_start3A_164 = tpu.memref_squeeze %dma_start3A_163 : memref<1x8x128xf32, #tpu.memory_space<vmem>> -> memref<8x128xf32, #tpu.memory_space<vmem>>
    %dma_start3A_165 = tpu.memref_slice %arg2[%mul3A_0, %multiple_of3A_159] : memref<16x1000000xf32, #tpu.memory_space<hbm>> -> memref<8x128xf32, #tpu.memory_space<hbm>>
    %dma_start3A_166 = arith.constant 0 : i32
    %dma_start3A_167 = arith.constant 256 : i32
    %dma_start3A_168 = tpu.memref_slice %arg6[%dma_start3A_160, %dma_start3A_166, %dma_start3A_167] : memref<8x8x1024xf32, #tpu.memory_space<vmem>> -> memref<1x8x128xf32, #tpu.memory_space<vmem>>
    %dma_start3A_169 = tpu.memref_squeeze %dma_start3A_168 : memref<1x8x128xf32, #tpu.memory_space<vmem>> -> memref<8x128xf32, #tpu.memory_space<vmem>>
    %dma_start3A_170 = tpu.memref_slice %arg2[%mul3A_0, %multiple_of3A_159] : memref<16x1000000xf32, #tpu.memory_space<hbm>> -> memref<8x128xf32, #tpu.memory_space<hbm>>
    tpu.enqueue_dma source(%dma_start3A_170 : memref<8x128xf32, #tpu.memory_space<hbm>>) target(%dma_start3A_169 : memref<8x128xf32, #tpu.memory_space<vmem>>) target_semaphore(%arg9 : memref<!tpu.dma_semaphore, #tpu.memory_space<semaphore_mem>>)
    %slice3A_171 = vector.extract_strided_slice %mul3A_128 {offsets = [3], sizes = [1], strides = [1]} : vector<16xi32> to vector<1xi32>
    %squeeze3A_172 = vector.extract %slice3A_171[0] : i32 from vector<1xi32>
    %multiple_of3A_173 = tpu.assume_multiple %squeeze3A_172, 128 : i32
    %dma_start3A_174 = arith.constant 1 : i32
    %dma_start3A_175 = arith.constant 0 : i32
    %dma_start3A_176 = arith.constant 384 : i32
    %dma_start3A_177 = tpu.memref_slice %arg6[%dma_start3A_174, %dma_start3A_175, %dma_start3A_176] : memref<8x8x1024xf32, #tpu.memory_space<vmem>> -> memref<1x8x128xf32, #tpu.memory_space<vmem>>
    %dma_start3A_178 = tpu.memref_squeeze %dma_start3A_177 : memref<1x8x128xf32, #tpu.memory_space<vmem>> -> memref<8x128xf32, #tpu.memory_space<vmem>>
    %dma_start3A_179 = tpu.memref_slice %arg2[%mul3A_0, %multiple_of3A_173] : memref<16x1000000xf32, #tpu.memory_space<hbm>> -> memref<8x128xf32, #tpu.memory_space<hbm>>
    %dma_start3A_180 = arith.constant 0 : i32
    %dma_start3A_181 = arith.constant 384 : i32
    %dma_start3A_182 = tpu.memref_slice %arg6[%dma_start3A_174, %dma_start3A_180, %dma_start3A_181] : memref<8x8x1024xf32, #tpu.memory_space<vmem>> -> memref<1x8x128xf32, #tpu.memory_space<vmem>>
    %dma_start3A_183 = tpu.memref_squeeze %dma_start3A_182 : memref<1x8x128xf32, #tpu.memory_space<vmem>> -> memref<8x128xf32, #tpu.memory_space<vmem>>
    %dma_start3A_184 = tpu.memref_slice %arg2[%mul3A_0, %multiple_of3A_173] : memref<16x1000000xf32, #tpu.memory_space<hbm>> -> memref<8x128xf32, #tpu.memory_space<hbm>>
    tpu.enqueue_dma source(%dma_start3A_184 : memref<8x128xf32, #tpu.memory_space<hbm>>) target(%dma_start3A_183 : memref<8x128xf32, #tpu.memory_space<vmem>>) target_semaphore(%arg9 : memref<!tpu.dma_semaphore, #tpu.memory_space<semaphore_mem>>)
    %slice3A_185 = vector.extract_strided_slice %mul3A_128 {offsets = [4], sizes = [1], strides = [1]} : vector<16xi32> to vector<1xi32>
    %squeeze3A_186 = vector.extract %slice3A_185[0] : i32 from vector<1xi32>
    %multiple_of3A_187 = tpu.assume_multiple %squeeze3A_186, 128 : i32
    %dma_start3A_188 = arith.constant 1 : i32
    %dma_start3A_189 = arith.constant 0 : i32
    %dma_start3A_190 = arith.constant 512 : i32
    %dma_start3A_191 = tpu.memref_slice %arg6[%dma_start3A_188, %dma_start3A_189, %dma_start3A_190] : memref<8x8x1024xf32, #tpu.memory_space<vmem>> -> memref<1x8x128xf32, #tpu.memory_space<vmem>>
    %dma_start3A_192 = tpu.memref_squeeze %dma_start3A_191 : memref<1x8x128xf32, #tpu.memory_space<vmem>> -> memref<8x128xf32, #tpu.memory_space<vmem>>
    %dma_start3A_193 = tpu.memref_slice %arg2[%mul3A_0, %multiple_of3A_187] : memref<16x1000000xf32, #tpu.memory_space<hbm>> -> memref<8x128xf32, #tpu.memory_space<hbm>>
    %dma_start3A_194 = arith.constant 0 : i32
    %dma_start3A_195 = arith.constant 512 : i32
    %dma_start3A_196 = tpu.memref_slice %arg6[%dma_start3A_188, %dma_start3A_194, %dma_start3A_195] : memref<8x8x1024xf32, #tpu.memory_space<vmem>> -> memref<1x8x128xf32, #tpu.memory_space<vmem>>
    %dma_start3A_197 = tpu.memref_squeeze %dma_start3A_196 : memref<1x8x128xf32, #tpu.memory_space<vmem>> -> memref<8x128xf32, #tpu.memory_space<vmem>>
    %dma_start3A_198 = tpu.memref_slice %arg2[%mul3A_0, %multiple_of3A_187] : memref<16x1000000xf32, #tpu.memory_space<hbm>> -> memref<8x128xf32, #tpu.memory_space<hbm>>
    tpu.enqueue_dma source(%dma_start3A_198 : memref<8x128xf32, #tpu.memory_space<hbm>>) target(%dma_start3A_197 : memref<8x128xf32, #tpu.memory_space<vmem>>) target_semaphore(%arg9 : memref<!tpu.dma_semaphore, #tpu.memory_space<semaphore_mem>>)
    %slice3A_199 = vector.extract_strided_slice %mul3A_128 {offsets = [5], sizes = [1], strides = [1]} : vector<16xi32> to vector<1xi32>
    %squeeze3A_200 = vector.extract %slice3A_199[0] : i32 from vector<1xi32>
    %multiple_of3A_201 = tpu.assume_multiple %squeeze3A_200, 128 : i32
    %dma_start3A_202 = arith.constant 1 : i32
    %dma_start3A_203 = arith.constant 0 : i32
    %dma_start3A_204 = arith.constant 640 : i32
    %dma_start3A_205 = tpu.memref_slice %arg6[%dma_start3A_202, %dma_start3A_203, %dma_start3A_204] : memref<8x8x1024xf32, #tpu.memory_space<vmem>> -> memref<1x8x128xf32, #tpu.memory_space<vmem>>
    %dma_start3A_206 = tpu.memref_squeeze %dma_start3A_205 : memref<1x8x128xf32, #tpu.memory_space<vmem>> -> memref<8x128xf32, #tpu.memory_space<vmem>>
    %dma_start3A_207 = tpu.memref_slice %arg2[%mul3A_0, %multiple_of3A_201] : memref<16x1000000xf32, #tpu.memory_space<hbm>> -> memref<8x128xf32, #tpu.memory_space<hbm>>
    %dma_start3A_208 = arith.constant 0 : i32
    %dma_start3A_209 = arith.constant 640 : i32
    %dma_start3A_210 = tpu.memref_slice %arg6[%dma_start3A_202, %dma_start3A_208, %dma_start3A_209] : memref<8x8x1024xf32, #tpu.memory_space<vmem>> -> memref<1x8x128xf32, #tpu.memory_space<vmem>>
    %dma_start3A_211 = tpu.memref_squeeze %dma_start3A_210 : memref<1x8x128xf32, #tpu.memory_space<vmem>> -> memref<8x128xf32, #tpu.memory_space<vmem>>
    %dma_start3A_212 = tpu.memref_slice %arg2[%mul3A_0, %multiple_of3A_201] : memref<16x1000000xf32, #tpu.memory_space<hbm>> -> memref<8x128xf32, #tpu.memory_space<hbm>>
    tpu.enqueue_dma source(%dma_start3A_212 : memref<8x128xf32, #tpu.memory_space<hbm>>) target(%dma_start3A_211 : memref<8x128xf32, #tpu.memory_space<vmem>>) target_semaphore(%arg9 : memref<!tpu.dma_semaphore, #tpu.memory_space<semaphore_mem>>)
    %slice3A_213 = vector.extract_strided_slice %mul3A_128 {offsets = [6], sizes = [1], strides = [1]} : vector<16xi32> to vector<1xi32>
    %squeeze3A_214 = vector.extract %slice3A_213[0] : i32 from vector<1xi32>
    %multiple_of3A_215 = tpu.assume_multiple %squeeze3A_214, 128 : i32
    %dma_start3A_216 = arith.constant 1 : i32
    %dma_start3A_217 = arith.constant 0 : i32
    %dma_start3A_218 = arith.constant 768 : i32
    %dma_start3A_219 = tpu.memref_slice %arg6[%dma_start3A_216, %dma_start3A_217, %dma_start3A_218] : memref<8x8x1024xf32, #tpu.memory_space<vmem>> -> memref<1x8x128xf32, #tpu.memory_space<vmem>>
    %dma_start3A_220 = tpu.memref_squeeze %dma_start3A_219 : memref<1x8x128xf32, #tpu.memory_space<vmem>> -> memref<8x128xf32, #tpu.memory_space<vmem>>
    %dma_start3A_221 = tpu.memref_slice %arg2[%mul3A_0, %multiple_of3A_215] : memref<16x1000000xf32, #tpu.memory_space<hbm>> -> memref<8x128xf32, #tpu.memory_space<hbm>>
    %dma_start3A_222 = arith.constant 0 : i32
    %dma_start3A_223 = arith.constant 768 : i32
    %dma_start3A_224 = tpu.memref_slice %arg6[%dma_start3A_216, %dma_start3A_222, %dma_start3A_223] : memref<8x8x1024xf32, #tpu.memory_space<vmem>> -> memref<1x8x128xf32, #tpu.memory_space<vmem>>
    %dma_start3A_225 = tpu.memref_squeeze %dma_start3A_224 : memref<1x8x128xf32, #tpu.memory_space<vmem>> -> memref<8x128xf32, #tpu.memory_space<vmem>>
    %dma_start3A_226 = tpu.memref_slice %arg2[%mul3A_0, %multiple_of3A_215] : memref<16x1000000xf32, #tpu.memory_space<hbm>> -> memref<8x128xf32, #tpu.memory_space<hbm>>
    tpu.enqueue_dma source(%dma_start3A_226 : memref<8x128xf32, #tpu.memory_space<hbm>>) target(%dma_start3A_225 : memref<8x128xf32, #tpu.memory_space<vmem>>) target_semaphore(%arg9 : memref<!tpu.dma_semaphore, #tpu.memory_space<semaphore_mem>>)
    %slice3A_227 = vector.extract_strided_slice %mul3A_128 {offsets = [7], sizes = [1], strides = [1]} : vector<16xi32> to vector<1xi32>
    %squeeze3A_228 = vector.extract %slice3A_227[0] : i32 from vector<1xi32>
    %multiple_of3A_229 = tpu.assume_multiple %squeeze3A_228, 128 : i32
    %dma_start3A_230 = arith.constant 1 : i32
    %dma_start3A_231 = arith.constant 0 : i32
    %dma_start3A_232 = arith.constant 896 : i32
    %dma_start3A_233 = tpu.memref_slice %arg6[%dma_start3A_230, %dma_start3A_231, %dma_start3A_232] : memref<8x8x1024xf32, #tpu.memory_space<vmem>> -> memref<1x8x128xf32, #tpu.memory_space<vmem>>
    %dma_start3A_234 = tpu.memref_squeeze %dma_start3A_233 : memref<1x8x128xf32, #tpu.memory_space<vmem>> -> memref<8x128xf32, #tpu.memory_space<vmem>>
    %dma_start3A_235 = tpu.memref_slice %arg2[%mul3A_0, %multiple_of3A_229] : memref<16x1000000xf32, #tpu.memory_space<hbm>> -> memref<8x128xf32, #tpu.memory_space<hbm>>
    %dma_start3A_236 = arith.constant 0 : i32
    %dma_start3A_237 = arith.constant 896 : i32
    %dma_start3A_238 = tpu.memref_slice %arg6[%dma_start3A_230, %dma_start3A_236, %dma_start3A_237] : memref<8x8x1024xf32, #tpu.memory_space<vmem>> -> memref<1x8x128xf32, #tpu.memory_space<vmem>>
    %dma_start3A_239 = tpu.memref_squeeze %dma_start3A_238 : memref<1x8x128xf32, #tpu.memory_space<vmem>> -> memref<8x128xf32, #tpu.memory_space<vmem>>
    %dma_start3A_240 = tpu.memref_slice %arg2[%mul3A_0, %multiple_of3A_229] : memref<16x1000000xf32, #tpu.memory_space<hbm>> -> memref<8x128xf32, #tpu.memory_space<hbm>>
    tpu.enqueue_dma source(%dma_start3A_240 : memref<8x128xf32, #tpu.memory_space<hbm>>) target(%dma_start3A_239 : memref<8x128xf32, #tpu.memory_space<vmem>>) target_semaphore(%arg9 : memref<!tpu.dma_semaphore, #tpu.memory_space<semaphore_mem>>)
    %get3A_241 = arith.constant 16 : index
    %get3A_242 = tpu.vector_load %arg5[%get3A_241] {strides = array<i32>} : memref<1040xi32, #tpu.memory_space<vmem>>, vector<16xi32>,
    %shift_right_arithmetic3A_243 = arith.constant 7 : i32
    %shift_right_arithmetic3A_244 = vector.broadcast %shift_right_arithmetic3A_243 : i32 to vector<16xi32>
    %shift_right_arithmetic3A_245 = arith.shrsi %get3A_242, %shift_right_arithmetic3A_244 : vector<16xi32>
    %mul3A_246 = arith.constant 128 : i32
    %mul3A_247 = vector.broadcast %mul3A_246 : i32 to vector<16xi32>
    %mul3A_248 = arith.muli %shift_right_arithmetic3A_245, %mul3A_247 : vector<16xi32>
    %slice3A_249 = vector.extract_strided_slice %mul3A_248 {offsets = [0], sizes = [1], strides = [1]} : vector<16xi32> to vector<1xi32>
    %squeeze3A_250 = vector.extract %slice3A_249[0] : i32 from vector<1xi32>
    %multiple_of3A_251 = tpu.assume_multiple %squeeze3A_250, 128 : i32
    %dma_start3A_252 = arith.constant 2 : i32
    %dma_start3A_253 = arith.constant 0 : i32
    %dma_start3A_254 = arith.constant 0 : i32
    %dma_start3A_255 = tpu.memref_slice %arg6[%dma_start3A_252, %dma_start3A_253, %dma_start3A_254] : memref<8x8x1024xf32, #tpu.memory_space<vmem>> -> memref<1x8x128xf32, #tpu.memory_space<vmem>>
    %dma_start3A_256 = tpu.memref_squeeze %dma_start3A_255 : memref<1x8x128xf32, #tpu.memory_space<vmem>> -> memref<8x128xf32, #tpu.memory_space<vmem>>
    %dma_start3A_257 = tpu.memref_slice %arg2[%mul3A_0, %multiple_of3A_251] : memref<16x1000000xf32, #tpu.memory_space<hbm>> -> memref<8x128xf32, #tpu.memory_space<hbm>>
    %dma_start3A_258 = arith.constant 0 : i32
    %dma_start3A_259 = arith.constant 0 : i32
    %dma_start3A_260 = tpu.memref_slice %arg6[%dma_start3A_252, %dma_start3A_258, %dma_start3A_259] : memref<8x8x1024xf32, #tpu.memory_space<vmem>> -> memref<1x8x128xf32, #tpu.memory_space<vmem>>
    %dma_start3A_261 = tpu.memref_squeeze %dma_start3A_260 : memref<1x8x128xf32, #tpu.memory_space<vmem>> -> memref<8x128xf32, #tpu.memory_space<vmem>>
    %dma_start3A_262 = tpu.memref_slice %arg2[%mul3A_0, %multiple_of3A_251] : memref<16x1000000xf32, #tpu.memory_space<hbm>> -> memref<8x128xf32, #tpu.memory_space<hbm>>
    tpu.enqueue_dma source(%dma_start3A_262 : memref<8x128xf32, #tpu.memory_space<hbm>>) target(%dma_start3A_261 : memref<8x128xf32, #tpu.memory_space<vmem>>) target_semaphore(%arg10 : memref<!tpu.dma_semaphore, #tpu.memory_space<semaphore_mem>>)
    %slice3A_263 = vector.extract_strided_slice %mul3A_248 {offsets = [1], sizes = [1], strides = [1]} : vector<16xi32> to vector<1xi32>
    %squeeze3A_264 = vector.extract %slice3A_263[0] : i32 from vector<1xi32>
    %multiple_of3A_265 = tpu.assume_multiple %squeeze3A_264, 128 : i32
    %dma_start3A_266 = arith.constant 2 : i32
    %dma_start3A_267 = arith.constant 0 : i32
    %dma_start3A_268 = arith.constant 128 : i32
    %dma_start3A_269 = tpu.memref_slice %arg6[%dma_start3A_266, %dma_start3A_267, %dma_start3A_268] : memref<8x8x1024xf32, #tpu.memory_space<vmem>> -> memref<1x8x128xf32, #tpu.memory_space<vmem>>
    %dma_start3A_270 = tpu.memref_squeeze %dma_start3A_269 : memref<1x8x128xf32, #tpu.memory_space<vmem>> -> memref<8x128xf32, #tpu.memory_space<vmem>>
    %dma_start3A_271 = tpu.memref_slice %arg2[%mul3A_0, %multiple_of3A_265] : memref<16x1000000xf32, #tpu.memory_space<hbm>> -> memref<8x128xf32, #tpu.memory_space<hbm>>
    %dma_start3A_272 = arith.constant 0 : i32
    %dma_start3A_273 = arith.constant 128 : i32
    %dma_start3A_274 = tpu.memref_slice %arg6[%dma_start3A_266, %dma_start3A_272, %dma_start3A_273] : memref<8x8x1024xf32, #tpu.memory_space<vmem>> -> memref<1x8x128xf32, #tpu.memory_space<vmem>>
    %dma_start3A_275 = tpu.memref_squeeze %dma_start3A_274 : memref<1x8x128xf32, #tpu.memory_space<vmem>> -> memref<8x128xf32, #tpu.memory_space<vmem>>
    %dma_start3A_276 = tpu.memref_slice %arg2[%mul3A_0, %multiple_of3A_265] : memref<16x1000000xf32, #tpu.memory_space<hbm>> -> memref<8x128xf32, #tpu.memory_space<hbm>>
    tpu.enqueue_dma source(%dma_start3A_276 : memref<8x128xf32, #tpu.memory_space<hbm>>) target(%dma_start3A_275 : memref<8x128xf32, #tpu.memory_space<vmem>>) target_semaphore(%arg10 : memref<!tpu.dma_semaphore, #tpu.memory_space<semaphore_mem>>)
    %slice3A_277 = vector.extract_strided_slice %mul3A_248 {offsets = [2], sizes = [1], strides = [1]} : vector<16xi32> to vector<1xi32>
    %squeeze3A_278 = vector.extract %slice3A_277[0] : i32 from vector<1xi32>
    %multiple_of3A_279 = tpu.assume_multiple %squeeze3A_278, 128 : i32
    %dma_start3A_280 = arith.constant 2 : i32
    %dma_start3A_281 = arith.constant 0 : i32
    %dma_start3A_282 = arith.constant 256 : i32
    %dma_start3A_283 = tpu.memref_slice %arg6[%dma_start3A_280, %dma_start3A_281, %dma_start3A_282] : memref<8x8x1024xf32, #tpu.memory_space<vmem>> -> memref<1x8x128xf32, #tpu.memory_space<vmem>>
    %dma_start3A_284 = tpu.memref_squeeze %dma_start3A_283 : memref<1x8x128xf32, #tpu.memory_space<vmem>> -> memref<8x128xf32, #tpu.memory_space<vmem>>
    %dma_start3A_285 = tpu.memref_slice %arg2[%mul3A_0, %multiple_of3A_279] : memref<16x1000000xf32, #tpu.memory_space<hbm>> -> memref<8x128xf32, #tpu.memory_space<hbm>>
    %dma_start3A_286 = arith.constant 0 : i32
    %dma_start3A_287 = arith.constant 256 : i32
    %dma_start3A_288 = tpu.memref_slice %arg6[%dma_start3A_280, %dma_start3A_286, %dma_start3A_287] : memref<8x8x1024xf32, #tpu.memory_space<vmem>> -> memref<1x8x128xf32, #tpu.memory_space<vmem>>
    %dma_start3A_289 = tpu.memref_squeeze %dma_start3A_288 : memref<1x8x128xf32, #tpu.memory_space<vmem>> -> memref<8x128xf32, #tpu.memory_space<vmem>>
    %dma_start3A_290 = tpu.memref_slice %arg2[%mul3A_0, %multiple_of3A_279] : memref<16x1000000xf32, #tpu.memory_space<hbm>> -> memref<8x128xf32, #tpu.memory_space<hbm>>
    tpu.enqueue_dma source(%dma_start3A_290 : memref<8x128xf32, #tpu.memory_space<hbm>>) target(%dma_start3A_289 : memref<8x128xf32, #tpu.memory_space<vmem>>) target_semaphore(%arg10 : memref<!tpu.dma_semaphore, #tpu.memory_space<semaphore_mem>>)
    %slice3A_291 = vector.extract_strided_slice %mul3A_248 {offsets = [3], sizes = [1], strides = [1]} : vector<16xi32> to vector<1xi32>
    %squeeze3A_292 = vector.extract %slice3A_291[0] : i32 from vector<1xi32>
    %multiple_of3A_293 = tpu.assume_multiple %squeeze3A_292, 128 : i32
    %dma_start3A_294 = arith.constant 2 : i32
    %dma_start3A_295 = arith.constant 0 : i32
    %dma_start3A_296 = arith.constant 384 : i32
    %dma_start3A_297 = tpu.memref_slice %arg6[%dma_start3A_294, %dma_start3A_295, %dma_start3A_296] : memref<8x8x1024xf32, #tpu.memory_space<vmem>> -> memref<1x8x128xf32, #tpu.memory_space<vmem>>
    %dma_start3A_298 = tpu.memref_squeeze %dma_start3A_297 : memref<1x8x128xf32, #tpu.memory_space<vmem>> -> memref<8x128xf32, #tpu.memory_space<vmem>>
    %dma_start3A_299 = tpu.memref_slice %arg2[%mul3A_0, %multiple_of3A_293] : memref<16x1000000xf32, #tpu.memory_space<hbm>> -> memref<8x128xf32, #tpu.memory_space<hbm>>
    %dma_start3A_300 = arith.constant 0 : i32
    %dma_start3A_301 = arith.constant 384 : i32
    %dma_start3A_302 = tpu.memref_slice %arg6[%dma_start3A_294, %dma_start3A_300, %dma_start3A_301] : memref<8x8x1024xf32, #tpu.memory_space<vmem>> -> memref<1x8x128xf32, #tpu.memory_space<vmem>>
    %dma_start3A_303 = tpu.memref_squeeze %dma_start3A_302 : memref<1x8x128xf32, #tpu.memory_space<vmem>> -> memref<8x128xf32, #tpu.memory_space<vmem>>
    %dma_start3A_304 = tpu.memref_slice %arg2[%mul3A_0, %multiple_of3A_293] : memref<16x1000000xf32, #tpu.memory_space<hbm>> -> memref<8x128xf32, #tpu.memory_space<hbm>>
    tpu.enqueue_dma source(%dma_start3A_304 : memref<8x128xf32, #tpu.memory_space<hbm>>) target(%dma_start3A_303 : memref<8x128xf32, #tpu.memory_space<vmem>>) target_semaphore(%arg10 : memref<!tpu.dma_semaphore, #tpu.memory_space<semaphore_mem>>)
    %slice3A_305 = vector.extract_strided_slice %mul3A_248 {offsets = [4], sizes = [1], strides = [1]} : vector<16xi32> to vector<1xi32>
    %squeeze3A_306 = vector.extract %slice3A_305[0] : i32 from vector<1xi32>
    %multiple_of3A_307 = tpu.assume_multiple %squeeze3A_306, 128 : i32
    %dma_start3A_308 = arith.constant 2 : i32
    %dma_start3A_309 = arith.constant 0 : i32
    %dma_start3A_310 = arith.constant 512 : i32
    %dma_start3A_311 = tpu.memref_slice %arg6[%dma_start3A_308, %dma_start3A_309, %dma_start3A_310] : memref<8x8x1024xf32, #tpu.memory_space<vmem>> -> memref<1x8x128xf32, #tpu.memory_space<vmem>>
    %dma_start3A_312 = tpu.memref_squeeze %dma_start3A_311 : memref<1x8x128xf32, #tpu.memory_space<vmem>> -> memref<8x128xf32, #tpu.memory_space<vmem>>
    %dma_start3A_313 = tpu.memref_slice %arg2[%mul3A_0, %multiple_of3A_307] : memref<16x1000000xf32, #tpu.memory_space<hbm>> -> memref<8x128xf32, #tpu.memory_space<hbm>>
    %dma_start3A_314 = arith.constant 0 : i32
    %dma_start3A_315 = arith.constant 512 : i32
    %dma_start3A_316 = tpu.memref_slice %arg6[%dma_start3A_308, %dma_start3A_314, %dma_start3A_315] : memref<8x8x1024xf32, #tpu.memory_space<vmem>> -> memref<1x8x128xf32, #tpu.memory_space<vmem>>
    %dma_start3A_317 = tpu.memref_squeeze %dma_start3A_316 : memref<1x8x128xf32, #tpu.memory_space<vmem>> -> memref<8x128xf32, #tpu.memory_space<vmem>>
    %dma_start3A_318 = tpu.memref_slice %arg2[%mul3A_0, %multiple_of3A_307] : memref<16x1000000xf32, #tpu.memory_space<hbm>> -> memref<8x128xf32, #tpu.memory_space<hbm>>
    tpu.enqueue_dma source(%dma_start3A_318 : memref<8x128xf32, #tpu.memory_space<hbm>>) target(%dma_start3A_317 : memref<8x128xf32, #tpu.memory_space<vmem>>) target_semaphore(%arg10 : memref<!tpu.dma_semaphore, #tpu.memory_space<semaphore_mem>>)
    %slice3A_319 = vector.extract_strided_slice %mul3A_248 {offsets = [5], sizes = [1], strides = [1]} : vector<16xi32> to vector<1xi32>
    %squeeze3A_320 = vector.extract %slice3A_319[0] : i32 from vector<1xi32>
    %multiple_of3A_321 = tpu.assume_multiple %squeeze3A_320, 128 : i32
    %dma_start3A_322 = arith.constant 2 : i32
    %dma_start3A_323 = arith.constant 0 : i32
    %dma_start3A_324 = arith.constant 640 : i32
    %dma_start3A_325 = tpu.memref_slice %arg6[%dma_start3A_322, %dma_start3A_323, %dma_start3A_324] : memref<8x8x1024xf32, #tpu.memory_space<vmem>> -> memref<1x8x128xf32, #tpu.memory_space<vmem>>
    %dma_start3A_326 = tpu.memref_squeeze %dma_start3A_325 : memref<1x8x128xf32, #tpu.memory_space<vmem>> -> memref<8x128xf32, #tpu.memory_space<vmem>>
    %dma_start3A_327 = tpu.memref_slice %arg2[%mul3A_0, %multiple_of3A_321] : memref<16x1000000xf32, #tpu.memory_space<hbm>> -> memref<8x128xf32, #tpu.memory_space<hbm>>
    %dma_start3A_328 = arith.constant 0 : i32
    %dma_start3A_329 = arith.constant 640 : i32
    %dma_start3A_330 = tpu.memref_slice %arg6[%dma_start3A_322, %dma_start3A_328, %dma_start3A_329] : memref<8x8x1024xf32, #tpu.memory_space<vmem>> -> memref<1x8x128xf32, #tpu.memory_space<vmem>>
    %dma_start3A_331 = tpu.memref_squeeze %dma_start3A_330 : memref<1x8x128xf32, #tpu.memory_space<vmem>> -> memref<8x128xf32, #tpu.memory_space<vmem>>
    %dma_start3A_332 = tpu.memref_slice %arg2[%mul3A_0, %multiple_of3A_321] : memref<16x1000000xf32, #tpu.memory_space<hbm>> -> memref<8x128xf32, #tpu.memory_space<hbm>>
    tpu.enqueue_dma source(%dma_start3A_332 : memref<8x128xf32, #tpu.memory_space<hbm>>) target(%dma_start3A_331 : memref<8x128xf32, #tpu.memory_space<vmem>>) target_semaphore(%arg10 : memref<!tpu.dma_semaphore, #tpu.memory_space<semaphore_mem>>)
    %slice3A_333 = vector.extract_strided_slice %mul3A_248 {offsets = [6], sizes = [1], strides = [1]} : vector<16xi32> to vector<1xi32>
    %squeeze3A_334 = vector.extract %slice3A_333[0] : i32 from vector<1xi32>
    %multiple_of3A_335 = tpu.assume_multiple %squeeze3A_334, 128 : i32
    %dma_start3A_336 = arith.constant 2 : i32
    %dma_start3A_337 = arith.constant 0 : i32
    %dma_start3A_338 = arith.constant 768 : i32
    %dma_start3A_339 = tpu.memref_slice %arg6[%dma_start3A_336, %dma_start3A_337, %dma_start3A_338] : memref<8x8x1024xf32, #tpu.memory_space<vmem>> -> memref<1x8x128xf32, #tpu.memory_space<vmem>>
    %dma_start3A_340 = tpu.memref_squeeze %dma_start3A_339 : memref<1x8x128xf32, #tpu.memory_space<vmem>> -> memref<8x128xf32, #tpu.memory_space<vmem>>
    %dma_start3A_341 = tpu.memref_slice %arg2[%mul3A_0, %multiple_of3A_335] : memref<16x1000000xf32, #tpu.memory_space<hbm>> -> memref<8x128xf32, #tpu.memory_space<hbm>>
    %dma_start3A_342 = arith.constant 0 : i32
    %dma_start3A_343 = arith.constant 768 : i32
    %dma_start3A_344 = tpu.memref_slice %arg6[%dma_start3A_336, %dma_start3A_342, %dma_start3A_343] : memref<8x8x1024xf32, #tpu.memory_space<vmem>> -> memref<1x8x128xf32, #tpu.memory_space<vmem>>
    %dma_start3A_345 = tpu.memref_squeeze %dma_start3A_344 : memref<1x8x128xf32, #tpu.memory_space<vmem>> -> memref<8x128xf32, #tpu.memory_space<vmem>>
    %dma_start3A_346 = tpu.memref_slice %arg2[%mul3A_0, %multiple_of3A_335] : memref<16x1000000xf32, #tpu.memory_space<hbm>> -> memref<8x128xf32, #tpu.memory_space<hbm>>
    tpu.enqueue_dma source(%dma_start3A_346 : memref<8x128xf32, #tpu.memory_space<hbm>>) target(%dma_start3A_345 : memref<8x128xf32, #tpu.memory_space<vmem>>) target_semaphore(%arg10 : memref<!tpu.dma_semaphore, #tpu.memory_space<semaphore_mem>>)
    %slice3A_347 = vector.extract_strided_slice %mul3A_248 {offsets = [7], sizes = [1], strides = [1]} : vector<16xi32> to vector<1xi32>
    %squeeze3A_348 = vector.extract %slice3A_347[0] : i32 from vector<1xi32>
    %multiple_of3A_349 = tpu.assume_multiple %squeeze3A_348, 128 : i32
    %dma_start3A_350 = arith.constant 2 : i32
    %dma_start3A_351 = arith.constant 0 : i32
    %dma_start3A_352 = arith.constant 896 : i32
    %dma_start3A_353 = tpu.memref_slice %arg6[%dma_start3A_350, %dma_start3A_351, %dma_start3A_352] : memref<8x8x1024xf32, #tpu.memory_space<vmem>> -> memref<1x8x128xf32, #tpu.memory_space<vmem>>
    %dma_start3A_354 = tpu.memref_squeeze %dma_start3A_353 : memref<1x8x128xf32, #tpu.memory_space<vmem>> -> memref<8x128xf32, #tpu.memory_space<vmem>>
    %dma_start3A_355 = tpu.memref_slice %arg2[%mul3A_0, %multiple_of3A_349] : memref<16x1000000xf32, #tpu.memory_space<hbm>> -> memref<8x128xf32, #tpu.memory_space<hbm>>
    %dma_start3A_356 = arith.constant 0 : i32
    %dma_start3A_357 = arith.constant 896 : i32
    %dma_start3A_358 = tpu.memref_slice %arg6[%dma_start3A_350, %dma_start3A_356, %dma_start3A_357] : memref<8x8x1024xf32, #tpu.memory_space<vmem>> -> memref<1x8x128xf32, #tpu.memory_space<vmem>>
    %dma_start3A_359 = tpu.memref_squeeze %dma_start3A_358 : memref<1x8x128xf32, #tpu.memory_space<vmem>> -> memref<8x128xf32, #tpu.memory_space<vmem>>
    %dma_start3A_360 = tpu.memref_slice %arg2[%mul3A_0, %multiple_of3A_349] : memref<16x1000000xf32, #tpu.memory_space<hbm>> -> memref<8x128xf32, #tpu.memory_space<hbm>>
    tpu.enqueue_dma source(%dma_start3A_360 : memref<8x128xf32, #tpu.memory_space<hbm>>) target(%dma_start3A_359 : memref<8x128xf32, #tpu.memory_space<vmem>>) target_semaphore(%arg10 : memref<!tpu.dma_semaphore, #tpu.memory_space<semaphore_mem>>)
    %get3A_361 = arith.constant 24 : index
    %get3A_362 = tpu.vector_load %arg5[%get3A_361] {strides = array<i32>} : memref<1040xi32, #tpu.memory_space<vmem>>, vector<16xi32>,
    %shift_right_arithmetic3A_363 = arith.constant 7 : i32
    %shift_right_arithmetic3A_364 = vector.broadcast %shift_right_arithmetic3A_363 : i32 to vector<16xi32>
    %shift_right_arithmetic3A_365 = arith.shrsi %get3A_362, %shift_right_arithmetic3A_364 : vector<16xi32>
    %mul3A_366 = arith.constant 128 : i32
    %mul3A_367 = vector.broadcast %mul3A_366 : i32 to vector<16xi32>
    %mul3A_368 = arith.muli %shift_right_arithmetic3A_365, %mul3A_367 : vector<16xi32>
    %slice3A_369 = vector.extract_strided_slice %mul3A_368 {offsets = [0], sizes = [1], strides = [1]} : vector<16xi32> to vector<1xi32>
    %squeeze3A_370 = vector.extract %slice3A_369[0] : i32 from vector<1xi32>
    %multiple_of3A_371 = tpu.assume_multiple %squeeze3A_370, 128 : i32
    %dma_start3A_372 = arith.constant 3 : i32
    %dma_start3A_373 = arith.constant 0 : i32
    %dma_start3A_374 = arith.constant 0 : i32
    %dma_start3A_375 = tpu.memref_slice %arg6[%dma_start3A_372, %dma_start3A_373, %dma_start3A_374] : memref<8x8x1024xf32, #tpu.memory_space<vmem>> -> memref<1x8x128xf32, #tpu.memory_space<vmem>>
    %dma_start3A_376 = tpu.memref_squeeze %dma_start3A_375 : memref<1x8x128xf32, #tpu.memory_space<vmem>> -> memref<8x128xf32, #tpu.memory_space<vmem>>
    %dma_start3A_377 = tpu.memref_slice %arg2[%mul3A_0, %multiple_of3A_371] : memref<16x1000000xf32, #tpu.memory_space<hbm>> -> memref<8x128xf32, #tpu.memory_space<hbm>>
    %dma_start3A_378 = arith.constant 0 : i32
    %dma_start3A_379 = arith.constant 0 : i32
    %dma_start3A_380 = tpu.memref_slice %arg6[%dma_start3A_372, %dma_start3A_378, %dma_start3A_379] : memref<8x8x1024xf32, #tpu.memory_space<vmem>> -> memref<1x8x128xf32, #tpu.memory_space<vmem>>
    %dma_start3A_381 = tpu.memref_squeeze %dma_start3A_380 : memref<1x8x128xf32, #tpu.memory_space<vmem>> -> memref<8x128xf32, #tpu.memory_space<vmem>>
    %dma_start3A_382 = tpu.memref_slice %arg2[%mul3A_0, %multiple_of3A_371] : memref<16x1000000xf32, #tpu.memory_space<hbm>> -> memref<8x128xf32, #tpu.memory_space<hbm>>
    tpu.enqueue_dma source(%dma_start3A_382 : memref<8x128xf32, #tpu.memory_space<hbm>>) target(%dma_start3A_381 : memref<8x128xf32, #tpu.memory_space<vmem>>) target_semaphore(%arg11 : memref<!tpu.dma_semaphore, #tpu.memory_space<semaphore_mem>>)
    %slice3A_383 = vector.extract_strided_slice %mul3A_368 {offsets = [1], sizes = [1], strides = [1]} : vector<16xi32> to vector<1xi32>
    %squeeze3A_384 = vector.extract %slice3A_383[0] : i32 from vector<1xi32>
    %multiple_of3A_385 = tpu.assume_multiple %squeeze3A_384, 128 : i32
    %dma_start3A_386 = arith.constant 3 : i32
    %dma_start3A_387 = arith.constant 0 : i32
    %dma_start3A_388 = arith.constant 128 : i32
    %dma_start3A_389 = tpu.memref_slice %arg6[%dma_start3A_386, %dma_start3A_387, %dma_start3A_388] : memref<8x8x1024xf32, #tpu.memory_space<vmem>> -> memref<1x8x128xf32, #tpu.memory_space<vmem>>
    %dma_start3A_390 = tpu.memref_squeeze %dma_start3A_389 : memref<1x8x128xf32, #tpu.memory_space<vmem>> -> memref<8x128xf32, #tpu.memory_space<vmem>>
    %dma_start3A_391 = tpu.memref_slice %arg2[%mul3A_0, %multiple_of3A_385] : memref<16x1000000xf32, #tpu.memory_space<hbm>> -> memref<8x128xf32, #tpu.memory_space<hbm>>
    %dma_start3A_392 = arith.constant 0 : i32
    %dma_start3A_393 = arith.constant 128 : i32
    %dma_start3A_394 = tpu.memref_slice %arg6[%dma_start3A_386, %dma_start3A_392, %dma_start3A_393] : memref<8x8x1024xf32, #tpu.memory_space<vmem>> -> memref<1x8x128xf32, #tpu.memory_space<vmem>>
    %dma_start3A_395 = tpu.memref_squeeze %dma_start3A_394 : memref<1x8x128xf32, #tpu.memory_space<vmem>> -> memref<8x128xf32, #tpu.memory_space<vmem>>
    %dma_start3A_396 = tpu.memref_slice %arg2[%mul3A_0, %multiple_of3A_385] : memref<16x1000000xf32, #tpu.memory_space<hbm>> -> memref<8x128xf32, #tpu.memory_space<hbm>>
    tpu.enqueue_dma source(%dma_start3A_396 : memref<8x128xf32, #tpu.memory_space<hbm>>) target(%dma_start3A_395 : memref<8x128xf32, #tpu.memory_space<vmem>>) target_semaphore(%arg11 : memref<!tpu.dma_semaphore, #tpu.memory_space<semaphore_mem>>)
    %slice3A_397 = vector.extract_strided_slice %mul3A_368 {offsets = [2], sizes = [1], strides = [1]} : vector<16xi32> to vector<1xi32>
    %squeeze3A_398 = vector.extract %slice3A_397[0] : i32 from vector<1xi32>
    %multiple_of3A_399 = tpu.assume_multiple %squeeze3A_398, 128 : i32
    %dma_start3A_400 = arith.constant 3 : i32
    %dma_start3A_401 = arith.constant 0 : i32
    %dma_start3A_402 = arith.constant 256 : i32
    %dma_start3A_403 = tpu.memref_slice %arg6[%dma_start3A_400, %dma_start3A_401, %dma_start3A_402] : memref<8x8x1024xf32, #tpu.memory_space<vmem>> -> memref<1x8x128xf32, #tpu.memory_space<vmem>>
    %dma_start3A_404 = tpu.memref_squeeze %dma_start3A_403 : memref<1x8x128xf32, #tpu.memory_space<vmem>> -> memref<8x128xf32, #tpu.memory_space<vmem>>
    %dma_start3A_405 = tpu.memref_slice %arg2[%mul3A_0, %multiple_of3A_399] : memref<16x1000000xf32, #tpu.memory_space<hbm>> -> memref<8x128xf32, #tpu.memory_space<hbm>>
    %dma_start3A_406 = arith.constant 0 : i32
    %dma_start3A_407 = arith.constant 256 : i32
    %dma_start3A_408 = tpu.memref_slice %arg6[%dma_start3A_400, %dma_start3A_406, %dma_start3A_407] : memref<8x8x1024xf32, #tpu.memory_space<vmem>> -> memref<1x8x128xf32, #tpu.memory_space<vmem>>
    %dma_start3A_409 = tpu.memref_squeeze %dma_start3A_408 : memref<1x8x128xf32, #tpu.memory_space<vmem>> -> memref<8x128xf32, #tpu.memory_space<vmem>>
    %dma_start3A_410 = tpu.memref_slice %arg2[%mul3A_0, %multiple_of3A_399] : memref<16x1000000xf32, #tpu.memory_space<hbm>> -> memref<8x128xf32, #tpu.memory_space<hbm>>
    tpu.enqueue_dma source(%dma_start3A_410 : memref<8x128xf32, #tpu.memory_space<hbm>>) target(%dma_start3A_409 : memref<8x128xf32, #tpu.memory_space<vmem>>) target_semaphore(%arg11 : memref<!tpu.dma_semaphore, #tpu.memory_space<semaphore_mem>>)
    %slice3A_411 = vector.extract_strided_slice %mul3A_368 {offsets = [3], sizes = [1], strides = [1]} : vector<16xi32> to vector<1xi32>
    %squeeze3A_412 = vector.extract %slice3A_411[0] : i32 from vector<1xi32>
    %multiple_of3A_413 = tpu.assume_multiple %squeeze3A_412, 128 : i32
    %dma_start3A_414 = arith.constant 3 : i32
    %dma_start3A_415 = arith.constant 0 : i32
    %dma_start3A_416 = arith.constant 384 : i32
    %dma_start3A_417 = tpu.memref_slice %arg6[%dma_start3A_414, %dma_start3A_415, %dma_start3A_416] : memref<8x8x1024xf32, #tpu.memory_space<vmem>> -> memref<1x8x128xf32, #tpu.memory_space<vmem>>
    %dma_start3A_418 = tpu.memref_squeeze %dma_start3A_417 : memref<1x8x128xf32, #tpu.memory_space<vmem>> -> memref<8x128xf32, #tpu.memory_space<vmem>>
    %dma_start3A_419 = tpu.memref_slice %arg2[%mul3A_0, %multiple_of3A_413] : memref<16x1000000xf32, #tpu.memory_space<hbm>> -> memref<8x128xf32, #tpu.memory_space<hbm>>
    %dma_start3A_420 = arith.constant 0 : i32
    %dma_start3A_421 = arith.constant 384 : i32
    %dma_start3A_422 = tpu.memref_slice %arg6[%dma_start3A_414, %dma_start3A_420, %dma_start3A_421] : memref<8x8x1024xf32, #tpu.memory_space<vmem>> -> memref<1x8x128xf32, #tpu.memory_space<vmem>>
    %dma_start3A_423 = tpu.memref_squeeze %dma_start3A_422 : memref<1x8x128xf32, #tpu.memory_space<vmem>> -> memref<8x128xf32, #tpu.memory_space<vmem>>
    %dma_start3A_424 = tpu.memref_slice %arg2[%mul3A_0, %multiple_of3A_413] : memref<16x1000000xf32, #tpu.memory_space<hbm>> -> memref<8x128xf32, #tpu.memory_space<hbm>>
    tpu.enqueue_dma source(%dma_start3A_424 : memref<8x128xf32, #tpu.memory_space<hbm>>) target(%dma_start3A_423 : memref<8x128xf32, #tpu.memory_space<vmem>>) target_semaphore(%arg11 : memref<!tpu.dma_semaphore, #tpu.memory_space<semaphore_mem>>)
    %slice3A_425 = vector.extract_strided_slice %mul3A_368 {offsets = [4], sizes = [1], strides = [1]} : vector<16xi32> to vector<1xi32>
    %squeeze3A_426 = vector.extract %slice3A_425[0] : i32 from vector<1xi32>
    %multiple_of3A_427 = tpu.assume_multiple %squeeze3A_426, 128 : i32
    %dma_start3A_428 = arith.constant 3 : i32
    %dma_start3A_429 = arith.constant 0 : i32
    %dma_start3A_430 = arith.constant 512 : i32
    %dma_start3A_431 = tpu.memref_slice %arg6[%dma_start3A_428, %dma_start3A_429, %dma_start3A_430] : memref<8x8x1024xf32, #tpu.memory_space<vmem>> -> memref<1x8x128xf32, #tpu.memory_space<vmem>>
    %dma_start3A_432 = tpu.memref_squeeze %dma_start3A_431 : memref<1x8x128xf32, #tpu.memory_space<vmem>> -> memref<8x128xf32, #tpu.memory_space<vmem>>
    %dma_start3A_433 = tpu.memref_slice %arg2[%mul3A_0, %multiple_of3A_427] : memref<16x1000000xf32, #tpu.memory_space<hbm>> -> memref<8x128xf32, #tpu.memory_space<hbm>>
    %dma_start3A_434 = arith.constant 0 : i32
    %dma_start3A_435 = arith.constant 512 : i32
    %dma_start3A_436 = tpu.memref_slice %arg6[%dma_start3A_428, %dma_start3A_434, %dma_start3A_435] : memref<8x8x1024xf32, #tpu.memory_space<vmem>> -> memref<1x8x128xf32, #tpu.memory_space<vmem>>
    %dma_start3A_437 = tpu.memref_squeeze %dma_start3A_436 : memref<1x8x128xf32, #tpu.memory_space<vmem>> -> memref<8x128xf32, #tpu.memory_space<vmem>>
    %dma_start3A_438 = tpu.memref_slice %arg2[%mul3A_0, %multiple_of3A_427] : memref<16x1000000xf32, #tpu.memory_space<hbm>> -> memref<8x128xf32, #tpu.memory_space<hbm>>
    tpu.enqueue_dma source(%dma_start3A_438 : memref<8x128xf32, #tpu.memory_space<hbm>>) target(%dma_start3A_437 : memref<8x128xf32, #tpu.memory_space<vmem>>) target_semaphore(%arg11 : memref<!tpu.dma_semaphore, #tpu.memory_space<semaphore_mem>>)
    %slice3A_439 = vector.extract_strided_slice %mul3A_368 {offsets = [5], sizes = [1], strides = [1]} : vector<16xi32> to vector<1xi32>
    %squeeze3A_440 = vector.extract %slice3A_439[0] : i32 from vector<1xi32>
    %multiple_of3A_441 = tpu.assume_multiple %squeeze3A_440, 128 : i32
    %dma_start3A_442 = arith.constant 3 : i32
    %dma_start3A_443 = arith.constant 0 : i32
    %dma_start3A_444 = arith.constant 640 : i32
    %dma_start3A_445 = tpu.memref_slice %arg6[%dma_start3A_442, %dma_start3A_443, %dma_start3A_444] : memref<8x8x1024xf32, #tpu.memory_space<vmem>> -> memref<1x8x128xf32, #tpu.memory_space<vmem>>
    %dma_start3A_446 = tpu.memref_squeeze %dma_start3A_445 : memref<1x8x128xf32, #tpu.memory_space<vmem>> -> memref<8x128xf32, #tpu.memory_space<vmem>>
    %dma_start3A_447 = tpu.memref_slice %arg2[%mul3A_0, %multiple_of3A_441] : memref<16x1000000xf32, #tpu.memory_space<hbm>> -> memref<8x128xf32, #tpu.memory_space<hbm>>
    %dma_start3A_448 = arith.constant 0 : i32
    %dma_start3A_449 = arith.constant 640 : i32
    %dma_start3A_450 = tpu.memref_slice %arg6[%dma_start3A_442, %dma_start3A_448, %dma_start3A_449] : memref<8x8x1024xf32, #tpu.memory_space<vmem>> -> memref<1x8x128xf32, #tpu.memory_space<vmem>>
    %dma_start3A_451 = tpu.memref_squeeze %dma_start3A_450 : memref<1x8x128xf32, #tpu.memory_space<vmem>> -> memref<8x128xf32, #tpu.memory_space<vmem>>
    %dma_start3A_452 = tpu.memref_slice %arg2[%mul3A_0, %multiple_of3A_441] : memref<16x1000000xf32, #tpu.memory_space<hbm>> -> memref<8x128xf32, #tpu.memory_space<hbm>>
    tpu.enqueue_dma source(%dma_start3A_452 : memref<8x128xf32, #tpu.memory_space<hbm>>) target(%dma_start3A_451 : memref<8x128xf32, #tpu.memory_space<vmem>>) target_semaphore(%arg11 : memref<!tpu.dma_semaphore, #tpu.memory_space<semaphore_mem>>)
    %slice3A_453 = vector.extract_strided_slice %mul3A_368 {offsets = [6], sizes = [1], strides = [1]} : vector<16xi32> to vector<1xi32>
    %squeeze3A_454 = vector.extract %slice3A_453[0] : i32 from vector<1xi32>
    %multiple_of3A_455 = tpu.assume_multiple %squeeze3A_454, 128 : i32
    %dma_start3A_456 = arith.constant 3 : i32
    %dma_start3A_457 = arith.constant 0 : i32
    %dma_start3A_458 = arith.constant 768 : i32
    %dma_start3A_459 = tpu.memref_slice %arg6[%dma_start3A_456, %dma_start3A_457, %dma_start3A_458] : memref<8x8x1024xf32, #tpu.memory_space<vmem>> -> memref<1x8x128xf32, #tpu.memory_space<vmem>>
    %dma_start3A_460 = tpu.memref_squeeze %dma_start3A_459 : memref<1x8x128xf32, #tpu.memory_space<vmem>> -> memref<8x128xf32, #tpu.memory_space<vmem>>
    %dma_start3A_461 = tpu.memref_slice %arg2[%mul3A_0, %multiple_of3A_455] : memref<16x1000000xf32, #tpu.memory_space<hbm>> -> memref<8x128xf32, #tpu.memory_space<hbm>>
    %dma_start3A_462 = arith.constant 0 : i32
    %dma_start3A_463 = arith.constant 768 : i32
    %dma_start3A_464 = tpu.memref_slice %arg6[%dma_start3A_456, %dma_start3A_462, %dma_start3A_463] : memref<8x8x1024xf32, #tpu.memory_space<vmem>> -> memref<1x8x128xf32, #tpu.memory_space<vmem>>
    %dma_start3A_465 = tpu.memref_squeeze %dma_start3A_464 : memref<1x8x128xf32, #tpu.memory_space<vmem>> -> memref<8x128xf32, #tpu.memory_space<vmem>>
    %dma_start3A_466 = tpu.memref_slice %arg2[%mul3A_0, %multiple_of3A_455] : memref<16x1000000xf32, #tpu.memory_space<hbm>> -> memref<8x128xf32, #tpu.memory_space<hbm>>
    tpu.enqueue_dma source(%dma_start3A_466 : memref<8x128xf32, #tpu.memory_space<hbm>>) target(%dma_start3A_465 : memref<8x128xf32, #tpu.memory_space<vmem>>) target_semaphore(%arg11 : memref<!tpu.dma_semaphore, #tpu.memory_space<semaphore_mem>>)
    %slice3A_467 = vector.extract_strided_slice %mul3A_368 {offsets = [7], sizes = [1], strides = [1]} : vector<16xi32> to vector<1xi32>
    %squeeze3A_468 = vector.extract %slice3A_467[0] : i32 from vector<1xi32>
    %multiple_of3A_469 = tpu.assume_multiple %squeeze3A_468, 128 : i32
    %dma_start3A_470 = arith.constant 3 : i32
    %dma_start3A_471 = arith.constant 0 : i32
    %dma_start3A_472 = arith.constant 896 : i32
    %dma_start3A_473 = tpu.memref_slice %arg6[%dma_start3A_470, %dma_start3A_471, %dma_start3A_472] : memref<8x8x1024xf32, #tpu.memory_space<vmem>> -> memref<1x8x128xf32, #tpu.memory_space<vmem>>
    %dma_start3A_474 = tpu.memref_squeeze %dma_start3A_473 : memref<1x8x128xf32, #tpu.memory_space<vmem>> -> memref<8x128xf32, #tpu.memory_space<vmem>>
    %dma_start3A_475 = tpu.memref_slice %arg2[%mul3A_0, %multiple_of3A_469] : memref<16x1000000xf32, #tpu.memory_space<hbm>> -> memref<8x128xf32, #tpu.memory_space<hbm>>
    %dma_start3A_476 = arith.constant 0 : i32
    %dma_start3A_477 = arith.constant 896 : i32
    %dma_start3A_478 = tpu.memref_slice %arg6[%dma_start3A_470, %dma_start3A_476, %dma_start3A_477] : memref<8x8x1024xf32, #tpu.memory_space<vmem>> -> memref<1x8x128xf32, #tpu.memory_space<vmem>>
    %dma_start3A_479 = tpu.memref_squeeze %dma_start3A_478 : memref<1x8x128xf32, #tpu.memory_space<vmem>> -> memref<8x128xf32, #tpu.memory_space<vmem>>
    %dma_start3A_480 = tpu.memref_slice %arg2[%mul3A_0, %multiple_of3A_469] : memref<16x1000000xf32, #tpu.memory_space<hbm>> -> memref<8x128xf32, #tpu.memory_space<hbm>>
    tpu.enqueue_dma source(%dma_start3A_480 : memref<8x128xf32, #tpu.memory_space<hbm>>) target(%dma_start3A_479 : memref<8x128xf32, #tpu.memory_space<vmem>>) target_semaphore(%arg11 : memref<!tpu.dma_semaphore, #tpu.memory_space<semaphore_mem>>)
    %get3A_481 = arith.constant 32 : index
    %get3A_482 = tpu.vector_load %arg5[%get3A_481] {strides = array<i32>} : memref<1040xi32, #tpu.memory_space<vmem>>, vector<16xi32>,
    %shift_right_arithmetic3A_483 = arith.constant 7 : i32
    %shift_right_arithmetic3A_484 = vector.broadcast %shift_right_arithmetic3A_483 : i32 to vector<16xi32>
    %shift_right_arithmetic3A_485 = arith.shrsi %get3A_482, %shift_right_arithmetic3A_484 : vector<16xi32>
    %mul3A_486 = arith.constant 128 : i32
    %mul3A_487 = vector.broadcast %mul3A_486 : i32 to vector<16xi32>
    %mul3A_488 = arith.muli %shift_right_arithmetic3A_485, %mul3A_487 : vector<16xi32>
    %slice3A_489 = vector.extract_strided_slice %mul3A_488 {offsets = [0], sizes = [1], strides = [1]} : vector<16xi32> to vector<1xi32>
    %squeeze3A_490 = vector.extract %slice3A_489[0] : i32 from vector<1xi32>
    %multiple_of3A_491 = tpu.assume_multiple %squeeze3A_490, 128 : i32
    %dma_start3A_492 = arith.constant 4 : i32
    %dma_start3A_493 = arith.constant 0 : i32
    %dma_start3A_494 = arith.constant 0 : i32
    %dma_start3A_495 = tpu.memref_slice %arg6[%dma_start3A_492, %dma_start3A_493, %dma_start3A_494] : memref<8x8x1024xf32, #tpu.memory_space<vmem>> -> memref<1x8x128xf32, #tpu.memory_space<vmem>>
    %dma_start3A_496 = tpu.memref_squeeze %dma_start3A_495 : memref<1x8x128xf32, #tpu.memory_space<vmem>> -> memref<8x128xf32, #tpu.memory_space<vmem>>
    %dma_start3A_497 = tpu.memref_slice %arg2[%mul3A_0, %multiple_of3A_491] : memref<16x1000000xf32, #tpu.memory_space<hbm>> -> memref<8x128xf32, #tpu.memory_space<hbm>>
    %dma_start3A_498 = arith.constant 0 : i32
    %dma_start3A_499 = arith.constant 0 : i32
    %dma_start3A_500 = tpu.memref_slice %arg6[%dma_start3A_492, %dma_start3A_498, %dma_start3A_499] : memref<8x8x1024xf32, #tpu.memory_space<vmem>> -> memref<1x8x128xf32, #tpu.memory_space<vmem>>
    %dma_start3A_501 = tpu.memref_squeeze %dma_start3A_500 : memref<1x8x128xf32, #tpu.memory_space<vmem>> -> memref<8x128xf32, #tpu.memory_space<vmem>>
    %dma_start3A_502 = tpu.memref_slice %arg2[%mul3A_0, %multiple_of3A_491] : memref<16x1000000xf32, #tpu.memory_space<hbm>> -> memref<8x128xf32, #tpu.memory_space<hbm>>
    tpu.enqueue_dma source(%dma_start3A_502 : memref<8x128xf32, #tpu.memory_space<hbm>>) target(%dma_start3A_501 : memref<8x128xf32, #tpu.memory_space<vmem>>) target_semaphore(%arg12 : memref<!tpu.dma_semaphore, #tpu.memory_space<semaphore_mem>>)
    %slice3A_503 = vector.extract_strided_slice %mul3A_488 {offsets = [1], sizes = [1], strides = [1]} : vector<16xi32> to vector<1xi32>
    %squeeze3A_504 = vector.extract %slice3A_503[0] : i32 from vector<1xi32>
    %multiple_of3A_505 = tpu.assume_multiple %squeeze3A_504, 128 : i32
    %dma_start3A_506 = arith.constant 4 : i32
    %dma_start3A_507 = arith.constant 0 : i32
    %dma_start3A_508 = arith.constant 128 : i32
    %dma_start3A_509 = tpu.memref_slice %arg6[%dma_start3A_506, %dma_start3A_507, %dma_start3A_508] : memref<8x8x1024xf32, #tpu.memory_space<vmem>> -> memref<1x8x128xf32, #tpu.memory_space<vmem>>
    %dma_start3A_510 = tpu.memref_squeeze %dma_start3A_509 : memref<1x8x128xf32, #tpu.memory_space<vmem>> -> memref<8x128xf32, #tpu.memory_space<vmem>>
    %dma_start3A_511 = tpu.memref_slice %arg2[%mul3A_0, %multiple_of3A_505] : memref<16x1000000xf32, #tpu.memory_space<hbm>> -> memref<8x128xf32, #tpu.memory_space<hbm>>
    %dma_start3A_512 = arith.constant 0 : i32
    %dma_start3A_513 = arith.constant 128 : i32
    %dma_start3A_514 = tpu.memref_slice %arg6[%dma_start3A_506, %dma_start3A_512, %dma_start3A_513] : memref<8x8x1024xf32, #tpu.memory_space<vmem>> -> memref<1x8x128xf32, #tpu.memory_space<vmem>>
    %dma_start3A_515 = tpu.memref_squeeze %dma_start3A_514 : memref<1x8x128xf32, #tpu.memory_space<vmem>> -> memref<8x128xf32, #tpu.memory_space<vmem>>
    %dma_start3A_516 = tpu.memref_slice %arg2[%mul3A_0, %multiple_of3A_505] : memref<16x1000000xf32, #tpu.memory_space<hbm>> -> memref<8x128xf32, #tpu.memory_space<hbm>>
    tpu.enqueue_dma source(%dma_start3A_516 : memref<8x128xf32, #tpu.memory_space<hbm>>) target(%dma_start3A_515 : memref<8x128xf32, #tpu.memory_space<vmem>>) target_semaphore(%arg12 : memref<!tpu.dma_semaphore, #tpu.memory_space<semaphore_mem>>)
    %slice3A_517 = vector.extract_strided_slice %mul3A_488 {offsets = [2], sizes = [1], strides = [1]} : vector<16xi32> to vector<1xi32>
    %squeeze3A_518 = vector.extract %slice3A_517[0] : i32 from vector<1xi32>
    %multiple_of3A_519 = tpu.assume_multiple %squeeze3A_518, 128 : i32
    %dma_start3A_520 = arith.constant 4 : i32
    %dma_start3A_521 = arith.constant 0 : i32
    %dma_start3A_522 = arith.constant 256 : i32
    %dma_start3A_523 = tpu.memref_slice %arg6[%dma_start3A_520, %dma_start3A_521, %dma_start3A_522] : memref<8x8x1024xf32, #tpu.memory_space<vmem>> -> memref<1x8x128xf32, #tpu.memory_space<vmem>>
    %dma_start3A_524 = tpu.memref_squeeze %dma_start3A_523 : memref<1x8x128xf32, #tpu.memory_space<vmem>> -> memref<8x128xf32, #tpu.memory_space<vmem>>
    %dma_start3A_525 = tpu.memref_slice %arg2[%mul3A_0, %multiple_of3A_519] : memref<16x1000000xf32, #tpu.memory_space<hbm>> -> memref<8x128xf32, #tpu.memory_space<hbm>>
    %dma_start3A_526 = arith.constant 0 : i32
    %dma_start3A_527 = arith.constant 256 : i32
    %dma_start3A_528 = tpu.memref_slice %arg6[%dma_start3A_520, %dma_start3A_526, %dma_start3A_527] : memref<8x8x1024xf32, #tpu.memory_space<vmem>> -> memref<1x8x128xf32, #tpu.memory_space<vmem>>
    %dma_start3A_529 = tpu.memref_squeeze %dma_start3A_528 : memref<1x8x128xf32, #tpu.memory_space<vmem>> -> memref<8x128xf32, #tpu.memory_space<vmem>>
    %dma_start3A_530 = tpu.memref_slice %arg2[%mul3A_0, %multiple_of3A_519] : memref<16x1000000xf32, #tpu.memory_space<hbm>> -> memref<8x128xf32, #tpu.memory_space<hbm>>
    tpu.enqueue_dma source(%dma_start3A_530 : memref<8x128xf32, #tpu.memory_space<hbm>>) target(%dma_start3A_529 : memref<8x128xf32, #tpu.memory_space<vmem>>) target_semaphore(%arg12 : memref<!tpu.dma_semaphore, #tpu.memory_space<semaphore_mem>>)
    %slice3A_531 = vector.extract_strided_slice %mul3A_488 {offsets = [3], sizes = [1], strides = [1]} : vector<16xi32> to vector<1xi32>
    %squeeze3A_532 = vector.extract %slice3A_531[0] : i32 from vector<1xi32>
    %multiple_of3A_533 = tpu.assume_multiple %squeeze3A_532, 128 : i32
    %dma_start3A_534 = arith.constant 4 : i32
    %dma_start3A_535 = arith.constant 0 : i32
    %dma_start3A_536 = arith.constant 384 : i32
    %dma_start3A_537 = tpu.memref_slice %arg6[%dma_start3A_534, %dma_start3A_535, %dma_start3A_536] : memref<8x8x1024xf32, #tpu.memory_space<vmem>> -> memref<1x8x128xf32, #tpu.memory_space<vmem>>
    %dma_start3A_538 = tpu.memref_squeeze %dma_start3A_537 : memref<1x8x128xf32, #tpu.memory_space<vmem>> -> memref<8x128xf32, #tpu.memory_space<vmem>>
    %dma_start3A_539 = tpu.memref_slice %arg2[%mul3A_0, %multiple_of3A_533] : memref<16x1000000xf32, #tpu.memory_space<hbm>> -> memref<8x128xf32, #tpu.memory_space<hbm>>
    %dma_start3A_540 = arith.constant 0 : i32
    %dma_start3A_541 = arith.constant 384 : i32
    %dma_start3A_542 = tpu.memref_slice %arg6[%dma_start3A_534, %dma_start3A_540, %dma_start3A_541] : memref<8x8x1024xf32, #tpu.memory_space<vmem>> -> memref<1x8x128xf32, #tpu.memory_space<vmem>>
    %dma_start3A_543 = tpu.memref_squeeze %dma_start3A_542 : memref<1x8x128xf32, #tpu.memory_space<vmem>> -> memref<8x128xf32, #tpu.memory_space<vmem>>
    %dma_start3A_544 = tpu.memref_slice %arg2[%mul3A_0, %multiple_of3A_533] : memref<16x1000000xf32, #tpu.memory_space<hbm>> -> memref<8x128xf32, #tpu.memory_space<hbm>>
    tpu.enqueue_dma source(%dma_start3A_544 : memref<8x128xf32, #tpu.memory_space<hbm>>) target(%dma_start3A_543 : memref<8x128xf32, #tpu.memory_space<vmem>>) target_semaphore(%arg12 : memref<!tpu.dma_semaphore, #tpu.memory_space<semaphore_mem>>)
    %slice3A_545 = vector.extract_strided_slice %mul3A_488 {offsets = [4], sizes = [1], strides = [1]} : vector<16xi32> to vector<1xi32>
    %squeeze3A_546 = vector.extract %slice3A_545[0] : i32 from vector<1xi32>
    %multiple_of3A_547 = tpu.assume_multiple %squeeze3A_546, 128 : i32
    %dma_start3A_548 = arith.constant 4 : i32
    %dma_start3A_549 = arith.constant 0 : i32
    %dma_start3A_550 = arith.constant 512 : i32
    %dma_start3A_551 = tpu.memref_slice %arg6[%dma_start3A_548, %dma_start3A_549, %dma_start3A_550] : memref<8x8x1024xf32, #tpu.memory_space<vmem>> -> memref<1x8x128xf32, #tpu.memory_space<vmem>>
    %dma_start3A_552 = tpu.memref_squeeze %dma_start3A_551 : memref<1x8x128xf32, #tpu.memory_space<vmem>> -> memref<8x128xf32, #tpu.memory_space<vmem>>
    %dma_start3A_553 = tpu.memref_slice %arg2[%mul3A_0, %multiple_of3A_547] : memref<16x1000000xf32, #tpu.memory_space<hbm>> -> memref<8x128xf32, #tpu.memory_space<hbm>>
    %dma_start3A_554 = arith.constant 0 : i32
    %dma_start3A_555 = arith.constant 512 : i32
    %dma_start3A_556 = tpu.memref_slice %arg6[%dma_start3A_548, %dma_start3A_554, %dma_start3A_555] : memref<8x8x1024xf32, #tpu.memory_space<vmem>> -> memref<1x8x128xf32, #tpu.memory_space<vmem>>
    %dma_start3A_557 = tpu.memref_squeeze %dma_start3A_556 : memref<1x8x128xf32, #tpu.memory_space<vmem>> -> memref<8x128xf32, #tpu.memory_space<vmem>>
    %dma_start3A_558 = tpu.memref_slice %arg2[%mul3A_0, %multiple_of3A_547] : memref<16x1000000xf32, #tpu.memory_space<hbm>> -> memref<8x128xf32, #tpu.memory_space<hbm>>
    tpu.enqueue_dma source(%dma_start3A_558 : memref<8x128xf32, #tpu.memory_space<hbm>>) target(%dma_start3A_557 : memref<8x128xf32, #tpu.memory_space<vmem>>) target_semaphore(%arg12 : memref<!tpu.dma_semaphore, #tpu.memory_space<semaphore_mem>>)
    %slice3A_559 = vector.extract_strided_slice %mul3A_488 {offsets = [5], sizes = [1], strides = [1]} : vector<16xi32> to vector<1xi32>
    %squeeze3A_560 = vector.extract %slice3A_559[0] : i32 from vector<1xi32>
    %multiple_of3A_561 = tpu.assume_multiple %squeeze3A_560, 128 : i32
    %dma_start3A_562 = arith.constant 4 : i32
    %dma_start3A_563 = arith.constant 0 : i32
    %dma_start3A_564 = arith.constant 640 : i32
    %dma_start3A_565 = tpu.memref_slice %arg6[%dma_start3A_562, %dma_start3A_563, %dma_start3A_564] : memref<8x8x1024xf32, #tpu.memory_space<vmem>> -> memref<1x8x128xf32, #tpu.memory_space<vmem>>
    %dma_start3A_566 = tpu.memref_squeeze %dma_start3A_565 : memref<1x8x128xf32, #tpu.memory_space<vmem>> -> memref<8x128xf32, #tpu.memory_space<vmem>>
    %dma_start3A_567 = tpu.memref_slice %arg2[%mul3A_0, %multiple_of3A_561] : memref<16x1000000xf32, #tpu.memory_space<hbm>> -> memref<8x128xf32, #tpu.memory_space<hbm>>
    %dma_start3A_568 = arith.constant 0 : i32
    %dma_start3A_569 = arith.constant 640 : i32
    %dma_start3A_570 = tpu.memref_slice %arg6[%dma_start3A_562, %dma_start3A_568, %dma_start3A_569] : memref<8x8x1024xf32, #tpu.memory_space<vmem>> -> memref<1x8x128xf32, #tpu.memory_space<vmem>>
    %dma_start3A_571 = tpu.memref_squeeze %dma_start3A_570 : memref<1x8x128xf32, #tpu.memory_space<vmem>> -> memref<8x128xf32, #tpu.memory_space<vmem>>
    %dma_start3A_572 = tpu.memref_slice %arg2[%mul3A_0, %multiple_of3A_561] : memref<16x1000000xf32, #tpu.memory_space<hbm>> -> memref<8x128xf32, #tpu.memory_space<hbm>>
    tpu.enqueue_dma source(%dma_start3A_572 : memref<8x128xf32, #tpu.memory_space<hbm>>) target(%dma_start3A_571 : memref<8x128xf32, #tpu.memory_space<vmem>>) target_semaphore(%arg12 : memref<!tpu.dma_semaphore, #tpu.memory_space<semaphore_mem>>)
    %slice3A_573 = vector.extract_strided_slice %mul3A_488 {offsets = [6], sizes = [1], strides = [1]} : vector<16xi32> to vector<1xi32>
    %squeeze3A_574 = vector.extract %slice3A_573[0] : i32 from vector<1xi32>
    %multiple_of3A_575 = tpu.assume_multiple %squeeze3A_574, 128 : i32
    %dma_start3A_576 = arith.constant 4 : i32
    %dma_start3A_577 = arith.constant 0 : i32
    %dma_start3A_578 = arith.constant 768 : i32
    %dma_start3A_579 = tpu.memref_slice %arg6[%dma_start3A_576, %dma_start3A_577, %dma_start3A_578] : memref<8x8x1024xf32, #tpu.memory_space<vmem>> -> memref<1x8x128xf32, #tpu.memory_space<vmem>>
    %dma_start3A_580 = tpu.memref_squeeze %dma_start3A_579 : memref<1x8x128xf32, #tpu.memory_space<vmem>> -> memref<8x128xf32, #tpu.memory_space<vmem>>
    %dma_start3A_581 = tpu.memref_slice %arg2[%mul3A_0, %multiple_of3A_575] : memref<16x1000000xf32, #tpu.memory_space<hbm>> -> memref<8x128xf32, #tpu.memory_space<hbm>>
    %dma_start3A_582 = arith.constant 0 : i32
    %dma_start3A_583 = arith.constant 768 : i32
    %dma_start3A_584 = tpu.memref_slice %arg6[%dma_start3A_576, %dma_start3A_582, %dma_start3A_583] : memref<8x8x1024xf32, #tpu.memory_space<vmem>> -> memref<1x8x128xf32, #tpu.memory_space<vmem>>
    %dma_start3A_585 = tpu.memref_squeeze %dma_start3A_584 : memref<1x8x128xf32, #tpu.memory_space<vmem>> -> memref<8x128xf32, #tpu.memory_space<vmem>>
    %dma_start3A_586 = tpu.memref_slice %arg2[%mul3A_0, %multiple_of3A_575] : memref<16x1000000xf32, #tpu.memory_space<hbm>> -> memref<8x128xf32, #tpu.memory_space<hbm>>
    tpu.enqueue_dma source(%dma_start3A_586 : memref<8x128xf32, #tpu.memory_space<hbm>>) target(%dma_start3A_585 : memref<8x128xf32, #tpu.memory_space<vmem>>) target_semaphore(%arg12 : memref<!tpu.dma_semaphore, #tpu.memory_space<semaphore_mem>>)
    %slice3A_587 = vector.extract_strided_slice %mul3A_488 {offsets = [7], sizes = [1], strides = [1]} : vector<16xi32> to vector<1xi32>
    %squeeze3A_588 = vector.extract %slice3A_587[0] : i32 from vector<1xi32>
    %multiple_of3A_589 = tpu.assume_multiple %squeeze3A_588, 128 : i32
    %dma_start3A_590 = arith.constant 4 : i32
    %dma_start3A_591 = arith.constant 0 : i32
    %dma_start3A_592 = arith.constant 896 : i32
    %dma_start3A_593 = tpu.memref_slice %arg6[%dma_start3A_590, %dma_start3A_591, %dma_start3A_592] : memref<8x8x1024xf32, #tpu.memory_space<vmem>> -> memref<1x8x128xf32, #tpu.memory_space<vmem>>
    %dma_start3A_594 = tpu.memref_squeeze %dma_start3A_593 : memref<1x8x128xf32, #tpu.memory_space<vmem>> -> memref<8x128xf32, #tpu.memory_space<vmem>>
    %dma_start3A_595 = tpu.memref_slice %arg2[%mul3A_0, %multiple_of3A_589] : memref<16x1000000xf32, #tpu.memory_space<hbm>> -> memref<8x128xf32, #tpu.memory_space<hbm>>
    %dma_start3A_596 = arith.constant 0 : i32
    %dma_start3A_597 = arith.constant 896 : i32
    %dma_start3A_598 = tpu.memref_slice %arg6[%dma_start3A_590, %dma_start3A_596, %dma_start3A_597] : memref<8x8x1024xf32, #tpu.memory_space<vmem>> -> memref<1x8x128xf32, #tpu.memory_space<vmem>>
    %dma_start3A_599 = tpu.memref_squeeze %dma_start3A_598 : memref<1x8x128xf32, #tpu.memory_space<vmem>> -> memref<8x128xf32, #tpu.memory_space<vmem>>
    %dma_start3A_600 = tpu.memref_slice %arg2[%mul3A_0, %multiple_of3A_589] : memref<16x1000000xf32, #tpu.memory_space<hbm>> -> memref<8x128xf32, #tpu.memory_space<hbm>>
    tpu.enqueue_dma source(%dma_start3A_600 : memref<8x128xf32, #tpu.memory_space<hbm>>) target(%dma_start3A_599 : memref<8x128xf32, #tpu.memory_space<vmem>>) target_semaphore(%arg12 : memref<!tpu.dma_semaphore, #tpu.memory_space<semaphore_mem>>)
    %get3A_601 = arith.constant 40 : index
    %get3A_602 = tpu.vector_load %arg5[%get3A_601] {strides = array<i32>} : memref<1040xi32, #tpu.memory_space<vmem>>, vector<16xi32>,
    %shift_right_arithmetic3A_603 = arith.constant 7 : i32
    %shift_right_arithmetic3A_604 = vector.broadcast %shift_right_arithmetic3A_603 : i32 to vector<16xi32>
    %shift_right_arithmetic3A_605 = arith.shrsi %get3A_602, %shift_right_arithmetic3A_604 : vector<16xi32>
    %mul3A_606 = arith.constant 128 : i32
    %mul3A_607 = vector.broadcast %mul3A_606 : i32 to vector<16xi32>
    %mul3A_608 = arith.muli %shift_right_arithmetic3A_605, %mul3A_607 : vector<16xi32>
    %slice3A_609 = vector.extract_strided_slice %mul3A_608 {offsets = [0], sizes = [1], strides = [1]} : vector<16xi32> to vector<1xi32>
    %squeeze3A_610 = vector.extract %slice3A_609[0] : i32 from vector<1xi32>
    %multiple_of3A_611 = tpu.assume_multiple %squeeze3A_610, 128 : i32
    %dma_start3A_612 = arith.constant 5 : i32
    %dma_start3A_613 = arith.constant 0 : i32
    %dma_start3A_614 = arith.constant 0 : i32
    %dma_start3A_615 = tpu.memref_slice %arg6[%dma_start3A_612, %dma_start3A_613, %dma_start3A_614] : memref<8x8x1024xf32, #tpu.memory_space<vmem>> -> memref<1x8x128xf32, #tpu.memory_space<vmem>>
    %dma_start3A_616 = tpu.memref_squeeze %dma_start3A_615 : memref<1x8x128xf32, #tpu.memory_space<vmem>> -> memref<8x128xf32, #tpu.memory_space<vmem>>
    %dma_start3A_617 = tpu.memref_slice %arg2[%mul3A_0, %multiple_of3A_611] : memref<16x1000000xf32, #tpu.memory_space<hbm>> -> memref<8x128xf32, #tpu.memory_space<hbm>>
    %dma_start3A_618 = arith.constant 0 : i32
    %dma_start3A_619 = arith.constant 0 : i32
    %dma_start3A_620 = tpu.memref_slice %arg6[%dma_start3A_612, %dma_start3A_618, %dma_start3A_619] : memref<8x8x1024xf32, #tpu.memory_space<vmem>> -> memref<1x8x128xf32, #tpu.memory_space<vmem>>
    %dma_start3A_621 = tpu.memref_squeeze %dma_start3A_620 : memref<1x8x128xf32, #tpu.memory_space<vmem>> -> memref<8x128xf32, #tpu.memory_space<vmem>>
    %dma_start3A_622 = tpu.memref_slice %arg2[%mul3A_0, %multiple_of3A_611] : memref<16x1000000xf32, #tpu.memory_space<hbm>> -> memref<8x128xf32, #tpu.memory_space<hbm>>
    tpu.enqueue_dma source(%dma_start3A_622 : memref<8x128xf32, #tpu.memory_space<hbm>>) target(%dma_start3A_621 : memref<8x128xf32, #tpu.memory_space<vmem>>) target_semaphore(%arg13 : memref<!tpu.dma_semaphore, #tpu.memory_space<semaphore_mem>>)
    %slice3A_623 = vector.extract_strided_slice %mul3A_608 {offsets = [1], sizes = [1], strides = [1]} : vector<16xi32> to vector<1xi32>
    %squeeze3A_624 = vector.extract %slice3A_623[0] : i32 from vector<1xi32>
    %multiple_of3A_625 = tpu.assume_multiple %squeeze3A_624, 128 : i32
    %dma_start3A_626 = arith.constant 5 : i32
    %dma_start3A_627 = arith.constant 0 : i32
    %dma_start3A_628 = arith.constant 128 : i32
    %dma_start3A_629 = tpu.memref_slice %arg6[%dma_start3A_626, %dma_start3A_627, %dma_start3A_628] : memref<8x8x1024xf32, #tpu.memory_space<vmem>> -> memref<1x8x128xf32, #tpu.memory_space<vmem>>
    %dma_start3A_630 = tpu.memref_squeeze %dma_start3A_629 : memref<1x8x128xf32, #tpu.memory_space<vmem>> -> memref<8x128xf32, #tpu.memory_space<vmem>>
    %dma_start3A_631 = tpu.memref_slice %arg2[%mul3A_0, %multiple_of3A_625] : memref<16x1000000xf32, #tpu.memory_space<hbm>> -> memref<8x128xf32, #tpu.memory_space<hbm>>
    %dma_start3A_632 = arith.constant 0 : i32
    %dma_start3A_633 = arith.constant 128 : i32
    %dma_start3A_634 = tpu.memref_slice %arg6[%dma_start3A_626, %dma_start3A_632, %dma_start3A_633] : memref<8x8x1024xf32, #tpu.memory_space<vmem>> -> memref<1x8x128xf32, #tpu.memory_space<vmem>>
    %dma_start3A_635 = tpu.memref_squeeze %dma_start3A_634 : memref<1x8x128xf32, #tpu.memory_space<vmem>> -> memref<8x128xf32, #tpu.memory_space<vmem>>
    %dma_start3A_636 = tpu.memref_slice %arg2[%mul3A_0, %multiple_of3A_625] : memref<16x1000000xf32, #tpu.memory_space<hbm>> -> memref<8x128xf32, #tpu.memory_space<hbm>>
    tpu.enqueue_dma source(%dma_start3A_636 : memref<8x128xf32, #tpu.memory_space<hbm>>) target(%dma_start3A_635 : memref<8x128xf32, #tpu.memory_space<vmem>>) target_semaphore(%arg13 : memref<!tpu.dma_semaphore, #tpu.memory_space<semaphore_mem>>)
    %slice3A_637 = vector.extract_strided_slice %mul3A_608 {offsets = [2], sizes = [1], strides = [1]} : vector<16xi32> to vector<1xi32>
    %squeeze3A_638 = vector.extract %slice3A_637[0] : i32 from vector<1xi32>
    %multiple_of3A_639 = tpu.assume_multiple %squeeze3A_638, 128 : i32
    %dma_start3A_640 = arith.constant 5 : i32
    %dma_start3A_641 = arith.constant 0 : i32
    %dma_start3A_642 = arith.constant 256 : i32
    %dma_start3A_643 = tpu.memref_slice %arg6[%dma_start3A_640, %dma_start3A_641, %dma_start3A_642] : memref<8x8x1024xf32, #tpu.memory_space<vmem>> -> memref<1x8x128xf32, #tpu.memory_space<vmem>>
    %dma_start3A_644 = tpu.memref_squeeze %dma_start3A_643 : memref<1x8x128xf32, #tpu.memory_space<vmem>> -> memref<8x128xf32, #tpu.memory_space<vmem>>
    %dma_start3A_645 = tpu.memref_slice %arg2[%mul3A_0, %multiple_of3A_639] : memref<16x1000000xf32, #tpu.memory_space<hbm>> -> memref<8x128xf32, #tpu.memory_space<hbm>>
    %dma_start3A_646 = arith.constant 0 : i32
    %dma_start3A_647 = arith.constant 256 : i32
    %dma_start3A_648 = tpu.memref_slice %arg6[%dma_start3A_640, %dma_start3A_646, %dma_start3A_647] : memref<8x8x1024xf32, #tpu.memory_space<vmem>> -> memref<1x8x128xf32, #tpu.memory_space<vmem>>
    %dma_start3A_649 = tpu.memref_squeeze %dma_start3A_648 : memref<1x8x128xf32, #tpu.memory_space<vmem>> -> memref<8x128xf32, #tpu.memory_space<vmem>>
    %dma_start3A_650 = tpu.memref_slice %arg2[%mul3A_0, %multiple_of3A_639] : memref<16x1000000xf32, #tpu.memory_space<hbm>> -> memref<8x128xf32, #tpu.memory_space<hbm>>
    tpu.enqueue_dma source(%dma_start3A_650 : memref<8x128xf32, #tpu.memory_space<hbm>>) target(%dma_start3A_649 : memref<8x128xf32, #tpu.memory_space<vmem>>) target_semaphore(%arg13 : memref<!tpu.dma_semaphore, #tpu.memory_space<semaphore_mem>>)
    %slice3A_651 = vector.extract_strided_slice %mul3A_608 {offsets = [3], sizes = [1], strides = [1]} : vector<16xi32> to vector<1xi32>
    %squeeze3A_652 = vector.extract %slice3A_651[0] : i32 from vector<1xi32>
    %multiple_of3A_653 = tpu.assume_multiple %squeeze3A_652, 128 : i32
    %dma_start3A_654 = arith.constant 5 : i32
    %dma_start3A_655 = arith.constant 0 : i32
    %dma_start3A_656 = arith.constant 384 : i32
    %dma_start3A_657 = tpu.memref_slice %arg6[%dma_start3A_654, %dma_start3A_655, %dma_start3A_656] : memref<8x8x1024xf32, #tpu.memory_space<vmem>> -> memref<1x8x128xf32, #tpu.memory_space<vmem>>
    %dma_start3A_658 = tpu.memref_squeeze %dma_start3A_657 : memref<1x8x128xf32, #tpu.memory_space<vmem>> -> memref<8x128xf32, #tpu.memory_space<vmem>>
    %dma_start3A_659 = tpu.memref_slice %arg2[%mul3A_0, %multiple_of3A_653] : memref<16x1000000xf32, #tpu.memory_space<hbm>> -> memref<8x128xf32, #tpu.memory_space<hbm>>
    %dma_start3A_660 = arith.constant 0 : i32
    %dma_start3A_661 = arith.constant 384 : i32
    %dma_start3A_662 = tpu.memref_slice %arg6[%dma_start3A_654, %dma_start3A_660, %dma_start3A_661] : memref<8x8x1024xf32, #tpu.memory_space<vmem>> -> memref<1x8x128xf32, #tpu.memory_space<vmem>>
    %dma_start3A_663 = tpu.memref_squeeze %dma_start3A_662 : memref<1x8x128xf32, #tpu.memory_space<vmem>> -> memref<8x128xf32, #tpu.memory_space<vmem>>
    %dma_start3A_664 = tpu.memref_slice %arg2[%mul3A_0, %multiple_of3A_653] : memref<16x1000000xf32, #tpu.memory_space<hbm>> -> memref<8x128xf32, #tpu.memory_space<hbm>>
    tpu.enqueue_dma source(%dma_start3A_664 : memref<8x128xf32, #tpu.memory_space<hbm>>) target(%dma_start3A_663 : memref<8x128xf32, #tpu.memory_space<vmem>>) target_semaphore(%arg13 : memref<!tpu.dma_semaphore, #tpu.memory_space<semaphore_mem>>)
    %slice3A_665 = vector.extract_strided_slice %mul3A_608 {offsets = [4], sizes = [1], strides = [1]} : vector<16xi32> to vector<1xi32>
    %squeeze3A_666 = vector.extract %slice3A_665[0] : i32 from vector<1xi32>
    %multiple_of3A_667 = tpu.assume_multiple %squeeze3A_666, 128 : i32
    %dma_start3A_668 = arith.constant 5 : i32
    %dma_start3A_669 = arith.constant 0 : i32
    %dma_start3A_670 = arith.constant 512 : i32
    %dma_start3A_671 = tpu.memref_slice %arg6[%dma_start3A_668, %dma_start3A_669, %dma_start3A_670] : memref<8x8x1024xf32, #tpu.memory_space<vmem>> -> memref<1x8x128xf32, #tpu.memory_space<vmem>>
    %dma_start3A_672 = tpu.memref_squeeze %dma_start3A_671 : memref<1x8x128xf32, #tpu.memory_space<vmem>> -> memref<8x128xf32, #tpu.memory_space<vmem>>
    %dma_start3A_673 = tpu.memref_slice %arg2[%mul3A_0, %multiple_of3A_667] : memref<16x1000000xf32, #tpu.memory_space<hbm>> -> memref<8x128xf32, #tpu.memory_space<hbm>>
    %dma_start3A_674 = arith.constant 0 : i32
    %dma_start3A_675 = arith.constant 512 : i32
    %dma_start3A_676 = tpu.memref_slice %arg6[%dma_start3A_668, %dma_start3A_674, %dma_start3A_675] : memref<8x8x1024xf32, #tpu.memory_space<vmem>> -> memref<1x8x128xf32, #tpu.memory_space<vmem>>
    %dma_start3A_677 = tpu.memref_squeeze %dma_start3A_676 : memref<1x8x128xf32, #tpu.memory_space<vmem>> -> memref<8x128xf32, #tpu.memory_space<vmem>>
    %dma_start3A_678 = tpu.memref_slice %arg2[%mul3A_0, %multiple_of3A_667] : memref<16x1000000xf32, #tpu.memory_space<hbm>> -> memref<8x128xf32, #tpu.memory_space<hbm>>
    tpu.enqueue_dma source(%dma_start3A_678 : memref<8x128xf32, #tpu.memory_space<hbm>>) target(%dma_start3A_677 : memref<8x128xf32, #tpu.memory_space<vmem>>) target_semaphore(%arg13 : memref<!tpu.dma_semaphore, #tpu.memory_space<semaphore_mem>>)
    %slice3A_679 = vector.extract_strided_slice %mul3A_608 {offsets = [5], sizes = [1], strides = [1]} : vector<16xi32> to vector<1xi32>
    %squeeze3A_680 = vector.extract %slice3A_679[0] : i32 from vector<1xi32>
    %multiple_of3A_681 = tpu.assume_multiple %squeeze3A_680, 128 : i32
    %dma_start3A_682 = arith.constant 5 : i32
    %dma_start3A_683 = arith.constant 0 : i32
    %dma_start3A_684 = arith.constant 640 : i32
    %dma_start3A_685 = tpu.memref_slice %arg6[%dma_start3A_682, %dma_start3A_683, %dma_start3A_684] : memref<8x8x1024xf32, #tpu.memory_space<vmem>> -> memref<1x8x128xf32, #tpu.memory_space<vmem>>
    %dma_start3A_686 = tpu.memref_squeeze %dma_start3A_685 : memref<1x8x128xf32, #tpu.memory_space<vmem>> -> memref<8x128xf32, #tpu.memory_space<vmem>>
    %dma_start3A_687 = tpu.memref_slice %arg2[%mul3A_0, %multiple_of3A_681] : memref<16x1000000xf32, #tpu.memory_space<hbm>> -> memref<8x128xf32, #tpu.memory_space<hbm>>
    %dma_start3A_688 = arith.constant 0 : i32
    %dma_start3A_689 = arith.constant 640 : i32
    %dma_start3A_690 = tpu.memref_slice %arg6[%dma_start3A_682, %dma_start3A_688, %dma_start3A_689] : memref<8x8x1024xf32, #tpu.memory_space<vmem>> -> memref<1x8x128xf32, #tpu.memory_space<vmem>>
    %dma_start3A_691 = tpu.memref_squeeze %dma_start3A_690 : memref<1x8x128xf32, #tpu.memory_space<vmem>> -> memref<8x128xf32, #tpu.memory_space<vmem>>
    %dma_start3A_692 = tpu.memref_slice %arg2[%mul3A_0, %multiple_of3A_681] : memref<16x1000000xf32, #tpu.memory_space<hbm>> -> memref<8x128xf32, #tpu.memory_space<hbm>>
    tpu.enqueue_dma source(%dma_start3A_692 : memref<8x128xf32, #tpu.memory_space<hbm>>) target(%dma_start3A_691 : memref<8x128xf32, #tpu.memory_space<vmem>>) target_semaphore(%arg13 : memref<!tpu.dma_semaphore, #tpu.memory_space<semaphore_mem>>)
    %slice3A_693 = vector.extract_strided_slice %mul3A_608 {offsets = [6], sizes = [1], strides = [1]} : vector<16xi32> to vector<1xi32>
    %squeeze3A_694 = vector.extract %slice3A_693[0] : i32 from vector<1xi32>
    %multiple_of3A_695 = tpu.assume_multiple %squeeze3A_694, 128 : i32
    %dma_start3A_696 = arith.constant 5 : i32
    %dma_start3A_697 = arith.constant 0 : i32
    %dma_start3A_698 = arith.constant 768 : i32
    %dma_start3A_699 = tpu.memref_slice %arg6[%dma_start3A_696, %dma_start3A_697, %dma_start3A_698] : memref<8x8x1024xf32, #tpu.memory_space<vmem>> -> memref<1x8x128xf32, #tpu.memory_space<vmem>>
    %dma_start3A_700 = tpu.memref_squeeze %dma_start3A_699 : memref<1x8x128xf32, #tpu.memory_space<vmem>> -> memref<8x128xf32, #tpu.memory_space<vmem>>
    %dma_start3A_701 = tpu.memref_slice %arg2[%mul3A_0, %multiple_of3A_695] : memref<16x1000000xf32, #tpu.memory_space<hbm>> -> memref<8x128xf32, #tpu.memory_space<hbm>>
    %dma_start3A_702 = arith.constant 0 : i32
    %dma_start3A_703 = arith.constant 768 : i32
    %dma_start3A_704 = tpu.memref_slice %arg6[%dma_start3A_696, %dma_start3A_702, %dma_start3A_703] : memref<8x8x1024xf32, #tpu.memory_space<vmem>> -> memref<1x8x128xf32, #tpu.memory_space<vmem>>
    %dma_start3A_705 = tpu.memref_squeeze %dma_start3A_704 : memref<1x8x128xf32, #tpu.memory_space<vmem>> -> memref<8x128xf32, #tpu.memory_space<vmem>>
    %dma_start3A_706 = tpu.memref_slice %arg2[%mul3A_0, %multiple_of3A_695] : memref<16x1000000xf32, #tpu.memory_space<hbm>> -> memref<8x128xf32, #tpu.memory_space<hbm>>
    tpu.enqueue_dma source(%dma_start3A_706 : memref<8x128xf32, #tpu.memory_space<hbm>>) target(%dma_start3A_705 : memref<8x128xf32, #tpu.memory_space<vmem>>) target_semaphore(%arg13 : memref<!tpu.dma_semaphore, #tpu.memory_space<semaphore_mem>>)
    %slice3A_707 = vector.extract_strided_slice %mul3A_608 {offsets = [7], sizes = [1], strides = [1]} : vector<16xi32> to vector<1xi32>
    %squeeze3A_708 = vector.extract %slice3A_707[0] : i32 from vector<1xi32>
    %multiple_of3A_709 = tpu.assume_multiple %squeeze3A_708, 128 : i32
    %dma_start3A_710 = arith.constant 5 : i32
    %dma_start3A_711 = arith.constant 0 : i32
    %dma_start3A_712 = arith.constant 896 : i32
    %dma_start3A_713 = tpu.memref_slice %arg6[%dma_start3A_710, %dma_start3A_711, %dma_start3A_712] : memref<8x8x1024xf32, #tpu.memory_space<vmem>> -> memref<1x8x128xf32, #tpu.memory_space<vmem>>
    %dma_start3A_714 = tpu.memref_squeeze %dma_start3A_713 : memref<1x8x128xf32, #tpu.memory_space<vmem>> -> memref<8x128xf32, #tpu.memory_space<vmem>>
    %dma_start3A_715 = tpu.memref_slice %arg2[%mul3A_0, %multiple_of3A_709] : memref<16x1000000xf32, #tpu.memory_space<hbm>> -> memref<8x128xf32, #tpu.memory_space<hbm>>
    %dma_start3A_716 = arith.constant 0 : i32
    %dma_start3A_717 = arith.constant 896 : i32
    %dma_start3A_718 = tpu.memref_slice %arg6[%dma_start3A_710, %dma_start3A_716, %dma_start3A_717] : memref<8x8x1024xf32, #tpu.memory_space<vmem>> -> memref<1x8x128xf32, #tpu.memory_space<vmem>>
    %dma_start3A_719 = tpu.memref_squeeze %dma_start3A_718 : memref<1x8x128xf32, #tpu.memory_space<vmem>> -> memref<8x128xf32, #tpu.memory_space<vmem>>
    %dma_start3A_720 = tpu.memref_slice %arg2[%mul3A_0, %multiple_of3A_709] : memref<16x1000000xf32, #tpu.memory_space<hbm>> -> memref<8x128xf32, #tpu.memory_space<hbm>>
    tpu.enqueue_dma source(%dma_start3A_720 : memref<8x128xf32, #tpu.memory_space<hbm>>) target(%dma_start3A_719 : memref<8x128xf32, #tpu.memory_space<vmem>>) target_semaphore(%arg13 : memref<!tpu.dma_semaphore, #tpu.memory_space<semaphore_mem>>)
    %get3A_721 = arith.constant 48 : index
    %get3A_722 = tpu.vector_load %arg5[%get3A_721] {strides = array<i32>} : memref<1040xi32, #tpu.memory_space<vmem>>, vector<16xi32>,
    %shift_right_arithmetic3A_723 = arith.constant 7 : i32
    %shift_right_arithmetic3A_724 = vector.broadcast %shift_right_arithmetic3A_723 : i32 to vector<16xi32>
    %shift_right_arithmetic3A_725 = arith.shrsi %get3A_722, %shift_right_arithmetic3A_724 : vector<16xi32>
    %mul3A_726 = arith.constant 128 : i32
    %mul3A_727 = vector.broadcast %mul3A_726 : i32 to vector<16xi32>
    %mul3A_728 = arith.muli %shift_right_arithmetic3A_725, %mul3A_727 : vector<16xi32>
    %slice3A_729 = vector.extract_strided_slice %mul3A_728 {offsets = [0], sizes = [1], strides = [1]} : vector<16xi32> to vector<1xi32>
    %squeeze3A_730 = vector.extract %slice3A_729[0] : i32 from vector<1xi32>
    %multiple_of3A_731 = tpu.assume_multiple %squeeze3A_730, 128 : i32
    %dma_start3A_732 = arith.constant 6 : i32
    %dma_start3A_733 = arith.constant 0 : i32
    %dma_start3A_734 = arith.constant 0 : i32
    %dma_start3A_735 = tpu.memref_slice %arg6[%dma_start3A_732, %dma_start3A_733, %dma_start3A_734] : memref<8x8x1024xf32, #tpu.memory_space<vmem>> -> memref<1x8x128xf32, #tpu.memory_space<vmem>>
    %dma_start3A_736 = tpu.memref_squeeze %dma_start3A_735 : memref<1x8x128xf32, #tpu.memory_space<vmem>> -> memref<8x128xf32, #tpu.memory_space<vmem>>
    %dma_start3A_737 = tpu.memref_slice %arg2[%mul3A_0, %multiple_of3A_731] : memref<16x1000000xf32, #tpu.memory_space<hbm>> -> memref<8x128xf32, #tpu.memory_space<hbm>>
    %dma_start3A_738 = arith.constant 0 : i32
    %dma_start3A_739 = arith.constant 0 : i32
    %dma_start3A_740 = tpu.memref_slice %arg6[%dma_start3A_732, %dma_start3A_738, %dma_start3A_739] : memref<8x8x1024xf32, #tpu.memory_space<vmem>> -> memref<1x8x128xf32, #tpu.memory_space<vmem>>
    %dma_start3A_741 = tpu.memref_squeeze %dma_start3A_740 : memref<1x8x128xf32, #tpu.memory_space<vmem>> -> memref<8x128xf32, #tpu.memory_space<vmem>>
    %dma_start3A_742 = tpu.memref_slice %arg2[%mul3A_0, %multiple_of3A_731] : memref<16x1000000xf32, #tpu.memory_space<hbm>> -> memref<8x128xf32, #tpu.memory_space<hbm>>
    tpu.enqueue_dma source(%dma_start3A_742 : memref<8x128xf32, #tpu.memory_space<hbm>>) target(%dma_start3A_741 : memref<8x128xf32, #tpu.memory_space<vmem>>) target_semaphore(%arg14 : memref<!tpu.dma_semaphore, #tpu.memory_space<semaphore_mem>>)
    %slice3A_743 = vector.extract_strided_slice %mul3A_728 {offsets = [1], sizes = [1], strides = [1]} : vector<16xi32> to vector<1xi32>
    %squeeze3A_744 = vector.extract %slice3A_743[0] : i32 from vector<1xi32>
    %multiple_of3A_745 = tpu.assume_multiple %squeeze3A_744, 128 : i32
    %dma_start3A_746 = arith.constant 6 : i32
    %dma_start3A_747 = arith.constant 0 : i32
    %dma_start3A_748 = arith.constant 128 : i32
    %dma_start3A_749 = tpu.memref_slice %arg6[%dma_start3A_746, %dma_start3A_747, %dma_start3A_748] : memref<8x8x1024xf32, #tpu.memory_space<vmem>> -> memref<1x8x128xf32, #tpu.memory_space<vmem>>
    %dma_start3A_750 = tpu.memref_squeeze %dma_start3A_749 : memref<1x8x128xf32, #tpu.memory_space<vmem>> -> memref<8x128xf32, #tpu.memory_space<vmem>>
    %dma_start3A_751 = tpu.memref_slice %arg2[%mul3A_0, %multiple_of3A_745] : memref<16x1000000xf32, #tpu.memory_space<hbm>> -> memref<8x128xf32, #tpu.memory_space<hbm>>
    %dma_start3A_752 = arith.constant 0 : i32
    %dma_start3A_753 = arith.constant 128 : i32
    %dma_start3A_754 = tpu.memref_slice %arg6[%dma_start3A_746, %dma_start3A_752, %dma_start3A_753] : memref<8x8x1024xf32, #tpu.memory_space<vmem>> -> memref<1x8x128xf32, #tpu.memory_space<vmem>>
    %dma_start3A_755 = tpu.memref_squeeze %dma_start3A_754 : memref<1x8x128xf32, #tpu.memory_space<vmem>> -> memref<8x128xf32, #tpu.memory_space<vmem>>
    %dma_start3A_756 = tpu.memref_slice %arg2[%mul3A_0, %multiple_of3A_745] : memref<16x1000000xf32, #tpu.memory_space<hbm>> -> memref<8x128xf32, #tpu.memory_space<hbm>>
    tpu.enqueue_dma source(%dma_start3A_756 : memref<8x128xf32, #tpu.memory_space<hbm>>) target(%dma_start3A_755 : memref<8x128xf32, #tpu.memory_space<vmem>>) target_semaphore(%arg14 : memref<!tpu.dma_semaphore, #tpu.memory_space<semaphore_mem>>)
    %slice3A_757 = vector.extract_strided_slice %mul3A_728 {offsets = [2], sizes = [1], strides = [1]} : vector<16xi32> to vector<1xi32>
    %squeeze3A_758 = vector.extract %slice3A_757[0] : i32 from vector<1xi32>
    %multiple_of3A_759 = tpu.assume_multiple %squeeze3A_758, 128 : i32
    %dma_start3A_760 = arith.constant 6 : i32
    %dma_start3A_761 = arith.constant 0 : i32
    %dma_start3A_762 = arith.constant 256 : i32
    %dma_start3A_763 = tpu.memref_slice %arg6[%dma_start3A_760, %dma_start3A_761, %dma_start3A_762] : memref<8x8x1024xf32, #tpu.memory_space<vmem>> -> memref<1x8x128xf32, #tpu.memory_space<vmem>>
    %dma_start3A_764 = tpu.memref_squeeze %dma_start3A_763 : memref<1x8x128xf32, #tpu.memory_space<vmem>> -> memref<8x128xf32, #tpu.memory_space<vmem>>
    %dma_start3A_765 = tpu.memref_slice %arg2[%mul3A_0, %multiple_of3A_759] : memref<16x1000000xf32, #tpu.memory_space<hbm>> -> memref<8x128xf32, #tpu.memory_space<hbm>>
    %dma_start3A_766 = arith.constant 0 : i32
    %dma_start3A_767 = arith.constant 256 : i32
    %dma_start3A_768 = tpu.memref_slice %arg6[%dma_start3A_760, %dma_start3A_766, %dma_start3A_767] : memref<8x8x1024xf32, #tpu.memory_space<vmem>> -> memref<1x8x128xf32, #tpu.memory_space<vmem>>
    %dma_start3A_769 = tpu.memref_squeeze %dma_start3A_768 : memref<1x8x128xf32, #tpu.memory_space<vmem>> -> memref<8x128xf32, #tpu.memory_space<vmem>>
    %dma_start3A_770 = tpu.memref_slice %arg2[%mul3A_0, %multiple_of3A_759] : memref<16x1000000xf32, #tpu.memory_space<hbm>> -> memref<8x128xf32, #tpu.memory_space<hbm>>
    tpu.enqueue_dma source(%dma_start3A_770 : memref<8x128xf32, #tpu.memory_space<hbm>>) target(%dma_start3A_769 : memref<8x128xf32, #tpu.memory_space<vmem>>) target_semaphore(%arg14 : memref<!tpu.dma_semaphore, #tpu.memory_space<semaphore_mem>>)
    %slice3A_771 = vector.extract_strided_slice %mul3A_728 {offsets = [3], sizes = [1], strides = [1]} : vector<16xi32> to vector<1xi32>
    %squeeze3A_772 = vector.extract %slice3A_771[0] : i32 from vector<1xi32>
    %multiple_of3A_773 = tpu.assume_multiple %squeeze3A_772, 128 : i32
    %dma_start3A_774 = arith.constant 6 : i32
    %dma_start3A_775 = arith.constant 0 : i32
    %dma_start3A_776 = arith.constant 384 : i32
    %dma_start3A_777 = tpu.memref_slice %arg6[%dma_start3A_774, %dma_start3A_775, %dma_start3A_776] : memref<8x8x1024xf32, #tpu.memory_space<vmem>> -> memref<1x8x128xf32, #tpu.memory_space<vmem>>
    %dma_start3A_778 = tpu.memref_squeeze %dma_start3A_777 : memref<1x8x128xf32, #tpu.memory_space<vmem>> -> memref<8x128xf32, #tpu.memory_space<vmem>>
    %dma_start3A_779 = tpu.memref_slice %arg2[%mul3A_0, %multiple_of3A_773] : memref<16x1000000xf32, #tpu.memory_space<hbm>> -> memref<8x128xf32, #tpu.memory_space<hbm>>
    %dma_start3A_780 = arith.constant 0 : i32
    %dma_start3A_781 = arith.constant 384 : i32
    %dma_start3A_782 = tpu.memref_slice %arg6[%dma_start3A_774, %dma_start3A_780, %dma_start3A_781] : memref<8x8x1024xf32, #tpu.memory_space<vmem>> -> memref<1x8x128xf32, #tpu.memory_space<vmem>>
    %dma_start3A_783 = tpu.memref_squeeze %dma_start3A_782 : memref<1x8x128xf32, #tpu.memory_space<vmem>> -> memref<8x128xf32, #tpu.memory_space<vmem>>
    %dma_start3A_784 = tpu.memref_slice %arg2[%mul3A_0, %multiple_of3A_773] : memref<16x1000000xf32, #tpu.memory_space<hbm>> -> memref<8x128xf32, #tpu.memory_space<hbm>>
    tpu.enqueue_dma source(%dma_start3A_784 : memref<8x128xf32, #tpu.memory_space<hbm>>) target(%dma_start3A_783 : memref<8x128xf32, #tpu.memory_space<vmem>>) target_semaphore(%arg14 : memref<!tpu.dma_semaphore, #tpu.memory_space<semaphore_mem>>)
    %slice3A_785 = vector.extract_strided_slice %mul3A_728 {offsets = [4], sizes = [1], strides = [1]} : vector<16xi32> to vector<1xi32>
    %squeeze3A_786 = vector.extract %slice3A_785[0] : i32 from vector<1xi32>
    %multiple_of3A_787 = tpu.assume_multiple %squeeze3A_786, 128 : i32
    %dma_start3A_788 = arith.constant 6 : i32
    %dma_start3A_789 = arith.constant 0 : i32
    %dma_start3A_790 = arith.constant 512 : i32
    %dma_start3A_791 = tpu.memref_slice %arg6[%dma_start3A_788, %dma_start3A_789, %dma_start3A_790] : memref<8x8x1024xf32, #tpu.memory_space<vmem>> -> memref<1x8x128xf32, #tpu.memory_space<vmem>>
    %dma_start3A_792 = tpu.memref_squeeze %dma_start3A_791 : memref<1x8x128xf32, #tpu.memory_space<vmem>> -> memref<8x128xf32, #tpu.memory_space<vmem>>
    %dma_start3A_793 = tpu.memref_slice %arg2[%mul3A_0, %multiple_of3A_787] : memref<16x1000000xf32, #tpu.memory_space<hbm>> -> memref<8x128xf32, #tpu.memory_space<hbm>>
    %dma_start3A_794 = arith.constant 0 : i32
    %dma_start3A_795 = arith.constant 512 : i32
    %dma_start3A_796 = tpu.memref_slice %arg6[%dma_start3A_788, %dma_start3A_794, %dma_start3A_795] : memref<8x8x1024xf32, #tpu.memory_space<vmem>> -> memref<1x8x128xf32, #tpu.memory_space<vmem>>
    %dma_start3A_797 = tpu.memref_squeeze %dma_start3A_796 : memref<1x8x128xf32, #tpu.memory_space<vmem>> -> memref<8x128xf32, #tpu.memory_space<vmem>>
    %dma_start3A_798 = tpu.memref_slice %arg2[%mul3A_0, %multiple_of3A_787] : memref<16x1000000xf32, #tpu.memory_space<hbm>> -> memref<8x128xf32, #tpu.memory_space<hbm>>
    tpu.enqueue_dma source(%dma_start3A_798 : memref<8x128xf32, #tpu.memory_space<hbm>>) target(%dma_start3A_797 : memref<8x128xf32, #tpu.memory_space<vmem>>) target_semaphore(%arg14 : memref<!tpu.dma_semaphore, #tpu.memory_space<semaphore_mem>>)
    %slice3A_799 = vector.extract_strided_slice %mul3A_728 {offsets = [5], sizes = [1], strides = [1]} : vector<16xi32> to vector<1xi32>
    %squeeze3A_800 = vector.extract %slice3A_799[0] : i32 from vector<1xi32>
    %multiple_of3A_801 = tpu.assume_multiple %squeeze3A_800, 128 : i32
    %dma_start3A_802 = arith.constant 6 : i32
    %dma_start3A_803 = arith.constant 0 : i32
    %dma_start3A_804 = arith.constant 640 : i32
    %dma_start3A_805 = tpu.memref_slice %arg6[%dma_start3A_802, %dma_start3A_803, %dma_start3A_804] : memref<8x8x1024xf32, #tpu.memory_space<vmem>> -> memref<1x8x128xf32, #tpu.memory_space<vmem>>
    %dma_start3A_806 = tpu.memref_squeeze %dma_start3A_805 : memref<1x8x128xf32, #tpu.memory_space<vmem>> -> memref<8x128xf32, #tpu.memory_space<vmem>>
    %dma_start3A_807 = tpu.memref_slice %arg2[%mul3A_0, %multiple_of3A_801] : memref<16x1000000xf32, #tpu.memory_space<hbm>> -> memref<8x128xf32, #tpu.memory_space<hbm>>
    %dma_start3A_808 = arith.constant 0 : i32
    %dma_start3A_809 = arith.constant 640 : i32
    %dma_start3A_810 = tpu.memref_slice %arg6[%dma_start3A_802, %dma_start3A_808, %dma_start3A_809] : memref<8x8x1024xf32, #tpu.memory_space<vmem>> -> memref<1x8x128xf32, #tpu.memory_space<vmem>>
    %dma_start3A_811 = tpu.memref_squeeze %dma_start3A_810 : memref<1x8x128xf32, #tpu.memory_space<vmem>> -> memref<8x128xf32, #tpu.memory_space<vmem>>
    %dma_start3A_812 = tpu.memref_slice %arg2[%mul3A_0, %multiple_of3A_801] : memref<16x1000000xf32, #tpu.memory_space<hbm>> -> memref<8x128xf32, #tpu.memory_space<hbm>>
    tpu.enqueue_dma source(%dma_start3A_812 : memref<8x128xf32, #tpu.memory_space<hbm>>) target(%dma_start3A_811 : memref<8x128xf32, #tpu.memory_space<vmem>>) target_semaphore(%arg14 : memref<!tpu.dma_semaphore, #tpu.memory_space<semaphore_mem>>)
    %slice3A_813 = vector.extract_strided_slice %mul3A_728 {offsets = [6], sizes = [1], strides = [1]} : vector<16xi32> to vector<1xi32>
    %squeeze3A_814 = vector.extract %slice3A_813[0] : i32 from vector<1xi32>
    %multiple_of3A_815 = tpu.assume_multiple %squeeze3A_814, 128 : i32
    %dma_start3A_816 = arith.constant 6 : i32
    %dma_start3A_817 = arith.constant 0 : i32
    %dma_start3A_818 = arith.constant 768 : i32
    %dma_start3A_819 = tpu.memref_slice %arg6[%dma_start3A_816, %dma_start3A_817, %dma_start3A_818] : memref<8x8x1024xf32, #tpu.memory_space<vmem>> -> memref<1x8x128xf32, #tpu.memory_space<vmem>>
    %dma_start3A_820 = tpu.memref_squeeze %dma_start3A_819 : memref<1x8x128xf32, #tpu.memory_space<vmem>> -> memref<8x128xf32, #tpu.memory_space<vmem>>
    %dma_start3A_821 = tpu.memref_slice %arg2[%mul3A_0, %multiple_of3A_815] : memref<16x1000000xf32, #tpu.memory_space<hbm>> -> memref<8x128xf32, #tpu.memory_space<hbm>>
    %dma_start3A_822 = arith.constant 0 : i32
    %dma_start3A_823 = arith.constant 768 : i32
    %dma_start3A_824 = tpu.memref_slice %arg6[%dma_start3A_816, %dma_start3A_822, %dma_start3A_823] : memref<8x8x1024xf32, #tpu.memory_space<vmem>> -> memref<1x8x128xf32, #tpu.memory_space<vmem>>
    %dma_start3A_825 = tpu.memref_squeeze %dma_start3A_824 : memref<1x8x128xf32, #tpu.memory_space<vmem>> -> memref<8x128xf32, #tpu.memory_space<vmem>>
    %dma_start3A_826 = tpu.memref_slice %arg2[%mul3A_0, %multiple_of3A_815] : memref<16x1000000xf32, #tpu.memory_space<hbm>> -> memref<8x128xf32, #tpu.memory_space<hbm>>
    tpu.enqueue_dma source(%dma_start3A_826 : memref<8x128xf32, #tpu.memory_space<hbm>>) target(%dma_start3A_825 : memref<8x128xf32, #tpu.memory_space<vmem>>) target_semaphore(%arg14 : memref<!tpu.dma_semaphore, #tpu.memory_space<semaphore_mem>>)
    %slice3A_827 = vector.extract_strided_slice %mul3A_728 {offsets = [7], sizes = [1], strides = [1]} : vector<16xi32> to vector<1xi32>
    %squeeze3A_828 = vector.extract %slice3A_827[0] : i32 from vector<1xi32>
    %multiple_of3A_829 = tpu.assume_multiple %squeeze3A_828, 128 : i32
    %dma_start3A_830 = arith.constant 6 : i32
    %dma_start3A_831 = arith.constant 0 : i32
    %dma_start3A_832 = arith.constant 896 : i32
    %dma_start3A_833 = tpu.memref_slice %arg6[%dma_start3A_830, %dma_start3A_831, %dma_start3A_832] : memref<8x8x1024xf32, #tpu.memory_space<vmem>> -> memref<1x8x128xf32, #tpu.memory_space<vmem>>
    %dma_start3A_834 = tpu.memref_squeeze %dma_start3A_833 : memref<1x8x128xf32, #tpu.memory_space<vmem>> -> memref<8x128xf32, #tpu.memory_space<vmem>>
    %dma_start3A_835 = tpu.memref_slice %arg2[%mul3A_0, %multiple_of3A_829] : memref<16x1000000xf32, #tpu.memory_space<hbm>> -> memref<8x128xf32, #tpu.memory_space<hbm>>
    %dma_start3A_836 = arith.constant 0 : i32
    %dma_start3A_837 = arith.constant 896 : i32
    %dma_start3A_838 = tpu.memref_slice %arg6[%dma_start3A_830, %dma_start3A_836, %dma_start3A_837] : memref<8x8x1024xf32, #tpu.memory_space<vmem>> -> memref<1x8x128xf32, #tpu.memory_space<vmem>>
    %dma_start3A_839 = tpu.memref_squeeze %dma_start3A_838 : memref<1x8x128xf32, #tpu.memory_space<vmem>> -> memref<8x128xf32, #tpu.memory_space<vmem>>
    %dma_start3A_840 = tpu.memref_slice %arg2[%mul3A_0, %multiple_of3A_829] : memref<16x1000000xf32, #tpu.memory_space<hbm>> -> memref<8x128xf32, #tpu.memory_space<hbm>>
    tpu.enqueue_dma source(%dma_start3A_840 : memref<8x128xf32, #tpu.memory_space<hbm>>) target(%dma_start3A_839 : memref<8x128xf32, #tpu.memory_space<vmem>>) target_semaphore(%arg14 : memref<!tpu.dma_semaphore, #tpu.memory_space<semaphore_mem>>)
    %get3A_841 = arith.constant 56 : index
    %get3A_842 = tpu.vector_load %arg5[%get3A_841] {strides = array<i32>} : memref<1040xi32, #tpu.memory_space<vmem>>, vector<16xi32>,
    %shift_right_arithmetic3A_843 = arith.constant 7 : i32
    %shift_right_arithmetic3A_844 = vector.broadcast %shift_right_arithmetic3A_843 : i32 to vector<16xi32>
    %shift_right_arithmetic3A_845 = arith.shrsi %get3A_842, %shift_right_arithmetic3A_844 : vector<16xi32>
    %mul3A_846 = arith.constant 128 : i32
    %mul3A_847 = vector.broadcast %mul3A_846 : i32 to vector<16xi32>
    %mul3A_848 = arith.muli %shift_right_arithmetic3A_845, %mul3A_847 : vector<16xi32>
    %slice3A_849 = vector.extract_strided_slice %mul3A_848 {offsets = [0], sizes = [1], strides = [1]} : vector<16xi32> to vector<1xi32>
    %squeeze3A_850 = vector.extract %slice3A_849[0] : i32 from vector<1xi32>
    %multiple_of3A_851 = tpu.assume_multiple %squeeze3A_850, 128 : i32
    %dma_start3A_852 = arith.constant 7 : i32
    %dma_start3A_853 = arith.constant 0 : i32
    %dma_start3A_854 = arith.constant 0 : i32
    %dma_start3A_855 = tpu.memref_slice %arg6[%dma_start3A_852, %dma_start3A_853, %dma_start3A_854] : memref<8x8x1024xf32, #tpu.memory_space<vmem>> -> memref<1x8x128xf32, #tpu.memory_space<vmem>>
    %dma_start3A_856 = tpu.memref_squeeze %dma_start3A_855 : memref<1x8x128xf32, #tpu.memory_space<vmem>> -> memref<8x128xf32, #tpu.memory_space<vmem>>
    %dma_start3A_857 = tpu.memref_slice %arg2[%mul3A_0, %multiple_of3A_851] : memref<16x1000000xf32, #tpu.memory_space<hbm>> -> memref<8x128xf32, #tpu.memory_space<hbm>>
    %dma_start3A_858 = arith.constant 0 : i32
    %dma_start3A_859 = arith.constant 0 : i32
    %dma_start3A_860 = tpu.memref_slice %arg6[%dma_start3A_852, %dma_start3A_858, %dma_start3A_859] : memref<8x8x1024xf32, #tpu.memory_space<vmem>> -> memref<1x8x128xf32, #tpu.memory_space<vmem>>
    %dma_start3A_861 = tpu.memref_squeeze %dma_start3A_860 : memref<1x8x128xf32, #tpu.memory_space<vmem>> -> memref<8x128xf32, #tpu.memory_space<vmem>>
    %dma_start3A_862 = tpu.memref_slice %arg2[%mul3A_0, %multiple_of3A_851] : memref<16x1000000xf32, #tpu.memory_space<hbm>> -> memref<8x128xf32, #tpu.memory_space<hbm>>
    tpu.enqueue_dma source(%dma_start3A_862 : memref<8x128xf32, #tpu.memory_space<hbm>>) target(%dma_start3A_861 : memref<8x128xf32, #tpu.memory_space<vmem>>) target_semaphore(%arg15 : memref<!tpu.dma_semaphore, #tpu.memory_space<semaphore_mem>>)
    %slice3A_863 = vector.extract_strided_slice %mul3A_848 {offsets = [1], sizes = [1], strides = [1]} : vector<16xi32> to vector<1xi32>
    %squeeze3A_864 = vector.extract %slice3A_863[0] : i32 from vector<1xi32>
    %multiple_of3A_865 = tpu.assume_multiple %squeeze3A_864, 128 : i32
    %dma_start3A_866 = arith.constant 7 : i32
    %dma_start3A_867 = arith.constant 0 : i32
    %dma_start3A_868 = arith.constant 128 : i32
    %dma_start3A_869 = tpu.memref_slice %arg6[%dma_start3A_866, %dma_start3A_867, %dma_start3A_868] : memref<8x8x1024xf32, #tpu.memory_space<vmem>> -> memref<1x8x128xf32, #tpu.memory_space<vmem>>
    %dma_start3A_870 = tpu.memref_squeeze %dma_start3A_869 : memref<1x8x128xf32, #tpu.memory_space<vmem>> -> memref<8x128xf32, #tpu.memory_space<vmem>>
    %dma_start3A_871 = tpu.memref_slice %arg2[%mul3A_0, %multiple_of3A_865] : memref<16x1000000xf32, #tpu.memory_space<hbm>> -> memref<8x128xf32, #tpu.memory_space<hbm>>
    %dma_start3A_872 = arith.constant 0 : i32
    %dma_start3A_873 = arith.constant 128 : i32
    %dma_start3A_874 = tpu.memref_slice %arg6[%dma_start3A_866, %dma_start3A_872, %dma_start3A_873] : memref<8x8x1024xf32, #tpu.memory_space<vmem>> -> memref<1x8x128xf32, #tpu.memory_space<vmem>>
    %dma_start3A_875 = tpu.memref_squeeze %dma_start3A_874 : memref<1x8x128xf32, #tpu.memory_space<vmem>> -> memref<8x128xf32, #tpu.memory_space<vmem>>
    %dma_start3A_876 = tpu.memref_slice %arg2[%mul3A_0, %multiple_of3A_865] : memref<16x1000000xf32, #tpu.memory_space<hbm>> -> memref<8x128xf32, #tpu.memory_space<hbm>>
    tpu.enqueue_dma source(%dma_start3A_876 : memref<8x128xf32, #tpu.memory_space<hbm>>) target(%dma_start3A_875 : memref<8x128xf32, #tpu.memory_space<vmem>>) target_semaphore(%arg15 : memref<!tpu.dma_semaphore, #tpu.memory_space<semaphore_mem>>)
    %slice3A_877 = vector.extract_strided_slice %mul3A_848 {offsets = [2], sizes = [1], strides = [1]} : vector<16xi32> to vector<1xi32>
    %squeeze3A_878 = vector.extract %slice3A_877[0] : i32 from vector<1xi32>
    %multiple_of3A_879 = tpu.assume_multiple %squeeze3A_878, 128 : i32
    %dma_start3A_880 = arith.constant 7 : i32
    %dma_start3A_881 = arith.constant 0 : i32
    %dma_start3A_882 = arith.constant 256 : i32
    %dma_start3A_883 = tpu.memref_slice %arg6[%dma_start3A_880, %dma_start3A_881, %dma_start3A_882] : memref<8x8x1024xf32, #tpu.memory_space<vmem>> -> memref<1x8x128xf32, #tpu.memory_space<vmem>>
    %dma_start3A_884 = tpu.memref_squeeze %dma_start3A_883 : memref<1x8x128xf32, #tpu.memory_space<vmem>> -> memref<8x128xf32, #tpu.memory_space<vmem>>
    %dma_start3A_885 = tpu.memref_slice %arg2[%mul3A_0, %multiple_of3A_879] : memref<16x1000000xf32, #tpu.memory_space<hbm>> -> memref<8x128xf32, #tpu.memory_space<hbm>>
    %dma_start3A_886 = arith.constant 0 : i32
    %dma_start3A_887 = arith.constant 256 : i32
    %dma_start3A_888 = tpu.memref_slice %arg6[%dma_start3A_880, %dma_start3A_886, %dma_start3A_887] : memref<8x8x1024xf32, #tpu.memory_space<vmem>> -> memref<1x8x128xf32, #tpu.memory_space<vmem>>
    %dma_start3A_889 = tpu.memref_squeeze %dma_start3A_888 : memref<1x8x128xf32, #tpu.memory_space<vmem>> -> memref<8x128xf32, #tpu.memory_space<vmem>>
    %dma_start3A_890 = tpu.memref_slice %arg2[%mul3A_0, %multiple_of3A_879] : memref<16x1000000xf32, #tpu.memory_space<hbm>> -> memref<8x128xf32, #tpu.memory_space<hbm>>
    tpu.enqueue_dma source(%dma_start3A_890 : memref<8x128xf32, #tpu.memory_space<hbm>>) target(%dma_start3A_889 : memref<8x128xf32, #tpu.memory_space<vmem>>) target_semaphore(%arg15 : memref<!tpu.dma_semaphore, #tpu.memory_space<semaphore_mem>>)
    %slice3A_891 = vector.extract_strided_slice %mul3A_848 {offsets = [3], sizes = [1], strides = [1]} : vector<16xi32> to vector<1xi32>
    %squeeze3A_892 = vector.extract %slice3A_891[0] : i32 from vector<1xi32>
    %multiple_of3A_893 = tpu.assume_multiple %squeeze3A_892, 128 : i32
    %dma_start3A_894 = arith.constant 7 : i32
    %dma_start3A_895 = arith.constant 0 : i32
    %dma_start3A_896 = arith.constant 384 : i32
    %dma_start3A_897 = tpu.memref_slice %arg6[%dma_start3A_894, %dma_start3A_895, %dma_start3A_896] : memref<8x8x1024xf32, #tpu.memory_space<vmem>> -> memref<1x8x128xf32, #tpu.memory_space<vmem>>
    %dma_start3A_898 = tpu.memref_squeeze %dma_start3A_897 : memref<1x8x128xf32, #tpu.memory_space<vmem>> -> memref<8x128xf32, #tpu.memory_space<vmem>>
    %dma_start3A_899 = tpu.memref_slice %arg2[%mul3A_0, %multiple_of3A_893] : memref<16x1000000xf32, #tpu.memory_space<hbm>> -> memref<8x128xf32, #tpu.memory_space<hbm>>
    %dma_start3A_900 = arith.constant 0 : i32
    %dma_start3A_901 = arith.constant 384 : i32
    %dma_start3A_902 = tpu.memref_slice %arg6[%dma_start3A_894, %dma_start3A_900, %dma_start3A_901] : memref<8x8x1024xf32, #tpu.memory_space<vmem>> -> memref<1x8x128xf32, #tpu.memory_space<vmem>>
    %dma_start3A_903 = tpu.memref_squeeze %dma_start3A_902 : memref<1x8x128xf32, #tpu.memory_space<vmem>> -> memref<8x128xf32, #tpu.memory_space<vmem>>
    %dma_start3A_904 = tpu.memref_slice %arg2[%mul3A_0, %multiple_of3A_893] : memref<16x1000000xf32, #tpu.memory_space<hbm>> -> memref<8x128xf32, #tpu.memory_space<hbm>>
    tpu.enqueue_dma source(%dma_start3A_904 : memref<8x128xf32, #tpu.memory_space<hbm>>) target(%dma_start3A_903 : memref<8x128xf32, #tpu.memory_space<vmem>>) target_semaphore(%arg15 : memref<!tpu.dma_semaphore, #tpu.memory_space<semaphore_mem>>)
    %slice3A_905 = vector.extract_strided_slice %mul3A_848 {offsets = [4], sizes = [1], strides = [1]} : vector<16xi32> to vector<1xi32>
    %squeeze3A_906 = vector.extract %slice3A_905[0] : i32 from vector<1xi32>
    %multiple_of3A_907 = tpu.assume_multiple %squeeze3A_906, 128 : i32
    %dma_start3A_908 = arith.constant 7 : i32
    %dma_start3A_909 = arith.constant 0 : i32
    %dma_start3A_910 = arith.constant 512 : i32
    %dma_start3A_911 = tpu.memref_slice %arg6[%dma_start3A_908, %dma_start3A_909, %dma_start3A_910] : memref<8x8x1024xf32, #tpu.memory_space<vmem>> -> memref<1x8x128xf32, #tpu.memory_space<vmem>>
    %dma_start3A_912 = tpu.memref_squeeze %dma_start3A_911 : memref<1x8x128xf32, #tpu.memory_space<vmem>> -> memref<8x128xf32, #tpu.memory_space<vmem>>
    %dma_start3A_913 = tpu.memref_slice %arg2[%mul3A_0, %multiple_of3A_907] : memref<16x1000000xf32, #tpu.memory_space<hbm>> -> memref<8x128xf32, #tpu.memory_space<hbm>>
    %dma_start3A_914 = arith.constant 0 : i32
    %dma_start3A_915 = arith.constant 512 : i32
    %dma_start3A_916 = tpu.memref_slice %arg6[%dma_start3A_908, %dma_start3A_914, %dma_start3A_915] : memref<8x8x1024xf32, #tpu.memory_space<vmem>> -> memref<1x8x128xf32, #tpu.memory_space<vmem>>
    %dma_start3A_917 = tpu.memref_squeeze %dma_start3A_916 : memref<1x8x128xf32, #tpu.memory_space<vmem>> -> memref<8x128xf32, #tpu.memory_space<vmem>>
    %dma_start3A_918 = tpu.memref_slice %arg2[%mul3A_0, %multiple_of3A_907] : memref<16x1000000xf32, #tpu.memory_space<hbm>> -> memref<8x128xf32, #tpu.memory_space<hbm>>
    tpu.enqueue_dma source(%dma_start3A_918 : memref<8x128xf32, #tpu.memory_space<hbm>>) target(%dma_start3A_917 : memref<8x128xf32, #tpu.memory_space<vmem>>) target_semaphore(%arg15 : memref<!tpu.dma_semaphore, #tpu.memory_space<semaphore_mem>>)
    %slice3A_919 = vector.extract_strided_slice %mul3A_848 {offsets = [5], sizes = [1], strides = [1]} : vector<16xi32> to vector<1xi32>
    %squeeze3A_920 = vector.extract %slice3A_919[0] : i32 from vector<1xi32>
    %multiple_of3A_921 = tpu.assume_multiple %squeeze3A_920, 128 : i32
    %dma_start3A_922 = arith.constant 7 : i32
    %dma_start3A_923 = arith.constant 0 : i32
    %dma_start3A_924 = arith.constant 640 : i32
    %dma_start3A_925 = tpu.memref_slice %arg6[%dma_start3A_922, %dma_start3A_923, %dma_start3A_924] : memref<8x8x1024xf32, #tpu.memory_space<vmem>> -> memref<1x8x128xf32, #tpu.memory_space<vmem>>
    %dma_start3A_926 = tpu.memref_squeeze %dma_start3A_925 : memref<1x8x128xf32, #tpu.memory_space<vmem>> -> memref<8x128xf32, #tpu.memory_space<vmem>>
    %dma_start3A_927 = tpu.memref_slice %arg2[%mul3A_0, %multiple_of3A_921] : memref<16x1000000xf32, #tpu.memory_space<hbm>> -> memref<8x128xf32, #tpu.memory_space<hbm>>
    %dma_start3A_928 = arith.constant 0 : i32
    %dma_start3A_929 = arith.constant 640 : i32
    %dma_start3A_930 = tpu.memref_slice %arg6[%dma_start3A_922, %dma_start3A_928, %dma_start3A_929] : memref<8x8x1024xf32, #tpu.memory_space<vmem>> -> memref<1x8x128xf32, #tpu.memory_space<vmem>>
    %dma_start3A_931 = tpu.memref_squeeze %dma_start3A_930 : memref<1x8x128xf32, #tpu.memory_space<vmem>> -> memref<8x128xf32, #tpu.memory_space<vmem>>
    %dma_start3A_932 = tpu.memref_slice %arg2[%mul3A_0, %multiple_of3A_921] : memref<16x1000000xf32, #tpu.memory_space<hbm>> -> memref<8x128xf32, #tpu.memory_space<hbm>>
    tpu.enqueue_dma source(%dma_start3A_932 : memref<8x128xf32, #tpu.memory_space<hbm>>) target(%dma_start3A_931 : memref<8x128xf32, #tpu.memory_space<vmem>>) target_semaphore(%arg15 : memref<!tpu.dma_semaphore, #tpu.memory_space<semaphore_mem>>)
    %slice3A_933 = vector.extract_strided_slice %mul3A_848 {offsets = [6], sizes = [1], strides = [1]} : vector<16xi32> to vector<1xi32>
    %squeeze3A_934 = vector.extract %slice3A_933[0] : i32 from vector<1xi32>
    %multiple_of3A_935 = tpu.assume_multiple %squeeze3A_934, 128 : i32
    %dma_start3A_936 = arith.constant 7 : i32
    %dma_start3A_937 = arith.constant 0 : i32
    %dma_start3A_938 = arith.constant 768 : i32
    %dma_start3A_939 = tpu.memref_slice %arg6[%dma_start3A_936, %dma_start3A_937, %dma_start3A_938] : memref<8x8x1024xf32, #tpu.memory_space<vmem>> -> memref<1x8x128xf32, #tpu.memory_space<vmem>>
    %dma_start3A_940 = tpu.memref_squeeze %dma_start3A_939 : memref<1x8x128xf32, #tpu.memory_space<vmem>> -> memref<8x128xf32, #tpu.memory_space<vmem>>
    %dma_start3A_941 = tpu.memref_slice %arg2[%mul3A_0, %multiple_of3A_935] : memref<16x1000000xf32, #tpu.memory_space<hbm>> -> memref<8x128xf32, #tpu.memory_space<hbm>>
    %dma_start3A_942 = arith.constant 0 : i32
    %dma_start3A_943 = arith.constant 768 : i32
    %dma_start3A_944 = tpu.memref_slice %arg6[%dma_start3A_936, %dma_start3A_942, %dma_start3A_943] : memref<8x8x1024xf32, #tpu.memory_space<vmem>> -> memref<1x8x128xf32, #tpu.memory_space<vmem>>
    %dma_start3A_945 = tpu.memref_squeeze %dma_start3A_944 : memref<1x8x128xf32, #tpu.memory_space<vmem>> -> memref<8x128xf32, #tpu.memory_space<vmem>>
    %dma_start3A_946 = tpu.memref_slice %arg2[%mul3A_0, %multiple_of3A_935] : memref<16x1000000xf32, #tpu.memory_space<hbm>> -> memref<8x128xf32, #tpu.memory_space<hbm>>
    tpu.enqueue_dma source(%dma_start3A_946 : memref<8x128xf32, #tpu.memory_space<hbm>>) target(%dma_start3A_945 : memref<8x128xf32, #tpu.memory_space<vmem>>) target_semaphore(%arg15 : memref<!tpu.dma_semaphore, #tpu.memory_space<semaphore_mem>>)
    %slice3A_947 = vector.extract_strided_slice %mul3A_848 {offsets = [7], sizes = [1], strides = [1]} : vector<16xi32> to vector<1xi32>
    %squeeze3A_948 = vector.extract %slice3A_947[0] : i32 from vector<1xi32>
    %multiple_of3A_949 = tpu.assume_multiple %squeeze3A_948, 128 : i32
    %dma_start3A_950 = arith.constant 7 : i32
    %dma_start3A_951 = arith.constant 0 : i32
    %dma_start3A_952 = arith.constant 896 : i32
    %dma_start3A_953 = tpu.memref_slice %arg6[%dma_start3A_950, %dma_start3A_951, %dma_start3A_952] : memref<8x8x1024xf32, #tpu.memory_space<vmem>> -> memref<1x8x128xf32, #tpu.memory_space<vmem>>
    %dma_start3A_954 = tpu.memref_squeeze %dma_start3A_953 : memref<1x8x128xf32, #tpu.memory_space<vmem>> -> memref<8x128xf32, #tpu.memory_space<vmem>>
    %dma_start3A_955 = tpu.memref_slice %arg2[%mul3A_0, %multiple_of3A_949] : memref<16x1000000xf32, #tpu.memory_space<hbm>> -> memref<8x128xf32, #tpu.memory_space<hbm>>
    %dma_start3A_956 = arith.constant 0 : i32
    %dma_start3A_957 = arith.constant 896 : i32
    %dma_start3A_958 = tpu.memref_slice %arg6[%dma_start3A_950, %dma_start3A_956, %dma_start3A_957] : memref<8x8x1024xf32, #tpu.memory_space<vmem>> -> memref<1x8x128xf32, #tpu.memory_space<vmem>>
    %dma_start3A_959 = tpu.memref_squeeze %dma_start3A_958 : memref<1x8x128xf32, #tpu.memory_space<vmem>> -> memref<8x128xf32, #tpu.memory_space<vmem>>
    %dma_start3A_960 = tpu.memref_slice %arg2[%mul3A_0, %multiple_of3A_949] : memref<16x1000000xf32, #tpu.memory_space<hbm>> -> memref<8x128xf32, #tpu.memory_space<hbm>>
    tpu.enqueue_dma source(%dma_start3A_960 : memref<8x128xf32, #tpu.memory_space<hbm>>) target(%dma_start3A_959 : memref<8x128xf32, #tpu.memory_space<vmem>>) target_semaphore(%arg15 : memref<!tpu.dma_semaphore, #tpu.memory_space<semaphore_mem>>)
    %scan3A = arith.constant 0 : i32
    %scan3A_961 = arith.constant 0 : i32
    %scan3A_962 = arith.constant 16 : i32
    %scan3A_963 = arith.addi %scan3A_961, %scan3A_962 : i32
    %scan3A_964 = arith.constant 1 : i32
    %scan3A_965 = scf.for %scan3A_967 = %scan3A_961 to %scan3A_963 step %scan3A_964 iter_args(%scan3A_968 = %scan3A) -> (i32)  : i32 {
      %mul3A_969 = arith.constant 8 : i32
      %mul3A_970 = arith.muli %scan3A_967, %mul3A_969 : i32
      %add3A = arith.constant 0 : i32
      %add3A_971 = arith.addi %mul3A_970, %add3A : i32
      %jit3A = arith.constant 8 : i32
      %eq3A = arith.constant 0 : i32
      %eq3A_972 = arith.cmpi eq, %jit3A, %eq3A : i32
      %jit3A_973 = arith.constant 1 : i32
      %select_n3A = arith.select %eq3A_972, %jit3A_973, %jit3A : i32
      %rem3A = arith.remsi %add3A_971, %select_n3A : i32
      %ne3A = arith.constant 0 : i32
      %ne3A_974 = arith.cmpi ne, %rem3A, %ne3A : i32
      %lt3A = arith.constant 0 : i32
      %lt3A_975 = arith.cmpi slt, %rem3A, %lt3A : i32
      %lt3A_976 = arith.constant 0 : i32
      %lt3A_977 = arith.cmpi slt, %select_n3A, %lt3A_976 : i32
      %ne3A_978 = arith.xori %lt3A_975, %lt3A_977 : i1
      %and3A_979 = arith.andi %ne3A_978, %ne3A_974 : i1
      %add3A_980 = arith.addi %rem3A, %select_n3A : i32
      %select_n3A_981 = arith.select %and3A_979, %add3A_980, %rem3A : i32
      %dma_wait3A = arith.constant 0 : i32
      %dma_wait3A_982 = arith.constant 0 : i32
      %dma_wait3A_983 = tpu.memref_slice %arg6[%select_n3A_981, %dma_wait3A, %dma_wait3A_982] : memref<8x8x1024xf32, #tpu.memory_space<vmem>> -> memref<1x8x1024xf32, #tpu.memory_space<vmem>>
      %dma_wait3A_984 = tpu.memref_squeeze %dma_wait3A_983 : memref<1x8x1024xf32, #tpu.memory_space<vmem>> -> memref<8x1024xf32, #tpu.memory_space<vmem>>
      %dma_wait3A_985 = arith.constant 0 : i32
      %dma_wait3A_986 = arith.constant 0 : i32
      %dma_wait3A_987 = tpu.memref_slice %arg2[%dma_wait3A_985, %dma_wait3A_986] : memref<16x1000000xf32, #tpu.memory_space<hbm>> -> memref<8x1024xf32, #tpu.memory_space<hbm>>
      %dma_wait3A_988 = arith.constant 0 : i32
      %dma_wait3A_989 = arith.constant 0 : i32
      %dma_wait3A_990 = tpu.memref_slice %arg6[%select_n3A_981, %dma_wait3A_988, %dma_wait3A_989] : memref<8x8x1024xf32, #tpu.memory_space<vmem>> -> memref<1x8x1024xf32, #tpu.memory_space<vmem>>
      %dma_wait3A_991 = tpu.memref_squeeze %dma_wait3A_990 : memref<1x8x1024xf32, #tpu.memory_space<vmem>> -> memref<8x1024xf32, #tpu.memory_space<vmem>>
      %dma_wait3A_992 = arith.constant 0 : i32
      %dma_wait3A_993 = arith.constant 0 : i32
      %dma_wait3A_994 = tpu.memref_slice %arg2[%dma_wait3A_992, %dma_wait3A_993] : memref<16x1000000xf32, #tpu.memory_space<hbm>> -> memref<8x1024xf32, #tpu.memory_space<hbm>>
      tpu.wait_dma2 semaphore(%arg8 : memref<!tpu.dma_semaphore, #tpu.memory_space<semaphore_mem>>) src(%dma_wait3A_994 : memref<8x1024xf32, #tpu.memory_space<hbm>>) dst(%dma_wait3A_991 : memref<8x1024xf32, #tpu.memory_space<vmem>>)
      %mul3A_995 = arith.constant 8 : i32
      %mul3A_996 = arith.muli %add3A_971, %mul3A_995 : i32
      %add3A_997 = arith.constant 0 : i32
      %add3A_998 = arith.addi %mul3A_996, %add3A_997 : i32
      %get3A_999 = arith.index_cast %add3A_998 : i32 to index
      %get3A_1000 = tpu.vector_load %arg5[%get3A_999] {strides = array<i32>} : memref<1040xi32, #tpu.memory_space<vmem>>, vector<16xi32>,
      %and3A_1001 = arith.constant 127 : i32
      %and3A_1002 = vector.broadcast %and3A_1001 : i32 to vector<16xi32>
      %and3A_1003 = arith.andi %get3A_1000, %and3A_1002 : vector<16xi32>
      %mul3A_1004 = arith.constant 8 : i32
      %mul3A_1005 = arith.muli %add3A_971, %mul3A_1004 : i32
      %add3A_1006 = arith.constant 0 : i32
      %add3A_1007 = arith.addi %mul3A_1005, %add3A_1006 : i32
      %add3A_1008 = arith.constant 0 : i32
      %add3A_1009 = arith.addi %add3A_1007, %add3A_1008 : i32
      %broadcast_in_dim3A = vector.broadcast %select_n3A_981 : i32 to vector<16xi32>
      %broadcast_in_dim3A_1010 = arith.constant 128 : i32
      %broadcast_in_dim3A_1011 = vector.broadcast %broadcast_in_dim3A_1010 : i32 to vector<16xi32>
      %slice3A_1012 = vector.extract_strided_slice %and3A_1003 {offsets = [1], sizes = [1], strides = [1]} : vector<16xi32> to vector<1xi32>
      %squeeze3A_1013 = vector.extract %slice3A_1012[0] : i32 from vector<1xi32>
      %add3A_1014 = vector.broadcast %squeeze3A_1013 : i32 to vector<16xi32>
      %add3A_1015 = arith.addi %broadcast_in_dim3A_1011, %add3A_1014 : vector<16xi32>
      %broadcast_in_dim3A_1016 = arith.constant 0 : i32
      %broadcast_in_dim3A_1017 = vector.broadcast %broadcast_in_dim3A_1016 : i32 to vector<16xi32>
      %slice3A_1018 = vector.extract_strided_slice %and3A_1003 {offsets = [0], sizes = [1], strides = [1]} : vector<16xi32> to vector<1xi32>
      %squeeze3A_1019 = vector.extract %slice3A_1018[0] : i32 from vector<1xi32>
      %add3A_1020 = vector.broadcast %squeeze3A_1019 : i32 to vector<16xi32>
      %add3A_1021 = arith.addi %broadcast_in_dim3A_1017, %add3A_1020 : vector<16xi32>
      %select_n3A_1022 = arith.select %ge3A_6, %add3A_1015, %add3A_1021 : vector<16xi1>, vector<16xi32>
      %add3A_1023 = arith.constant 1 : i32
      %add3A_1024 = arith.addi %add3A_1009, %add3A_1023 : i32
      %broadcast_in_dim3A_1025 = vector.broadcast %add3A_1024 : i32 to vector<16xi32>
      %broadcast_in_dim3A_1026 = vector.broadcast %add3A_1009 : i32 to vector<16xi32>
      %select_n3A_1027 = arith.select %ge3A_6, %broadcast_in_dim3A_1025, %broadcast_in_dim3A_1026 : vector<16xi1>, vector<16xi32>
      %gather3A = tpu.vector_load_idx %arg6[%broadcast_in_dim3A, %and3A_4, %select_n3A_1022] : memref<8x8x1024xf32, #tpu.memory_space<vmem>>[vector<16xi32>, vector<16xi32>, vector<16xi32>], vector<16xf32>,
      tpu.vector_store_idx %arg7[%and3A_4, %select_n3A_1027], %gather3A : memref<8x1024xf32, #tpu.memory_space<vmem>>[vector<16xi32>, vector<16xi32>], vector<16xf32>,
      %mul3A_1028 = arith.constant 8 : i32
      %mul3A_1029 = arith.muli %add3A_971, %mul3A_1028 : i32
      %add3A_1030 = arith.constant 0 : i32
      %add3A_1031 = arith.addi %mul3A_1029, %add3A_1030 : i32
      %add3A_1032 = arith.constant 2 : i32
      %add3A_1033 = arith.addi %add3A_1031, %add3A_1032 : i32
      %broadcast_in_dim3A_1034 = vector.broadcast %select_n3A_981 : i32 to vector<16xi32>
      %broadcast_in_dim3A_1035 = arith.constant 384 : i32
      %broadcast_in_dim3A_1036 = vector.broadcast %broadcast_in_dim3A_1035 : i32 to vector<16xi32>
      %slice3A_1037 = vector.extract_strided_slice %and3A_1003 {offsets = [3], sizes = [1], strides = [1]} : vector<16xi32> to vector<1xi32>
      %squeeze3A_1038 = vector.extract %slice3A_1037[0] : i32 from vector<1xi32>
      %add3A_1039 = vector.broadcast %squeeze3A_1038 : i32 to vector<16xi32>
      %add3A_1040 = arith.addi %broadcast_in_dim3A_1036, %add3A_1039 : vector<16xi32>
      %broadcast_in_dim3A_1041 = arith.constant 256 : i32
      %broadcast_in_dim3A_1042 = vector.broadcast %broadcast_in_dim3A_1041 : i32 to vector<16xi32>
      %slice3A_1043 = vector.extract_strided_slice %and3A_1003 {offsets = [2], sizes = [1], strides = [1]} : vector<16xi32> to vector<1xi32>
      %squeeze3A_1044 = vector.extract %slice3A_1043[0] : i32 from vector<1xi32>
      %add3A_1045 = vector.broadcast %squeeze3A_1044 : i32 to vector<16xi32>
      %add3A_1046 = arith.addi %broadcast_in_dim3A_1042, %add3A_1045 : vector<16xi32>
      %select_n3A_1047 = arith.select %ge3A_6, %add3A_1040, %add3A_1046 : vector<16xi1>, vector<16xi32>
      %add3A_1048 = arith.constant 1 : i32
      %add3A_1049 = arith.addi %add3A_1033, %add3A_1048 : i32
      %broadcast_in_dim3A_1050 = vector.broadcast %add3A_1049 : i32 to vector<16xi32>
      %broadcast_in_dim3A_1051 = vector.broadcast %add3A_1033 : i32 to vector<16xi32>
      %select_n3A_1052 = arith.select %ge3A_6, %broadcast_in_dim3A_1050, %broadcast_in_dim3A_1051 : vector<16xi1>, vector<16xi32>
      %gather3A_1053 = tpu.vector_load_idx %arg6[%broadcast_in_dim3A_1034, %and3A_4, %select_n3A_1047] : memref<8x8x1024xf32, #tpu.memory_space<vmem>>[vector<16xi32>, vector<16xi32>, vector<16xi32>], vector<16xf32>,
      tpu.vector_store_idx %arg7[%and3A_4, %select_n3A_1052], %gather3A_1053 : memref<8x1024xf32, #tpu.memory_space<vmem>>[vector<16xi32>, vector<16xi32>], vector<16xf32>,
      %mul3A_1054 = arith.constant 8 : i32
      %mul3A_1055 = arith.muli %add3A_971, %mul3A_1054 : i32
      %add3A_1056 = arith.constant 0 : i32
      %add3A_1057 = arith.addi %mul3A_1055, %add3A_1056 : i32
      %add3A_1058 = arith.constant 4 : i32
      %add3A_1059 = arith.addi %add3A_1057, %add3A_1058 : i32
      %broadcast_in_dim3A_1060 = vector.broadcast %select_n3A_981 : i32 to vector<16xi32>
      %broadcast_in_dim3A_1061 = arith.constant 640 : i32
      %broadcast_in_dim3A_1062 = vector.broadcast %broadcast_in_dim3A_1061 : i32 to vector<16xi32>
      %slice3A_1063 = vector.extract_strided_slice %and3A_1003 {offsets = [5], sizes = [1], strides = [1]} : vector<16xi32> to vector<1xi32>
      %squeeze3A_1064 = vector.extract %slice3A_1063[0] : i32 from vector<1xi32>
      %add3A_1065 = vector.broadcast %squeeze3A_1064 : i32 to vector<16xi32>
      %add3A_1066 = arith.addi %broadcast_in_dim3A_1062, %add3A_1065 : vector<16xi32>
      %broadcast_in_dim3A_1067 = arith.constant 512 : i32
      %broadcast_in_dim3A_1068 = vector.broadcast %broadcast_in_dim3A_1067 : i32 to vector<16xi32>
      %slice3A_1069 = vector.extract_strided_slice %and3A_1003 {offsets = [4], sizes = [1], strides = [1]} : vector<16xi32> to vector<1xi32>
      %squeeze3A_1070 = vector.extract %slice3A_1069[0] : i32 from vector<1xi32>
      %add3A_1071 = vector.broadcast %squeeze3A_1070 : i32 to vector<16xi32>
      %add3A_1072 = arith.addi %broadcast_in_dim3A_1068, %add3A_1071 : vector<16xi32>
      %select_n3A_1073 = arith.select %ge3A_6, %add3A_1066, %add3A_1072 : vector<16xi1>, vector<16xi32>
      %add3A_1074 = arith.constant 1 : i32
      %add3A_1075 = arith.addi %add3A_1059, %add3A_1074 : i32
      %broadcast_in_dim3A_1076 = vector.broadcast %add3A_1075 : i32 to vector<16xi32>
      %broadcast_in_dim3A_1077 = vector.broadcast %add3A_1059 : i32 to vector<16xi32>
      %select_n3A_1078 = arith.select %ge3A_6, %broadcast_in_dim3A_1076, %broadcast_in_dim3A_1077 : vector<16xi1>, vector<16xi32>
      %gather3A_1079 = tpu.vector_load_idx %arg6[%broadcast_in_dim3A_1060, %and3A_4, %select_n3A_1073] : memref<8x8x1024xf32, #tpu.memory_space<vmem>>[vector<16xi32>, vector<16xi32>, vector<16xi32>], vector<16xf32>,
      tpu.vector_store_idx %arg7[%and3A_4, %select_n3A_1078], %gather3A_1079 : memref<8x1024xf32, #tpu.memory_space<vmem>>[vector<16xi32>, vector<16xi32>], vector<16xf32>,
      %mul3A_1080 = arith.constant 8 : i32
      %mul3A_1081 = arith.muli %add3A_971, %mul3A_1080 : i32
      %add3A_1082 = arith.constant 0 : i32
      %add3A_1083 = arith.addi %mul3A_1081, %add3A_1082 : i32
      %add3A_1084 = arith.constant 6 : i32
      %add3A_1085 = arith.addi %add3A_1083, %add3A_1084 : i32
      %broadcast_in_dim3A_1086 = vector.broadcast %select_n3A_981 : i32 to vector<16xi32>
      %broadcast_in_dim3A_1087 = arith.constant 896 : i32
      %broadcast_in_dim3A_1088 = vector.broadcast %broadcast_in_dim3A_1087 : i32 to vector<16xi32>
      %slice3A_1089 = vector.extract_strided_slice %and3A_1003 {offsets = [7], sizes = [1], strides = [1]} : vector<16xi32> to vector<1xi32>
      %squeeze3A_1090 = vector.extract %slice3A_1089[0] : i32 from vector<1xi32>
      %add3A_1091 = vector.broadcast %squeeze3A_1090 : i32 to vector<16xi32>
      %add3A_1092 = arith.addi %broadcast_in_dim3A_1088, %add3A_1091 : vector<16xi32>
      %broadcast_in_dim3A_1093 = arith.constant 768 : i32
      %broadcast_in_dim3A_1094 = vector.broadcast %broadcast_in_dim3A_1093 : i32 to vector<16xi32>
      %slice3A_1095 = vector.extract_strided_slice %and3A_1003 {offsets = [6], sizes = [1], strides = [1]} : vector<16xi32> to vector<1xi32>
      %squeeze3A_1096 = vector.extract %slice3A_1095[0] : i32 from vector<1xi32>
      %add3A_1097 = vector.broadcast %squeeze3A_1096 : i32 to vector<16xi32>
      %add3A_1098 = arith.addi %broadcast_in_dim3A_1094, %add3A_1097 : vector<16xi32>
      %select_n3A_1099 = arith.select %ge3A_6, %add3A_1092, %add3A_1098 : vector<16xi1>, vector<16xi32>
      %add3A_1100 = arith.constant 1 : i32
      %add3A_1101 = arith.addi %add3A_1085, %add3A_1100 : i32
      %broadcast_in_dim3A_1102 = vector.broadcast %add3A_1101 : i32 to vector<16xi32>
      %broadcast_in_dim3A_1103 = vector.broadcast %add3A_1085 : i32 to vector<16xi32>
      %select_n3A_1104 = arith.select %ge3A_6, %broadcast_in_dim3A_1102, %broadcast_in_dim3A_1103 : vector<16xi1>, vector<16xi32>
      %gather3A_1105 = tpu.vector_load_idx %arg6[%broadcast_in_dim3A_1086, %and3A_4, %select_n3A_1099] : memref<8x8x1024xf32, #tpu.memory_space<vmem>>[vector<16xi32>, vector<16xi32>, vector<16xi32>], vector<16xf32>,
      tpu.vector_store_idx %arg7[%and3A_4, %select_n3A_1104], %gather3A_1105 : memref<8x1024xf32, #tpu.memory_space<vmem>>[vector<16xi32>, vector<16xi32>], vector<16xf32>,
      %add3A_1106 = arith.constant 0 : i32
      %add3A_1107 = arith.addi %mul3A_970, %add3A_1106 : i32
      %add3A_1108 = arith.constant 8 : i32
      %add3A_1109 = arith.addi %add3A_1107, %add3A_1108 : i32
      %lt3A_1110 = arith.constant 128 : i32
      %lt3A_1111 = arith.cmpi slt, %add3A_1109, %lt3A_1110 : i32
      %convert_element_type3A = arith.extui %lt3A_1111 : i1 to i32
      %cond3A = arith.constant 0 : i32
      %cond3A_1112 = arith.cmpi ne, %convert_element_type3A, %cond3A : i32
      scf.if %cond3A_1112 {
        %add3A_2192 = arith.constant 0 : i32
        %add3A_2193 = arith.addi %mul3A_970, %add3A_2192 : i32
        %add3A_2194 = arith.constant 8 : i32
        %add3A_2195 = arith.addi %add3A_2193, %add3A_2194 : i32
        %jit3A_2196 = arith.constant 8 : i32
        %eq3A_2197 = arith.constant 0 : i32
        %eq3A_2198 = arith.cmpi eq, %jit3A_2196, %eq3A_2197 : i32
        %jit3A_2199 = arith.constant 1 : i32
        %select_n3A_2200 = arith.select %eq3A_2198, %jit3A_2199, %jit3A_2196 : i32
        %rem3A_2201 = arith.remsi %add3A_2195, %select_n3A_2200 : i32
        %ne3A_2202 = arith.constant 0 : i32
        %ne3A_2203 = arith.cmpi ne, %rem3A_2201, %ne3A_2202 : i32
        %lt3A_2204 = arith.constant 0 : i32
        %lt3A_2205 = arith.cmpi slt, %rem3A_2201, %lt3A_2204 : i32
        %lt3A_2206 = arith.constant 0 : i32
        %lt3A_2207 = arith.cmpi slt, %select_n3A_2200, %lt3A_2206 : i32
        %ne3A_2208 = arith.xori %lt3A_2205, %lt3A_2207 : i1
        %and3A_2209 = arith.andi %ne3A_2208, %ne3A_2203 : i1
        %add3A_2210 = arith.addi %rem3A_2201, %select_n3A_2200 : i32
        %select_n3A_2211 = arith.select %and3A_2209, %add3A_2210, %rem3A_2201 : i32
        %mul3A_2212 = arith.constant 8 : i32
        %mul3A_2213 = arith.muli %add3A_2195, %mul3A_2212 : i32
        %add3A_2214 = arith.constant 0 : i32
        %add3A_2215 = arith.addi %mul3A_2213, %add3A_2214 : i32
        %get3A_2216 = arith.index_cast %add3A_2215 : i32 to index
        %get3A_2217 = tpu.vector_load %arg5[%get3A_2216] {strides = array<i32>} : memref<1040xi32, #tpu.memory_space<vmem>>, vector<16xi32>,
        %shift_right_arithmetic3A_2218 = arith.constant 7 : i32
        %shift_right_arithmetic3A_2219 = vector.broadcast %shift_right_arithmetic3A_2218 : i32 to vector<16xi32>
        %shift_right_arithmetic3A_2220 = arith.shrsi %get3A_2217, %shift_right_arithmetic3A_2219 : vector<16xi32>
        %mul3A_2221 = arith.constant 128 : i32
        %mul3A_2222 = vector.broadcast %mul3A_2221 : i32 to vector<16xi32>
        %mul3A_2223 = arith.muli %shift_right_arithmetic3A_2220, %mul3A_2222 : vector<16xi32>
        %slice3A_2224 = vector.extract_strided_slice %mul3A_2223 {offsets = [0], sizes = [1], strides = [1]} : vector<16xi32> to vector<1xi32>
        %squeeze3A_2225 = vector.extract %slice3A_2224[0] : i32 from vector<1xi32>
        %multiple_of3A_2226 = tpu.assume_multiple %squeeze3A_2225, 128 : i32
        %dma_start3A_2227 = arith.constant 0 : i32
        %dma_start3A_2228 = arith.constant 0 : i32
        %dma_start3A_2229 = tpu.memref_slice %arg6[%select_n3A_2211, %dma_start3A_2227, %dma_start3A_2228] : memref<8x8x1024xf32, #tpu.memory_space<vmem>> -> memref<1x8x128xf32, #tpu.memory_space<vmem>>
        %dma_start3A_2230 = tpu.memref_squeeze %dma_start3A_2229 : memref<1x8x128xf32, #tpu.memory_space<vmem>> -> memref<8x128xf32, #tpu.memory_space<vmem>>
        %dma_start3A_2231 = tpu.memref_slice %arg2[%mul3A_0, %multiple_of3A_2226] : memref<16x1000000xf32, #tpu.memory_space<hbm>> -> memref<8x128xf32, #tpu.memory_space<hbm>>
        %dma_start3A_2232 = arith.constant 0 : i32
        %dma_start3A_2233 = arith.constant 0 : i32
        %dma_start3A_2234 = tpu.memref_slice %arg6[%select_n3A_2211, %dma_start3A_2232, %dma_start3A_2233] : memref<8x8x1024xf32, #tpu.memory_space<vmem>> -> memref<1x8x128xf32, #tpu.memory_space<vmem>>
        %dma_start3A_2235 = tpu.memref_squeeze %dma_start3A_2234 : memref<1x8x128xf32, #tpu.memory_space<vmem>> -> memref<8x128xf32, #tpu.memory_space<vmem>>
        %dma_start3A_2236 = tpu.memref_slice %arg2[%mul3A_0, %multiple_of3A_2226] : memref<16x1000000xf32, #tpu.memory_space<hbm>> -> memref<8x128xf32, #tpu.memory_space<hbm>>
        tpu.enqueue_dma source(%dma_start3A_2236 : memref<8x128xf32, #tpu.memory_space<hbm>>) target(%dma_start3A_2235 : memref<8x128xf32, #tpu.memory_space<vmem>>) target_semaphore(%arg8 : memref<!tpu.dma_semaphore, #tpu.memory_space<semaphore_mem>>)
        %slice3A_2237 = vector.extract_strided_slice %mul3A_2223 {offsets = [1], sizes = [1], strides = [1]} : vector<16xi32> to vector<1xi32>
        %squeeze3A_2238 = vector.extract %slice3A_2237[0] : i32 from vector<1xi32>
        %multiple_of3A_2239 = tpu.assume_multiple %squeeze3A_2238, 128 : i32
        %dma_start3A_2240 = arith.constant 0 : i32
        %dma_start3A_2241 = arith.constant 128 : i32
        %dma_start3A_2242 = tpu.memref_slice %arg6[%select_n3A_2211, %dma_start3A_2240, %dma_start3A_2241] : memref<8x8x1024xf32, #tpu.memory_space<vmem>> -> memref<1x8x128xf32, #tpu.memory_space<vmem>>
        %dma_start3A_2243 = tpu.memref_squeeze %dma_start3A_2242 : memref<1x8x128xf32, #tpu.memory_space<vmem>> -> memref<8x128xf32, #tpu.memory_space<vmem>>
        %dma_start3A_2244 = tpu.memref_slice %arg2[%mul3A_0, %multiple_of3A_2239] : memref<16x1000000xf32, #tpu.memory_space<hbm>> -> memref<8x128xf32, #tpu.memory_space<hbm>>
        %dma_start3A_2245 = arith.constant 0 : i32
        %dma_start3A_2246 = arith.constant 128 : i32
        %dma_start3A_2247 = tpu.memref_slice %arg6[%select_n3A_2211, %dma_start3A_2245, %dma_start3A_2246] : memref<8x8x1024xf32, #tpu.memory_space<vmem>> -> memref<1x8x128xf32, #tpu.memory_space<vmem>>
        %dma_start3A_2248 = tpu.memref_squeeze %dma_start3A_2247 : memref<1x8x128xf32, #tpu.memory_space<vmem>> -> memref<8x128xf32, #tpu.memory_space<vmem>>
        %dma_start3A_2249 = tpu.memref_slice %arg2[%mul3A_0, %multiple_of3A_2239] : memref<16x1000000xf32, #tpu.memory_space<hbm>> -> memref<8x128xf32, #tpu.memory_space<hbm>>
        tpu.enqueue_dma source(%dma_start3A_2249 : memref<8x128xf32, #tpu.memory_space<hbm>>) target(%dma_start3A_2248 : memref<8x128xf32, #tpu.memory_space<vmem>>) target_semaphore(%arg8 : memref<!tpu.dma_semaphore, #tpu.memory_space<semaphore_mem>>)
        %slice3A_2250 = vector.extract_strided_slice %mul3A_2223 {offsets = [2], sizes = [1], strides = [1]} : vector<16xi32> to vector<1xi32>
        %squeeze3A_2251 = vector.extract %slice3A_2250[0] : i32 from vector<1xi32>
        %multiple_of3A_2252 = tpu.assume_multiple %squeeze3A_2251, 128 : i32
        %dma_start3A_2253 = arith.constant 0 : i32
        %dma_start3A_2254 = arith.constant 256 : i32
        %dma_start3A_2255 = tpu.memref_slice %arg6[%select_n3A_2211, %dma_start3A_2253, %dma_start3A_2254] : memref<8x8x1024xf32, #tpu.memory_space<vmem>> -> memref<1x8x128xf32, #tpu.memory_space<vmem>>
        %dma_start3A_2256 = tpu.memref_squeeze %dma_start3A_2255 : memref<1x8x128xf32, #tpu.memory_space<vmem>> -> memref<8x128xf32, #tpu.memory_space<vmem>>
        %dma_start3A_2257 = tpu.memref_slice %arg2[%mul3A_0, %multiple_of3A_2252] : memref<16x1000000xf32, #tpu.memory_space<hbm>> -> memref<8x128xf32, #tpu.memory_space<hbm>>
        %dma_start3A_2258 = arith.constant 0 : i32
        %dma_start3A_2259 = arith.constant 256 : i32
        %dma_start3A_2260 = tpu.memref_slice %arg6[%select_n3A_2211, %dma_start3A_2258, %dma_start3A_2259] : memref<8x8x1024xf32, #tpu.memory_space<vmem>> -> memref<1x8x128xf32, #tpu.memory_space<vmem>>
        %dma_start3A_2261 = tpu.memref_squeeze %dma_start3A_2260 : memref<1x8x128xf32, #tpu.memory_space<vmem>> -> memref<8x128xf32, #tpu.memory_space<vmem>>
        %dma_start3A_2262 = tpu.memref_slice %arg2[%mul3A_0, %multiple_of3A_2252] : memref<16x1000000xf32, #tpu.memory_space<hbm>> -> memref<8x128xf32, #tpu.memory_space<hbm>>
        tpu.enqueue_dma source(%dma_start3A_2262 : memref<8x128xf32, #tpu.memory_space<hbm>>) target(%dma_start3A_2261 : memref<8x128xf32, #tpu.memory_space<vmem>>) target_semaphore(%arg8 : memref<!tpu.dma_semaphore, #tpu.memory_space<semaphore_mem>>)
        %slice3A_2263 = vector.extract_strided_slice %mul3A_2223 {offsets = [3], sizes = [1], strides = [1]} : vector<16xi32> to vector<1xi32>
        %squeeze3A_2264 = vector.extract %slice3A_2263[0] : i32 from vector<1xi32>
        %multiple_of3A_2265 = tpu.assume_multiple %squeeze3A_2264, 128 : i32
        %dma_start3A_2266 = arith.constant 0 : i32
        %dma_start3A_2267 = arith.constant 384 : i32
        %dma_start3A_2268 = tpu.memref_slice %arg6[%select_n3A_2211, %dma_start3A_2266, %dma_start3A_2267] : memref<8x8x1024xf32, #tpu.memory_space<vmem>> -> memref<1x8x128xf32, #tpu.memory_space<vmem>>
        %dma_start3A_2269 = tpu.memref_squeeze %dma_start3A_2268 : memref<1x8x128xf32, #tpu.memory_space<vmem>> -> memref<8x128xf32, #tpu.memory_space<vmem>>
        %dma_start3A_2270 = tpu.memref_slice %arg2[%mul3A_0, %multiple_of3A_2265] : memref<16x1000000xf32, #tpu.memory_space<hbm>> -> memref<8x128xf32, #tpu.memory_space<hbm>>
        %dma_start3A_2271 = arith.constant 0 : i32
        %dma_start3A_2272 = arith.constant 384 : i32
        %dma_start3A_2273 = tpu.memref_slice %arg6[%select_n3A_2211, %dma_start3A_2271, %dma_start3A_2272] : memref<8x8x1024xf32, #tpu.memory_space<vmem>> -> memref<1x8x128xf32, #tpu.memory_space<vmem>>
        %dma_start3A_2274 = tpu.memref_squeeze %dma_start3A_2273 : memref<1x8x128xf32, #tpu.memory_space<vmem>> -> memref<8x128xf32, #tpu.memory_space<vmem>>
        %dma_start3A_2275 = tpu.memref_slice %arg2[%mul3A_0, %multiple_of3A_2265] : memref<16x1000000xf32, #tpu.memory_space<hbm>> -> memref<8x128xf32, #tpu.memory_space<hbm>>
        tpu.enqueue_dma source(%dma_start3A_2275 : memref<8x128xf32, #tpu.memory_space<hbm>>) target(%dma_start3A_2274 : memref<8x128xf32, #tpu.memory_space<vmem>>) target_semaphore(%arg8 : memref<!tpu.dma_semaphore, #tpu.memory_space<semaphore_mem>>)
        %slice3A_2276 = vector.extract_strided_slice %mul3A_2223 {offsets = [4], sizes = [1], strides = [1]} : vector<16xi32> to vector<1xi32>
        %squeeze3A_2277 = vector.extract %slice3A_2276[0] : i32 from vector<1xi32>
        %multiple_of3A_2278 = tpu.assume_multiple %squeeze3A_2277, 128 : i32
        %dma_start3A_2279 = arith.constant 0 : i32
        %dma_start3A_2280 = arith.constant 512 : i32
        %dma_start3A_2281 = tpu.memref_slice %arg6[%select_n3A_2211, %dma_start3A_2279, %dma_start3A_2280] : memref<8x8x1024xf32, #tpu.memory_space<vmem>> -> memref<1x8x128xf32, #tpu.memory_space<vmem>>
        %dma_start3A_2282 = tpu.memref_squeeze %dma_start3A_2281 : memref<1x8x128xf32, #tpu.memory_space<vmem>> -> memref<8x128xf32, #tpu.memory_space<vmem>>
        %dma_start3A_2283 = tpu.memref_slice %arg2[%mul3A_0, %multiple_of3A_2278] : memref<16x1000000xf32, #tpu.memory_space<hbm>> -> memref<8x128xf32, #tpu.memory_space<hbm>>
        %dma_start3A_2284 = arith.constant 0 : i32
        %dma_start3A_2285 = arith.constant 512 : i32
        %dma_start3A_2286 = tpu.memref_slice %arg6[%select_n3A_2211, %dma_start3A_2284, %dma_start3A_2285] : memref<8x8x1024xf32, #tpu.memory_space<vmem>> -> memref<1x8x128xf32, #tpu.memory_space<vmem>>
        %dma_start3A_2287 = tpu.memref_squeeze %dma_start3A_2286 : memref<1x8x128xf32, #tpu.memory_space<vmem>> -> memref<8x128xf32, #tpu.memory_space<vmem>>
        %dma_start3A_2288 = tpu.memref_slice %arg2[%mul3A_0, %multiple_of3A_2278] : memref<16x1000000xf32, #tpu.memory_space<hbm>> -> memref<8x128xf32, #tpu.memory_space<hbm>>
        tpu.enqueue_dma source(%dma_start3A_2288 : memref<8x128xf32, #tpu.memory_space<hbm>>) target(%dma_start3A_2287 : memref<8x128xf32, #tpu.memory_space<vmem>>) target_semaphore(%arg8 : memref<!tpu.dma_semaphore, #tpu.memory_space<semaphore_mem>>)
        %slice3A_2289 = vector.extract_strided_slice %mul3A_2223 {offsets = [5], sizes = [1], strides = [1]} : vector<16xi32> to vector<1xi32>
        %squeeze3A_2290 = vector.extract %slice3A_2289[0] : i32 from vector<1xi32>
        %multiple_of3A_2291 = tpu.assume_multiple %squeeze3A_2290, 128 : i32
        %dma_start3A_2292 = arith.constant 0 : i32
        %dma_start3A_2293 = arith.constant 640 : i32
        %dma_start3A_2294 = tpu.memref_slice %arg6[%select_n3A_2211, %dma_start3A_2292, %dma_start3A_2293] : memref<8x8x1024xf32, #tpu.memory_space<vmem>> -> memref<1x8x128xf32, #tpu.memory_space<vmem>>
        %dma_start3A_2295 = tpu.memref_squeeze %dma_start3A_2294 : memref<1x8x128xf32, #tpu.memory_space<vmem>> -> memref<8x128xf32, #tpu.memory_space<vmem>>
        %dma_start3A_2296 = tpu.memref_slice %arg2[%mul3A_0, %multiple_of3A_2291] : memref<16x1000000xf32, #tpu.memory_space<hbm>> -> memref<8x128xf32, #tpu.memory_space<hbm>>
        %dma_start3A_2297 = arith.constant 0 : i32
        %dma_start3A_2298 = arith.constant 640 : i32
        %dma_start3A_2299 = tpu.memref_slice %arg6[%select_n3A_2211, %dma_start3A_2297, %dma_start3A_2298] : memref<8x8x1024xf32, #tpu.memory_space<vmem>> -> memref<1x8x128xf32, #tpu.memory_space<vmem>>
        %dma_start3A_2300 = tpu.memref_squeeze %dma_start3A_2299 : memref<1x8x128xf32, #tpu.memory_space<vmem>> -> memref<8x128xf32, #tpu.memory_space<vmem>>
        %dma_start3A_2301 = tpu.memref_slice %arg2[%mul3A_0, %multiple_of3A_2291] : memref<16x1000000xf32, #tpu.memory_space<hbm>> -> memref<8x128xf32, #tpu.memory_space<hbm>>
        tpu.enqueue_dma source(%dma_start3A_2301 : memref<8x128xf32, #tpu.memory_space<hbm>>) target(%dma_start3A_2300 : memref<8x128xf32, #tpu.memory_space<vmem>>) target_semaphore(%arg8 : memref<!tpu.dma_semaphore, #tpu.memory_space<semaphore_mem>>)
        %slice3A_2302 = vector.extract_strided_slice %mul3A_2223 {offsets = [6], sizes = [1], strides = [1]} : vector<16xi32> to vector<1xi32>
        %squeeze3A_2303 = vector.extract %slice3A_2302[0] : i32 from vector<1xi32>
        %multiple_of3A_2304 = tpu.assume_multiple %squeeze3A_2303, 128 : i32
        %dma_start3A_2305 = arith.constant 0 : i32
        %dma_start3A_2306 = arith.constant 768 : i32
        %dma_start3A_2307 = tpu.memref_slice %arg6[%select_n3A_2211, %dma_start3A_2305, %dma_start3A_2306] : memref<8x8x1024xf32, #tpu.memory_space<vmem>> -> memref<1x8x128xf32, #tpu.memory_space<vmem>>
        %dma_start3A_2308 = tpu.memref_squeeze %dma_start3A_2307 : memref<1x8x128xf32, #tpu.memory_space<vmem>> -> memref<8x128xf32, #tpu.memory_space<vmem>>
        %dma_start3A_2309 = tpu.memref_slice %arg2[%mul3A_0, %multiple_of3A_2304] : memref<16x1000000xf32, #tpu.memory_space<hbm>> -> memref<8x128xf32, #tpu.memory_space<hbm>>
        %dma_start3A_2310 = arith.constant 0 : i32
        %dma_start3A_2311 = arith.constant 768 : i32
        %dma_start3A_2312 = tpu.memref_slice %arg6[%select_n3A_2211, %dma_start3A_2310, %dma_start3A_2311] : memref<8x8x1024xf32, #tpu.memory_space<vmem>> -> memref<1x8x128xf32, #tpu.memory_space<vmem>>
        %dma_start3A_2313 = tpu.memref_squeeze %dma_start3A_2312 : memref<1x8x128xf32, #tpu.memory_space<vmem>> -> memref<8x128xf32, #tpu.memory_space<vmem>>
        %dma_start3A_2314 = tpu.memref_slice %arg2[%mul3A_0, %multiple_of3A_2304] : memref<16x1000000xf32, #tpu.memory_space<hbm>> -> memref<8x128xf32, #tpu.memory_space<hbm>>
        tpu.enqueue_dma source(%dma_start3A_2314 : memref<8x128xf32, #tpu.memory_space<hbm>>) target(%dma_start3A_2313 : memref<8x128xf32, #tpu.memory_space<vmem>>) target_semaphore(%arg8 : memref<!tpu.dma_semaphore, #tpu.memory_space<semaphore_mem>>)
        %slice3A_2315 = vector.extract_strided_slice %mul3A_2223 {offsets = [7], sizes = [1], strides = [1]} : vector<16xi32> to vector<1xi32>
        %squeeze3A_2316 = vector.extract %slice3A_2315[0] : i32 from vector<1xi32>
        %multiple_of3A_2317 = tpu.assume_multiple %squeeze3A_2316, 128 : i32
        %dma_start3A_2318 = arith.constant 0 : i32
        %dma_start3A_2319 = arith.constant 896 : i32
        %dma_start3A_2320 = tpu.memref_slice %arg6[%select_n3A_2211, %dma_start3A_2318, %dma_start3A_2319] : memref<8x8x1024xf32, #tpu.memory_space<vmem>> -> memref<1x8x128xf32, #tpu.memory_space<vmem>>
        %dma_start3A_2321 = tpu.memref_squeeze %dma_start3A_2320 : memref<1x8x128xf32, #tpu.memory_space<vmem>> -> memref<8x128xf32, #tpu.memory_space<vmem>>
        %dma_start3A_2322 = tpu.memref_slice %arg2[%mul3A_0, %multiple_of3A_2317] : memref<16x1000000xf32, #tpu.memory_space<hbm>> -> memref<8x128xf32, #tpu.memory_space<hbm>>
        %dma_start3A_2323 = arith.constant 0 : i32
        %dma_start3A_2324 = arith.constant 896 : i32
        %dma_start3A_2325 = tpu.memref_slice %arg6[%select_n3A_2211, %dma_start3A_2323, %dma_start3A_2324] : memref<8x8x1024xf32, #tpu.memory_space<vmem>> -> memref<1x8x128xf32, #tpu.memory_space<vmem>>
        %dma_start3A_2326 = tpu.memref_squeeze %dma_start3A_2325 : memref<1x8x128xf32, #tpu.memory_space<vmem>> -> memref<8x128xf32, #tpu.memory_space<vmem>>
        %dma_start3A_2327 = tpu.memref_slice %arg2[%mul3A_0, %multiple_of3A_2317] : memref<16x1000000xf32, #tpu.memory_space<hbm>> -> memref<8x128xf32, #tpu.memory_space<hbm>>
        tpu.enqueue_dma source(%dma_start3A_2327 : memref<8x128xf32, #tpu.memory_space<hbm>>) target(%dma_start3A_2326 : memref<8x128xf32, #tpu.memory_space<vmem>>) target_semaphore(%arg8 : memref<!tpu.dma_semaphore, #tpu.memory_space<semaphore_mem>>)
      } else {
      }
      %add3A_1113 = arith.constant 1 : i32
      %add3A_1114 = arith.addi %mul3A_970, %add3A_1113 : i32
      %jit3A_1115 = arith.constant 8 : i32
      %eq3A_1116 = arith.constant 0 : i32
      %eq3A_1117 = arith.cmpi eq, %jit3A_1115, %eq3A_1116 : i32
      %jit3A_1118 = arith.constant 1 : i32
      %select_n3A_1119 = arith.select %eq3A_1117, %jit3A_1118, %jit3A_1115 : i32
      %rem3A_1120 = arith.remsi %add3A_1114, %select_n3A_1119 : i32
      %ne3A_1121 = arith.constant 0 : i32
      %ne3A_1122 = arith.cmpi ne, %rem3A_1120, %ne3A_1121 : i32
      %lt3A_1123 = arith.constant 0 : i32
      %lt3A_1124 = arith.cmpi slt, %rem3A_1120, %lt3A_1123 : i32
      %lt3A_1125 = arith.constant 0 : i32
      %lt3A_1126 = arith.cmpi slt, %select_n3A_1119, %lt3A_1125 : i32
      %ne3A_1127 = arith.xori %lt3A_1124, %lt3A_1126 : i1
      %and3A_1128 = arith.andi %ne3A_1127, %ne3A_1122 : i1
      %add3A_1129 = arith.addi %rem3A_1120, %select_n3A_1119 : i32
      %select_n3A_1130 = arith.select %and3A_1128, %add3A_1129, %rem3A_1120 : i32
      %dma_wait3A_1131 = arith.constant 0 : i32
      %dma_wait3A_1132 = arith.constant 0 : i32
      %dma_wait3A_1133 = tpu.memref_slice %arg6[%select_n3A_1130, %dma_wait3A_1131, %dma_wait3A_1132] : memref<8x8x1024xf32, #tpu.memory_space<vmem>> -> memref<1x8x1024xf32, #tpu.memory_space<vmem>>
      %dma_wait3A_1134 = tpu.memref_squeeze %dma_wait3A_1133 : memref<1x8x1024xf32, #tpu.memory_space<vmem>> -> memref<8x1024xf32, #tpu.memory_space<vmem>>
      %dma_wait3A_1135 = arith.constant 0 : i32
      %dma_wait3A_1136 = arith.constant 0 : i32
      %dma_wait3A_1137 = tpu.memref_slice %arg2[%dma_wait3A_1135, %dma_wait3A_1136] : memref<16x1000000xf32, #tpu.memory_space<hbm>> -> memref<8x1024xf32, #tpu.memory_space<hbm>>
      %dma_wait3A_1138 = arith.constant 0 : i32
      %dma_wait3A_1139 = arith.constant 0 : i32
      %dma_wait3A_1140 = tpu.memref_slice %arg6[%select_n3A_1130, %dma_wait3A_1138, %dma_wait3A_1139] : memref<8x8x1024xf32, #tpu.memory_space<vmem>> -> memref<1x8x1024xf32, #tpu.memory_space<vmem>>
      %dma_wait3A_1141 = tpu.memref_squeeze %dma_wait3A_1140 : memref<1x8x1024xf32, #tpu.memory_space<vmem>> -> memref<8x1024xf32, #tpu.memory_space<vmem>>
      %dma_wait3A_1142 = arith.constant 0 : i32
      %dma_wait3A_1143 = arith.constant 0 : i32
      %dma_wait3A_1144 = tpu.memref_slice %arg2[%dma_wait3A_1142, %dma_wait3A_1143] : memref<16x1000000xf32, #tpu.memory_space<hbm>> -> memref<8x1024xf32, #tpu.memory_space<hbm>>
      tpu.wait_dma2 semaphore(%arg9 : memref<!tpu.dma_semaphore, #tpu.memory_space<semaphore_mem>>) src(%dma_wait3A_1144 : memref<8x1024xf32, #tpu.memory_space<hbm>>) dst(%dma_wait3A_1141 : memref<8x1024xf32, #tpu.memory_space<vmem>>)
      %mul3A_1145 = arith.constant 8 : i32
      %mul3A_1146 = arith.muli %add3A_1114, %mul3A_1145 : i32
      %add3A_1147 = arith.constant 0 : i32
      %add3A_1148 = arith.addi %mul3A_1146, %add3A_1147 : i32
      %get3A_1149 = arith.index_cast %add3A_1148 : i32 to index
      %get3A_1150 = tpu.vector_load %arg5[%get3A_1149] {strides = array<i32>} : memref<1040xi32, #tpu.memory_space<vmem>>, vector<16xi32>,
      %and3A_1151 = arith.constant 127 : i32
      %and3A_1152 = vector.broadcast %and3A_1151 : i32 to vector<16xi32>
      %and3A_1153 = arith.andi %get3A_1150, %and3A_1152 : vector<16xi32>
      %mul3A_1154 = arith.constant 8 : i32
      %mul3A_1155 = arith.muli %add3A_1114, %mul3A_1154 : i32
      %add3A_1156 = arith.constant 0 : i32
      %add3A_1157 = arith.addi %mul3A_1155, %add3A_1156 : i32
      %add3A_1158 = arith.constant 0 : i32
      %add3A_1159 = arith.addi %add3A_1157, %add3A_1158 : i32
      %broadcast_in_dim3A_1160 = vector.broadcast %select_n3A_1130 : i32 to vector<16xi32>
      %broadcast_in_dim3A_1161 = arith.constant 128 : i32
      %broadcast_in_dim3A_1162 = vector.broadcast %broadcast_in_dim3A_1161 : i32 to vector<16xi32>
      %slice3A_1163 = vector.extract_strided_slice %and3A_1153 {offsets = [1], sizes = [1], strides = [1]} : vector<16xi32> to vector<1xi32>
      %squeeze3A_1164 = vector.extract %slice3A_1163[0] : i32 from vector<1xi32>
      %add3A_1165 = vector.broadcast %squeeze3A_1164 : i32 to vector<16xi32>
      %add3A_1166 = arith.addi %broadcast_in_dim3A_1162, %add3A_1165 : vector<16xi32>
      %broadcast_in_dim3A_1167 = arith.constant 0 : i32
      %broadcast_in_dim3A_1168 = vector.broadcast %broadcast_in_dim3A_1167 : i32 to vector<16xi32>
      %slice3A_1169 = vector.extract_strided_slice %and3A_1153 {offsets = [0], sizes = [1], strides = [1]} : vector<16xi32> to vector<1xi32>
      %squeeze3A_1170 = vector.extract %slice3A_1169[0] : i32 from vector<1xi32>
      %add3A_1171 = vector.broadcast %squeeze3A_1170 : i32 to vector<16xi32>
      %add3A_1172 = arith.addi %broadcast_in_dim3A_1168, %add3A_1171 : vector<16xi32>
      %select_n3A_1173 = arith.select %ge3A_6, %add3A_1166, %add3A_1172 : vector<16xi1>, vector<16xi32>
      %add3A_1174 = arith.constant 1 : i32
      %add3A_1175 = arith.addi %add3A_1159, %add3A_1174 : i32
      %broadcast_in_dim3A_1176 = vector.broadcast %add3A_1175 : i32 to vector<16xi32>
      %broadcast_in_dim3A_1177 = vector.broadcast %add3A_1159 : i32 to vector<16xi32>
      %select_n3A_1178 = arith.select %ge3A_6, %broadcast_in_dim3A_1176, %broadcast_in_dim3A_1177 : vector<16xi1>, vector<16xi32>
      %gather3A_1179 = tpu.vector_load_idx %arg6[%broadcast_in_dim3A_1160, %and3A_4, %select_n3A_1173] : memref<8x8x1024xf32, #tpu.memory_space<vmem>>[vector<16xi32>, vector<16xi32>, vector<16xi32>], vector<16xf32>,
      tpu.vector_store_idx %arg7[%and3A_4, %select_n3A_1178], %gather3A_1179 : memref<8x1024xf32, #tpu.memory_space<vmem>>[vector<16xi32>, vector<16xi32>], vector<16xf32>,
      %mul3A_1180 = arith.constant 8 : i32
      %mul3A_1181 = arith.muli %add3A_1114, %mul3A_1180 : i32
      %add3A_1182 = arith.constant 0 : i32
      %add3A_1183 = arith.addi %mul3A_1181, %add3A_1182 : i32
      %add3A_1184 = arith.constant 2 : i32
      %add3A_1185 = arith.addi %add3A_1183, %add3A_1184 : i32
      %broadcast_in_dim3A_1186 = vector.broadcast %select_n3A_1130 : i32 to vector<16xi32>
      %broadcast_in_dim3A_1187 = arith.constant 384 : i32
      %broadcast_in_dim3A_1188 = vector.broadcast %broadcast_in_dim3A_1187 : i32 to vector<16xi32>
      %slice3A_1189 = vector.extract_strided_slice %and3A_1153 {offsets = [3], sizes = [1], strides = [1]} : vector<16xi32> to vector<1xi32>
      %squeeze3A_1190 = vector.extract %slice3A_1189[0] : i32 from vector<1xi32>
      %add3A_1191 = vector.broadcast %squeeze3A_1190 : i32 to vector<16xi32>
      %add3A_1192 = arith.addi %broadcast_in_dim3A_1188, %add3A_1191 : vector<16xi32>
      %broadcast_in_dim3A_1193 = arith.constant 256 : i32
      %broadcast_in_dim3A_1194 = vector.broadcast %broadcast_in_dim3A_1193 : i32 to vector<16xi32>
      %slice3A_1195 = vector.extract_strided_slice %and3A_1153 {offsets = [2], sizes = [1], strides = [1]} : vector<16xi32> to vector<1xi32>
      %squeeze3A_1196 = vector.extract %slice3A_1195[0] : i32 from vector<1xi32>
      %add3A_1197 = vector.broadcast %squeeze3A_1196 : i32 to vector<16xi32>
      %add3A_1198 = arith.addi %broadcast_in_dim3A_1194, %add3A_1197 : vector<16xi32>
      %select_n3A_1199 = arith.select %ge3A_6, %add3A_1192, %add3A_1198 : vector<16xi1>, vector<16xi32>
      %add3A_1200 = arith.constant 1 : i32
      %add3A_1201 = arith.addi %add3A_1185, %add3A_1200 : i32
      %broadcast_in_dim3A_1202 = vector.broadcast %add3A_1201 : i32 to vector<16xi32>
      %broadcast_in_dim3A_1203 = vector.broadcast %add3A_1185 : i32 to vector<16xi32>
      %select_n3A_1204 = arith.select %ge3A_6, %broadcast_in_dim3A_1202, %broadcast_in_dim3A_1203 : vector<16xi1>, vector<16xi32>
      %gather3A_1205 = tpu.vector_load_idx %arg6[%broadcast_in_dim3A_1186, %and3A_4, %select_n3A_1199] : memref<8x8x1024xf32, #tpu.memory_space<vmem>>[vector<16xi32>, vector<16xi32>, vector<16xi32>], vector<16xf32>,
      tpu.vector_store_idx %arg7[%and3A_4, %select_n3A_1204], %gather3A_1205 : memref<8x1024xf32, #tpu.memory_space<vmem>>[vector<16xi32>, vector<16xi32>], vector<16xf32>,
      %mul3A_1206 = arith.constant 8 : i32
      %mul3A_1207 = arith.muli %add3A_1114, %mul3A_1206 : i32
      %add3A_1208 = arith.constant 0 : i32
      %add3A_1209 = arith.addi %mul3A_1207, %add3A_1208 : i32
      %add3A_1210 = arith.constant 4 : i32
      %add3A_1211 = arith.addi %add3A_1209, %add3A_1210 : i32
      %broadcast_in_dim3A_1212 = vector.broadcast %select_n3A_1130 : i32 to vector<16xi32>
      %broadcast_in_dim3A_1213 = arith.constant 640 : i32
      %broadcast_in_dim3A_1214 = vector.broadcast %broadcast_in_dim3A_1213 : i32 to vector<16xi32>
      %slice3A_1215 = vector.extract_strided_slice %and3A_1153 {offsets = [5], sizes = [1], strides = [1]} : vector<16xi32> to vector<1xi32>
      %squeeze3A_1216 = vector.extract %slice3A_1215[0] : i32 from vector<1xi32>
      %add3A_1217 = vector.broadcast %squeeze3A_1216 : i32 to vector<16xi32>
      %add3A_1218 = arith.addi %broadcast_in_dim3A_1214, %add3A_1217 : vector<16xi32>
      %broadcast_in_dim3A_1219 = arith.constant 512 : i32
      %broadcast_in_dim3A_1220 = vector.broadcast %broadcast_in_dim3A_1219 : i32 to vector<16xi32>
      %slice3A_1221 = vector.extract_strided_slice %and3A_1153 {offsets = [4], sizes = [1], strides = [1]} : vector<16xi32> to vector<1xi32>
      %squeeze3A_1222 = vector.extract %slice3A_1221[0] : i32 from vector<1xi32>
      %add3A_1223 = vector.broadcast %squeeze3A_1222 : i32 to vector<16xi32>
      %add3A_1224 = arith.addi %broadcast_in_dim3A_1220, %add3A_1223 : vector<16xi32>
      %select_n3A_1225 = arith.select %ge3A_6, %add3A_1218, %add3A_1224 : vector<16xi1>, vector<16xi32>
      %add3A_1226 = arith.constant 1 : i32
      %add3A_1227 = arith.addi %add3A_1211, %add3A_1226 : i32
      %broadcast_in_dim3A_1228 = vector.broadcast %add3A_1227 : i32 to vector<16xi32>
      %broadcast_in_dim3A_1229 = vector.broadcast %add3A_1211 : i32 to vector<16xi32>
      %select_n3A_1230 = arith.select %ge3A_6, %broadcast_in_dim3A_1228, %broadcast_in_dim3A_1229 : vector<16xi1>, vector<16xi32>
      %gather3A_1231 = tpu.vector_load_idx %arg6[%broadcast_in_dim3A_1212, %and3A_4, %select_n3A_1225] : memref<8x8x1024xf32, #tpu.memory_space<vmem>>[vector<16xi32>, vector<16xi32>, vector<16xi32>], vector<16xf32>,
      tpu.vector_store_idx %arg7[%and3A_4, %select_n3A_1230], %gather3A_1231 : memref<8x1024xf32, #tpu.memory_space<vmem>>[vector<16xi32>, vector<16xi32>], vector<16xf32>,
      %mul3A_1232 = arith.constant 8 : i32
      %mul3A_1233 = arith.muli %add3A_1114, %mul3A_1232 : i32
      %add3A_1234 = arith.constant 0 : i32
      %add3A_1235 = arith.addi %mul3A_1233, %add3A_1234 : i32
      %add3A_1236 = arith.constant 6 : i32
      %add3A_1237 = arith.addi %add3A_1235, %add3A_1236 : i32
      %broadcast_in_dim3A_1238 = vector.broadcast %select_n3A_1130 : i32 to vector<16xi32>
      %broadcast_in_dim3A_1239 = arith.constant 896 : i32
      %broadcast_in_dim3A_1240 = vector.broadcast %broadcast_in_dim3A_1239 : i32 to vector<16xi32>
      %slice3A_1241 = vector.extract_strided_slice %and3A_1153 {offsets = [7], sizes = [1], strides = [1]} : vector<16xi32> to vector<1xi32>
      %squeeze3A_1242 = vector.extract %slice3A_1241[0] : i32 from vector<1xi32>
      %add3A_1243 = vector.broadcast %squeeze3A_1242 : i32 to vector<16xi32>
      %add3A_1244 = arith.addi %broadcast_in_dim3A_1240, %add3A_1243 : vector<16xi32>
      %broadcast_in_dim3A_1245 = arith.constant 768 : i32
      %broadcast_in_dim3A_1246 = vector.broadcast %broadcast_in_dim3A_1245 : i32 to vector<16xi32>
      %slice3A_1247 = vector.extract_strided_slice %and3A_1153 {offsets = [6], sizes = [1], strides = [1]} : vector<16xi32> to vector<1xi32>
      %squeeze3A_1248 = vector.extract %slice3A_1247[0] : i32 from vector<1xi32>
      %add3A_1249 = vector.broadcast %squeeze3A_1248 : i32 to vector<16xi32>
      %add3A_1250 = arith.addi %broadcast_in_dim3A_1246, %add3A_1249 : vector<16xi32>
      %select_n3A_1251 = arith.select %ge3A_6, %add3A_1244, %add3A_1250 : vector<16xi1>, vector<16xi32>
      %add3A_1252 = arith.constant 1 : i32
      %add3A_1253 = arith.addi %add3A_1237, %add3A_1252 : i32
      %broadcast_in_dim3A_1254 = vector.broadcast %add3A_1253 : i32 to vector<16xi32>
      %broadcast_in_dim3A_1255 = vector.broadcast %add3A_1237 : i32 to vector<16xi32>
      %select_n3A_1256 = arith.select %ge3A_6, %broadcast_in_dim3A_1254, %broadcast_in_dim3A_1255 : vector<16xi1>, vector<16xi32>
      %gather3A_1257 = tpu.vector_load_idx %arg6[%broadcast_in_dim3A_1238, %and3A_4, %select_n3A_1251] : memref<8x8x1024xf32, #tpu.memory_space<vmem>>[vector<16xi32>, vector<16xi32>, vector<16xi32>], vector<16xf32>,
      tpu.vector_store_idx %arg7[%and3A_4, %select_n3A_1256], %gather3A_1257 : memref<8x1024xf32, #tpu.memory_space<vmem>>[vector<16xi32>, vector<16xi32>], vector<16xf32>,
      %add3A_1258 = arith.constant 1 : i32
      %add3A_1259 = arith.addi %mul3A_970, %add3A_1258 : i32
      %add3A_1260 = arith.constant 8 : i32
      %add3A_1261 = arith.addi %add3A_1259, %add3A_1260 : i32
      %lt3A_1262 = arith.constant 128 : i32
      %lt3A_1263 = arith.cmpi slt, %add3A_1261, %lt3A_1262 : i32
      %convert_element_type3A_1264 = arith.extui %lt3A_1263 : i1 to i32
      %cond3A_1265 = arith.constant 0 : i32
      %cond3A_1266 = arith.cmpi ne, %convert_element_type3A_1264, %cond3A_1265 : i32
      scf.if %cond3A_1266 {
        %add3A_2192 = arith.constant 1 : i32
        %add3A_2193 = arith.addi %mul3A_970, %add3A_2192 : i32
        %add3A_2194 = arith.constant 8 : i32
        %add3A_2195 = arith.addi %add3A_2193, %add3A_2194 : i32
        %jit3A_2196 = arith.constant 8 : i32
        %eq3A_2197 = arith.constant 0 : i32
        %eq3A_2198 = arith.cmpi eq, %jit3A_2196, %eq3A_2197 : i32
        %jit3A_2199 = arith.constant 1 : i32
        %select_n3A_2200 = arith.select %eq3A_2198, %jit3A_2199, %jit3A_2196 : i32
        %rem3A_2201 = arith.remsi %add3A_2195, %select_n3A_2200 : i32
        %ne3A_2202 = arith.constant 0 : i32
        %ne3A_2203 = arith.cmpi ne, %rem3A_2201, %ne3A_2202 : i32
        %lt3A_2204 = arith.constant 0 : i32
        %lt3A_2205 = arith.cmpi slt, %rem3A_2201, %lt3A_2204 : i32
        %lt3A_2206 = arith.constant 0 : i32
        %lt3A_2207 = arith.cmpi slt, %select_n3A_2200, %lt3A_2206 : i32
        %ne3A_2208 = arith.xori %lt3A_2205, %lt3A_2207 : i1
        %and3A_2209 = arith.andi %ne3A_2208, %ne3A_2203 : i1
        %add3A_2210 = arith.addi %rem3A_2201, %select_n3A_2200 : i32
        %select_n3A_2211 = arith.select %and3A_2209, %add3A_2210, %rem3A_2201 : i32
        %mul3A_2212 = arith.constant 8 : i32
        %mul3A_2213 = arith.muli %add3A_2195, %mul3A_2212 : i32
        %add3A_2214 = arith.constant 0 : i32
        %add3A_2215 = arith.addi %mul3A_2213, %add3A_2214 : i32
        %get3A_2216 = arith.index_cast %add3A_2215 : i32 to index
        %get3A_2217 = tpu.vector_load %arg5[%get3A_2216] {strides = array<i32>} : memref<1040xi32, #tpu.memory_space<vmem>>, vector<16xi32>,
        %shift_right_arithmetic3A_2218 = arith.constant 7 : i32
        %shift_right_arithmetic3A_2219 = vector.broadcast %shift_right_arithmetic3A_2218 : i32 to vector<16xi32>
        %shift_right_arithmetic3A_2220 = arith.shrsi %get3A_2217, %shift_right_arithmetic3A_2219 : vector<16xi32>
        %mul3A_2221 = arith.constant 128 : i32
        %mul3A_2222 = vector.broadcast %mul3A_2221 : i32 to vector<16xi32>
        %mul3A_2223 = arith.muli %shift_right_arithmetic3A_2220, %mul3A_2222 : vector<16xi32>
        %slice3A_2224 = vector.extract_strided_slice %mul3A_2223 {offsets = [0], sizes = [1], strides = [1]} : vector<16xi32> to vector<1xi32>
        %squeeze3A_2225 = vector.extract %slice3A_2224[0] : i32 from vector<1xi32>
        %multiple_of3A_2226 = tpu.assume_multiple %squeeze3A_2225, 128 : i32
        %dma_start3A_2227 = arith.constant 0 : i32
        %dma_start3A_2228 = arith.constant 0 : i32
        %dma_start3A_2229 = tpu.memref_slice %arg6[%select_n3A_2211, %dma_start3A_2227, %dma_start3A_2228] : memref<8x8x1024xf32, #tpu.memory_space<vmem>> -> memref<1x8x128xf32, #tpu.memory_space<vmem>>
        %dma_start3A_2230 = tpu.memref_squeeze %dma_start3A_2229 : memref<1x8x128xf32, #tpu.memory_space<vmem>> -> memref<8x128xf32, #tpu.memory_space<vmem>>
        %dma_start3A_2231 = tpu.memref_slice %arg2[%mul3A_0, %multiple_of3A_2226] : memref<16x1000000xf32, #tpu.memory_space<hbm>> -> memref<8x128xf32, #tpu.memory_space<hbm>>
        %dma_start3A_2232 = arith.constant 0 : i32
        %dma_start3A_2233 = arith.constant 0 : i32
        %dma_start3A_2234 = tpu.memref_slice %arg6[%select_n3A_2211, %dma_start3A_2232, %dma_start3A_2233] : memref<8x8x1024xf32, #tpu.memory_space<vmem>> -> memref<1x8x128xf32, #tpu.memory_space<vmem>>
        %dma_start3A_2235 = tpu.memref_squeeze %dma_start3A_2234 : memref<1x8x128xf32, #tpu.memory_space<vmem>> -> memref<8x128xf32, #tpu.memory_space<vmem>>
        %dma_start3A_2236 = tpu.memref_slice %arg2[%mul3A_0, %multiple_of3A_2226] : memref<16x1000000xf32, #tpu.memory_space<hbm>> -> memref<8x128xf32, #tpu.memory_space<hbm>>
        tpu.enqueue_dma source(%dma_start3A_2236 : memref<8x128xf32, #tpu.memory_space<hbm>>) target(%dma_start3A_2235 : memref<8x128xf32, #tpu.memory_space<vmem>>) target_semaphore(%arg9 : memref<!tpu.dma_semaphore, #tpu.memory_space<semaphore_mem>>)
        %slice3A_2237 = vector.extract_strided_slice %mul3A_2223 {offsets = [1], sizes = [1], strides = [1]} : vector<16xi32> to vector<1xi32>
        %squeeze3A_2238 = vector.extract %slice3A_2237[0] : i32 from vector<1xi32>
        %multiple_of3A_2239 = tpu.assume_multiple %squeeze3A_2238, 128 : i32
        %dma_start3A_2240 = arith.constant 0 : i32
        %dma_start3A_2241 = arith.constant 128 : i32
        %dma_start3A_2242 = tpu.memref_slice %arg6[%select_n3A_2211, %dma_start3A_2240, %dma_start3A_2241] : memref<8x8x1024xf32, #tpu.memory_space<vmem>> -> memref<1x8x128xf32, #tpu.memory_space<vmem>>
        %dma_start3A_2243 = tpu.memref_squeeze %dma_start3A_2242 : memref<1x8x128xf32, #tpu.memory_space<vmem>> -> memref<8x128xf32, #tpu.memory_space<vmem>>
        %dma_start3A_2244 = tpu.memref_slice %arg2[%mul3A_0, %multiple_of3A_2239] : memref<16x1000000xf32, #tpu.memory_space<hbm>> -> memref<8x128xf32, #tpu.memory_space<hbm>>
        %dma_start3A_2245 = arith.constant 0 : i32
        %dma_start3A_2246 = arith.constant 128 : i32
        %dma_start3A_2247 = tpu.memref_slice %arg6[%select_n3A_2211, %dma_start3A_2245, %dma_start3A_2246] : memref<8x8x1024xf32, #tpu.memory_space<vmem>> -> memref<1x8x128xf32, #tpu.memory_space<vmem>>
        %dma_start3A_2248 = tpu.memref_squeeze %dma_start3A_2247 : memref<1x8x128xf32, #tpu.memory_space<vmem>> -> memref<8x128xf32, #tpu.memory_space<vmem>>
        %dma_start3A_2249 = tpu.memref_slice %arg2[%mul3A_0, %multiple_of3A_2239] : memref<16x1000000xf32, #tpu.memory_space<hbm>> -> memref<8x128xf32, #tpu.memory_space<hbm>>
        tpu.enqueue_dma source(%dma_start3A_2249 : memref<8x128xf32, #tpu.memory_space<hbm>>) target(%dma_start3A_2248 : memref<8x128xf32, #tpu.memory_space<vmem>>) target_semaphore(%arg9 : memref<!tpu.dma_semaphore, #tpu.memory_space<semaphore_mem>>)
        %slice3A_2250 = vector.extract_strided_slice %mul3A_2223 {offsets = [2], sizes = [1], strides = [1]} : vector<16xi32> to vector<1xi32>
        %squeeze3A_2251 = vector.extract %slice3A_2250[0] : i32 from vector<1xi32>
        %multiple_of3A_2252 = tpu.assume_multiple %squeeze3A_2251, 128 : i32
        %dma_start3A_2253 = arith.constant 0 : i32
        %dma_start3A_2254 = arith.constant 256 : i32
        %dma_start3A_2255 = tpu.memref_slice %arg6[%select_n3A_2211, %dma_start3A_2253, %dma_start3A_2254] : memref<8x8x1024xf32, #tpu.memory_space<vmem>> -> memref<1x8x128xf32, #tpu.memory_space<vmem>>
        %dma_start3A_2256 = tpu.memref_squeeze %dma_start3A_2255 : memref<1x8x128xf32, #tpu.memory_space<vmem>> -> memref<8x128xf32, #tpu.memory_space<vmem>>
        %dma_start3A_2257 = tpu.memref_slice %arg2[%mul3A_0, %multiple_of3A_2252] : memref<16x1000000xf32, #tpu.memory_space<hbm>> -> memref<8x128xf32, #tpu.memory_space<hbm>>
        %dma_start3A_2258 = arith.constant 0 : i32
        %dma_start3A_2259 = arith.constant 256 : i32
        %dma_start3A_2260 = tpu.memref_slice %arg6[%select_n3A_2211, %dma_start3A_2258, %dma_start3A_2259] : memref<8x8x1024xf32, #tpu.memory_space<vmem>> -> memref<1x8x128xf32, #tpu.memory_space<vmem>>
        %dma_start3A_2261 = tpu.memref_squeeze %dma_start3A_2260 : memref<1x8x128xf32, #tpu.memory_space<vmem>> -> memref<8x128xf32, #tpu.memory_space<vmem>>
        %dma_start3A_2262 = tpu.memref_slice %arg2[%mul3A_0, %multiple_of3A_2252] : memref<16x1000000xf32, #tpu.memory_space<hbm>> -> memref<8x128xf32, #tpu.memory_space<hbm>>
        tpu.enqueue_dma source(%dma_start3A_2262 : memref<8x128xf32, #tpu.memory_space<hbm>>) target(%dma_start3A_2261 : memref<8x128xf32, #tpu.memory_space<vmem>>) target_semaphore(%arg9 : memref<!tpu.dma_semaphore, #tpu.memory_space<semaphore_mem>>)
        %slice3A_2263 = vector.extract_strided_slice %mul3A_2223 {offsets = [3], sizes = [1], strides = [1]} : vector<16xi32> to vector<1xi32>
        %squeeze3A_2264 = vector.extract %slice3A_2263[0] : i32 from vector<1xi32>
        %multiple_of3A_2265 = tpu.assume_multiple %squeeze3A_2264, 128 : i32
        %dma_start3A_2266 = arith.constant 0 : i32
        %dma_start3A_2267 = arith.constant 384 : i32
        %dma_start3A_2268 = tpu.memref_slice %arg6[%select_n3A_2211, %dma_start3A_2266, %dma_start3A_2267] : memref<8x8x1024xf32, #tpu.memory_space<vmem>> -> memref<1x8x128xf32, #tpu.memory_space<vmem>>
        %dma_start3A_2269 = tpu.memref_squeeze %dma_start3A_2268 : memref<1x8x128xf32, #tpu.memory_space<vmem>> -> memref<8x128xf32, #tpu.memory_space<vmem>>
        %dma_start3A_2270 = tpu.memref_slice %arg2[%mul3A_0, %multiple_of3A_2265] : memref<16x1000000xf32, #tpu.memory_space<hbm>> -> memref<8x128xf32, #tpu.memory_space<hbm>>
        %dma_start3A_2271 = arith.constant 0 : i32
        %dma_start3A_2272 = arith.constant 384 : i32
        %dma_start3A_2273 = tpu.memref_slice %arg6[%select_n3A_2211, %dma_start3A_2271, %dma_start3A_2272] : memref<8x8x1024xf32, #tpu.memory_space<vmem>> -> memref<1x8x128xf32, #tpu.memory_space<vmem>>
        %dma_start3A_2274 = tpu.memref_squeeze %dma_start3A_2273 : memref<1x8x128xf32, #tpu.memory_space<vmem>> -> memref<8x128xf32, #tpu.memory_space<vmem>>
        %dma_start3A_2275 = tpu.memref_slice %arg2[%mul3A_0, %multiple_of3A_2265] : memref<16x1000000xf32, #tpu.memory_space<hbm>> -> memref<8x128xf32, #tpu.memory_space<hbm>>
        tpu.enqueue_dma source(%dma_start3A_2275 : memref<8x128xf32, #tpu.memory_space<hbm>>) target(%dma_start3A_2274 : memref<8x128xf32, #tpu.memory_space<vmem>>) target_semaphore(%arg9 : memref<!tpu.dma_semaphore, #tpu.memory_space<semaphore_mem>>)
        %slice3A_2276 = vector.extract_strided_slice %mul3A_2223 {offsets = [4], sizes = [1], strides = [1]} : vector<16xi32> to vector<1xi32>
        %squeeze3A_2277 = vector.extract %slice3A_2276[0] : i32 from vector<1xi32>
        %multiple_of3A_2278 = tpu.assume_multiple %squeeze3A_2277, 128 : i32
        %dma_start3A_2279 = arith.constant 0 : i32
        %dma_start3A_2280 = arith.constant 512 : i32
        %dma_start3A_2281 = tpu.memref_slice %arg6[%select_n3A_2211, %dma_start3A_2279, %dma_start3A_2280] : memref<8x8x1024xf32, #tpu.memory_space<vmem>> -> memref<1x8x128xf32, #tpu.memory_space<vmem>>
        %dma_start3A_2282 = tpu.memref_squeeze %dma_start3A_2281 : memref<1x8x128xf32, #tpu.memory_space<vmem>> -> memref<8x128xf32, #tpu.memory_space<vmem>>
        %dma_start3A_2283 = tpu.memref_slice %arg2[%mul3A_0, %multiple_of3A_2278] : memref<16x1000000xf32, #tpu.memory_space<hbm>> -> memref<8x128xf32, #tpu.memory_space<hbm>>
        %dma_start3A_2284 = arith.constant 0 : i32
        %dma_start3A_2285 = arith.constant 512 : i32
        %dma_start3A_2286 = tpu.memref_slice %arg6[%select_n3A_2211, %dma_start3A_2284, %dma_start3A_2285] : memref<8x8x1024xf32, #tpu.memory_space<vmem>> -> memref<1x8x128xf32, #tpu.memory_space<vmem>>
        %dma_start3A_2287 = tpu.memref_squeeze %dma_start3A_2286 : memref<1x8x128xf32, #tpu.memory_space<vmem>> -> memref<8x128xf32, #tpu.memory_space<vmem>>
        %dma_start3A_2288 = tpu.memref_slice %arg2[%mul3A_0, %multiple_of3A_2278] : memref<16x1000000xf32, #tpu.memory_space<hbm>> -> memref<8x128xf32, #tpu.memory_space<hbm>>
        tpu.enqueue_dma source(%dma_start3A_2288 : memref<8x128xf32, #tpu.memory_space<hbm>>) target(%dma_start3A_2287 : memref<8x128xf32, #tpu.memory_space<vmem>>) target_semaphore(%arg9 : memref<!tpu.dma_semaphore, #tpu.memory_space<semaphore_mem>>)
        %slice3A_2289 = vector.extract_strided_slice %mul3A_2223 {offsets = [5], sizes = [1], strides = [1]} : vector<16xi32> to vector<1xi32>
        %squeeze3A_2290 = vector.extract %slice3A_2289[0] : i32 from vector<1xi32>
        %multiple_of3A_2291 = tpu.assume_multiple %squeeze3A_2290, 128 : i32
        %dma_start3A_2292 = arith.constant 0 : i32
        %dma_start3A_2293 = arith.constant 640 : i32
        %dma_start3A_2294 = tpu.memref_slice %arg6[%select_n3A_2211, %dma_start3A_2292, %dma_start3A_2293] : memref<8x8x1024xf32, #tpu.memory_space<vmem>> -> memref<1x8x128xf32, #tpu.memory_space<vmem>>
        %dma_start3A_2295 = tpu.memref_squeeze %dma_start3A_2294 : memref<1x8x128xf32, #tpu.memory_space<vmem>> -> memref<8x128xf32, #tpu.memory_space<vmem>>
        %dma_start3A_2296 = tpu.memref_slice %arg2[%mul3A_0, %multiple_of3A_2291] : memref<16x1000000xf32, #tpu.memory_space<hbm>> -> memref<8x128xf32, #tpu.memory_space<hbm>>
        %dma_start3A_2297 = arith.constant 0 : i32
        %dma_start3A_2298 = arith.constant 640 : i32
        %dma_start3A_2299 = tpu.memref_slice %arg6[%select_n3A_2211, %dma_start3A_2297, %dma_start3A_2298] : memref<8x8x1024xf32, #tpu.memory_space<vmem>> -> memref<1x8x128xf32, #tpu.memory_space<vmem>>
        %dma_start3A_2300 = tpu.memref_squeeze %dma_start3A_2299 : memref<1x8x128xf32, #tpu.memory_space<vmem>> -> memref<8x128xf32, #tpu.memory_space<vmem>>
        %dma_start3A_2301 = tpu.memref_slice %arg2[%mul3A_0, %multiple_of3A_2291] : memref<16x1000000xf32, #tpu.memory_space<hbm>> -> memref<8x128xf32, #tpu.memory_space<hbm>>
        tpu.enqueue_dma source(%dma_start3A_2301 : memref<8x128xf32, #tpu.memory_space<hbm>>) target(%dma_start3A_2300 : memref<8x128xf32, #tpu.memory_space<vmem>>) target_semaphore(%arg9 : memref<!tpu.dma_semaphore, #tpu.memory_space<semaphore_mem>>)
        %slice3A_2302 = vector.extract_strided_slice %mul3A_2223 {offsets = [6], sizes = [1], strides = [1]} : vector<16xi32> to vector<1xi32>
        %squeeze3A_2303 = vector.extract %slice3A_2302[0] : i32 from vector<1xi32>
        %multiple_of3A_2304 = tpu.assume_multiple %squeeze3A_2303, 128 : i32
        %dma_start3A_2305 = arith.constant 0 : i32
        %dma_start3A_2306 = arith.constant 768 : i32
        %dma_start3A_2307 = tpu.memref_slice %arg6[%select_n3A_2211, %dma_start3A_2305, %dma_start3A_2306] : memref<8x8x1024xf32, #tpu.memory_space<vmem>> -> memref<1x8x128xf32, #tpu.memory_space<vmem>>
        %dma_start3A_2308 = tpu.memref_squeeze %dma_start3A_2307 : memref<1x8x128xf32, #tpu.memory_space<vmem>> -> memref<8x128xf32, #tpu.memory_space<vmem>>
        %dma_start3A_2309 = tpu.memref_slice %arg2[%mul3A_0, %multiple_of3A_2304] : memref<16x1000000xf32, #tpu.memory_space<hbm>> -> memref<8x128xf32, #tpu.memory_space<hbm>>
        %dma_start3A_2310 = arith.constant 0 : i32
        %dma_start3A_2311 = arith.constant 768 : i32
        %dma_start3A_2312 = tpu.memref_slice %arg6[%select_n3A_2211, %dma_start3A_2310, %dma_start3A_2311] : memref<8x8x1024xf32, #tpu.memory_space<vmem>> -> memref<1x8x128xf32, #tpu.memory_space<vmem>>
        %dma_start3A_2313 = tpu.memref_squeeze %dma_start3A_2312 : memref<1x8x128xf32, #tpu.memory_space<vmem>> -> memref<8x128xf32, #tpu.memory_space<vmem>>
        %dma_start3A_2314 = tpu.memref_slice %arg2[%mul3A_0, %multiple_of3A_2304] : memref<16x1000000xf32, #tpu.memory_space<hbm>> -> memref<8x128xf32, #tpu.memory_space<hbm>>
        tpu.enqueue_dma source(%dma_start3A_2314 : memref<8x128xf32, #tpu.memory_space<hbm>>) target(%dma_start3A_2313 : memref<8x128xf32, #tpu.memory_space<vmem>>) target_semaphore(%arg9 : memref<!tpu.dma_semaphore, #tpu.memory_space<semaphore_mem>>)
        %slice3A_2315 = vector.extract_strided_slice %mul3A_2223 {offsets = [7], sizes = [1], strides = [1]} : vector<16xi32> to vector<1xi32>
        %squeeze3A_2316 = vector.extract %slice3A_2315[0] : i32 from vector<1xi32>
        %multiple_of3A_2317 = tpu.assume_multiple %squeeze3A_2316, 128 : i32
        %dma_start3A_2318 = arith.constant 0 : i32
        %dma_start3A_2319 = arith.constant 896 : i32
        %dma_start3A_2320 = tpu.memref_slice %arg6[%select_n3A_2211, %dma_start3A_2318, %dma_start3A_2319] : memref<8x8x1024xf32, #tpu.memory_space<vmem>> -> memref<1x8x128xf32, #tpu.memory_space<vmem>>
        %dma_start3A_2321 = tpu.memref_squeeze %dma_start3A_2320 : memref<1x8x128xf32, #tpu.memory_space<vmem>> -> memref<8x128xf32, #tpu.memory_space<vmem>>
        %dma_start3A_2322 = tpu.memref_slice %arg2[%mul3A_0, %multiple_of3A_2317] : memref<16x1000000xf32, #tpu.memory_space<hbm>> -> memref<8x128xf32, #tpu.memory_space<hbm>>
        %dma_start3A_2323 = arith.constant 0 : i32
        %dma_start3A_2324 = arith.constant 896 : i32
        %dma_start3A_2325 = tpu.memref_slice %arg6[%select_n3A_2211, %dma_start3A_2323, %dma_start3A_2324] : memref<8x8x1024xf32, #tpu.memory_space<vmem>> -> memref<1x8x128xf32, #tpu.memory_space<vmem>>
        %dma_start3A_2326 = tpu.memref_squeeze %dma_start3A_2325 : memref<1x8x128xf32, #tpu.memory_space<vmem>> -> memref<8x128xf32, #tpu.memory_space<vmem>>
        %dma_start3A_2327 = tpu.memref_slice %arg2[%mul3A_0, %multiple_of3A_2317] : memref<16x1000000xf32, #tpu.memory_space<hbm>> -> memref<8x128xf32, #tpu.memory_space<hbm>>
        tpu.enqueue_dma source(%dma_start3A_2327 : memref<8x128xf32, #tpu.memory_space<hbm>>) target(%dma_start3A_2326 : memref<8x128xf32, #tpu.memory_space<vmem>>) target_semaphore(%arg9 : memref<!tpu.dma_semaphore, #tpu.memory_space<semaphore_mem>>)
      } else {
      }
      %add3A_1267 = arith.constant 2 : i32
      %add3A_1268 = arith.addi %mul3A_970, %add3A_1267 : i32
      %jit3A_1269 = arith.constant 8 : i32
      %eq3A_1270 = arith.constant 0 : i32
      %eq3A_1271 = arith.cmpi eq, %jit3A_1269, %eq3A_1270 : i32
      %jit3A_1272 = arith.constant 1 : i32
      %select_n3A_1273 = arith.select %eq3A_1271, %jit3A_1272, %jit3A_1269 : i32
      %rem3A_1274 = arith.remsi %add3A_1268, %select_n3A_1273 : i32
      %ne3A_1275 = arith.constant 0 : i32
      %ne3A_1276 = arith.cmpi ne, %rem3A_1274, %ne3A_1275 : i32
      %lt3A_1277 = arith.constant 0 : i32
      %lt3A_1278 = arith.cmpi slt, %rem3A_1274, %lt3A_1277 : i32
      %lt3A_1279 = arith.constant 0 : i32
      %lt3A_1280 = arith.cmpi slt, %select_n3A_1273, %lt3A_1279 : i32
      %ne3A_1281 = arith.xori %lt3A_1278, %lt3A_1280 : i1
      %and3A_1282 = arith.andi %ne3A_1281, %ne3A_1276 : i1
      %add3A_1283 = arith.addi %rem3A_1274, %select_n3A_1273 : i32
      %select_n3A_1284 = arith.select %and3A_1282, %add3A_1283, %rem3A_1274 : i32
      %dma_wait3A_1285 = arith.constant 0 : i32
      %dma_wait3A_1286 = arith.constant 0 : i32
      %dma_wait3A_1287 = tpu.memref_slice %arg6[%select_n3A_1284, %dma_wait3A_1285, %dma_wait3A_1286] : memref<8x8x1024xf32, #tpu.memory_space<vmem>> -> memref<1x8x1024xf32, #tpu.memory_space<vmem>>
      %dma_wait3A_1288 = tpu.memref_squeeze %dma_wait3A_1287 : memref<1x8x1024xf32, #tpu.memory_space<vmem>> -> memref<8x1024xf32, #tpu.memory_space<vmem>>
      %dma_wait3A_1289 = arith.constant 0 : i32
      %dma_wait3A_1290 = arith.constant 0 : i32
      %dma_wait3A_1291 = tpu.memref_slice %arg2[%dma_wait3A_1289, %dma_wait3A_1290] : memref<16x1000000xf32, #tpu.memory_space<hbm>> -> memref<8x1024xf32, #tpu.memory_space<hbm>>
      %dma_wait3A_1292 = arith.constant 0 : i32
      %dma_wait3A_1293 = arith.constant 0 : i32
      %dma_wait3A_1294 = tpu.memref_slice %arg6[%select_n3A_1284, %dma_wait3A_1292, %dma_wait3A_1293] : memref<8x8x1024xf32, #tpu.memory_space<vmem>> -> memref<1x8x1024xf32, #tpu.memory_space<vmem>>
      %dma_wait3A_1295 = tpu.memref_squeeze %dma_wait3A_1294 : memref<1x8x1024xf32, #tpu.memory_space<vmem>> -> memref<8x1024xf32, #tpu.memory_space<vmem>>
      %dma_wait3A_1296 = arith.constant 0 : i32
      %dma_wait3A_1297 = arith.constant 0 : i32
      %dma_wait3A_1298 = tpu.memref_slice %arg2[%dma_wait3A_1296, %dma_wait3A_1297] : memref<16x1000000xf32, #tpu.memory_space<hbm>> -> memref<8x1024xf32, #tpu.memory_space<hbm>>
      tpu.wait_dma2 semaphore(%arg10 : memref<!tpu.dma_semaphore, #tpu.memory_space<semaphore_mem>>) src(%dma_wait3A_1298 : memref<8x1024xf32, #tpu.memory_space<hbm>>) dst(%dma_wait3A_1295 : memref<8x1024xf32, #tpu.memory_space<vmem>>)
      %mul3A_1299 = arith.constant 8 : i32
      %mul3A_1300 = arith.muli %add3A_1268, %mul3A_1299 : i32
      %add3A_1301 = arith.constant 0 : i32
      %add3A_1302 = arith.addi %mul3A_1300, %add3A_1301 : i32
      %get3A_1303 = arith.index_cast %add3A_1302 : i32 to index
      %get3A_1304 = tpu.vector_load %arg5[%get3A_1303] {strides = array<i32>} : memref<1040xi32, #tpu.memory_space<vmem>>, vector<16xi32>,
      %and3A_1305 = arith.constant 127 : i32
      %and3A_1306 = vector.broadcast %and3A_1305 : i32 to vector<16xi32>
      %and3A_1307 = arith.andi %get3A_1304, %and3A_1306 : vector<16xi32>
      %mul3A_1308 = arith.constant 8 : i32
      %mul3A_1309 = arith.muli %add3A_1268, %mul3A_1308 : i32
      %add3A_1310 = arith.constant 0 : i32
      %add3A_1311 = arith.addi %mul3A_1309, %add3A_1310 : i32
      %add3A_1312 = arith.constant 0 : i32
      %add3A_1313 = arith.addi %add3A_1311, %add3A_1312 : i32
      %broadcast_in_dim3A_1314 = vector.broadcast %select_n3A_1284 : i32 to vector<16xi32>
      %broadcast_in_dim3A_1315 = arith.constant 128 : i32
      %broadcast_in_dim3A_1316 = vector.broadcast %broadcast_in_dim3A_1315 : i32 to vector<16xi32>
      %slice3A_1317 = vector.extract_strided_slice %and3A_1307 {offsets = [1], sizes = [1], strides = [1]} : vector<16xi32> to vector<1xi32>
      %squeeze3A_1318 = vector.extract %slice3A_1317[0] : i32 from vector<1xi32>
      %add3A_1319 = vector.broadcast %squeeze3A_1318 : i32 to vector<16xi32>
      %add3A_1320 = arith.addi %broadcast_in_dim3A_1316, %add3A_1319 : vector<16xi32>
      %broadcast_in_dim3A_1321 = arith.constant 0 : i32
      %broadcast_in_dim3A_1322 = vector.broadcast %broadcast_in_dim3A_1321 : i32 to vector<16xi32>
      %slice3A_1323 = vector.extract_strided_slice %and3A_1307 {offsets = [0], sizes = [1], strides = [1]} : vector<16xi32> to vector<1xi32>
      %squeeze3A_1324 = vector.extract %slice3A_1323[0] : i32 from vector<1xi32>
      %add3A_1325 = vector.broadcast %squeeze3A_1324 : i32 to vector<16xi32>
      %add3A_1326 = arith.addi %broadcast_in_dim3A_1322, %add3A_1325 : vector<16xi32>
      %select_n3A_1327 = arith.select %ge3A_6, %add3A_1320, %add3A_1326 : vector<16xi1>, vector<16xi32>
      %add3A_1328 = arith.constant 1 : i32
      %add3A_1329 = arith.addi %add3A_1313, %add3A_1328 : i32
      %broadcast_in_dim3A_1330 = vector.broadcast %add3A_1329 : i32 to vector<16xi32>
      %broadcast_in_dim3A_1331 = vector.broadcast %add3A_1313 : i32 to vector<16xi32>
      %select_n3A_1332 = arith.select %ge3A_6, %broadcast_in_dim3A_1330, %broadcast_in_dim3A_1331 : vector<16xi1>, vector<16xi32>
      %gather3A_1333 = tpu.vector_load_idx %arg6[%broadcast_in_dim3A_1314, %and3A_4, %select_n3A_1327] : memref<8x8x1024xf32, #tpu.memory_space<vmem>>[vector<16xi32>, vector<16xi32>, vector<16xi32>], vector<16xf32>,
      tpu.vector_store_idx %arg7[%and3A_4, %select_n3A_1332], %gather3A_1333 : memref<8x1024xf32, #tpu.memory_space<vmem>>[vector<16xi32>, vector<16xi32>], vector<16xf32>,
      %mul3A_1334 = arith.constant 8 : i32
      %mul3A_1335 = arith.muli %add3A_1268, %mul3A_1334 : i32
      %add3A_1336 = arith.constant 0 : i32
      %add3A_1337 = arith.addi %mul3A_1335, %add3A_1336 : i32
      %add3A_1338 = arith.constant 2 : i32
      %add3A_1339 = arith.addi %add3A_1337, %add3A_1338 : i32
      %broadcast_in_dim3A_1340 = vector.broadcast %select_n3A_1284 : i32 to vector<16xi32>
      %broadcast_in_dim3A_1341 = arith.constant 384 : i32
      %broadcast_in_dim3A_1342 = vector.broadcast %broadcast_in_dim3A_1341 : i32 to vector<16xi32>
      %slice3A_1343 = vector.extract_strided_slice %and3A_1307 {offsets = [3], sizes = [1], strides = [1]} : vector<16xi32> to vector<1xi32>
      %squeeze3A_1344 = vector.extract %slice3A_1343[0] : i32 from vector<1xi32>
      %add3A_1345 = vector.broadcast %squeeze3A_1344 : i32 to vector<16xi32>
      %add3A_1346 = arith.addi %broadcast_in_dim3A_1342, %add3A_1345 : vector<16xi32>
      %broadcast_in_dim3A_1347 = arith.constant 256 : i32
      %broadcast_in_dim3A_1348 = vector.broadcast %broadcast_in_dim3A_1347 : i32 to vector<16xi32>
      %slice3A_1349 = vector.extract_strided_slice %and3A_1307 {offsets = [2], sizes = [1], strides = [1]} : vector<16xi32> to vector<1xi32>
      %squeeze3A_1350 = vector.extract %slice3A_1349[0] : i32 from vector<1xi32>
      %add3A_1351 = vector.broadcast %squeeze3A_1350 : i32 to vector<16xi32>
      %add3A_1352 = arith.addi %broadcast_in_dim3A_1348, %add3A_1351 : vector<16xi32>
      %select_n3A_1353 = arith.select %ge3A_6, %add3A_1346, %add3A_1352 : vector<16xi1>, vector<16xi32>
      %add3A_1354 = arith.constant 1 : i32
      %add3A_1355 = arith.addi %add3A_1339, %add3A_1354 : i32
      %broadcast_in_dim3A_1356 = vector.broadcast %add3A_1355 : i32 to vector<16xi32>
      %broadcast_in_dim3A_1357 = vector.broadcast %add3A_1339 : i32 to vector<16xi32>
      %select_n3A_1358 = arith.select %ge3A_6, %broadcast_in_dim3A_1356, %broadcast_in_dim3A_1357 : vector<16xi1>, vector<16xi32>
      %gather3A_1359 = tpu.vector_load_idx %arg6[%broadcast_in_dim3A_1340, %and3A_4, %select_n3A_1353] : memref<8x8x1024xf32, #tpu.memory_space<vmem>>[vector<16xi32>, vector<16xi32>, vector<16xi32>], vector<16xf32>,
      tpu.vector_store_idx %arg7[%and3A_4, %select_n3A_1358], %gather3A_1359 : memref<8x1024xf32, #tpu.memory_space<vmem>>[vector<16xi32>, vector<16xi32>], vector<16xf32>,
      %mul3A_1360 = arith.constant 8 : i32
      %mul3A_1361 = arith.muli %add3A_1268, %mul3A_1360 : i32
      %add3A_1362 = arith.constant 0 : i32
      %add3A_1363 = arith.addi %mul3A_1361, %add3A_1362 : i32
      %add3A_1364 = arith.constant 4 : i32
      %add3A_1365 = arith.addi %add3A_1363, %add3A_1364 : i32
      %broadcast_in_dim3A_1366 = vector.broadcast %select_n3A_1284 : i32 to vector<16xi32>
      %broadcast_in_dim3A_1367 = arith.constant 640 : i32
      %broadcast_in_dim3A_1368 = vector.broadcast %broadcast_in_dim3A_1367 : i32 to vector<16xi32>
      %slice3A_1369 = vector.extract_strided_slice %and3A_1307 {offsets = [5], sizes = [1], strides = [1]} : vector<16xi32> to vector<1xi32>
      %squeeze3A_1370 = vector.extract %slice3A_1369[0] : i32 from vector<1xi32>
      %add3A_1371 = vector.broadcast %squeeze3A_1370 : i32 to vector<16xi32>
      %add3A_1372 = arith.addi %broadcast_in_dim3A_1368, %add3A_1371 : vector<16xi32>
      %broadcast_in_dim3A_1373 = arith.constant 512 : i32
      %broadcast_in_dim3A_1374 = vector.broadcast %broadcast_in_dim3A_1373 : i32 to vector<16xi32>
      %slice3A_1375 = vector.extract_strided_slice %and3A_1307 {offsets = [4], sizes = [1], strides = [1]} : vector<16xi32> to vector<1xi32>
      %squeeze3A_1376 = vector.extract %slice3A_1375[0] : i32 from vector<1xi32>
      %add3A_1377 = vector.broadcast %squeeze3A_1376 : i32 to vector<16xi32>
      %add3A_1378 = arith.addi %broadcast_in_dim3A_1374, %add3A_1377 : vector<16xi32>
      %select_n3A_1379 = arith.select %ge3A_6, %add3A_1372, %add3A_1378 : vector<16xi1>, vector<16xi32>
      %add3A_1380 = arith.constant 1 : i32
      %add3A_1381 = arith.addi %add3A_1365, %add3A_1380 : i32
      %broadcast_in_dim3A_1382 = vector.broadcast %add3A_1381 : i32 to vector<16xi32>
      %broadcast_in_dim3A_1383 = vector.broadcast %add3A_1365 : i32 to vector<16xi32>
      %select_n3A_1384 = arith.select %ge3A_6, %broadcast_in_dim3A_1382, %broadcast_in_dim3A_1383 : vector<16xi1>, vector<16xi32>
      %gather3A_1385 = tpu.vector_load_idx %arg6[%broadcast_in_dim3A_1366, %and3A_4, %select_n3A_1379] : memref<8x8x1024xf32, #tpu.memory_space<vmem>>[vector<16xi32>, vector<16xi32>, vector<16xi32>], vector<16xf32>,
      tpu.vector_store_idx %arg7[%and3A_4, %select_n3A_1384], %gather3A_1385 : memref<8x1024xf32, #tpu.memory_space<vmem>>[vector<16xi32>, vector<16xi32>], vector<16xf32>,
      %mul3A_1386 = arith.constant 8 : i32
      %mul3A_1387 = arith.muli %add3A_1268, %mul3A_1386 : i32
      %add3A_1388 = arith.constant 0 : i32
      %add3A_1389 = arith.addi %mul3A_1387, %add3A_1388 : i32
      %add3A_1390 = arith.constant 6 : i32
      %add3A_1391 = arith.addi %add3A_1389, %add3A_1390 : i32
      %broadcast_in_dim3A_1392 = vector.broadcast %select_n3A_1284 : i32 to vector<16xi32>
      %broadcast_in_dim3A_1393 = arith.constant 896 : i32
      %broadcast_in_dim3A_1394 = vector.broadcast %broadcast_in_dim3A_1393 : i32 to vector<16xi32>
      %slice3A_1395 = vector.extract_strided_slice %and3A_1307 {offsets = [7], sizes = [1], strides = [1]} : vector<16xi32> to vector<1xi32>
      %squeeze3A_1396 = vector.extract %slice3A_1395[0] : i32 from vector<1xi32>
      %add3A_1397 = vector.broadcast %squeeze3A_1396 : i32 to vector<16xi32>
      %add3A_1398 = arith.addi %broadcast_in_dim3A_1394, %add3A_1397 : vector<16xi32>
      %broadcast_in_dim3A_1399 = arith.constant 768 : i32
      %broadcast_in_dim3A_1400 = vector.broadcast %broadcast_in_dim3A_1399 : i32 to vector<16xi32>
      %slice3A_1401 = vector.extract_strided_slice %and3A_1307 {offsets = [6], sizes = [1], strides = [1]} : vector<16xi32> to vector<1xi32>
      %squeeze3A_1402 = vector.extract %slice3A_1401[0] : i32 from vector<1xi32>
      %add3A_1403 = vector.broadcast %squeeze3A_1402 : i32 to vector<16xi32>
      %add3A_1404 = arith.addi %broadcast_in_dim3A_1400, %add3A_1403 : vector<16xi32>
      %select_n3A_1405 = arith.select %ge3A_6, %add3A_1398, %add3A_1404 : vector<16xi1>, vector<16xi32>
      %add3A_1406 = arith.constant 1 : i32
      %add3A_1407 = arith.addi %add3A_1391, %add3A_1406 : i32
      %broadcast_in_dim3A_1408 = vector.broadcast %add3A_1407 : i32 to vector<16xi32>
      %broadcast_in_dim3A_1409 = vector.broadcast %add3A_1391 : i32 to vector<16xi32>
      %select_n3A_1410 = arith.select %ge3A_6, %broadcast_in_dim3A_1408, %broadcast_in_dim3A_1409 : vector<16xi1>, vector<16xi32>
      %gather3A_1411 = tpu.vector_load_idx %arg6[%broadcast_in_dim3A_1392, %and3A_4, %select_n3A_1405] : memref<8x8x1024xf32, #tpu.memory_space<vmem>>[vector<16xi32>, vector<16xi32>, vector<16xi32>], vector<16xf32>,
      tpu.vector_store_idx %arg7[%and3A_4, %select_n3A_1410], %gather3A_1411 : memref<8x1024xf32, #tpu.memory_space<vmem>>[vector<16xi32>, vector<16xi32>], vector<16xf32>,
      %add3A_1412 = arith.constant 2 : i32
      %add3A_1413 = arith.addi %mul3A_970, %add3A_1412 : i32
      %add3A_1414 = arith.constant 8 : i32
      %add3A_1415 = arith.addi %add3A_1413, %add3A_1414 : i32
      %lt3A_1416 = arith.constant 128 : i32
      %lt3A_1417 = arith.cmpi slt, %add3A_1415, %lt3A_1416 : i32
      %convert_element_type3A_1418 = arith.extui %lt3A_1417 : i1 to i32
      %cond3A_1419 = arith.constant 0 : i32
      %cond3A_1420 = arith.cmpi ne, %convert_element_type3A_1418, %cond3A_1419 : i32
      scf.if %cond3A_1420 {
        %add3A_2192 = arith.constant 2 : i32
        %add3A_2193 = arith.addi %mul3A_970, %add3A_2192 : i32
        %add3A_2194 = arith.constant 8 : i32
        %add3A_2195 = arith.addi %add3A_2193, %add3A_2194 : i32
        %jit3A_2196 = arith.constant 8 : i32
        %eq3A_2197 = arith.constant 0 : i32
        %eq3A_2198 = arith.cmpi eq, %jit3A_2196, %eq3A_2197 : i32
        %jit3A_2199 = arith.constant 1 : i32
        %select_n3A_2200 = arith.select %eq3A_2198, %jit3A_2199, %jit3A_2196 : i32
        %rem3A_2201 = arith.remsi %add3A_2195, %select_n3A_2200 : i32
        %ne3A_2202 = arith.constant 0 : i32
        %ne3A_2203 = arith.cmpi ne, %rem3A_2201, %ne3A_2202 : i32
        %lt3A_2204 = arith.constant 0 : i32
        %lt3A_2205 = arith.cmpi slt, %rem3A_2201, %lt3A_2204 : i32
        %lt3A_2206 = arith.constant 0 : i32
        %lt3A_2207 = arith.cmpi slt, %select_n3A_2200, %lt3A_2206 : i32
        %ne3A_2208 = arith.xori %lt3A_2205, %lt3A_2207 : i1
        %and3A_2209 = arith.andi %ne3A_2208, %ne3A_2203 : i1
        %add3A_2210 = arith.addi %rem3A_2201, %select_n3A_2200 : i32
        %select_n3A_2211 = arith.select %and3A_2209, %add3A_2210, %rem3A_2201 : i32
        %mul3A_2212 = arith.constant 8 : i32
        %mul3A_2213 = arith.muli %add3A_2195, %mul3A_2212 : i32
        %add3A_2214 = arith.constant 0 : i32
        %add3A_2215 = arith.addi %mul3A_2213, %add3A_2214 : i32
        %get3A_2216 = arith.index_cast %add3A_2215 : i32 to index
        %get3A_2217 = tpu.vector_load %arg5[%get3A_2216] {strides = array<i32>} : memref<1040xi32, #tpu.memory_space<vmem>>, vector<16xi32>,
        %shift_right_arithmetic3A_2218 = arith.constant 7 : i32
        %shift_right_arithmetic3A_2219 = vector.broadcast %shift_right_arithmetic3A_2218 : i32 to vector<16xi32>
        %shift_right_arithmetic3A_2220 = arith.shrsi %get3A_2217, %shift_right_arithmetic3A_2219 : vector<16xi32>
        %mul3A_2221 = arith.constant 128 : i32
        %mul3A_2222 = vector.broadcast %mul3A_2221 : i32 to vector<16xi32>
        %mul3A_2223 = arith.muli %shift_right_arithmetic3A_2220, %mul3A_2222 : vector<16xi32>
        %slice3A_2224 = vector.extract_strided_slice %mul3A_2223 {offsets = [0], sizes = [1], strides = [1]} : vector<16xi32> to vector<1xi32>
        %squeeze3A_2225 = vector.extract %slice3A_2224[0] : i32 from vector<1xi32>
        %multiple_of3A_2226 = tpu.assume_multiple %squeeze3A_2225, 128 : i32
        %dma_start3A_2227 = arith.constant 0 : i32
        %dma_start3A_2228 = arith.constant 0 : i32
        %dma_start3A_2229 = tpu.memref_slice %arg6[%select_n3A_2211, %dma_start3A_2227, %dma_start3A_2228] : memref<8x8x1024xf32, #tpu.memory_space<vmem>> -> memref<1x8x128xf32, #tpu.memory_space<vmem>>
        %dma_start3A_2230 = tpu.memref_squeeze %dma_start3A_2229 : memref<1x8x128xf32, #tpu.memory_space<vmem>> -> memref<8x128xf32, #tpu.memory_space<vmem>>
        %dma_start3A_2231 = tpu.memref_slice %arg2[%mul3A_0, %multiple_of3A_2226] : memref<16x1000000xf32, #tpu.memory_space<hbm>> -> memref<8x128xf32, #tpu.memory_space<hbm>>
        %dma_start3A_2232 = arith.constant 0 : i32
        %dma_start3A_2233 = arith.constant 0 : i32
        %dma_start3A_2234 = tpu.memref_slice %arg6[%select_n3A_2211, %dma_start3A_2232, %dma_start3A_2233] : memref<8x8x1024xf32, #tpu.memory_space<vmem>> -> memref<1x8x128xf32, #tpu.memory_space<vmem>>
        %dma_start3A_2235 = tpu.memref_squeeze %dma_start3A_2234 : memref<1x8x128xf32, #tpu.memory_space<vmem>> -> memref<8x128xf32, #tpu.memory_space<vmem>>
        %dma_start3A_2236 = tpu.memref_slice %arg2[%mul3A_0, %multiple_of3A_2226] : memref<16x1000000xf32, #tpu.memory_space<hbm>> -> memref<8x128xf32, #tpu.memory_space<hbm>>
        tpu.enqueue_dma source(%dma_start3A_2236 : memref<8x128xf32, #tpu.memory_space<hbm>>) target(%dma_start3A_2235 : memref<8x128xf32, #tpu.memory_space<vmem>>) target_semaphore(%arg10 : memref<!tpu.dma_semaphore, #tpu.memory_space<semaphore_mem>>)
        %slice3A_2237 = vector.extract_strided_slice %mul3A_2223 {offsets = [1], sizes = [1], strides = [1]} : vector<16xi32> to vector<1xi32>
        %squeeze3A_2238 = vector.extract %slice3A_2237[0] : i32 from vector<1xi32>
        %multiple_of3A_2239 = tpu.assume_multiple %squeeze3A_2238, 128 : i32
        %dma_start3A_2240 = arith.constant 0 : i32
        %dma_start3A_2241 = arith.constant 128 : i32
        %dma_start3A_2242 = tpu.memref_slice %arg6[%select_n3A_2211, %dma_start3A_2240, %dma_start3A_2241] : memref<8x8x1024xf32, #tpu.memory_space<vmem>> -> memref<1x8x128xf32, #tpu.memory_space<vmem>>
        %dma_start3A_2243 = tpu.memref_squeeze %dma_start3A_2242 : memref<1x8x128xf32, #tpu.memory_space<vmem>> -> memref<8x128xf32, #tpu.memory_space<vmem>>
        %dma_start3A_2244 = tpu.memref_slice %arg2[%mul3A_0, %multiple_of3A_2239] : memref<16x1000000xf32, #tpu.memory_space<hbm>> -> memref<8x128xf32, #tpu.memory_space<hbm>>
        %dma_start3A_2245 = arith.constant 0 : i32
        %dma_start3A_2246 = arith.constant 128 : i32
        %dma_start3A_2247 = tpu.memref_slice %arg6[%select_n3A_2211, %dma_start3A_2245, %dma_start3A_2246] : memref<8x8x1024xf32, #tpu.memory_space<vmem>> -> memref<1x8x128xf32, #tpu.memory_space<vmem>>
        %dma_start3A_2248 = tpu.memref_squeeze %dma_start3A_2247 : memref<1x8x128xf32, #tpu.memory_space<vmem>> -> memref<8x128xf32, #tpu.memory_space<vmem>>
        %dma_start3A_2249 = tpu.memref_slice %arg2[%mul3A_0, %multiple_of3A_2239] : memref<16x1000000xf32, #tpu.memory_space<hbm>> -> memref<8x128xf32, #tpu.memory_space<hbm>>
        tpu.enqueue_dma source(%dma_start3A_2249 : memref<8x128xf32, #tpu.memory_space<hbm>>) target(%dma_start3A_2248 : memref<8x128xf32, #tpu.memory_space<vmem>>) target_semaphore(%arg10 : memref<!tpu.dma_semaphore, #tpu.memory_space<semaphore_mem>>)
        %slice3A_2250 = vector.extract_strided_slice %mul3A_2223 {offsets = [2], sizes = [1], strides = [1]} : vector<16xi32> to vector<1xi32>
        %squeeze3A_2251 = vector.extract %slice3A_2250[0] : i32 from vector<1xi32>
        %multiple_of3A_2252 = tpu.assume_multiple %squeeze3A_2251, 128 : i32
        %dma_start3A_2253 = arith.constant 0 : i32
        %dma_start3A_2254 = arith.constant 256 : i32
        %dma_start3A_2255 = tpu.memref_slice %arg6[%select_n3A_2211, %dma_start3A_2253, %dma_start3A_2254] : memref<8x8x1024xf32, #tpu.memory_space<vmem>> -> memref<1x8x128xf32, #tpu.memory_space<vmem>>
        %dma_start3A_2256 = tpu.memref_squeeze %dma_start3A_2255 : memref<1x8x128xf32, #tpu.memory_space<vmem>> -> memref<8x128xf32, #tpu.memory_space<vmem>>
        %dma_start3A_2257 = tpu.memref_slice %arg2[%mul3A_0, %multiple_of3A_2252] : memref<16x1000000xf32, #tpu.memory_space<hbm>> -> memref<8x128xf32, #tpu.memory_space<hbm>>
        %dma_start3A_2258 = arith.constant 0 : i32
        %dma_start3A_2259 = arith.constant 256 : i32
        %dma_start3A_2260 = tpu.memref_slice %arg6[%select_n3A_2211, %dma_start3A_2258, %dma_start3A_2259] : memref<8x8x1024xf32, #tpu.memory_space<vmem>> -> memref<1x8x128xf32, #tpu.memory_space<vmem>>
        %dma_start3A_2261 = tpu.memref_squeeze %dma_start3A_2260 : memref<1x8x128xf32, #tpu.memory_space<vmem>> -> memref<8x128xf32, #tpu.memory_space<vmem>>
        %dma_start3A_2262 = tpu.memref_slice %arg2[%mul3A_0, %multiple_of3A_2252] : memref<16x1000000xf32, #tpu.memory_space<hbm>> -> memref<8x128xf32, #tpu.memory_space<hbm>>
        tpu.enqueue_dma source(%dma_start3A_2262 : memref<8x128xf32, #tpu.memory_space<hbm>>) target(%dma_start3A_2261 : memref<8x128xf32, #tpu.memory_space<vmem>>) target_semaphore(%arg10 : memref<!tpu.dma_semaphore, #tpu.memory_space<semaphore_mem>>)
        %slice3A_2263 = vector.extract_strided_slice %mul3A_2223 {offsets = [3], sizes = [1], strides = [1]} : vector<16xi32> to vector<1xi32>
        %squeeze3A_2264 = vector.extract %slice3A_2263[0] : i32 from vector<1xi32>
        %multiple_of3A_2265 = tpu.assume_multiple %squeeze3A_2264, 128 : i32
        %dma_start3A_2266 = arith.constant 0 : i32
        %dma_start3A_2267 = arith.constant 384 : i32
        %dma_start3A_2268 = tpu.memref_slice %arg6[%select_n3A_2211, %dma_start3A_2266, %dma_start3A_2267] : memref<8x8x1024xf32, #tpu.memory_space<vmem>> -> memref<1x8x128xf32, #tpu.memory_space<vmem>>
        %dma_start3A_2269 = tpu.memref_squeeze %dma_start3A_2268 : memref<1x8x128xf32, #tpu.memory_space<vmem>> -> memref<8x128xf32, #tpu.memory_space<vmem>>
        %dma_start3A_2270 = tpu.memref_slice %arg2[%mul3A_0, %multiple_of3A_2265] : memref<16x1000000xf32, #tpu.memory_space<hbm>> -> memref<8x128xf32, #tpu.memory_space<hbm>>
        %dma_start3A_2271 = arith.constant 0 : i32
        %dma_start3A_2272 = arith.constant 384 : i32
        %dma_start3A_2273 = tpu.memref_slice %arg6[%select_n3A_2211, %dma_start3A_2271, %dma_start3A_2272] : memref<8x8x1024xf32, #tpu.memory_space<vmem>> -> memref<1x8x128xf32, #tpu.memory_space<vmem>>
        %dma_start3A_2274 = tpu.memref_squeeze %dma_start3A_2273 : memref<1x8x128xf32, #tpu.memory_space<vmem>> -> memref<8x128xf32, #tpu.memory_space<vmem>>
        %dma_start3A_2275 = tpu.memref_slice %arg2[%mul3A_0, %multiple_of3A_2265] : memref<16x1000000xf32, #tpu.memory_space<hbm>> -> memref<8x128xf32, #tpu.memory_space<hbm>>
        tpu.enqueue_dma source(%dma_start3A_2275 : memref<8x128xf32, #tpu.memory_space<hbm>>) target(%dma_start3A_2274 : memref<8x128xf32, #tpu.memory_space<vmem>>) target_semaphore(%arg10 : memref<!tpu.dma_semaphore, #tpu.memory_space<semaphore_mem>>)
        %slice3A_2276 = vector.extract_strided_slice %mul3A_2223 {offsets = [4], sizes = [1], strides = [1]} : vector<16xi32> to vector<1xi32>
        %squeeze3A_2277 = vector.extract %slice3A_2276[0] : i32 from vector<1xi32>
        %multiple_of3A_2278 = tpu.assume_multiple %squeeze3A_2277, 128 : i32
        %dma_start3A_2279 = arith.constant 0 : i32
        %dma_start3A_2280 = arith.constant 512 : i32
        %dma_start3A_2281 = tpu.memref_slice %arg6[%select_n3A_2211, %dma_start3A_2279, %dma_start3A_2280] : memref<8x8x1024xf32, #tpu.memory_space<vmem>> -> memref<1x8x128xf32, #tpu.memory_space<vmem>>
        %dma_start3A_2282 = tpu.memref_squeeze %dma_start3A_2281 : memref<1x8x128xf32, #tpu.memory_space<vmem>> -> memref<8x128xf32, #tpu.memory_space<vmem>>
        %dma_start3A_2283 = tpu.memref_slice %arg2[%mul3A_0, %multiple_of3A_2278] : memref<16x1000000xf32, #tpu.memory_space<hbm>> -> memref<8x128xf32, #tpu.memory_space<hbm>>
        %dma_start3A_2284 = arith.constant 0 : i32
        %dma_start3A_2285 = arith.constant 512 : i32
        %dma_start3A_2286 = tpu.memref_slice %arg6[%select_n3A_2211, %dma_start3A_2284, %dma_start3A_2285] : memref<8x8x1024xf32, #tpu.memory_space<vmem>> -> memref<1x8x128xf32, #tpu.memory_space<vmem>>
        %dma_start3A_2287 = tpu.memref_squeeze %dma_start3A_2286 : memref<1x8x128xf32, #tpu.memory_space<vmem>> -> memref<8x128xf32, #tpu.memory_space<vmem>>
        %dma_start3A_2288 = tpu.memref_slice %arg2[%mul3A_0, %multiple_of3A_2278] : memref<16x1000000xf32, #tpu.memory_space<hbm>> -> memref<8x128xf32, #tpu.memory_space<hbm>>
        tpu.enqueue_dma source(%dma_start3A_2288 : memref<8x128xf32, #tpu.memory_space<hbm>>) target(%dma_start3A_2287 : memref<8x128xf32, #tpu.memory_space<vmem>>) target_semaphore(%arg10 : memref<!tpu.dma_semaphore, #tpu.memory_space<semaphore_mem>>)
        %slice3A_2289 = vector.extract_strided_slice %mul3A_2223 {offsets = [5], sizes = [1], strides = [1]} : vector<16xi32> to vector<1xi32>
        %squeeze3A_2290 = vector.extract %slice3A_2289[0] : i32 from vector<1xi32>
        %multiple_of3A_2291 = tpu.assume_multiple %squeeze3A_2290, 128 : i32
        %dma_start3A_2292 = arith.constant 0 : i32
        %dma_start3A_2293 = arith.constant 640 : i32
        %dma_start3A_2294 = tpu.memref_slice %arg6[%select_n3A_2211, %dma_start3A_2292, %dma_start3A_2293] : memref<8x8x1024xf32, #tpu.memory_space<vmem>> -> memref<1x8x128xf32, #tpu.memory_space<vmem>>
        %dma_start3A_2295 = tpu.memref_squeeze %dma_start3A_2294 : memref<1x8x128xf32, #tpu.memory_space<vmem>> -> memref<8x128xf32, #tpu.memory_space<vmem>>
        %dma_start3A_2296 = tpu.memref_slice %arg2[%mul3A_0, %multiple_of3A_2291] : memref<16x1000000xf32, #tpu.memory_space<hbm>> -> memref<8x128xf32, #tpu.memory_space<hbm>>
        %dma_start3A_2297 = arith.constant 0 : i32
        %dma_start3A_2298 = arith.constant 640 : i32
        %dma_start3A_2299 = tpu.memref_slice %arg6[%select_n3A_2211, %dma_start3A_2297, %dma_start3A_2298] : memref<8x8x1024xf32, #tpu.memory_space<vmem>> -> memref<1x8x128xf32, #tpu.memory_space<vmem>>
        %dma_start3A_2300 = tpu.memref_squeeze %dma_start3A_2299 : memref<1x8x128xf32, #tpu.memory_space<vmem>> -> memref<8x128xf32, #tpu.memory_space<vmem>>
        %dma_start3A_2301 = tpu.memref_slice %arg2[%mul3A_0, %multiple_of3A_2291] : memref<16x1000000xf32, #tpu.memory_space<hbm>> -> memref<8x128xf32, #tpu.memory_space<hbm>>
        tpu.enqueue_dma source(%dma_start3A_2301 : memref<8x128xf32, #tpu.memory_space<hbm>>) target(%dma_start3A_2300 : memref<8x128xf32, #tpu.memory_space<vmem>>) target_semaphore(%arg10 : memref<!tpu.dma_semaphore, #tpu.memory_space<semaphore_mem>>)
        %slice3A_2302 = vector.extract_strided_slice %mul3A_2223 {offsets = [6], sizes = [1], strides = [1]} : vector<16xi32> to vector<1xi32>
        %squeeze3A_2303 = vector.extract %slice3A_2302[0] : i32 from vector<1xi32>
        %multiple_of3A_2304 = tpu.assume_multiple %squeeze3A_2303, 128 : i32
        %dma_start3A_2305 = arith.constant 0 : i32
        %dma_start3A_2306 = arith.constant 768 : i32
        %dma_start3A_2307 = tpu.memref_slice %arg6[%select_n3A_2211, %dma_start3A_2305, %dma_start3A_2306] : memref<8x8x1024xf32, #tpu.memory_space<vmem>> -> memref<1x8x128xf32, #tpu.memory_space<vmem>>
        %dma_start3A_2308 = tpu.memref_squeeze %dma_start3A_2307 : memref<1x8x128xf32, #tpu.memory_space<vmem>> -> memref<8x128xf32, #tpu.memory_space<vmem>>
        %dma_start3A_2309 = tpu.memref_slice %arg2[%mul3A_0, %multiple_of3A_2304] : memref<16x1000000xf32, #tpu.memory_space<hbm>> -> memref<8x128xf32, #tpu.memory_space<hbm>>
        %dma_start3A_2310 = arith.constant 0 : i32
        %dma_start3A_2311 = arith.constant 768 : i32
        %dma_start3A_2312 = tpu.memref_slice %arg6[%select_n3A_2211, %dma_start3A_2310, %dma_start3A_2311] : memref<8x8x1024xf32, #tpu.memory_space<vmem>> -> memref<1x8x128xf32, #tpu.memory_space<vmem>>
        %dma_start3A_2313 = tpu.memref_squeeze %dma_start3A_2312 : memref<1x8x128xf32, #tpu.memory_space<vmem>> -> memref<8x128xf32, #tpu.memory_space<vmem>>
        %dma_start3A_2314 = tpu.memref_slice %arg2[%mul3A_0, %multiple_of3A_2304] : memref<16x1000000xf32, #tpu.memory_space<hbm>> -> memref<8x128xf32, #tpu.memory_space<hbm>>
        tpu.enqueue_dma source(%dma_start3A_2314 : memref<8x128xf32, #tpu.memory_space<hbm>>) target(%dma_start3A_2313 : memref<8x128xf32, #tpu.memory_space<vmem>>) target_semaphore(%arg10 : memref<!tpu.dma_semaphore, #tpu.memory_space<semaphore_mem>>)
        %slice3A_2315 = vector.extract_strided_slice %mul3A_2223 {offsets = [7], sizes = [1], strides = [1]} : vector<16xi32> to vector<1xi32>
        %squeeze3A_2316 = vector.extract %slice3A_2315[0] : i32 from vector<1xi32>
        %multiple_of3A_2317 = tpu.assume_multiple %squeeze3A_2316, 128 : i32
        %dma_start3A_2318 = arith.constant 0 : i32
        %dma_start3A_2319 = arith.constant 896 : i32
        %dma_start3A_2320 = tpu.memref_slice %arg6[%select_n3A_2211, %dma_start3A_2318, %dma_start3A_2319] : memref<8x8x1024xf32, #tpu.memory_space<vmem>> -> memref<1x8x128xf32, #tpu.memory_space<vmem>>
        %dma_start3A_2321 = tpu.memref_squeeze %dma_start3A_2320 : memref<1x8x128xf32, #tpu.memory_space<vmem>> -> memref<8x128xf32, #tpu.memory_space<vmem>>
        %dma_start3A_2322 = tpu.memref_slice %arg2[%mul3A_0, %multiple_of3A_2317] : memref<16x1000000xf32, #tpu.memory_space<hbm>> -> memref<8x128xf32, #tpu.memory_space<hbm>>
        %dma_start3A_2323 = arith.constant 0 : i32
        %dma_start3A_2324 = arith.constant 896 : i32
        %dma_start3A_2325 = tpu.memref_slice %arg6[%select_n3A_2211, %dma_start3A_2323, %dma_start3A_2324] : memref<8x8x1024xf32, #tpu.memory_space<vmem>> -> memref<1x8x128xf32, #tpu.memory_space<vmem>>
        %dma_start3A_2326 = tpu.memref_squeeze %dma_start3A_2325 : memref<1x8x128xf32, #tpu.memory_space<vmem>> -> memref<8x128xf32, #tpu.memory_space<vmem>>
        %dma_start3A_2327 = tpu.memref_slice %arg2[%mul3A_0, %multiple_of3A_2317] : memref<16x1000000xf32, #tpu.memory_space<hbm>> -> memref<8x128xf32, #tpu.memory_space<hbm>>
        tpu.enqueue_dma source(%dma_start3A_2327 : memref<8x128xf32, #tpu.memory_space<hbm>>) target(%dma_start3A_2326 : memref<8x128xf32, #tpu.memory_space<vmem>>) target_semaphore(%arg10 : memref<!tpu.dma_semaphore, #tpu.memory_space<semaphore_mem>>)
      } else {
      }
      %add3A_1421 = arith.constant 3 : i32
      %add3A_1422 = arith.addi %mul3A_970, %add3A_1421 : i32
      %jit3A_1423 = arith.constant 8 : i32
      %eq3A_1424 = arith.constant 0 : i32
      %eq3A_1425 = arith.cmpi eq, %jit3A_1423, %eq3A_1424 : i32
      %jit3A_1426 = arith.constant 1 : i32
      %select_n3A_1427 = arith.select %eq3A_1425, %jit3A_1426, %jit3A_1423 : i32
      %rem3A_1428 = arith.remsi %add3A_1422, %select_n3A_1427 : i32
      %ne3A_1429 = arith.constant 0 : i32
      %ne3A_1430 = arith.cmpi ne, %rem3A_1428, %ne3A_1429 : i32
      %lt3A_1431 = arith.constant 0 : i32
      %lt3A_1432 = arith.cmpi slt, %rem3A_1428, %lt3A_1431 : i32
      %lt3A_1433 = arith.constant 0 : i32
      %lt3A_1434 = arith.cmpi slt, %select_n3A_1427, %lt3A_1433 : i32
      %ne3A_1435 = arith.xori %lt3A_1432, %lt3A_1434 : i1
      %and3A_1436 = arith.andi %ne3A_1435, %ne3A_1430 : i1
      %add3A_1437 = arith.addi %rem3A_1428, %select_n3A_1427 : i32
      %select_n3A_1438 = arith.select %and3A_1436, %add3A_1437, %rem3A_1428 : i32
      %dma_wait3A_1439 = arith.constant 0 : i32
      %dma_wait3A_1440 = arith.constant 0 : i32
      %dma_wait3A_1441 = tpu.memref_slice %arg6[%select_n3A_1438, %dma_wait3A_1439, %dma_wait3A_1440] : memref<8x8x1024xf32, #tpu.memory_space<vmem>> -> memref<1x8x1024xf32, #tpu.memory_space<vmem>>
      %dma_wait3A_1442 = tpu.memref_squeeze %dma_wait3A_1441 : memref<1x8x1024xf32, #tpu.memory_space<vmem>> -> memref<8x1024xf32, #tpu.memory_space<vmem>>
      %dma_wait3A_1443 = arith.constant 0 : i32
      %dma_wait3A_1444 = arith.constant 0 : i32
      %dma_wait3A_1445 = tpu.memref_slice %arg2[%dma_wait3A_1443, %dma_wait3A_1444] : memref<16x1000000xf32, #tpu.memory_space<hbm>> -> memref<8x1024xf32, #tpu.memory_space<hbm>>
      %dma_wait3A_1446 = arith.constant 0 : i32
      %dma_wait3A_1447 = arith.constant 0 : i32
      %dma_wait3A_1448 = tpu.memref_slice %arg6[%select_n3A_1438, %dma_wait3A_1446, %dma_wait3A_1447] : memref<8x8x1024xf32, #tpu.memory_space<vmem>> -> memref<1x8x1024xf32, #tpu.memory_space<vmem>>
      %dma_wait3A_1449 = tpu.memref_squeeze %dma_wait3A_1448 : memref<1x8x1024xf32, #tpu.memory_space<vmem>> -> memref<8x1024xf32, #tpu.memory_space<vmem>>
      %dma_wait3A_1450 = arith.constant 0 : i32
      %dma_wait3A_1451 = arith.constant 0 : i32
      %dma_wait3A_1452 = tpu.memref_slice %arg2[%dma_wait3A_1450, %dma_wait3A_1451] : memref<16x1000000xf32, #tpu.memory_space<hbm>> -> memref<8x1024xf32, #tpu.memory_space<hbm>>
      tpu.wait_dma2 semaphore(%arg11 : memref<!tpu.dma_semaphore, #tpu.memory_space<semaphore_mem>>) src(%dma_wait3A_1452 : memref<8x1024xf32, #tpu.memory_space<hbm>>) dst(%dma_wait3A_1449 : memref<8x1024xf32, #tpu.memory_space<vmem>>)
      %mul3A_1453 = arith.constant 8 : i32
      %mul3A_1454 = arith.muli %add3A_1422, %mul3A_1453 : i32
      %add3A_1455 = arith.constant 0 : i32
      %add3A_1456 = arith.addi %mul3A_1454, %add3A_1455 : i32
      %get3A_1457 = arith.index_cast %add3A_1456 : i32 to index
      %get3A_1458 = tpu.vector_load %arg5[%get3A_1457] {strides = array<i32>} : memref<1040xi32, #tpu.memory_space<vmem>>, vector<16xi32>,
      %and3A_1459 = arith.constant 127 : i32
      %and3A_1460 = vector.broadcast %and3A_1459 : i32 to vector<16xi32>
      %and3A_1461 = arith.andi %get3A_1458, %and3A_1460 : vector<16xi32>
      %mul3A_1462 = arith.constant 8 : i32
      %mul3A_1463 = arith.muli %add3A_1422, %mul3A_1462 : i32
      %add3A_1464 = arith.constant 0 : i32
      %add3A_1465 = arith.addi %mul3A_1463, %add3A_1464 : i32
      %add3A_1466 = arith.constant 0 : i32
      %add3A_1467 = arith.addi %add3A_1465, %add3A_1466 : i32
      %broadcast_in_dim3A_1468 = vector.broadcast %select_n3A_1438 : i32 to vector<16xi32>
      %broadcast_in_dim3A_1469 = arith.constant 128 : i32
      %broadcast_in_dim3A_1470 = vector.broadcast %broadcast_in_dim3A_1469 : i32 to vector<16xi32>
      %slice3A_1471 = vector.extract_strided_slice %and3A_1461 {offsets = [1], sizes = [1], strides = [1]} : vector<16xi32> to vector<1xi32>
      %squeeze3A_1472 = vector.extract %slice3A_1471[0] : i32 from vector<1xi32>
      %add3A_1473 = vector.broadcast %squeeze3A_1472 : i32 to vector<16xi32>
      %add3A_1474 = arith.addi %broadcast_in_dim3A_1470, %add3A_1473 : vector<16xi32>
      %broadcast_in_dim3A_1475 = arith.constant 0 : i32
      %broadcast_in_dim3A_1476 = vector.broadcast %broadcast_in_dim3A_1475 : i32 to vector<16xi32>
      %slice3A_1477 = vector.extract_strided_slice %and3A_1461 {offsets = [0], sizes = [1], strides = [1]} : vector<16xi32> to vector<1xi32>
      %squeeze3A_1478 = vector.extract %slice3A_1477[0] : i32 from vector<1xi32>
      %add3A_1479 = vector.broadcast %squeeze3A_1478 : i32 to vector<16xi32>
      %add3A_1480 = arith.addi %broadcast_in_dim3A_1476, %add3A_1479 : vector<16xi32>
      %select_n3A_1481 = arith.select %ge3A_6, %add3A_1474, %add3A_1480 : vector<16xi1>, vector<16xi32>
      %add3A_1482 = arith.constant 1 : i32
      %add3A_1483 = arith.addi %add3A_1467, %add3A_1482 : i32
      %broadcast_in_dim3A_1484 = vector.broadcast %add3A_1483 : i32 to vector<16xi32>
      %broadcast_in_dim3A_1485 = vector.broadcast %add3A_1467 : i32 to vector<16xi32>
      %select_n3A_1486 = arith.select %ge3A_6, %broadcast_in_dim3A_1484, %broadcast_in_dim3A_1485 : vector<16xi1>, vector<16xi32>
      %gather3A_1487 = tpu.vector_load_idx %arg6[%broadcast_in_dim3A_1468, %and3A_4, %select_n3A_1481] : memref<8x8x1024xf32, #tpu.memory_space<vmem>>[vector<16xi32>, vector<16xi32>, vector<16xi32>], vector<16xf32>,
      tpu.vector_store_idx %arg7[%and3A_4, %select_n3A_1486], %gather3A_1487 : memref<8x1024xf32, #tpu.memory_space<vmem>>[vector<16xi32>, vector<16xi32>], vector<16xf32>,
      %mul3A_1488 = arith.constant 8 : i32
      %mul3A_1489 = arith.muli %add3A_1422, %mul3A_1488 : i32
      %add3A_1490 = arith.constant 0 : i32
      %add3A_1491 = arith.addi %mul3A_1489, %add3A_1490 : i32
      %add3A_1492 = arith.constant 2 : i32
      %add3A_1493 = arith.addi %add3A_1491, %add3A_1492 : i32
      %broadcast_in_dim3A_1494 = vector.broadcast %select_n3A_1438 : i32 to vector<16xi32>
      %broadcast_in_dim3A_1495 = arith.constant 384 : i32
      %broadcast_in_dim3A_1496 = vector.broadcast %broadcast_in_dim3A_1495 : i32 to vector<16xi32>
      %slice3A_1497 = vector.extract_strided_slice %and3A_1461 {offsets = [3], sizes = [1], strides = [1]} : vector<16xi32> to vector<1xi32>
      %squeeze3A_1498 = vector.extract %slice3A_1497[0] : i32 from vector<1xi32>
      %add3A_1499 = vector.broadcast %squeeze3A_1498 : i32 to vector<16xi32>
      %add3A_1500 = arith.addi %broadcast_in_dim3A_1496, %add3A_1499 : vector<16xi32>
      %broadcast_in_dim3A_1501 = arith.constant 256 : i32
      %broadcast_in_dim3A_1502 = vector.broadcast %broadcast_in_dim3A_1501 : i32 to vector<16xi32>
      %slice3A_1503 = vector.extract_strided_slice %and3A_1461 {offsets = [2], sizes = [1], strides = [1]} : vector<16xi32> to vector<1xi32>
      %squeeze3A_1504 = vector.extract %slice3A_1503[0] : i32 from vector<1xi32>
      %add3A_1505 = vector.broadcast %squeeze3A_1504 : i32 to vector<16xi32>
      %add3A_1506 = arith.addi %broadcast_in_dim3A_1502, %add3A_1505 : vector<16xi32>
      %select_n3A_1507 = arith.select %ge3A_6, %add3A_1500, %add3A_1506 : vector<16xi1>, vector<16xi32>
      %add3A_1508 = arith.constant 1 : i32
      %add3A_1509 = arith.addi %add3A_1493, %add3A_1508 : i32
      %broadcast_in_dim3A_1510 = vector.broadcast %add3A_1509 : i32 to vector<16xi32>
      %broadcast_in_dim3A_1511 = vector.broadcast %add3A_1493 : i32 to vector<16xi32>
      %select_n3A_1512 = arith.select %ge3A_6, %broadcast_in_dim3A_1510, %broadcast_in_dim3A_1511 : vector<16xi1>, vector<16xi32>
      %gather3A_1513 = tpu.vector_load_idx %arg6[%broadcast_in_dim3A_1494, %and3A_4, %select_n3A_1507] : memref<8x8x1024xf32, #tpu.memory_space<vmem>>[vector<16xi32>, vector<16xi32>, vector<16xi32>], vector<16xf32>,
      tpu.vector_store_idx %arg7[%and3A_4, %select_n3A_1512], %gather3A_1513 : memref<8x1024xf32, #tpu.memory_space<vmem>>[vector<16xi32>, vector<16xi32>], vector<16xf32>,
      %mul3A_1514 = arith.constant 8 : i32
      %mul3A_1515 = arith.muli %add3A_1422, %mul3A_1514 : i32
      %add3A_1516 = arith.constant 0 : i32
      %add3A_1517 = arith.addi %mul3A_1515, %add3A_1516 : i32
      %add3A_1518 = arith.constant 4 : i32
      %add3A_1519 = arith.addi %add3A_1517, %add3A_1518 : i32
      %broadcast_in_dim3A_1520 = vector.broadcast %select_n3A_1438 : i32 to vector<16xi32>
      %broadcast_in_dim3A_1521 = arith.constant 640 : i32
      %broadcast_in_dim3A_1522 = vector.broadcast %broadcast_in_dim3A_1521 : i32 to vector<16xi32>
      %slice3A_1523 = vector.extract_strided_slice %and3A_1461 {offsets = [5], sizes = [1], strides = [1]} : vector<16xi32> to vector<1xi32>
      %squeeze3A_1524 = vector.extract %slice3A_1523[0] : i32 from vector<1xi32>
      %add3A_1525 = vector.broadcast %squeeze3A_1524 : i32 to vector<16xi32>
      %add3A_1526 = arith.addi %broadcast_in_dim3A_1522, %add3A_1525 : vector<16xi32>
      %broadcast_in_dim3A_1527 = arith.constant 512 : i32
      %broadcast_in_dim3A_1528 = vector.broadcast %broadcast_in_dim3A_1527 : i32 to vector<16xi32>
      %slice3A_1529 = vector.extract_strided_slice %and3A_1461 {offsets = [4], sizes = [1], strides = [1]} : vector<16xi32> to vector<1xi32>
      %squeeze3A_1530 = vector.extract %slice3A_1529[0] : i32 from vector<1xi32>
      %add3A_1531 = vector.broadcast %squeeze3A_1530 : i32 to vector<16xi32>
      %add3A_1532 = arith.addi %broadcast_in_dim3A_1528, %add3A_1531 : vector<16xi32>
      %select_n3A_1533 = arith.select %ge3A_6, %add3A_1526, %add3A_1532 : vector<16xi1>, vector<16xi32>
      %add3A_1534 = arith.constant 1 : i32
      %add3A_1535 = arith.addi %add3A_1519, %add3A_1534 : i32
      %broadcast_in_dim3A_1536 = vector.broadcast %add3A_1535 : i32 to vector<16xi32>
      %broadcast_in_dim3A_1537 = vector.broadcast %add3A_1519 : i32 to vector<16xi32>
      %select_n3A_1538 = arith.select %ge3A_6, %broadcast_in_dim3A_1536, %broadcast_in_dim3A_1537 : vector<16xi1>, vector<16xi32>
      %gather3A_1539 = tpu.vector_load_idx %arg6[%broadcast_in_dim3A_1520, %and3A_4, %select_n3A_1533] : memref<8x8x1024xf32, #tpu.memory_space<vmem>>[vector<16xi32>, vector<16xi32>, vector<16xi32>], vector<16xf32>,
      tpu.vector_store_idx %arg7[%and3A_4, %select_n3A_1538], %gather3A_1539 : memref<8x1024xf32, #tpu.memory_space<vmem>>[vector<16xi32>, vector<16xi32>], vector<16xf32>,
      %mul3A_1540 = arith.constant 8 : i32
      %mul3A_1541 = arith.muli %add3A_1422, %mul3A_1540 : i32
      %add3A_1542 = arith.constant 0 : i32
      %add3A_1543 = arith.addi %mul3A_1541, %add3A_1542 : i32
      %add3A_1544 = arith.constant 6 : i32
      %add3A_1545 = arith.addi %add3A_1543, %add3A_1544 : i32
      %broadcast_in_dim3A_1546 = vector.broadcast %select_n3A_1438 : i32 to vector<16xi32>
      %broadcast_in_dim3A_1547 = arith.constant 896 : i32
      %broadcast_in_dim3A_1548 = vector.broadcast %broadcast_in_dim3A_1547 : i32 to vector<16xi32>
      %slice3A_1549 = vector.extract_strided_slice %and3A_1461 {offsets = [7], sizes = [1], strides = [1]} : vector<16xi32> to vector<1xi32>
      %squeeze3A_1550 = vector.extract %slice3A_1549[0] : i32 from vector<1xi32>
      %add3A_1551 = vector.broadcast %squeeze3A_1550 : i32 to vector<16xi32>
      %add3A_1552 = arith.addi %broadcast_in_dim3A_1548, %add3A_1551 : vector<16xi32>
      %broadcast_in_dim3A_1553 = arith.constant 768 : i32
      %broadcast_in_dim3A_1554 = vector.broadcast %broadcast_in_dim3A_1553 : i32 to vector<16xi32>
      %slice3A_1555 = vector.extract_strided_slice %and3A_1461 {offsets = [6], sizes = [1], strides = [1]} : vector<16xi32> to vector<1xi32>
      %squeeze3A_1556 = vector.extract %slice3A_1555[0] : i32 from vector<1xi32>
      %add3A_1557 = vector.broadcast %squeeze3A_1556 : i32 to vector<16xi32>
      %add3A_1558 = arith.addi %broadcast_in_dim3A_1554, %add3A_1557 : vector<16xi32>
      %select_n3A_1559 = arith.select %ge3A_6, %add3A_1552, %add3A_1558 : vector<16xi1>, vector<16xi32>
      %add3A_1560 = arith.constant 1 : i32
      %add3A_1561 = arith.addi %add3A_1545, %add3A_1560 : i32
      %broadcast_in_dim3A_1562 = vector.broadcast %add3A_1561 : i32 to vector<16xi32>
      %broadcast_in_dim3A_1563 = vector.broadcast %add3A_1545 : i32 to vector<16xi32>
      %select_n3A_1564 = arith.select %ge3A_6, %broadcast_in_dim3A_1562, %broadcast_in_dim3A_1563 : vector<16xi1>, vector<16xi32>
      %gather3A_1565 = tpu.vector_load_idx %arg6[%broadcast_in_dim3A_1546, %and3A_4, %select_n3A_1559] : memref<8x8x1024xf32, #tpu.memory_space<vmem>>[vector<16xi32>, vector<16xi32>, vector<16xi32>], vector<16xf32>,
      tpu.vector_store_idx %arg7[%and3A_4, %select_n3A_1564], %gather3A_1565 : memref<8x1024xf32, #tpu.memory_space<vmem>>[vector<16xi32>, vector<16xi32>], vector<16xf32>,
      %add3A_1566 = arith.constant 3 : i32
      %add3A_1567 = arith.addi %mul3A_970, %add3A_1566 : i32
      %add3A_1568 = arith.constant 8 : i32
      %add3A_1569 = arith.addi %add3A_1567, %add3A_1568 : i32
      %lt3A_1570 = arith.constant 128 : i32
      %lt3A_1571 = arith.cmpi slt, %add3A_1569, %lt3A_1570 : i32
      %convert_element_type3A_1572 = arith.extui %lt3A_1571 : i1 to i32
      %cond3A_1573 = arith.constant 0 : i32
      %cond3A_1574 = arith.cmpi ne, %convert_element_type3A_1572, %cond3A_1573 : i32
      scf.if %cond3A_1574 {
        %add3A_2192 = arith.constant 3 : i32
        %add3A_2193 = arith.addi %mul3A_970, %add3A_2192 : i32
        %add3A_2194 = arith.constant 8 : i32
        %add3A_2195 = arith.addi %add3A_2193, %add3A_2194 : i32
        %jit3A_2196 = arith.constant 8 : i32
        %eq3A_2197 = arith.constant 0 : i32
        %eq3A_2198 = arith.cmpi eq, %jit3A_2196, %eq3A_2197 : i32
        %jit3A_2199 = arith.constant 1 : i32
        %select_n3A_2200 = arith.select %eq3A_2198, %jit3A_2199, %jit3A_2196 : i32
        %rem3A_2201 = arith.remsi %add3A_2195, %select_n3A_2200 : i32
        %ne3A_2202 = arith.constant 0 : i32
        %ne3A_2203 = arith.cmpi ne, %rem3A_2201, %ne3A_2202 : i32
        %lt3A_2204 = arith.constant 0 : i32
        %lt3A_2205 = arith.cmpi slt, %rem3A_2201, %lt3A_2204 : i32
        %lt3A_2206 = arith.constant 0 : i32
        %lt3A_2207 = arith.cmpi slt, %select_n3A_2200, %lt3A_2206 : i32
        %ne3A_2208 = arith.xori %lt3A_2205, %lt3A_2207 : i1
        %and3A_2209 = arith.andi %ne3A_2208, %ne3A_2203 : i1
        %add3A_2210 = arith.addi %rem3A_2201, %select_n3A_2200 : i32
        %select_n3A_2211 = arith.select %and3A_2209, %add3A_2210, %rem3A_2201 : i32
        %mul3A_2212 = arith.constant 8 : i32
        %mul3A_2213 = arith.muli %add3A_2195, %mul3A_2212 : i32
        %add3A_2214 = arith.constant 0 : i32
        %add3A_2215 = arith.addi %mul3A_2213, %add3A_2214 : i32
        %get3A_2216 = arith.index_cast %add3A_2215 : i32 to index
        %get3A_2217 = tpu.vector_load %arg5[%get3A_2216] {strides = array<i32>} : memref<1040xi32, #tpu.memory_space<vmem>>, vector<16xi32>,
        %shift_right_arithmetic3A_2218 = arith.constant 7 : i32
        %shift_right_arithmetic3A_2219 = vector.broadcast %shift_right_arithmetic3A_2218 : i32 to vector<16xi32>
        %shift_right_arithmetic3A_2220 = arith.shrsi %get3A_2217, %shift_right_arithmetic3A_2219 : vector<16xi32>
        %mul3A_2221 = arith.constant 128 : i32
        %mul3A_2222 = vector.broadcast %mul3A_2221 : i32 to vector<16xi32>
        %mul3A_2223 = arith.muli %shift_right_arithmetic3A_2220, %mul3A_2222 : vector<16xi32>
        %slice3A_2224 = vector.extract_strided_slice %mul3A_2223 {offsets = [0], sizes = [1], strides = [1]} : vector<16xi32> to vector<1xi32>
        %squeeze3A_2225 = vector.extract %slice3A_2224[0] : i32 from vector<1xi32>
        %multiple_of3A_2226 = tpu.assume_multiple %squeeze3A_2225, 128 : i32
        %dma_start3A_2227 = arith.constant 0 : i32
        %dma_start3A_2228 = arith.constant 0 : i32
        %dma_start3A_2229 = tpu.memref_slice %arg6[%select_n3A_2211, %dma_start3A_2227, %dma_start3A_2228] : memref<8x8x1024xf32, #tpu.memory_space<vmem>> -> memref<1x8x128xf32, #tpu.memory_space<vmem>>
        %dma_start3A_2230 = tpu.memref_squeeze %dma_start3A_2229 : memref<1x8x128xf32, #tpu.memory_space<vmem>> -> memref<8x128xf32, #tpu.memory_space<vmem>>
        %dma_start3A_2231 = tpu.memref_slice %arg2[%mul3A_0, %multiple_of3A_2226] : memref<16x1000000xf32, #tpu.memory_space<hbm>> -> memref<8x128xf32, #tpu.memory_space<hbm>>
        %dma_start3A_2232 = arith.constant 0 : i32
        %dma_start3A_2233 = arith.constant 0 : i32
        %dma_start3A_2234 = tpu.memref_slice %arg6[%select_n3A_2211, %dma_start3A_2232, %dma_start3A_2233] : memref<8x8x1024xf32, #tpu.memory_space<vmem>> -> memref<1x8x128xf32, #tpu.memory_space<vmem>>
        %dma_start3A_2235 = tpu.memref_squeeze %dma_start3A_2234 : memref<1x8x128xf32, #tpu.memory_space<vmem>> -> memref<8x128xf32, #tpu.memory_space<vmem>>
        %dma_start3A_2236 = tpu.memref_slice %arg2[%mul3A_0, %multiple_of3A_2226] : memref<16x1000000xf32, #tpu.memory_space<hbm>> -> memref<8x128xf32, #tpu.memory_space<hbm>>
        tpu.enqueue_dma source(%dma_start3A_2236 : memref<8x128xf32, #tpu.memory_space<hbm>>) target(%dma_start3A_2235 : memref<8x128xf32, #tpu.memory_space<vmem>>) target_semaphore(%arg11 : memref<!tpu.dma_semaphore, #tpu.memory_space<semaphore_mem>>)
        %slice3A_2237 = vector.extract_strided_slice %mul3A_2223 {offsets = [1], sizes = [1], strides = [1]} : vector<16xi32> to vector<1xi32>
        %squeeze3A_2238 = vector.extract %slice3A_2237[0] : i32 from vector<1xi32>
        %multiple_of3A_2239 = tpu.assume_multiple %squeeze3A_2238, 128 : i32
        %dma_start3A_2240 = arith.constant 0 : i32
        %dma_start3A_2241 = arith.constant 128 : i32
        %dma_start3A_2242 = tpu.memref_slice %arg6[%select_n3A_2211, %dma_start3A_2240, %dma_start3A_2241] : memref<8x8x1024xf32, #tpu.memory_space<vmem>> -> memref<1x8x128xf32, #tpu.memory_space<vmem>>
        %dma_start3A_2243 = tpu.memref_squeeze %dma_start3A_2242 : memref<1x8x128xf32, #tpu.memory_space<vmem>> -> memref<8x128xf32, #tpu.memory_space<vmem>>
        %dma_start3A_2244 = tpu.memref_slice %arg2[%mul3A_0, %multiple_of3A_2239] : memref<16x1000000xf32, #tpu.memory_space<hbm>> -> memref<8x128xf32, #tpu.memory_space<hbm>>
        %dma_start3A_2245 = arith.constant 0 : i32
        %dma_start3A_2246 = arith.constant 128 : i32
        %dma_start3A_2247 = tpu.memref_slice %arg6[%select_n3A_2211, %dma_start3A_2245, %dma_start3A_2246] : memref<8x8x1024xf32, #tpu.memory_space<vmem>> -> memref<1x8x128xf32, #tpu.memory_space<vmem>>
        %dma_start3A_2248 = tpu.memref_squeeze %dma_start3A_2247 : memref<1x8x128xf32, #tpu.memory_space<vmem>> -> memref<8x128xf32, #tpu.memory_space<vmem>>
        %dma_start3A_2249 = tpu.memref_slice %arg2[%mul3A_0, %multiple_of3A_2239] : memref<16x1000000xf32, #tpu.memory_space<hbm>> -> memref<8x128xf32, #tpu.memory_space<hbm>>
        tpu.enqueue_dma source(%dma_start3A_2249 : memref<8x128xf32, #tpu.memory_space<hbm>>) target(%dma_start3A_2248 : memref<8x128xf32, #tpu.memory_space<vmem>>) target_semaphore(%arg11 : memref<!tpu.dma_semaphore, #tpu.memory_space<semaphore_mem>>)
        %slice3A_2250 = vector.extract_strided_slice %mul3A_2223 {offsets = [2], sizes = [1], strides = [1]} : vector<16xi32> to vector<1xi32>
        %squeeze3A_2251 = vector.extract %slice3A_2250[0] : i32 from vector<1xi32>
        %multiple_of3A_2252 = tpu.assume_multiple %squeeze3A_2251, 128 : i32
        %dma_start3A_2253 = arith.constant 0 : i32
        %dma_start3A_2254 = arith.constant 256 : i32
        %dma_start3A_2255 = tpu.memref_slice %arg6[%select_n3A_2211, %dma_start3A_2253, %dma_start3A_2254] : memref<8x8x1024xf32, #tpu.memory_space<vmem>> -> memref<1x8x128xf32, #tpu.memory_space<vmem>>
        %dma_start3A_2256 = tpu.memref_squeeze %dma_start3A_2255 : memref<1x8x128xf32, #tpu.memory_space<vmem>> -> memref<8x128xf32, #tpu.memory_space<vmem>>
        %dma_start3A_2257 = tpu.memref_slice %arg2[%mul3A_0, %multiple_of3A_2252] : memref<16x1000000xf32, #tpu.memory_space<hbm>> -> memref<8x128xf32, #tpu.memory_space<hbm>>
        %dma_start3A_2258 = arith.constant 0 : i32
        %dma_start3A_2259 = arith.constant 256 : i32
        %dma_start3A_2260 = tpu.memref_slice %arg6[%select_n3A_2211, %dma_start3A_2258, %dma_start3A_2259] : memref<8x8x1024xf32, #tpu.memory_space<vmem>> -> memref<1x8x128xf32, #tpu.memory_space<vmem>>
        %dma_start3A_2261 = tpu.memref_squeeze %dma_start3A_2260 : memref<1x8x128xf32, #tpu.memory_space<vmem>> -> memref<8x128xf32, #tpu.memory_space<vmem>>
        %dma_start3A_2262 = tpu.memref_slice %arg2[%mul3A_0, %multiple_of3A_2252] : memref<16x1000000xf32, #tpu.memory_space<hbm>> -> memref<8x128xf32, #tpu.memory_space<hbm>>
        tpu.enqueue_dma source(%dma_start3A_2262 : memref<8x128xf32, #tpu.memory_space<hbm>>) target(%dma_start3A_2261 : memref<8x128xf32, #tpu.memory_space<vmem>>) target_semaphore(%arg11 : memref<!tpu.dma_semaphore, #tpu.memory_space<semaphore_mem>>)
        %slice3A_2263 = vector.extract_strided_slice %mul3A_2223 {offsets = [3], sizes = [1], strides = [1]} : vector<16xi32> to vector<1xi32>
        %squeeze3A_2264 = vector.extract %slice3A_2263[0] : i32 from vector<1xi32>
        %multiple_of3A_2265 = tpu.assume_multiple %squeeze3A_2264, 128 : i32
        %dma_start3A_2266 = arith.constant 0 : i32
        %dma_start3A_2267 = arith.constant 384 : i32
        %dma_start3A_2268 = tpu.memref_slice %arg6[%select_n3A_2211, %dma_start3A_2266, %dma_start3A_2267] : memref<8x8x1024xf32, #tpu.memory_space<vmem>> -> memref<1x8x128xf32, #tpu.memory_space<vmem>>
        %dma_start3A_2269 = tpu.memref_squeeze %dma_start3A_2268 : memref<1x8x128xf32, #tpu.memory_space<vmem>> -> memref<8x128xf32, #tpu.memory_space<vmem>>
        %dma_start3A_2270 = tpu.memref_slice %arg2[%mul3A_0, %multiple_of3A_2265] : memref<16x1000000xf32, #tpu.memory_space<hbm>> -> memref<8x128xf32, #tpu.memory_space<hbm>>
        %dma_start3A_2271 = arith.constant 0 : i32
        %dma_start3A_2272 = arith.constant 384 : i32
        %dma_start3A_2273 = tpu.memref_slice %arg6[%select_n3A_2211, %dma_start3A_2271, %dma_start3A_2272] : memref<8x8x1024xf32, #tpu.memory_space<vmem>> -> memref<1x8x128xf32, #tpu.memory_space<vmem>>
        %dma_start3A_2274 = tpu.memref_squeeze %dma_start3A_2273 : memref<1x8x128xf32, #tpu.memory_space<vmem>> -> memref<8x128xf32, #tpu.memory_space<vmem>>
        %dma_start3A_2275 = tpu.memref_slice %arg2[%mul3A_0, %multiple_of3A_2265] : memref<16x1000000xf32, #tpu.memory_space<hbm>> -> memref<8x128xf32, #tpu.memory_space<hbm>>
        tpu.enqueue_dma source(%dma_start3A_2275 : memref<8x128xf32, #tpu.memory_space<hbm>>) target(%dma_start3A_2274 : memref<8x128xf32, #tpu.memory_space<vmem>>) target_semaphore(%arg11 : memref<!tpu.dma_semaphore, #tpu.memory_space<semaphore_mem>>)
        %slice3A_2276 = vector.extract_strided_slice %mul3A_2223 {offsets = [4], sizes = [1], strides = [1]} : vector<16xi32> to vector<1xi32>
        %squeeze3A_2277 = vector.extract %slice3A_2276[0] : i32 from vector<1xi32>
        %multiple_of3A_2278 = tpu.assume_multiple %squeeze3A_2277, 128 : i32
        %dma_start3A_2279 = arith.constant 0 : i32
        %dma_start3A_2280 = arith.constant 512 : i32
        %dma_start3A_2281 = tpu.memref_slice %arg6[%select_n3A_2211, %dma_start3A_2279, %dma_start3A_2280] : memref<8x8x1024xf32, #tpu.memory_space<vmem>> -> memref<1x8x128xf32, #tpu.memory_space<vmem>>
        %dma_start3A_2282 = tpu.memref_squeeze %dma_start3A_2281 : memref<1x8x128xf32, #tpu.memory_space<vmem>> -> memref<8x128xf32, #tpu.memory_space<vmem>>
        %dma_start3A_2283 = tpu.memref_slice %arg2[%mul3A_0, %multiple_of3A_2278] : memref<16x1000000xf32, #tpu.memory_space<hbm>> -> memref<8x128xf32, #tpu.memory_space<hbm>>
        %dma_start3A_2284 = arith.constant 0 : i32
        %dma_start3A_2285 = arith.constant 512 : i32
        %dma_start3A_2286 = tpu.memref_slice %arg6[%select_n3A_2211, %dma_start3A_2284, %dma_start3A_2285] : memref<8x8x1024xf32, #tpu.memory_space<vmem>> -> memref<1x8x128xf32, #tpu.memory_space<vmem>>
        %dma_start3A_2287 = tpu.memref_squeeze %dma_start3A_2286 : memref<1x8x128xf32, #tpu.memory_space<vmem>> -> memref<8x128xf32, #tpu.memory_space<vmem>>
        %dma_start3A_2288 = tpu.memref_slice %arg2[%mul3A_0, %multiple_of3A_2278] : memref<16x1000000xf32, #tpu.memory_space<hbm>> -> memref<8x128xf32, #tpu.memory_space<hbm>>
        tpu.enqueue_dma source(%dma_start3A_2288 : memref<8x128xf32, #tpu.memory_space<hbm>>) target(%dma_start3A_2287 : memref<8x128xf32, #tpu.memory_space<vmem>>) target_semaphore(%arg11 : memref<!tpu.dma_semaphore, #tpu.memory_space<semaphore_mem>>)
        %slice3A_2289 = vector.extract_strided_slice %mul3A_2223 {offsets = [5], sizes = [1], strides = [1]} : vector<16xi32> to vector<1xi32>
        %squeeze3A_2290 = vector.extract %slice3A_2289[0] : i32 from vector<1xi32>
        %multiple_of3A_2291 = tpu.assume_multiple %squeeze3A_2290, 128 : i32
        %dma_start3A_2292 = arith.constant 0 : i32
        %dma_start3A_2293 = arith.constant 640 : i32
        %dma_start3A_2294 = tpu.memref_slice %arg6[%select_n3A_2211, %dma_start3A_2292, %dma_start3A_2293] : memref<8x8x1024xf32, #tpu.memory_space<vmem>> -> memref<1x8x128xf32, #tpu.memory_space<vmem>>
        %dma_start3A_2295 = tpu.memref_squeeze %dma_start3A_2294 : memref<1x8x128xf32, #tpu.memory_space<vmem>> -> memref<8x128xf32, #tpu.memory_space<vmem>>
        %dma_start3A_2296 = tpu.memref_slice %arg2[%mul3A_0, %multiple_of3A_2291] : memref<16x1000000xf32, #tpu.memory_space<hbm>> -> memref<8x128xf32, #tpu.memory_space<hbm>>
        %dma_start3A_2297 = arith.constant 0 : i32
        %dma_start3A_2298 = arith.constant 640 : i32
        %dma_start3A_2299 = tpu.memref_slice %arg6[%select_n3A_2211, %dma_start3A_2297, %dma_start3A_2298] : memref<8x8x1024xf32, #tpu.memory_space<vmem>> -> memref<1x8x128xf32, #tpu.memory_space<vmem>>
        %dma_start3A_2300 = tpu.memref_squeeze %dma_start3A_2299 : memref<1x8x128xf32, #tpu.memory_space<vmem>> -> memref<8x128xf32, #tpu.memory_space<vmem>>
        %dma_start3A_2301 = tpu.memref_slice %arg2[%mul3A_0, %multiple_of3A_2291] : memref<16x1000000xf32, #tpu.memory_space<hbm>> -> memref<8x128xf32, #tpu.memory_space<hbm>>
        tpu.enqueue_dma source(%dma_start3A_2301 : memref<8x128xf32, #tpu.memory_space<hbm>>) target(%dma_start3A_2300 : memref<8x128xf32, #tpu.memory_space<vmem>>) target_semaphore(%arg11 : memref<!tpu.dma_semaphore, #tpu.memory_space<semaphore_mem>>)
        %slice3A_2302 = vector.extract_strided_slice %mul3A_2223 {offsets = [6], sizes = [1], strides = [1]} : vector<16xi32> to vector<1xi32>
        %squeeze3A_2303 = vector.extract %slice3A_2302[0] : i32 from vector<1xi32>
        %multiple_of3A_2304 = tpu.assume_multiple %squeeze3A_2303, 128 : i32
        %dma_start3A_2305 = arith.constant 0 : i32
        %dma_start3A_2306 = arith.constant 768 : i32
        %dma_start3A_2307 = tpu.memref_slice %arg6[%select_n3A_2211, %dma_start3A_2305, %dma_start3A_2306] : memref<8x8x1024xf32, #tpu.memory_space<vmem>> -> memref<1x8x128xf32, #tpu.memory_space<vmem>>
        %dma_start3A_2308 = tpu.memref_squeeze %dma_start3A_2307 : memref<1x8x128xf32, #tpu.memory_space<vmem>> -> memref<8x128xf32, #tpu.memory_space<vmem>>
        %dma_start3A_2309 = tpu.memref_slice %arg2[%mul3A_0, %multiple_of3A_2304] : memref<16x1000000xf32, #tpu.memory_space<hbm>> -> memref<8x128xf32, #tpu.memory_space<hbm>>
        %dma_start3A_2310 = arith.constant 0 : i32
        %dma_start3A_2311 = arith.constant 768 : i32
        %dma_start3A_2312 = tpu.memref_slice %arg6[%select_n3A_2211, %dma_start3A_2310, %dma_start3A_2311] : memref<8x8x1024xf32, #tpu.memory_space<vmem>> -> memref<1x8x128xf32, #tpu.memory_space<vmem>>
        %dma_start3A_2313 = tpu.memref_squeeze %dma_start3A_2312 : memref<1x8x128xf32, #tpu.memory_space<vmem>> -> memref<8x128xf32, #tpu.memory_space<vmem>>
        %dma_start3A_2314 = tpu.memref_slice %arg2[%mul3A_0, %multiple_of3A_2304] : memref<16x1000000xf32, #tpu.memory_space<hbm>> -> memref<8x128xf32, #tpu.memory_space<hbm>>
        tpu.enqueue_dma source(%dma_start3A_2314 : memref<8x128xf32, #tpu.memory_space<hbm>>) target(%dma_start3A_2313 : memref<8x128xf32, #tpu.memory_space<vmem>>) target_semaphore(%arg11 : memref<!tpu.dma_semaphore, #tpu.memory_space<semaphore_mem>>)
        %slice3A_2315 = vector.extract_strided_slice %mul3A_2223 {offsets = [7], sizes = [1], strides = [1]} : vector<16xi32> to vector<1xi32>
        %squeeze3A_2316 = vector.extract %slice3A_2315[0] : i32 from vector<1xi32>
        %multiple_of3A_2317 = tpu.assume_multiple %squeeze3A_2316, 128 : i32
        %dma_start3A_2318 = arith.constant 0 : i32
        %dma_start3A_2319 = arith.constant 896 : i32
        %dma_start3A_2320 = tpu.memref_slice %arg6[%select_n3A_2211, %dma_start3A_2318, %dma_start3A_2319] : memref<8x8x1024xf32, #tpu.memory_space<vmem>> -> memref<1x8x128xf32, #tpu.memory_space<vmem>>
        %dma_start3A_2321 = tpu.memref_squeeze %dma_start3A_2320 : memref<1x8x128xf32, #tpu.memory_space<vmem>> -> memref<8x128xf32, #tpu.memory_space<vmem>>
        %dma_start3A_2322 = tpu.memref_slice %arg2[%mul3A_0, %multiple_of3A_2317] : memref<16x1000000xf32, #tpu.memory_space<hbm>> -> memref<8x128xf32, #tpu.memory_space<hbm>>
        %dma_start3A_2323 = arith.constant 0 : i32
        %dma_start3A_2324 = arith.constant 896 : i32
        %dma_start3A_2325 = tpu.memref_slice %arg6[%select_n3A_2211, %dma_start3A_2323, %dma_start3A_2324] : memref<8x8x1024xf32, #tpu.memory_space<vmem>> -> memref<1x8x128xf32, #tpu.memory_space<vmem>>
        %dma_start3A_2326 = tpu.memref_squeeze %dma_start3A_2325 : memref<1x8x128xf32, #tpu.memory_space<vmem>> -> memref<8x128xf32, #tpu.memory_space<vmem>>
        %dma_start3A_2327 = tpu.memref_slice %arg2[%mul3A_0, %multiple_of3A_2317] : memref<16x1000000xf32, #tpu.memory_space<hbm>> -> memref<8x128xf32, #tpu.memory_space<hbm>>
        tpu.enqueue_dma source(%dma_start3A_2327 : memref<8x128xf32, #tpu.memory_space<hbm>>) target(%dma_start3A_2326 : memref<8x128xf32, #tpu.memory_space<vmem>>) target_semaphore(%arg11 : memref<!tpu.dma_semaphore, #tpu.memory_space<semaphore_mem>>)
      } else {
      }
      %add3A_1575 = arith.constant 4 : i32
      %add3A_1576 = arith.addi %mul3A_970, %add3A_1575 : i32
      %jit3A_1577 = arith.constant 8 : i32
      %eq3A_1578 = arith.constant 0 : i32
      %eq3A_1579 = arith.cmpi eq, %jit3A_1577, %eq3A_1578 : i32
      %jit3A_1580 = arith.constant 1 : i32
      %select_n3A_1581 = arith.select %eq3A_1579, %jit3A_1580, %jit3A_1577 : i32
      %rem3A_1582 = arith.remsi %add3A_1576, %select_n3A_1581 : i32
      %ne3A_1583 = arith.constant 0 : i32
      %ne3A_1584 = arith.cmpi ne, %rem3A_1582, %ne3A_1583 : i32
      %lt3A_1585 = arith.constant 0 : i32
      %lt3A_1586 = arith.cmpi slt, %rem3A_1582, %lt3A_1585 : i32
      %lt3A_1587 = arith.constant 0 : i32
      %lt3A_1588 = arith.cmpi slt, %select_n3A_1581, %lt3A_1587 : i32
      %ne3A_1589 = arith.xori %lt3A_1586, %lt3A_1588 : i1
      %and3A_1590 = arith.andi %ne3A_1589, %ne3A_1584 : i1
      %add3A_1591 = arith.addi %rem3A_1582, %select_n3A_1581 : i32
      %select_n3A_1592 = arith.select %and3A_1590, %add3A_1591, %rem3A_1582 : i32
      %dma_wait3A_1593 = arith.constant 0 : i32
      %dma_wait3A_1594 = arith.constant 0 : i32
      %dma_wait3A_1595 = tpu.memref_slice %arg6[%select_n3A_1592, %dma_wait3A_1593, %dma_wait3A_1594] : memref<8x8x1024xf32, #tpu.memory_space<vmem>> -> memref<1x8x1024xf32, #tpu.memory_space<vmem>>
      %dma_wait3A_1596 = tpu.memref_squeeze %dma_wait3A_1595 : memref<1x8x1024xf32, #tpu.memory_space<vmem>> -> memref<8x1024xf32, #tpu.memory_space<vmem>>
      %dma_wait3A_1597 = arith.constant 0 : i32
      %dma_wait3A_1598 = arith.constant 0 : i32
      %dma_wait3A_1599 = tpu.memref_slice %arg2[%dma_wait3A_1597, %dma_wait3A_1598] : memref<16x1000000xf32, #tpu.memory_space<hbm>> -> memref<8x1024xf32, #tpu.memory_space<hbm>>
      %dma_wait3A_1600 = arith.constant 0 : i32
      %dma_wait3A_1601 = arith.constant 0 : i32
      %dma_wait3A_1602 = tpu.memref_slice %arg6[%select_n3A_1592, %dma_wait3A_1600, %dma_wait3A_1601] : memref<8x8x1024xf32, #tpu.memory_space<vmem>> -> memref<1x8x1024xf32, #tpu.memory_space<vmem>>
      %dma_wait3A_1603 = tpu.memref_squeeze %dma_wait3A_1602 : memref<1x8x1024xf32, #tpu.memory_space<vmem>> -> memref<8x1024xf32, #tpu.memory_space<vmem>>
      %dma_wait3A_1604 = arith.constant 0 : i32
      %dma_wait3A_1605 = arith.constant 0 : i32
      %dma_wait3A_1606 = tpu.memref_slice %arg2[%dma_wait3A_1604, %dma_wait3A_1605] : memref<16x1000000xf32, #tpu.memory_space<hbm>> -> memref<8x1024xf32, #tpu.memory_space<hbm>>
      tpu.wait_dma2 semaphore(%arg12 : memref<!tpu.dma_semaphore, #tpu.memory_space<semaphore_mem>>) src(%dma_wait3A_1606 : memref<8x1024xf32, #tpu.memory_space<hbm>>) dst(%dma_wait3A_1603 : memref<8x1024xf32, #tpu.memory_space<vmem>>)
      %mul3A_1607 = arith.constant 8 : i32
      %mul3A_1608 = arith.muli %add3A_1576, %mul3A_1607 : i32
      %add3A_1609 = arith.constant 0 : i32
      %add3A_1610 = arith.addi %mul3A_1608, %add3A_1609 : i32
      %get3A_1611 = arith.index_cast %add3A_1610 : i32 to index
      %get3A_1612 = tpu.vector_load %arg5[%get3A_1611] {strides = array<i32>} : memref<1040xi32, #tpu.memory_space<vmem>>, vector<16xi32>,
      %and3A_1613 = arith.constant 127 : i32
      %and3A_1614 = vector.broadcast %and3A_1613 : i32 to vector<16xi32>
      %and3A_1615 = arith.andi %get3A_1612, %and3A_1614 : vector<16xi32>
      %mul3A_1616 = arith.constant 8 : i32
      %mul3A_1617 = arith.muli %add3A_1576, %mul3A_1616 : i32
      %add3A_1618 = arith.constant 0 : i32
      %add3A_1619 = arith.addi %mul3A_1617, %add3A_1618 : i32
      %add3A_1620 = arith.constant 0 : i32
      %add3A_1621 = arith.addi %add3A_1619, %add3A_1620 : i32
      %broadcast_in_dim3A_1622 = vector.broadcast %select_n3A_1592 : i32 to vector<16xi32>
      %broadcast_in_dim3A_1623 = arith.constant 128 : i32
      %broadcast_in_dim3A_1624 = vector.broadcast %broadcast_in_dim3A_1623 : i32 to vector<16xi32>
      %slice3A_1625 = vector.extract_strided_slice %and3A_1615 {offsets = [1], sizes = [1], strides = [1]} : vector<16xi32> to vector<1xi32>
      %squeeze3A_1626 = vector.extract %slice3A_1625[0] : i32 from vector<1xi32>
      %add3A_1627 = vector.broadcast %squeeze3A_1626 : i32 to vector<16xi32>
      %add3A_1628 = arith.addi %broadcast_in_dim3A_1624, %add3A_1627 : vector<16xi32>
      %broadcast_in_dim3A_1629 = arith.constant 0 : i32
      %broadcast_in_dim3A_1630 = vector.broadcast %broadcast_in_dim3A_1629 : i32 to vector<16xi32>
      %slice3A_1631 = vector.extract_strided_slice %and3A_1615 {offsets = [0], sizes = [1], strides = [1]} : vector<16xi32> to vector<1xi32>
      %squeeze3A_1632 = vector.extract %slice3A_1631[0] : i32 from vector<1xi32>
      %add3A_1633 = vector.broadcast %squeeze3A_1632 : i32 to vector<16xi32>
      %add3A_1634 = arith.addi %broadcast_in_dim3A_1630, %add3A_1633 : vector<16xi32>
      %select_n3A_1635 = arith.select %ge3A_6, %add3A_1628, %add3A_1634 : vector<16xi1>, vector<16xi32>
      %add3A_1636 = arith.constant 1 : i32
      %add3A_1637 = arith.addi %add3A_1621, %add3A_1636 : i32
      %broadcast_in_dim3A_1638 = vector.broadcast %add3A_1637 : i32 to vector<16xi32>
      %broadcast_in_dim3A_1639 = vector.broadcast %add3A_1621 : i32 to vector<16xi32>
      %select_n3A_1640 = arith.select %ge3A_6, %broadcast_in_dim3A_1638, %broadcast_in_dim3A_1639 : vector<16xi1>, vector<16xi32>
      %gather3A_1641 = tpu.vector_load_idx %arg6[%broadcast_in_dim3A_1622, %and3A_4, %select_n3A_1635] : memref<8x8x1024xf32, #tpu.memory_space<vmem>>[vector<16xi32>, vector<16xi32>, vector<16xi32>], vector<16xf32>,
      tpu.vector_store_idx %arg7[%and3A_4, %select_n3A_1640], %gather3A_1641 : memref<8x1024xf32, #tpu.memory_space<vmem>>[vector<16xi32>, vector<16xi32>], vector<16xf32>,
      %mul3A_1642 = arith.constant 8 : i32
      %mul3A_1643 = arith.muli %add3A_1576, %mul3A_1642 : i32
      %add3A_1644 = arith.constant 0 : i32
      %add3A_1645 = arith.addi %mul3A_1643, %add3A_1644 : i32
      %add3A_1646 = arith.constant 2 : i32
      %add3A_1647 = arith.addi %add3A_1645, %add3A_1646 : i32
      %broadcast_in_dim3A_1648 = vector.broadcast %select_n3A_1592 : i32 to vector<16xi32>
      %broadcast_in_dim3A_1649 = arith.constant 384 : i32
      %broadcast_in_dim3A_1650 = vector.broadcast %broadcast_in_dim3A_1649 : i32 to vector<16xi32>
      %slice3A_1651 = vector.extract_strided_slice %and3A_1615 {offsets = [3], sizes = [1], strides = [1]} : vector<16xi32> to vector<1xi32>
      %squeeze3A_1652 = vector.extract %slice3A_1651[0] : i32 from vector<1xi32>
      %add3A_1653 = vector.broadcast %squeeze3A_1652 : i32 to vector<16xi32>
      %add3A_1654 = arith.addi %broadcast_in_dim3A_1650, %add3A_1653 : vector<16xi32>
      %broadcast_in_dim3A_1655 = arith.constant 256 : i32
      %broadcast_in_dim3A_1656 = vector.broadcast %broadcast_in_dim3A_1655 : i32 to vector<16xi32>
      %slice3A_1657 = vector.extract_strided_slice %and3A_1615 {offsets = [2], sizes = [1], strides = [1]} : vector<16xi32> to vector<1xi32>
      %squeeze3A_1658 = vector.extract %slice3A_1657[0] : i32 from vector<1xi32>
      %add3A_1659 = vector.broadcast %squeeze3A_1658 : i32 to vector<16xi32>
      %add3A_1660 = arith.addi %broadcast_in_dim3A_1656, %add3A_1659 : vector<16xi32>
      %select_n3A_1661 = arith.select %ge3A_6, %add3A_1654, %add3A_1660 : vector<16xi1>, vector<16xi32>
      %add3A_1662 = arith.constant 1 : i32
      %add3A_1663 = arith.addi %add3A_1647, %add3A_1662 : i32
      %broadcast_in_dim3A_1664 = vector.broadcast %add3A_1663 : i32 to vector<16xi32>
      %broadcast_in_dim3A_1665 = vector.broadcast %add3A_1647 : i32 to vector<16xi32>
      %select_n3A_1666 = arith.select %ge3A_6, %broadcast_in_dim3A_1664, %broadcast_in_dim3A_1665 : vector<16xi1>, vector<16xi32>
      %gather3A_1667 = tpu.vector_load_idx %arg6[%broadcast_in_dim3A_1648, %and3A_4, %select_n3A_1661] : memref<8x8x1024xf32, #tpu.memory_space<vmem>>[vector<16xi32>, vector<16xi32>, vector<16xi32>], vector<16xf32>,
      tpu.vector_store_idx %arg7[%and3A_4, %select_n3A_1666], %gather3A_1667 : memref<8x1024xf32, #tpu.memory_space<vmem>>[vector<16xi32>, vector<16xi32>], vector<16xf32>,
      %mul3A_1668 = arith.constant 8 : i32
      %mul3A_1669 = arith.muli %add3A_1576, %mul3A_1668 : i32
      %add3A_1670 = arith.constant 0 : i32
      %add3A_1671 = arith.addi %mul3A_1669, %add3A_1670 : i32
      %add3A_1672 = arith.constant 4 : i32
      %add3A_1673 = arith.addi %add3A_1671, %add3A_1672 : i32
      %broadcast_in_dim3A_1674 = vector.broadcast %select_n3A_1592 : i32 to vector<16xi32>
      %broadcast_in_dim3A_1675 = arith.constant 640 : i32
      %broadcast_in_dim3A_1676 = vector.broadcast %broadcast_in_dim3A_1675 : i32 to vector<16xi32>
      %slice3A_1677 = vector.extract_strided_slice %and3A_1615 {offsets = [5], sizes = [1], strides = [1]} : vector<16xi32> to vector<1xi32>
      %squeeze3A_1678 = vector.extract %slice3A_1677[0] : i32 from vector<1xi32>
      %add3A_1679 = vector.broadcast %squeeze3A_1678 : i32 to vector<16xi32>
      %add3A_1680 = arith.addi %broadcast_in_dim3A_1676, %add3A_1679 : vector<16xi32>
      %broadcast_in_dim3A_1681 = arith.constant 512 : i32
      %broadcast_in_dim3A_1682 = vector.broadcast %broadcast_in_dim3A_1681 : i32 to vector<16xi32>
      %slice3A_1683 = vector.extract_strided_slice %and3A_1615 {offsets = [4], sizes = [1], strides = [1]} : vector<16xi32> to vector<1xi32>
      %squeeze3A_1684 = vector.extract %slice3A_1683[0] : i32 from vector<1xi32>
      %add3A_1685 = vector.broadcast %squeeze3A_1684 : i32 to vector<16xi32>
      %add3A_1686 = arith.addi %broadcast_in_dim3A_1682, %add3A_1685 : vector<16xi32>
      %select_n3A_1687 = arith.select %ge3A_6, %add3A_1680, %add3A_1686 : vector<16xi1>, vector<16xi32>
      %add3A_1688 = arith.constant 1 : i32
      %add3A_1689 = arith.addi %add3A_1673, %add3A_1688 : i32
      %broadcast_in_dim3A_1690 = vector.broadcast %add3A_1689 : i32 to vector<16xi32>
      %broadcast_in_dim3A_1691 = vector.broadcast %add3A_1673 : i32 to vector<16xi32>
      %select_n3A_1692 = arith.select %ge3A_6, %broadcast_in_dim3A_1690, %broadcast_in_dim3A_1691 : vector<16xi1>, vector<16xi32>
      %gather3A_1693 = tpu.vector_load_idx %arg6[%broadcast_in_dim3A_1674, %and3A_4, %select_n3A_1687] : memref<8x8x1024xf32, #tpu.memory_space<vmem>>[vector<16xi32>, vector<16xi32>, vector<16xi32>], vector<16xf32>,
      tpu.vector_store_idx %arg7[%and3A_4, %select_n3A_1692], %gather3A_1693 : memref<8x1024xf32, #tpu.memory_space<vmem>>[vector<16xi32>, vector<16xi32>], vector<16xf32>,
      %mul3A_1694 = arith.constant 8 : i32
      %mul3A_1695 = arith.muli %add3A_1576, %mul3A_1694 : i32
      %add3A_1696 = arith.constant 0 : i32
      %add3A_1697 = arith.addi %mul3A_1695, %add3A_1696 : i32
      %add3A_1698 = arith.constant 6 : i32
      %add3A_1699 = arith.addi %add3A_1697, %add3A_1698 : i32
      %broadcast_in_dim3A_1700 = vector.broadcast %select_n3A_1592 : i32 to vector<16xi32>
      %broadcast_in_dim3A_1701 = arith.constant 896 : i32
      %broadcast_in_dim3A_1702 = vector.broadcast %broadcast_in_dim3A_1701 : i32 to vector<16xi32>
      %slice3A_1703 = vector.extract_strided_slice %and3A_1615 {offsets = [7], sizes = [1], strides = [1]} : vector<16xi32> to vector<1xi32>
      %squeeze3A_1704 = vector.extract %slice3A_1703[0] : i32 from vector<1xi32>
      %add3A_1705 = vector.broadcast %squeeze3A_1704 : i32 to vector<16xi32>
      %add3A_1706 = arith.addi %broadcast_in_dim3A_1702, %add3A_1705 : vector<16xi32>
      %broadcast_in_dim3A_1707 = arith.constant 768 : i32
      %broadcast_in_dim3A_1708 = vector.broadcast %broadcast_in_dim3A_1707 : i32 to vector<16xi32>
      %slice3A_1709 = vector.extract_strided_slice %and3A_1615 {offsets = [6], sizes = [1], strides = [1]} : vector<16xi32> to vector<1xi32>
      %squeeze3A_1710 = vector.extract %slice3A_1709[0] : i32 from vector<1xi32>
      %add3A_1711 = vector.broadcast %squeeze3A_1710 : i32 to vector<16xi32>
      %add3A_1712 = arith.addi %broadcast_in_dim3A_1708, %add3A_1711 : vector<16xi32>
      %select_n3A_1713 = arith.select %ge3A_6, %add3A_1706, %add3A_1712 : vector<16xi1>, vector<16xi32>
      %add3A_1714 = arith.constant 1 : i32
      %add3A_1715 = arith.addi %add3A_1699, %add3A_1714 : i32
      %broadcast_in_dim3A_1716 = vector.broadcast %add3A_1715 : i32 to vector<16xi32>
      %broadcast_in_dim3A_1717 = vector.broadcast %add3A_1699 : i32 to vector<16xi32>
      %select_n3A_1718 = arith.select %ge3A_6, %broadcast_in_dim3A_1716, %broadcast_in_dim3A_1717 : vector<16xi1>, vector<16xi32>
      %gather3A_1719 = tpu.vector_load_idx %arg6[%broadcast_in_dim3A_1700, %and3A_4, %select_n3A_1713] : memref<8x8x1024xf32, #tpu.memory_space<vmem>>[vector<16xi32>, vector<16xi32>, vector<16xi32>], vector<16xf32>,
      tpu.vector_store_idx %arg7[%and3A_4, %select_n3A_1718], %gather3A_1719 : memref<8x1024xf32, #tpu.memory_space<vmem>>[vector<16xi32>, vector<16xi32>], vector<16xf32>,
      %add3A_1720 = arith.constant 4 : i32
      %add3A_1721 = arith.addi %mul3A_970, %add3A_1720 : i32
      %add3A_1722 = arith.constant 8 : i32
      %add3A_1723 = arith.addi %add3A_1721, %add3A_1722 : i32
      %lt3A_1724 = arith.constant 128 : i32
      %lt3A_1725 = arith.cmpi slt, %add3A_1723, %lt3A_1724 : i32
      %convert_element_type3A_1726 = arith.extui %lt3A_1725 : i1 to i32
      %cond3A_1727 = arith.constant 0 : i32
      %cond3A_1728 = arith.cmpi ne, %convert_element_type3A_1726, %cond3A_1727 : i32
      scf.if %cond3A_1728 {
        %add3A_2192 = arith.constant 4 : i32
        %add3A_2193 = arith.addi %mul3A_970, %add3A_2192 : i32
        %add3A_2194 = arith.constant 8 : i32
        %add3A_2195 = arith.addi %add3A_2193, %add3A_2194 : i32
        %jit3A_2196 = arith.constant 8 : i32
        %eq3A_2197 = arith.constant 0 : i32
        %eq3A_2198 = arith.cmpi eq, %jit3A_2196, %eq3A_2197 : i32
        %jit3A_2199 = arith.constant 1 : i32
        %select_n3A_2200 = arith.select %eq3A_2198, %jit3A_2199, %jit3A_2196 : i32
        %rem3A_2201 = arith.remsi %add3A_2195, %select_n3A_2200 : i32
        %ne3A_2202 = arith.constant 0 : i32
        %ne3A_2203 = arith.cmpi ne, %rem3A_2201, %ne3A_2202 : i32
        %lt3A_2204 = arith.constant 0 : i32
        %lt3A_2205 = arith.cmpi slt, %rem3A_2201, %lt3A_2204 : i32
        %lt3A_2206 = arith.constant 0 : i32
        %lt3A_2207 = arith.cmpi slt, %select_n3A_2200, %lt3A_2206 : i32
        %ne3A_2208 = arith.xori %lt3A_2205, %lt3A_2207 : i1
        %and3A_2209 = arith.andi %ne3A_2208, %ne3A_2203 : i1
        %add3A_2210 = arith.addi %rem3A_2201, %select_n3A_2200 : i32
        %select_n3A_2211 = arith.select %and3A_2209, %add3A_2210, %rem3A_2201 : i32
        %mul3A_2212 = arith.constant 8 : i32
        %mul3A_2213 = arith.muli %add3A_2195, %mul3A_2212 : i32
        %add3A_2214 = arith.constant 0 : i32
        %add3A_2215 = arith.addi %mul3A_2213, %add3A_2214 : i32
        %get3A_2216 = arith.index_cast %add3A_2215 : i32 to index
        %get3A_2217 = tpu.vector_load %arg5[%get3A_2216] {strides = array<i32>} : memref<1040xi32, #tpu.memory_space<vmem>>, vector<16xi32>,
        %shift_right_arithmetic3A_2218 = arith.constant 7 : i32
        %shift_right_arithmetic3A_2219 = vector.broadcast %shift_right_arithmetic3A_2218 : i32 to vector<16xi32>
        %shift_right_arithmetic3A_2220 = arith.shrsi %get3A_2217, %shift_right_arithmetic3A_2219 : vector<16xi32>
        %mul3A_2221 = arith.constant 128 : i32
        %mul3A_2222 = vector.broadcast %mul3A_2221 : i32 to vector<16xi32>
        %mul3A_2223 = arith.muli %shift_right_arithmetic3A_2220, %mul3A_2222 : vector<16xi32>
        %slice3A_2224 = vector.extract_strided_slice %mul3A_2223 {offsets = [0], sizes = [1], strides = [1]} : vector<16xi32> to vector<1xi32>
        %squeeze3A_2225 = vector.extract %slice3A_2224[0] : i32 from vector<1xi32>
        %multiple_of3A_2226 = tpu.assume_multiple %squeeze3A_2225, 128 : i32
        %dma_start3A_2227 = arith.constant 0 : i32
        %dma_start3A_2228 = arith.constant 0 : i32
        %dma_start3A_2229 = tpu.memref_slice %arg6[%select_n3A_2211, %dma_start3A_2227, %dma_start3A_2228] : memref<8x8x1024xf32, #tpu.memory_space<vmem>> -> memref<1x8x128xf32, #tpu.memory_space<vmem>>
        %dma_start3A_2230 = tpu.memref_squeeze %dma_start3A_2229 : memref<1x8x128xf32, #tpu.memory_space<vmem>> -> memref<8x128xf32, #tpu.memory_space<vmem>>
        %dma_start3A_2231 = tpu.memref_slice %arg2[%mul3A_0, %multiple_of3A_2226] : memref<16x1000000xf32, #tpu.memory_space<hbm>> -> memref<8x128xf32, #tpu.memory_space<hbm>>
        %dma_start3A_2232 = arith.constant 0 : i32
        %dma_start3A_2233 = arith.constant 0 : i32
        %dma_start3A_2234 = tpu.memref_slice %arg6[%select_n3A_2211, %dma_start3A_2232, %dma_start3A_2233] : memref<8x8x1024xf32, #tpu.memory_space<vmem>> -> memref<1x8x128xf32, #tpu.memory_space<vmem>>
        %dma_start3A_2235 = tpu.memref_squeeze %dma_start3A_2234 : memref<1x8x128xf32, #tpu.memory_space<vmem>> -> memref<8x128xf32, #tpu.memory_space<vmem>>
        %dma_start3A_2236 = tpu.memref_slice %arg2[%mul3A_0, %multiple_of3A_2226] : memref<16x1000000xf32, #tpu.memory_space<hbm>> -> memref<8x128xf32, #tpu.memory_space<hbm>>
        tpu.enqueue_dma source(%dma_start3A_2236 : memref<8x128xf32, #tpu.memory_space<hbm>>) target(%dma_start3A_2235 : memref<8x128xf32, #tpu.memory_space<vmem>>) target_semaphore(%arg12 : memref<!tpu.dma_semaphore, #tpu.memory_space<semaphore_mem>>)
        %slice3A_2237 = vector.extract_strided_slice %mul3A_2223 {offsets = [1], sizes = [1], strides = [1]} : vector<16xi32> to vector<1xi32>
        %squeeze3A_2238 = vector.extract %slice3A_2237[0] : i32 from vector<1xi32>
        %multiple_of3A_2239 = tpu.assume_multiple %squeeze3A_2238, 128 : i32
        %dma_start3A_2240 = arith.constant 0 : i32
        %dma_start3A_2241 = arith.constant 128 : i32
        %dma_start3A_2242 = tpu.memref_slice %arg6[%select_n3A_2211, %dma_start3A_2240, %dma_start3A_2241] : memref<8x8x1024xf32, #tpu.memory_space<vmem>> -> memref<1x8x128xf32, #tpu.memory_space<vmem>>
        %dma_start3A_2243 = tpu.memref_squeeze %dma_start3A_2242 : memref<1x8x128xf32, #tpu.memory_space<vmem>> -> memref<8x128xf32, #tpu.memory_space<vmem>>
        %dma_start3A_2244 = tpu.memref_slice %arg2[%mul3A_0, %multiple_of3A_2239] : memref<16x1000000xf32, #tpu.memory_space<hbm>> -> memref<8x128xf32, #tpu.memory_space<hbm>>
        %dma_start3A_2245 = arith.constant 0 : i32
        %dma_start3A_2246 = arith.constant 128 : i32
        %dma_start3A_2247 = tpu.memref_slice %arg6[%select_n3A_2211, %dma_start3A_2245, %dma_start3A_2246] : memref<8x8x1024xf32, #tpu.memory_space<vmem>> -> memref<1x8x128xf32, #tpu.memory_space<vmem>>
        %dma_start3A_2248 = tpu.memref_squeeze %dma_start3A_2247 : memref<1x8x128xf32, #tpu.memory_space<vmem>> -> memref<8x128xf32, #tpu.memory_space<vmem>>
        %dma_start3A_2249 = tpu.memref_slice %arg2[%mul3A_0, %multiple_of3A_2239] : memref<16x1000000xf32, #tpu.memory_space<hbm>> -> memref<8x128xf32, #tpu.memory_space<hbm>>
        tpu.enqueue_dma source(%dma_start3A_2249 : memref<8x128xf32, #tpu.memory_space<hbm>>) target(%dma_start3A_2248 : memref<8x128xf32, #tpu.memory_space<vmem>>) target_semaphore(%arg12 : memref<!tpu.dma_semaphore, #tpu.memory_space<semaphore_mem>>)
        %slice3A_2250 = vector.extract_strided_slice %mul3A_2223 {offsets = [2], sizes = [1], strides = [1]} : vector<16xi32> to vector<1xi32>
        %squeeze3A_2251 = vector.extract %slice3A_2250[0] : i32 from vector<1xi32>
        %multiple_of3A_2252 = tpu.assume_multiple %squeeze3A_2251, 128 : i32
        %dma_start3A_2253 = arith.constant 0 : i32
        %dma_start3A_2254 = arith.constant 256 : i32
        %dma_start3A_2255 = tpu.memref_slice %arg6[%select_n3A_2211, %dma_start3A_2253, %dma_start3A_2254] : memref<8x8x1024xf32, #tpu.memory_space<vmem>> -> memref<1x8x128xf32, #tpu.memory_space<vmem>>
        %dma_start3A_2256 = tpu.memref_squeeze %dma_start3A_2255 : memref<1x8x128xf32, #tpu.memory_space<vmem>> -> memref<8x128xf32, #tpu.memory_space<vmem>>
        %dma_start3A_2257 = tpu.memref_slice %arg2[%mul3A_0, %multiple_of3A_2252] : memref<16x1000000xf32, #tpu.memory_space<hbm>> -> memref<8x128xf32, #tpu.memory_space<hbm>>
        %dma_start3A_2258 = arith.constant 0 : i32
        %dma_start3A_2259 = arith.constant 256 : i32
        %dma_start3A_2260 = tpu.memref_slice %arg6[%select_n3A_2211, %dma_start3A_2258, %dma_start3A_2259] : memref<8x8x1024xf32, #tpu.memory_space<vmem>> -> memref<1x8x128xf32, #tpu.memory_space<vmem>>
        %dma_start3A_2261 = tpu.memref_squeeze %dma_start3A_2260 : memref<1x8x128xf32, #tpu.memory_space<vmem>> -> memref<8x128xf32, #tpu.memory_space<vmem>>
        %dma_start3A_2262 = tpu.memref_slice %arg2[%mul3A_0, %multiple_of3A_2252] : memref<16x1000000xf32, #tpu.memory_space<hbm>> -> memref<8x128xf32, #tpu.memory_space<hbm>>
        tpu.enqueue_dma source(%dma_start3A_2262 : memref<8x128xf32, #tpu.memory_space<hbm>>) target(%dma_start3A_2261 : memref<8x128xf32, #tpu.memory_space<vmem>>) target_semaphore(%arg12 : memref<!tpu.dma_semaphore, #tpu.memory_space<semaphore_mem>>)
        %slice3A_2263 = vector.extract_strided_slice %mul3A_2223 {offsets = [3], sizes = [1], strides = [1]} : vector<16xi32> to vector<1xi32>
        %squeeze3A_2264 = vector.extract %slice3A_2263[0] : i32 from vector<1xi32>
        %multiple_of3A_2265 = tpu.assume_multiple %squeeze3A_2264, 128 : i32
        %dma_start3A_2266 = arith.constant 0 : i32
        %dma_start3A_2267 = arith.constant 384 : i32
        %dma_start3A_2268 = tpu.memref_slice %arg6[%select_n3A_2211, %dma_start3A_2266, %dma_start3A_2267] : memref<8x8x1024xf32, #tpu.memory_space<vmem>> -> memref<1x8x128xf32, #tpu.memory_space<vmem>>
        %dma_start3A_2269 = tpu.memref_squeeze %dma_start3A_2268 : memref<1x8x128xf32, #tpu.memory_space<vmem>> -> memref<8x128xf32, #tpu.memory_space<vmem>>
        %dma_start3A_2270 = tpu.memref_slice %arg2[%mul3A_0, %multiple_of3A_2265] : memref<16x1000000xf32, #tpu.memory_space<hbm>> -> memref<8x128xf32, #tpu.memory_space<hbm>>
        %dma_start3A_2271 = arith.constant 0 : i32
        %dma_start3A_2272 = arith.constant 384 : i32
        %dma_start3A_2273 = tpu.memref_slice %arg6[%select_n3A_2211, %dma_start3A_2271, %dma_start3A_2272] : memref<8x8x1024xf32, #tpu.memory_space<vmem>> -> memref<1x8x128xf32, #tpu.memory_space<vmem>>
        %dma_start3A_2274 = tpu.memref_squeeze %dma_start3A_2273 : memref<1x8x128xf32, #tpu.memory_space<vmem>> -> memref<8x128xf32, #tpu.memory_space<vmem>>
        %dma_start3A_2275 = tpu.memref_slice %arg2[%mul3A_0, %multiple_of3A_2265] : memref<16x1000000xf32, #tpu.memory_space<hbm>> -> memref<8x128xf32, #tpu.memory_space<hbm>>
        tpu.enqueue_dma source(%dma_start3A_2275 : memref<8x128xf32, #tpu.memory_space<hbm>>) target(%dma_start3A_2274 : memref<8x128xf32, #tpu.memory_space<vmem>>) target_semaphore(%arg12 : memref<!tpu.dma_semaphore, #tpu.memory_space<semaphore_mem>>)
        %slice3A_2276 = vector.extract_strided_slice %mul3A_2223 {offsets = [4], sizes = [1], strides = [1]} : vector<16xi32> to vector<1xi32>
        %squeeze3A_2277 = vector.extract %slice3A_2276[0] : i32 from vector<1xi32>
        %multiple_of3A_2278 = tpu.assume_multiple %squeeze3A_2277, 128 : i32
        %dma_start3A_2279 = arith.constant 0 : i32
        %dma_start3A_2280 = arith.constant 512 : i32
        %dma_start3A_2281 = tpu.memref_slice %arg6[%select_n3A_2211, %dma_start3A_2279, %dma_start3A_2280] : memref<8x8x1024xf32, #tpu.memory_space<vmem>> -> memref<1x8x128xf32, #tpu.memory_space<vmem>>
        %dma_start3A_2282 = tpu.memref_squeeze %dma_start3A_2281 : memref<1x8x128xf32, #tpu.memory_space<vmem>> -> memref<8x128xf32, #tpu.memory_space<vmem>>
        %dma_start3A_2283 = tpu.memref_slice %arg2[%mul3A_0, %multiple_of3A_2278] : memref<16x1000000xf32, #tpu.memory_space<hbm>> -> memref<8x128xf32, #tpu.memory_space<hbm>>
        %dma_start3A_2284 = arith.constant 0 : i32
        %dma_start3A_2285 = arith.constant 512 : i32
        %dma_start3A_2286 = tpu.memref_slice %arg6[%select_n3A_2211, %dma_start3A_2284, %dma_start3A_2285] : memref<8x8x1024xf32, #tpu.memory_space<vmem>> -> memref<1x8x128xf32, #tpu.memory_space<vmem>>
        %dma_start3A_2287 = tpu.memref_squeeze %dma_start3A_2286 : memref<1x8x128xf32, #tpu.memory_space<vmem>> -> memref<8x128xf32, #tpu.memory_space<vmem>>
        %dma_start3A_2288 = tpu.memref_slice %arg2[%mul3A_0, %multiple_of3A_2278] : memref<16x1000000xf32, #tpu.memory_space<hbm>> -> memref<8x128xf32, #tpu.memory_space<hbm>>
        tpu.enqueue_dma source(%dma_start3A_2288 : memref<8x128xf32, #tpu.memory_space<hbm>>) target(%dma_start3A_2287 : memref<8x128xf32, #tpu.memory_space<vmem>>) target_semaphore(%arg12 : memref<!tpu.dma_semaphore, #tpu.memory_space<semaphore_mem>>)
        %slice3A_2289 = vector.extract_strided_slice %mul3A_2223 {offsets = [5], sizes = [1], strides = [1]} : vector<16xi32> to vector<1xi32>
        %squeeze3A_2290 = vector.extract %slice3A_2289[0] : i32 from vector<1xi32>
        %multiple_of3A_2291 = tpu.assume_multiple %squeeze3A_2290, 128 : i32
        %dma_start3A_2292 = arith.constant 0 : i32
        %dma_start3A_2293 = arith.constant 640 : i32
        %dma_start3A_2294 = tpu.memref_slice %arg6[%select_n3A_2211, %dma_start3A_2292, %dma_start3A_2293] : memref<8x8x1024xf32, #tpu.memory_space<vmem>> -> memref<1x8x128xf32, #tpu.memory_space<vmem>>
        %dma_start3A_2295 = tpu.memref_squeeze %dma_start3A_2294 : memref<1x8x128xf32, #tpu.memory_space<vmem>> -> memref<8x128xf32, #tpu.memory_space<vmem>>
        %dma_start3A_2296 = tpu.memref_slice %arg2[%mul3A_0, %multiple_of3A_2291] : memref<16x1000000xf32, #tpu.memory_space<hbm>> -> memref<8x128xf32, #tpu.memory_space<hbm>>
        %dma_start3A_2297 = arith.constant 0 : i32
        %dma_start3A_2298 = arith.constant 640 : i32
        %dma_start3A_2299 = tpu.memref_slice %arg6[%select_n3A_2211, %dma_start3A_2297, %dma_start3A_2298] : memref<8x8x1024xf32, #tpu.memory_space<vmem>> -> memref<1x8x128xf32, #tpu.memory_space<vmem>>
        %dma_start3A_2300 = tpu.memref_squeeze %dma_start3A_2299 : memref<1x8x128xf32, #tpu.memory_space<vmem>> -> memref<8x128xf32, #tpu.memory_space<vmem>>
        %dma_start3A_2301 = tpu.memref_slice %arg2[%mul3A_0, %multiple_of3A_2291] : memref<16x1000000xf32, #tpu.memory_space<hbm>> -> memref<8x128xf32, #tpu.memory_space<hbm>>
        tpu.enqueue_dma source(%dma_start3A_2301 : memref<8x128xf32, #tpu.memory_space<hbm>>) target(%dma_start3A_2300 : memref<8x128xf32, #tpu.memory_space<vmem>>) target_semaphore(%arg12 : memref<!tpu.dma_semaphore, #tpu.memory_space<semaphore_mem>>)
        %slice3A_2302 = vector.extract_strided_slice %mul3A_2223 {offsets = [6], sizes = [1], strides = [1]} : vector<16xi32> to vector<1xi32>
        %squeeze3A_2303 = vector.extract %slice3A_2302[0] : i32 from vector<1xi32>
        %multiple_of3A_2304 = tpu.assume_multiple %squeeze3A_2303, 128 : i32
        %dma_start3A_2305 = arith.constant 0 : i32
        %dma_start3A_2306 = arith.constant 768 : i32
        %dma_start3A_2307 = tpu.memref_slice %arg6[%select_n3A_2211, %dma_start3A_2305, %dma_start3A_2306] : memref<8x8x1024xf32, #tpu.memory_space<vmem>> -> memref<1x8x128xf32, #tpu.memory_space<vmem>>
        %dma_start3A_2308 = tpu.memref_squeeze %dma_start3A_2307 : memref<1x8x128xf32, #tpu.memory_space<vmem>> -> memref<8x128xf32, #tpu.memory_space<vmem>>
        %dma_start3A_2309 = tpu.memref_slice %arg2[%mul3A_0, %multiple_of3A_2304] : memref<16x1000000xf32, #tpu.memory_space<hbm>> -> memref<8x128xf32, #tpu.memory_space<hbm>>
        %dma_start3A_2310 = arith.constant 0 : i32
        %dma_start3A_2311 = arith.constant 768 : i32
        %dma_start3A_2312 = tpu.memref_slice %arg6[%select_n3A_2211, %dma_start3A_2310, %dma_start3A_2311] : memref<8x8x1024xf32, #tpu.memory_space<vmem>> -> memref<1x8x128xf32, #tpu.memory_space<vmem>>
        %dma_start3A_2313 = tpu.memref_squeeze %dma_start3A_2312 : memref<1x8x128xf32, #tpu.memory_space<vmem>> -> memref<8x128xf32, #tpu.memory_space<vmem>>
        %dma_start3A_2314 = tpu.memref_slice %arg2[%mul3A_0, %multiple_of3A_2304] : memref<16x1000000xf32, #tpu.memory_space<hbm>> -> memref<8x128xf32, #tpu.memory_space<hbm>>
        tpu.enqueue_dma source(%dma_start3A_2314 : memref<8x128xf32, #tpu.memory_space<hbm>>) target(%dma_start3A_2313 : memref<8x128xf32, #tpu.memory_space<vmem>>) target_semaphore(%arg12 : memref<!tpu.dma_semaphore, #tpu.memory_space<semaphore_mem>>)
        %slice3A_2315 = vector.extract_strided_slice %mul3A_2223 {offsets = [7], sizes = [1], strides = [1]} : vector<16xi32> to vector<1xi32>
        %squeeze3A_2316 = vector.extract %slice3A_2315[0] : i32 from vector<1xi32>
        %multiple_of3A_2317 = tpu.assume_multiple %squeeze3A_2316, 128 : i32
        %dma_start3A_2318 = arith.constant 0 : i32
        %dma_start3A_2319 = arith.constant 896 : i32
        %dma_start3A_2320 = tpu.memref_slice %arg6[%select_n3A_2211, %dma_start3A_2318, %dma_start3A_2319] : memref<8x8x1024xf32, #tpu.memory_space<vmem>> -> memref<1x8x128xf32, #tpu.memory_space<vmem>>
        %dma_start3A_2321 = tpu.memref_squeeze %dma_start3A_2320 : memref<1x8x128xf32, #tpu.memory_space<vmem>> -> memref<8x128xf32, #tpu.memory_space<vmem>>
        %dma_start3A_2322 = tpu.memref_slice %arg2[%mul3A_0, %multiple_of3A_2317] : memref<16x1000000xf32, #tpu.memory_space<hbm>> -> memref<8x128xf32, #tpu.memory_space<hbm>>
        %dma_start3A_2323 = arith.constant 0 : i32
        %dma_start3A_2324 = arith.constant 896 : i32
        %dma_start3A_2325 = tpu.memref_slice %arg6[%select_n3A_2211, %dma_start3A_2323, %dma_start3A_2324] : memref<8x8x1024xf32, #tpu.memory_space<vmem>> -> memref<1x8x128xf32, #tpu.memory_space<vmem>>
        %dma_start3A_2326 = tpu.memref_squeeze %dma_start3A_2325 : memref<1x8x128xf32, #tpu.memory_space<vmem>> -> memref<8x128xf32, #tpu.memory_space<vmem>>
        %dma_start3A_2327 = tpu.memref_slice %arg2[%mul3A_0, %multiple_of3A_2317] : memref<16x1000000xf32, #tpu.memory_space<hbm>> -> memref<8x128xf32, #tpu.memory_space<hbm>>
        tpu.enqueue_dma source(%dma_start3A_2327 : memref<8x128xf32, #tpu.memory_space<hbm>>) target(%dma_start3A_2326 : memref<8x128xf32, #tpu.memory_space<vmem>>) target_semaphore(%arg12 : memref<!tpu.dma_semaphore, #tpu.memory_space<semaphore_mem>>)
      } else {
      }
      %add3A_1729 = arith.constant 5 : i32
      %add3A_1730 = arith.addi %mul3A_970, %add3A_1729 : i32
      %jit3A_1731 = arith.constant 8 : i32
      %eq3A_1732 = arith.constant 0 : i32
      %eq3A_1733 = arith.cmpi eq, %jit3A_1731, %eq3A_1732 : i32
      %jit3A_1734 = arith.constant 1 : i32
      %select_n3A_1735 = arith.select %eq3A_1733, %jit3A_1734, %jit3A_1731 : i32
      %rem3A_1736 = arith.remsi %add3A_1730, %select_n3A_1735 : i32
      %ne3A_1737 = arith.constant 0 : i32
      %ne3A_1738 = arith.cmpi ne, %rem3A_1736, %ne3A_1737 : i32
      %lt3A_1739 = arith.constant 0 : i32
      %lt3A_1740 = arith.cmpi slt, %rem3A_1736, %lt3A_1739 : i32
      %lt3A_1741 = arith.constant 0 : i32
      %lt3A_1742 = arith.cmpi slt, %select_n3A_1735, %lt3A_1741 : i32
      %ne3A_1743 = arith.xori %lt3A_1740, %lt3A_1742 : i1
      %and3A_1744 = arith.andi %ne3A_1743, %ne3A_1738 : i1
      %add3A_1745 = arith.addi %rem3A_1736, %select_n3A_1735 : i32
      %select_n3A_1746 = arith.select %and3A_1744, %add3A_1745, %rem3A_1736 : i32
      %dma_wait3A_1747 = arith.constant 0 : i32
      %dma_wait3A_1748 = arith.constant 0 : i32
      %dma_wait3A_1749 = tpu.memref_slice %arg6[%select_n3A_1746, %dma_wait3A_1747, %dma_wait3A_1748] : memref<8x8x1024xf32, #tpu.memory_space<vmem>> -> memref<1x8x1024xf32, #tpu.memory_space<vmem>>
      %dma_wait3A_1750 = tpu.memref_squeeze %dma_wait3A_1749 : memref<1x8x1024xf32, #tpu.memory_space<vmem>> -> memref<8x1024xf32, #tpu.memory_space<vmem>>
      %dma_wait3A_1751 = arith.constant 0 : i32
      %dma_wait3A_1752 = arith.constant 0 : i32
      %dma_wait3A_1753 = tpu.memref_slice %arg2[%dma_wait3A_1751, %dma_wait3A_1752] : memref<16x1000000xf32, #tpu.memory_space<hbm>> -> memref<8x1024xf32, #tpu.memory_space<hbm>>
      %dma_wait3A_1754 = arith.constant 0 : i32
      %dma_wait3A_1755 = arith.constant 0 : i32
      %dma_wait3A_1756 = tpu.memref_slice %arg6[%select_n3A_1746, %dma_wait3A_1754, %dma_wait3A_1755] : memref<8x8x1024xf32, #tpu.memory_space<vmem>> -> memref<1x8x1024xf32, #tpu.memory_space<vmem>>
      %dma_wait3A_1757 = tpu.memref_squeeze %dma_wait3A_1756 : memref<1x8x1024xf32, #tpu.memory_space<vmem>> -> memref<8x1024xf32, #tpu.memory_space<vmem>>
      %dma_wait3A_1758 = arith.constant 0 : i32
      %dma_wait3A_1759 = arith.constant 0 : i32
      %dma_wait3A_1760 = tpu.memref_slice %arg2[%dma_wait3A_1758, %dma_wait3A_1759] : memref<16x1000000xf32, #tpu.memory_space<hbm>> -> memref<8x1024xf32, #tpu.memory_space<hbm>>
      tpu.wait_dma2 semaphore(%arg13 : memref<!tpu.dma_semaphore, #tpu.memory_space<semaphore_mem>>) src(%dma_wait3A_1760 : memref<8x1024xf32, #tpu.memory_space<hbm>>) dst(%dma_wait3A_1757 : memref<8x1024xf32, #tpu.memory_space<vmem>>)
      %mul3A_1761 = arith.constant 8 : i32
      %mul3A_1762 = arith.muli %add3A_1730, %mul3A_1761 : i32
      %add3A_1763 = arith.constant 0 : i32
      %add3A_1764 = arith.addi %mul3A_1762, %add3A_1763 : i32
      %get3A_1765 = arith.index_cast %add3A_1764 : i32 to index
      %get3A_1766 = tpu.vector_load %arg5[%get3A_1765] {strides = array<i32>} : memref<1040xi32, #tpu.memory_space<vmem>>, vector<16xi32>,
      %and3A_1767 = arith.constant 127 : i32
      %and3A_1768 = vector.broadcast %and3A_1767 : i32 to vector<16xi32>
      %and3A_1769 = arith.andi %get3A_1766, %and3A_1768 : vector<16xi32>
      %mul3A_1770 = arith.constant 8 : i32
      %mul3A_1771 = arith.muli %add3A_1730, %mul3A_1770 : i32
      %add3A_1772 = arith.constant 0 : i32
      %add3A_1773 = arith.addi %mul3A_1771, %add3A_1772 : i32
      %add3A_1774 = arith.constant 0 : i32
      %add3A_1775 = arith.addi %add3A_1773, %add3A_1774 : i32
      %broadcast_in_dim3A_1776 = vector.broadcast %select_n3A_1746 : i32 to vector<16xi32>
      %broadcast_in_dim3A_1777 = arith.constant 128 : i32
      %broadcast_in_dim3A_1778 = vector.broadcast %broadcast_in_dim3A_1777 : i32 to vector<16xi32>
      %slice3A_1779 = vector.extract_strided_slice %and3A_1769 {offsets = [1], sizes = [1], strides = [1]} : vector<16xi32> to vector<1xi32>
      %squeeze3A_1780 = vector.extract %slice3A_1779[0] : i32 from vector<1xi32>
      %add3A_1781 = vector.broadcast %squeeze3A_1780 : i32 to vector<16xi32>
      %add3A_1782 = arith.addi %broadcast_in_dim3A_1778, %add3A_1781 : vector<16xi32>
      %broadcast_in_dim3A_1783 = arith.constant 0 : i32
      %broadcast_in_dim3A_1784 = vector.broadcast %broadcast_in_dim3A_1783 : i32 to vector<16xi32>
      %slice3A_1785 = vector.extract_strided_slice %and3A_1769 {offsets = [0], sizes = [1], strides = [1]} : vector<16xi32> to vector<1xi32>
      %squeeze3A_1786 = vector.extract %slice3A_1785[0] : i32 from vector<1xi32>
      %add3A_1787 = vector.broadcast %squeeze3A_1786 : i32 to vector<16xi32>
      %add3A_1788 = arith.addi %broadcast_in_dim3A_1784, %add3A_1787 : vector<16xi32>
      %select_n3A_1789 = arith.select %ge3A_6, %add3A_1782, %add3A_1788 : vector<16xi1>, vector<16xi32>
      %add3A_1790 = arith.constant 1 : i32
      %add3A_1791 = arith.addi %add3A_1775, %add3A_1790 : i32
      %broadcast_in_dim3A_1792 = vector.broadcast %add3A_1791 : i32 to vector<16xi32>
      %broadcast_in_dim3A_1793 = vector.broadcast %add3A_1775 : i32 to vector<16xi32>
      %select_n3A_1794 = arith.select %ge3A_6, %broadcast_in_dim3A_1792, %broadcast_in_dim3A_1793 : vector<16xi1>, vector<16xi32>
      %gather3A_1795 = tpu.vector_load_idx %arg6[%broadcast_in_dim3A_1776, %and3A_4, %select_n3A_1789] : memref<8x8x1024xf32, #tpu.memory_space<vmem>>[vector<16xi32>, vector<16xi32>, vector<16xi32>], vector<16xf32>,
      tpu.vector_store_idx %arg7[%and3A_4, %select_n3A_1794], %gather3A_1795 : memref<8x1024xf32, #tpu.memory_space<vmem>>[vector<16xi32>, vector<16xi32>], vector<16xf32>,
      %mul3A_1796 = arith.constant 8 : i32
      %mul3A_1797 = arith.muli %add3A_1730, %mul3A_1796 : i32
      %add3A_1798 = arith.constant 0 : i32
      %add3A_1799 = arith.addi %mul3A_1797, %add3A_1798 : i32
      %add3A_1800 = arith.constant 2 : i32
      %add3A_1801 = arith.addi %add3A_1799, %add3A_1800 : i32
      %broadcast_in_dim3A_1802 = vector.broadcast %select_n3A_1746 : i32 to vector<16xi32>
      %broadcast_in_dim3A_1803 = arith.constant 384 : i32
      %broadcast_in_dim3A_1804 = vector.broadcast %broadcast_in_dim3A_1803 : i32 to vector<16xi32>
      %slice3A_1805 = vector.extract_strided_slice %and3A_1769 {offsets = [3], sizes = [1], strides = [1]} : vector<16xi32> to vector<1xi32>
      %squeeze3A_1806 = vector.extract %slice3A_1805[0] : i32 from vector<1xi32>
      %add3A_1807 = vector.broadcast %squeeze3A_1806 : i32 to vector<16xi32>
      %add3A_1808 = arith.addi %broadcast_in_dim3A_1804, %add3A_1807 : vector<16xi32>
      %broadcast_in_dim3A_1809 = arith.constant 256 : i32
      %broadcast_in_dim3A_1810 = vector.broadcast %broadcast_in_dim3A_1809 : i32 to vector<16xi32>
      %slice3A_1811 = vector.extract_strided_slice %and3A_1769 {offsets = [2], sizes = [1], strides = [1]} : vector<16xi32> to vector<1xi32>
      %squeeze3A_1812 = vector.extract %slice3A_1811[0] : i32 from vector<1xi32>
      %add3A_1813 = vector.broadcast %squeeze3A_1812 : i32 to vector<16xi32>
      %add3A_1814 = arith.addi %broadcast_in_dim3A_1810, %add3A_1813 : vector<16xi32>
      %select_n3A_1815 = arith.select %ge3A_6, %add3A_1808, %add3A_1814 : vector<16xi1>, vector<16xi32>
      %add3A_1816 = arith.constant 1 : i32
      %add3A_1817 = arith.addi %add3A_1801, %add3A_1816 : i32
      %broadcast_in_dim3A_1818 = vector.broadcast %add3A_1817 : i32 to vector<16xi32>
      %broadcast_in_dim3A_1819 = vector.broadcast %add3A_1801 : i32 to vector<16xi32>
      %select_n3A_1820 = arith.select %ge3A_6, %broadcast_in_dim3A_1818, %broadcast_in_dim3A_1819 : vector<16xi1>, vector<16xi32>
      %gather3A_1821 = tpu.vector_load_idx %arg6[%broadcast_in_dim3A_1802, %and3A_4, %select_n3A_1815] : memref<8x8x1024xf32, #tpu.memory_space<vmem>>[vector<16xi32>, vector<16xi32>, vector<16xi32>], vector<16xf32>,
      tpu.vector_store_idx %arg7[%and3A_4, %select_n3A_1820], %gather3A_1821 : memref<8x1024xf32, #tpu.memory_space<vmem>>[vector<16xi32>, vector<16xi32>], vector<16xf32>,
      %mul3A_1822 = arith.constant 8 : i32
      %mul3A_1823 = arith.muli %add3A_1730, %mul3A_1822 : i32
      %add3A_1824 = arith.constant 0 : i32
      %add3A_1825 = arith.addi %mul3A_1823, %add3A_1824 : i32
      %add3A_1826 = arith.constant 4 : i32
      %add3A_1827 = arith.addi %add3A_1825, %add3A_1826 : i32
      %broadcast_in_dim3A_1828 = vector.broadcast %select_n3A_1746 : i32 to vector<16xi32>
      %broadcast_in_dim3A_1829 = arith.constant 640 : i32
      %broadcast_in_dim3A_1830 = vector.broadcast %broadcast_in_dim3A_1829 : i32 to vector<16xi32>
      %slice3A_1831 = vector.extract_strided_slice %and3A_1769 {offsets = [5], sizes = [1], strides = [1]} : vector<16xi32> to vector<1xi32>
      %squeeze3A_1832 = vector.extract %slice3A_1831[0] : i32 from vector<1xi32>
      %add3A_1833 = vector.broadcast %squeeze3A_1832 : i32 to vector<16xi32>
      %add3A_1834 = arith.addi %broadcast_in_dim3A_1830, %add3A_1833 : vector<16xi32>
      %broadcast_in_dim3A_1835 = arith.constant 512 : i32
      %broadcast_in_dim3A_1836 = vector.broadcast %broadcast_in_dim3A_1835 : i32 to vector<16xi32>
      %slice3A_1837 = vector.extract_strided_slice %and3A_1769 {offsets = [4], sizes = [1], strides = [1]} : vector<16xi32> to vector<1xi32>
      %squeeze3A_1838 = vector.extract %slice3A_1837[0] : i32 from vector<1xi32>
      %add3A_1839 = vector.broadcast %squeeze3A_1838 : i32 to vector<16xi32>
      %add3A_1840 = arith.addi %broadcast_in_dim3A_1836, %add3A_1839 : vector<16xi32>
      %select_n3A_1841 = arith.select %ge3A_6, %add3A_1834, %add3A_1840 : vector<16xi1>, vector<16xi32>
      %add3A_1842 = arith.constant 1 : i32
      %add3A_1843 = arith.addi %add3A_1827, %add3A_1842 : i32
      %broadcast_in_dim3A_1844 = vector.broadcast %add3A_1843 : i32 to vector<16xi32>
      %broadcast_in_dim3A_1845 = vector.broadcast %add3A_1827 : i32 to vector<16xi32>
      %select_n3A_1846 = arith.select %ge3A_6, %broadcast_in_dim3A_1844, %broadcast_in_dim3A_1845 : vector<16xi1>, vector<16xi32>
      %gather3A_1847 = tpu.vector_load_idx %arg6[%broadcast_in_dim3A_1828, %and3A_4, %select_n3A_1841] : memref<8x8x1024xf32, #tpu.memory_space<vmem>>[vector<16xi32>, vector<16xi32>, vector<16xi32>], vector<16xf32>,
      tpu.vector_store_idx %arg7[%and3A_4, %select_n3A_1846], %gather3A_1847 : memref<8x1024xf32, #tpu.memory_space<vmem>>[vector<16xi32>, vector<16xi32>], vector<16xf32>,
      %mul3A_1848 = arith.constant 8 : i32
      %mul3A_1849 = arith.muli %add3A_1730, %mul3A_1848 : i32
      %add3A_1850 = arith.constant 0 : i32
      %add3A_1851 = arith.addi %mul3A_1849, %add3A_1850 : i32
      %add3A_1852 = arith.constant 6 : i32
      %add3A_1853 = arith.addi %add3A_1851, %add3A_1852 : i32
      %broadcast_in_dim3A_1854 = vector.broadcast %select_n3A_1746 : i32 to vector<16xi32>
      %broadcast_in_dim3A_1855 = arith.constant 896 : i32
      %broadcast_in_dim3A_1856 = vector.broadcast %broadcast_in_dim3A_1855 : i32 to vector<16xi32>
      %slice3A_1857 = vector.extract_strided_slice %and3A_1769 {offsets = [7], sizes = [1], strides = [1]} : vector<16xi32> to vector<1xi32>
      %squeeze3A_1858 = vector.extract %slice3A_1857[0] : i32 from vector<1xi32>
      %add3A_1859 = vector.broadcast %squeeze3A_1858 : i32 to vector<16xi32>
      %add3A_1860 = arith.addi %broadcast_in_dim3A_1856, %add3A_1859 : vector<16xi32>
      %broadcast_in_dim3A_1861 = arith.constant 768 : i32
      %broadcast_in_dim3A_1862 = vector.broadcast %broadcast_in_dim3A_1861 : i32 to vector<16xi32>
      %slice3A_1863 = vector.extract_strided_slice %and3A_1769 {offsets = [6], sizes = [1], strides = [1]} : vector<16xi32> to vector<1xi32>
      %squeeze3A_1864 = vector.extract %slice3A_1863[0] : i32 from vector<1xi32>
      %add3A_1865 = vector.broadcast %squeeze3A_1864 : i32 to vector<16xi32>
      %add3A_1866 = arith.addi %broadcast_in_dim3A_1862, %add3A_1865 : vector<16xi32>
      %select_n3A_1867 = arith.select %ge3A_6, %add3A_1860, %add3A_1866 : vector<16xi1>, vector<16xi32>
      %add3A_1868 = arith.constant 1 : i32
      %add3A_1869 = arith.addi %add3A_1853, %add3A_1868 : i32
      %broadcast_in_dim3A_1870 = vector.broadcast %add3A_1869 : i32 to vector<16xi32>
      %broadcast_in_dim3A_1871 = vector.broadcast %add3A_1853 : i32 to vector<16xi32>
      %select_n3A_1872 = arith.select %ge3A_6, %broadcast_in_dim3A_1870, %broadcast_in_dim3A_1871 : vector<16xi1>, vector<16xi32>
      %gather3A_1873 = tpu.vector_load_idx %arg6[%broadcast_in_dim3A_1854, %and3A_4, %select_n3A_1867] : memref<8x8x1024xf32, #tpu.memory_space<vmem>>[vector<16xi32>, vector<16xi32>, vector<16xi32>], vector<16xf32>,
      tpu.vector_store_idx %arg7[%and3A_4, %select_n3A_1872], %gather3A_1873 : memref<8x1024xf32, #tpu.memory_space<vmem>>[vector<16xi32>, vector<16xi32>], vector<16xf32>,
      %add3A_1874 = arith.constant 5 : i32
      %add3A_1875 = arith.addi %mul3A_970, %add3A_1874 : i32
      %add3A_1876 = arith.constant 8 : i32
      %add3A_1877 = arith.addi %add3A_1875, %add3A_1876 : i32
      %lt3A_1878 = arith.constant 128 : i32
      %lt3A_1879 = arith.cmpi slt, %add3A_1877, %lt3A_1878 : i32
      %convert_element_type3A_1880 = arith.extui %lt3A_1879 : i1 to i32
      %cond3A_1881 = arith.constant 0 : i32
      %cond3A_1882 = arith.cmpi ne, %convert_element_type3A_1880, %cond3A_1881 : i32
      scf.if %cond3A_1882 {
        %add3A_2192 = arith.constant 5 : i32
        %add3A_2193 = arith.addi %mul3A_970, %add3A_2192 : i32
        %add3A_2194 = arith.constant 8 : i32
        %add3A_2195 = arith.addi %add3A_2193, %add3A_2194 : i32
        %jit3A_2196 = arith.constant 8 : i32
        %eq3A_2197 = arith.constant 0 : i32
        %eq3A_2198 = arith.cmpi eq, %jit3A_2196, %eq3A_2197 : i32
        %jit3A_2199 = arith.constant 1 : i32
        %select_n3A_2200 = arith.select %eq3A_2198, %jit3A_2199, %jit3A_2196 : i32
        %rem3A_2201 = arith.remsi %add3A_2195, %select_n3A_2200 : i32
        %ne3A_2202 = arith.constant 0 : i32
        %ne3A_2203 = arith.cmpi ne, %rem3A_2201, %ne3A_2202 : i32
        %lt3A_2204 = arith.constant 0 : i32
        %lt3A_2205 = arith.cmpi slt, %rem3A_2201, %lt3A_2204 : i32
        %lt3A_2206 = arith.constant 0 : i32
        %lt3A_2207 = arith.cmpi slt, %select_n3A_2200, %lt3A_2206 : i32
        %ne3A_2208 = arith.xori %lt3A_2205, %lt3A_2207 : i1
        %and3A_2209 = arith.andi %ne3A_2208, %ne3A_2203 : i1
        %add3A_2210 = arith.addi %rem3A_2201, %select_n3A_2200 : i32
        %select_n3A_2211 = arith.select %and3A_2209, %add3A_2210, %rem3A_2201 : i32
        %mul3A_2212 = arith.constant 8 : i32
        %mul3A_2213 = arith.muli %add3A_2195, %mul3A_2212 : i32
        %add3A_2214 = arith.constant 0 : i32
        %add3A_2215 = arith.addi %mul3A_2213, %add3A_2214 : i32
        %get3A_2216 = arith.index_cast %add3A_2215 : i32 to index
        %get3A_2217 = tpu.vector_load %arg5[%get3A_2216] {strides = array<i32>} : memref<1040xi32, #tpu.memory_space<vmem>>, vector<16xi32>,
        %shift_right_arithmetic3A_2218 = arith.constant 7 : i32
        %shift_right_arithmetic3A_2219 = vector.broadcast %shift_right_arithmetic3A_2218 : i32 to vector<16xi32>
        %shift_right_arithmetic3A_2220 = arith.shrsi %get3A_2217, %shift_right_arithmetic3A_2219 : vector<16xi32>
        %mul3A_2221 = arith.constant 128 : i32
        %mul3A_2222 = vector.broadcast %mul3A_2221 : i32 to vector<16xi32>
        %mul3A_2223 = arith.muli %shift_right_arithmetic3A_2220, %mul3A_2222 : vector<16xi32>
        %slice3A_2224 = vector.extract_strided_slice %mul3A_2223 {offsets = [0], sizes = [1], strides = [1]} : vector<16xi32> to vector<1xi32>
        %squeeze3A_2225 = vector.extract %slice3A_2224[0] : i32 from vector<1xi32>
        %multiple_of3A_2226 = tpu.assume_multiple %squeeze3A_2225, 128 : i32
        %dma_start3A_2227 = arith.constant 0 : i32
        %dma_start3A_2228 = arith.constant 0 : i32
        %dma_start3A_2229 = tpu.memref_slice %arg6[%select_n3A_2211, %dma_start3A_2227, %dma_start3A_2228] : memref<8x8x1024xf32, #tpu.memory_space<vmem>> -> memref<1x8x128xf32, #tpu.memory_space<vmem>>
        %dma_start3A_2230 = tpu.memref_squeeze %dma_start3A_2229 : memref<1x8x128xf32, #tpu.memory_space<vmem>> -> memref<8x128xf32, #tpu.memory_space<vmem>>
        %dma_start3A_2231 = tpu.memref_slice %arg2[%mul3A_0, %multiple_of3A_2226] : memref<16x1000000xf32, #tpu.memory_space<hbm>> -> memref<8x128xf32, #tpu.memory_space<hbm>>
        %dma_start3A_2232 = arith.constant 0 : i32
        %dma_start3A_2233 = arith.constant 0 : i32
        %dma_start3A_2234 = tpu.memref_slice %arg6[%select_n3A_2211, %dma_start3A_2232, %dma_start3A_2233] : memref<8x8x1024xf32, #tpu.memory_space<vmem>> -> memref<1x8x128xf32, #tpu.memory_space<vmem>>
        %dma_start3A_2235 = tpu.memref_squeeze %dma_start3A_2234 : memref<1x8x128xf32, #tpu.memory_space<vmem>> -> memref<8x128xf32, #tpu.memory_space<vmem>>
        %dma_start3A_2236 = tpu.memref_slice %arg2[%mul3A_0, %multiple_of3A_2226] : memref<16x1000000xf32, #tpu.memory_space<hbm>> -> memref<8x128xf32, #tpu.memory_space<hbm>>
        tpu.enqueue_dma source(%dma_start3A_2236 : memref<8x128xf32, #tpu.memory_space<hbm>>) target(%dma_start3A_2235 : memref<8x128xf32, #tpu.memory_space<vmem>>) target_semaphore(%arg13 : memref<!tpu.dma_semaphore, #tpu.memory_space<semaphore_mem>>)
        %slice3A_2237 = vector.extract_strided_slice %mul3A_2223 {offsets = [1], sizes = [1], strides = [1]} : vector<16xi32> to vector<1xi32>
        %squeeze3A_2238 = vector.extract %slice3A_2237[0] : i32 from vector<1xi32>
        %multiple_of3A_2239 = tpu.assume_multiple %squeeze3A_2238, 128 : i32
        %dma_start3A_2240 = arith.constant 0 : i32
        %dma_start3A_2241 = arith.constant 128 : i32
        %dma_start3A_2242 = tpu.memref_slice %arg6[%select_n3A_2211, %dma_start3A_2240, %dma_start3A_2241] : memref<8x8x1024xf32, #tpu.memory_space<vmem>> -> memref<1x8x128xf32, #tpu.memory_space<vmem>>
        %dma_start3A_2243 = tpu.memref_squeeze %dma_start3A_2242 : memref<1x8x128xf32, #tpu.memory_space<vmem>> -> memref<8x128xf32, #tpu.memory_space<vmem>>
        %dma_start3A_2244 = tpu.memref_slice %arg2[%mul3A_0, %multiple_of3A_2239] : memref<16x1000000xf32, #tpu.memory_space<hbm>> -> memref<8x128xf32, #tpu.memory_space<hbm>>
        %dma_start3A_2245 = arith.constant 0 : i32
        %dma_start3A_2246 = arith.constant 128 : i32
        %dma_start3A_2247 = tpu.memref_slice %arg6[%select_n3A_2211, %dma_start3A_2245, %dma_start3A_2246] : memref<8x8x1024xf32, #tpu.memory_space<vmem>> -> memref<1x8x128xf32, #tpu.memory_space<vmem>>
        %dma_start3A_2248 = tpu.memref_squeeze %dma_start3A_2247 : memref<1x8x128xf32, #tpu.memory_space<vmem>> -> memref<8x128xf32, #tpu.memory_space<vmem>>
        %dma_start3A_2249 = tpu.memref_slice %arg2[%mul3A_0, %multiple_of3A_2239] : memref<16x1000000xf32, #tpu.memory_space<hbm>> -> memref<8x128xf32, #tpu.memory_space<hbm>>
        tpu.enqueue_dma source(%dma_start3A_2249 : memref<8x128xf32, #tpu.memory_space<hbm>>) target(%dma_start3A_2248 : memref<8x128xf32, #tpu.memory_space<vmem>>) target_semaphore(%arg13 : memref<!tpu.dma_semaphore, #tpu.memory_space<semaphore_mem>>)
        %slice3A_2250 = vector.extract_strided_slice %mul3A_2223 {offsets = [2], sizes = [1], strides = [1]} : vector<16xi32> to vector<1xi32>
        %squeeze3A_2251 = vector.extract %slice3A_2250[0] : i32 from vector<1xi32>
        %multiple_of3A_2252 = tpu.assume_multiple %squeeze3A_2251, 128 : i32
        %dma_start3A_2253 = arith.constant 0 : i32
        %dma_start3A_2254 = arith.constant 256 : i32
        %dma_start3A_2255 = tpu.memref_slice %arg6[%select_n3A_2211, %dma_start3A_2253, %dma_start3A_2254] : memref<8x8x1024xf32, #tpu.memory_space<vmem>> -> memref<1x8x128xf32, #tpu.memory_space<vmem>>
        %dma_start3A_2256 = tpu.memref_squeeze %dma_start3A_2255 : memref<1x8x128xf32, #tpu.memory_space<vmem>> -> memref<8x128xf32, #tpu.memory_space<vmem>>
        %dma_start3A_2257 = tpu.memref_slice %arg2[%mul3A_0, %multiple_of3A_2252] : memref<16x1000000xf32, #tpu.memory_space<hbm>> -> memref<8x128xf32, #tpu.memory_space<hbm>>
        %dma_start3A_2258 = arith.constant 0 : i32
        %dma_start3A_2259 = arith.constant 256 : i32
        %dma_start3A_2260 = tpu.memref_slice %arg6[%select_n3A_2211, %dma_start3A_2258, %dma_start3A_2259] : memref<8x8x1024xf32, #tpu.memory_space<vmem>> -> memref<1x8x128xf32, #tpu.memory_space<vmem>>
        %dma_start3A_2261 = tpu.memref_squeeze %dma_start3A_2260 : memref<1x8x128xf32, #tpu.memory_space<vmem>> -> memref<8x128xf32, #tpu.memory_space<vmem>>
        %dma_start3A_2262 = tpu.memref_slice %arg2[%mul3A_0, %multiple_of3A_2252] : memref<16x1000000xf32, #tpu.memory_space<hbm>> -> memref<8x128xf32, #tpu.memory_space<hbm>>
        tpu.enqueue_dma source(%dma_start3A_2262 : memref<8x128xf32, #tpu.memory_space<hbm>>) target(%dma_start3A_2261 : memref<8x128xf32, #tpu.memory_space<vmem>>) target_semaphore(%arg13 : memref<!tpu.dma_semaphore, #tpu.memory_space<semaphore_mem>>)
        %slice3A_2263 = vector.extract_strided_slice %mul3A_2223 {offsets = [3], sizes = [1], strides = [1]} : vector<16xi32> to vector<1xi32>
        %squeeze3A_2264 = vector.extract %slice3A_2263[0] : i32 from vector<1xi32>
        %multiple_of3A_2265 = tpu.assume_multiple %squeeze3A_2264, 128 : i32
        %dma_start3A_2266 = arith.constant 0 : i32
        %dma_start3A_2267 = arith.constant 384 : i32
        %dma_start3A_2268 = tpu.memref_slice %arg6[%select_n3A_2211, %dma_start3A_2266, %dma_start3A_2267] : memref<8x8x1024xf32, #tpu.memory_space<vmem>> -> memref<1x8x128xf32, #tpu.memory_space<vmem>>
        %dma_start3A_2269 = tpu.memref_squeeze %dma_start3A_2268 : memref<1x8x128xf32, #tpu.memory_space<vmem>> -> memref<8x128xf32, #tpu.memory_space<vmem>>
        %dma_start3A_2270 = tpu.memref_slice %arg2[%mul3A_0, %multiple_of3A_2265] : memref<16x1000000xf32, #tpu.memory_space<hbm>> -> memref<8x128xf32, #tpu.memory_space<hbm>>
        %dma_start3A_2271 = arith.constant 0 : i32
        %dma_start3A_2272 = arith.constant 384 : i32
        %dma_start3A_2273 = tpu.memref_slice %arg6[%select_n3A_2211, %dma_start3A_2271, %dma_start3A_2272] : memref<8x8x1024xf32, #tpu.memory_space<vmem>> -> memref<1x8x128xf32, #tpu.memory_space<vmem>>
        %dma_start3A_2274 = tpu.memref_squeeze %dma_start3A_2273 : memref<1x8x128xf32, #tpu.memory_space<vmem>> -> memref<8x128xf32, #tpu.memory_space<vmem>>
        %dma_start3A_2275 = tpu.memref_slice %arg2[%mul3A_0, %multiple_of3A_2265] : memref<16x1000000xf32, #tpu.memory_space<hbm>> -> memref<8x128xf32, #tpu.memory_space<hbm>>
        tpu.enqueue_dma source(%dma_start3A_2275 : memref<8x128xf32, #tpu.memory_space<hbm>>) target(%dma_start3A_2274 : memref<8x128xf32, #tpu.memory_space<vmem>>) target_semaphore(%arg13 : memref<!tpu.dma_semaphore, #tpu.memory_space<semaphore_mem>>)
        %slice3A_2276 = vector.extract_strided_slice %mul3A_2223 {offsets = [4], sizes = [1], strides = [1]} : vector<16xi32> to vector<1xi32>
        %squeeze3A_2277 = vector.extract %slice3A_2276[0] : i32 from vector<1xi32>
        %multiple_of3A_2278 = tpu.assume_multiple %squeeze3A_2277, 128 : i32
        %dma_start3A_2279 = arith.constant 0 : i32
        %dma_start3A_2280 = arith.constant 512 : i32
        %dma_start3A_2281 = tpu.memref_slice %arg6[%select_n3A_2211, %dma_start3A_2279, %dma_start3A_2280] : memref<8x8x1024xf32, #tpu.memory_space<vmem>> -> memref<1x8x128xf32, #tpu.memory_space<vmem>>
        %dma_start3A_2282 = tpu.memref_squeeze %dma_start3A_2281 : memref<1x8x128xf32, #tpu.memory_space<vmem>> -> memref<8x128xf32, #tpu.memory_space<vmem>>
        %dma_start3A_2283 = tpu.memref_slice %arg2[%mul3A_0, %multiple_of3A_2278] : memref<16x1000000xf32, #tpu.memory_space<hbm>> -> memref<8x128xf32, #tpu.memory_space<hbm>>
        %dma_start3A_2284 = arith.constant 0 : i32
        %dma_start3A_2285 = arith.constant 512 : i32
        %dma_start3A_2286 = tpu.memref_slice %arg6[%select_n3A_2211, %dma_start3A_2284, %dma_start3A_2285] : memref<8x8x1024xf32, #tpu.memory_space<vmem>> -> memref<1x8x128xf32, #tpu.memory_space<vmem>>
        %dma_start3A_2287 = tpu.memref_squeeze %dma_start3A_2286 : memref<1x8x128xf32, #tpu.memory_space<vmem>> -> memref<8x128xf32, #tpu.memory_space<vmem>>
        %dma_start3A_2288 = tpu.memref_slice %arg2[%mul3A_0, %multiple_of3A_2278] : memref<16x1000000xf32, #tpu.memory_space<hbm>> -> memref<8x128xf32, #tpu.memory_space<hbm>>
        tpu.enqueue_dma source(%dma_start3A_2288 : memref<8x128xf32, #tpu.memory_space<hbm>>) target(%dma_start3A_2287 : memref<8x128xf32, #tpu.memory_space<vmem>>) target_semaphore(%arg13 : memref<!tpu.dma_semaphore, #tpu.memory_space<semaphore_mem>>)
        %slice3A_2289 = vector.extract_strided_slice %mul3A_2223 {offsets = [5], sizes = [1], strides = [1]} : vector<16xi32> to vector<1xi32>
        %squeeze3A_2290 = vector.extract %slice3A_2289[0] : i32 from vector<1xi32>
        %multiple_of3A_2291 = tpu.assume_multiple %squeeze3A_2290, 128 : i32
        %dma_start3A_2292 = arith.constant 0 : i32
        %dma_start3A_2293 = arith.constant 640 : i32
        %dma_start3A_2294 = tpu.memref_slice %arg6[%select_n3A_2211, %dma_start3A_2292, %dma_start3A_2293] : memref<8x8x1024xf32, #tpu.memory_space<vmem>> -> memref<1x8x128xf32, #tpu.memory_space<vmem>>
        %dma_start3A_2295 = tpu.memref_squeeze %dma_start3A_2294 : memref<1x8x128xf32, #tpu.memory_space<vmem>> -> memref<8x128xf32, #tpu.memory_space<vmem>>
        %dma_start3A_2296 = tpu.memref_slice %arg2[%mul3A_0, %multiple_of3A_2291] : memref<16x1000000xf32, #tpu.memory_space<hbm>> -> memref<8x128xf32, #tpu.memory_space<hbm>>
        %dma_start3A_2297 = arith.constant 0 : i32
        %dma_start3A_2298 = arith.constant 640 : i32
        %dma_start3A_2299 = tpu.memref_slice %arg6[%select_n3A_2211, %dma_start3A_2297, %dma_start3A_2298] : memref<8x8x1024xf32, #tpu.memory_space<vmem>> -> memref<1x8x128xf32, #tpu.memory_space<vmem>>
        %dma_start3A_2300 = tpu.memref_squeeze %dma_start3A_2299 : memref<1x8x128xf32, #tpu.memory_space<vmem>> -> memref<8x128xf32, #tpu.memory_space<vmem>>
        %dma_start3A_2301 = tpu.memref_slice %arg2[%mul3A_0, %multiple_of3A_2291] : memref<16x1000000xf32, #tpu.memory_space<hbm>> -> memref<8x128xf32, #tpu.memory_space<hbm>>
        tpu.enqueue_dma source(%dma_start3A_2301 : memref<8x128xf32, #tpu.memory_space<hbm>>) target(%dma_start3A_2300 : memref<8x128xf32, #tpu.memory_space<vmem>>) target_semaphore(%arg13 : memref<!tpu.dma_semaphore, #tpu.memory_space<semaphore_mem>>)
        %slice3A_2302 = vector.extract_strided_slice %mul3A_2223 {offsets = [6], sizes = [1], strides = [1]} : vector<16xi32> to vector<1xi32>
        %squeeze3A_2303 = vector.extract %slice3A_2302[0] : i32 from vector<1xi32>
        %multiple_of3A_2304 = tpu.assume_multiple %squeeze3A_2303, 128 : i32
        %dma_start3A_2305 = arith.constant 0 : i32
        %dma_start3A_2306 = arith.constant 768 : i32
        %dma_start3A_2307 = tpu.memref_slice %arg6[%select_n3A_2211, %dma_start3A_2305, %dma_start3A_2306] : memref<8x8x1024xf32, #tpu.memory_space<vmem>> -> memref<1x8x128xf32, #tpu.memory_space<vmem>>
        %dma_start3A_2308 = tpu.memref_squeeze %dma_start3A_2307 : memref<1x8x128xf32, #tpu.memory_space<vmem>> -> memref<8x128xf32, #tpu.memory_space<vmem>>
        %dma_start3A_2309 = tpu.memref_slice %arg2[%mul3A_0, %multiple_of3A_2304] : memref<16x1000000xf32, #tpu.memory_space<hbm>> -> memref<8x128xf32, #tpu.memory_space<hbm>>
        %dma_start3A_2310 = arith.constant 0 : i32
        %dma_start3A_2311 = arith.constant 768 : i32
        %dma_start3A_2312 = tpu.memref_slice %arg6[%select_n3A_2211, %dma_start3A_2310, %dma_start3A_2311] : memref<8x8x1024xf32, #tpu.memory_space<vmem>> -> memref<1x8x128xf32, #tpu.memory_space<vmem>>
        %dma_start3A_2313 = tpu.memref_squeeze %dma_start3A_2312 : memref<1x8x128xf32, #tpu.memory_space<vmem>> -> memref<8x128xf32, #tpu.memory_space<vmem>>
        %dma_start3A_2314 = tpu.memref_slice %arg2[%mul3A_0, %multiple_of3A_2304] : memref<16x1000000xf32, #tpu.memory_space<hbm>> -> memref<8x128xf32, #tpu.memory_space<hbm>>
        tpu.enqueue_dma source(%dma_start3A_2314 : memref<8x128xf32, #tpu.memory_space<hbm>>) target(%dma_start3A_2313 : memref<8x128xf32, #tpu.memory_space<vmem>>) target_semaphore(%arg13 : memref<!tpu.dma_semaphore, #tpu.memory_space<semaphore_mem>>)
        %slice3A_2315 = vector.extract_strided_slice %mul3A_2223 {offsets = [7], sizes = [1], strides = [1]} : vector<16xi32> to vector<1xi32>
        %squeeze3A_2316 = vector.extract %slice3A_2315[0] : i32 from vector<1xi32>
        %multiple_of3A_2317 = tpu.assume_multiple %squeeze3A_2316, 128 : i32
        %dma_start3A_2318 = arith.constant 0 : i32
        %dma_start3A_2319 = arith.constant 896 : i32
        %dma_start3A_2320 = tpu.memref_slice %arg6[%select_n3A_2211, %dma_start3A_2318, %dma_start3A_2319] : memref<8x8x1024xf32, #tpu.memory_space<vmem>> -> memref<1x8x128xf32, #tpu.memory_space<vmem>>
        %dma_start3A_2321 = tpu.memref_squeeze %dma_start3A_2320 : memref<1x8x128xf32, #tpu.memory_space<vmem>> -> memref<8x128xf32, #tpu.memory_space<vmem>>
        %dma_start3A_2322 = tpu.memref_slice %arg2[%mul3A_0, %multiple_of3A_2317] : memref<16x1000000xf32, #tpu.memory_space<hbm>> -> memref<8x128xf32, #tpu.memory_space<hbm>>
        %dma_start3A_2323 = arith.constant 0 : i32
        %dma_start3A_2324 = arith.constant 896 : i32
        %dma_start3A_2325 = tpu.memref_slice %arg6[%select_n3A_2211, %dma_start3A_2323, %dma_start3A_2324] : memref<8x8x1024xf32, #tpu.memory_space<vmem>> -> memref<1x8x128xf32, #tpu.memory_space<vmem>>
        %dma_start3A_2326 = tpu.memref_squeeze %dma_start3A_2325 : memref<1x8x128xf32, #tpu.memory_space<vmem>> -> memref<8x128xf32, #tpu.memory_space<vmem>>
        %dma_start3A_2327 = tpu.memref_slice %arg2[%mul3A_0, %multiple_of3A_2317] : memref<16x1000000xf32, #tpu.memory_space<hbm>> -> memref<8x128xf32, #tpu.memory_space<hbm>>
        tpu.enqueue_dma source(%dma_start3A_2327 : memref<8x128xf32, #tpu.memory_space<hbm>>) target(%dma_start3A_2326 : memref<8x128xf32, #tpu.memory_space<vmem>>) target_semaphore(%arg13 : memref<!tpu.dma_semaphore, #tpu.memory_space<semaphore_mem>>)
      } else {
      }
      %add3A_1883 = arith.constant 6 : i32
      %add3A_1884 = arith.addi %mul3A_970, %add3A_1883 : i32
      %jit3A_1885 = arith.constant 8 : i32
      %eq3A_1886 = arith.constant 0 : i32
      %eq3A_1887 = arith.cmpi eq, %jit3A_1885, %eq3A_1886 : i32
      %jit3A_1888 = arith.constant 1 : i32
      %select_n3A_1889 = arith.select %eq3A_1887, %jit3A_1888, %jit3A_1885 : i32
      %rem3A_1890 = arith.remsi %add3A_1884, %select_n3A_1889 : i32
      %ne3A_1891 = arith.constant 0 : i32
      %ne3A_1892 = arith.cmpi ne, %rem3A_1890, %ne3A_1891 : i32
      %lt3A_1893 = arith.constant 0 : i32
      %lt3A_1894 = arith.cmpi slt, %rem3A_1890, %lt3A_1893 : i32
      %lt3A_1895 = arith.constant 0 : i32
      %lt3A_1896 = arith.cmpi slt, %select_n3A_1889, %lt3A_1895 : i32
      %ne3A_1897 = arith.xori %lt3A_1894, %lt3A_1896 : i1
      %and3A_1898 = arith.andi %ne3A_1897, %ne3A_1892 : i1
      %add3A_1899 = arith.addi %rem3A_1890, %select_n3A_1889 : i32
      %select_n3A_1900 = arith.select %and3A_1898, %add3A_1899, %rem3A_1890 : i32
      %dma_wait3A_1901 = arith.constant 0 : i32
      %dma_wait3A_1902 = arith.constant 0 : i32
      %dma_wait3A_1903 = tpu.memref_slice %arg6[%select_n3A_1900, %dma_wait3A_1901, %dma_wait3A_1902] : memref<8x8x1024xf32, #tpu.memory_space<vmem>> -> memref<1x8x1024xf32, #tpu.memory_space<vmem>>
      %dma_wait3A_1904 = tpu.memref_squeeze %dma_wait3A_1903 : memref<1x8x1024xf32, #tpu.memory_space<vmem>> -> memref<8x1024xf32, #tpu.memory_space<vmem>>
      %dma_wait3A_1905 = arith.constant 0 : i32
      %dma_wait3A_1906 = arith.constant 0 : i32
      %dma_wait3A_1907 = tpu.memref_slice %arg2[%dma_wait3A_1905, %dma_wait3A_1906] : memref<16x1000000xf32, #tpu.memory_space<hbm>> -> memref<8x1024xf32, #tpu.memory_space<hbm>>
      %dma_wait3A_1908 = arith.constant 0 : i32
      %dma_wait3A_1909 = arith.constant 0 : i32
      %dma_wait3A_1910 = tpu.memref_slice %arg6[%select_n3A_1900, %dma_wait3A_1908, %dma_wait3A_1909] : memref<8x8x1024xf32, #tpu.memory_space<vmem>> -> memref<1x8x1024xf32, #tpu.memory_space<vmem>>
      %dma_wait3A_1911 = tpu.memref_squeeze %dma_wait3A_1910 : memref<1x8x1024xf32, #tpu.memory_space<vmem>> -> memref<8x1024xf32, #tpu.memory_space<vmem>>
      %dma_wait3A_1912 = arith.constant 0 : i32
      %dma_wait3A_1913 = arith.constant 0 : i32
      %dma_wait3A_1914 = tpu.memref_slice %arg2[%dma_wait3A_1912, %dma_wait3A_1913] : memref<16x1000000xf32, #tpu.memory_space<hbm>> -> memref<8x1024xf32, #tpu.memory_space<hbm>>
      tpu.wait_dma2 semaphore(%arg14 : memref<!tpu.dma_semaphore, #tpu.memory_space<semaphore_mem>>) src(%dma_wait3A_1914 : memref<8x1024xf32, #tpu.memory_space<hbm>>) dst(%dma_wait3A_1911 : memref<8x1024xf32, #tpu.memory_space<vmem>>)
      %mul3A_1915 = arith.constant 8 : i32
      %mul3A_1916 = arith.muli %add3A_1884, %mul3A_1915 : i32
      %add3A_1917 = arith.constant 0 : i32
      %add3A_1918 = arith.addi %mul3A_1916, %add3A_1917 : i32
      %get3A_1919 = arith.index_cast %add3A_1918 : i32 to index
      %get3A_1920 = tpu.vector_load %arg5[%get3A_1919] {strides = array<i32>} : memref<1040xi32, #tpu.memory_space<vmem>>, vector<16xi32>,
      %and3A_1921 = arith.constant 127 : i32
      %and3A_1922 = vector.broadcast %and3A_1921 : i32 to vector<16xi32>
      %and3A_1923 = arith.andi %get3A_1920, %and3A_1922 : vector<16xi32>
      %mul3A_1924 = arith.constant 8 : i32
      %mul3A_1925 = arith.muli %add3A_1884, %mul3A_1924 : i32
      %add3A_1926 = arith.constant 0 : i32
      %add3A_1927 = arith.addi %mul3A_1925, %add3A_1926 : i32
      %add3A_1928 = arith.constant 0 : i32
      %add3A_1929 = arith.addi %add3A_1927, %add3A_1928 : i32
      %broadcast_in_dim3A_1930 = vector.broadcast %select_n3A_1900 : i32 to vector<16xi32>
      %broadcast_in_dim3A_1931 = arith.constant 128 : i32
      %broadcast_in_dim3A_1932 = vector.broadcast %broadcast_in_dim3A_1931 : i32 to vector<16xi32>
      %slice3A_1933 = vector.extract_strided_slice %and3A_1923 {offsets = [1], sizes = [1], strides = [1]} : vector<16xi32> to vector<1xi32>
      %squeeze3A_1934 = vector.extract %slice3A_1933[0] : i32 from vector<1xi32>
      %add3A_1935 = vector.broadcast %squeeze3A_1934 : i32 to vector<16xi32>
      %add3A_1936 = arith.addi %broadcast_in_dim3A_1932, %add3A_1935 : vector<16xi32>
      %broadcast_in_dim3A_1937 = arith.constant 0 : i32
      %broadcast_in_dim3A_1938 = vector.broadcast %broadcast_in_dim3A_1937 : i32 to vector<16xi32>
      %slice3A_1939 = vector.extract_strided_slice %and3A_1923 {offsets = [0], sizes = [1], strides = [1]} : vector<16xi32> to vector<1xi32>
      %squeeze3A_1940 = vector.extract %slice3A_1939[0] : i32 from vector<1xi32>
      %add3A_1941 = vector.broadcast %squeeze3A_1940 : i32 to vector<16xi32>
      %add3A_1942 = arith.addi %broadcast_in_dim3A_1938, %add3A_1941 : vector<16xi32>
      %select_n3A_1943 = arith.select %ge3A_6, %add3A_1936, %add3A_1942 : vector<16xi1>, vector<16xi32>
      %add3A_1944 = arith.constant 1 : i32
      %add3A_1945 = arith.addi %add3A_1929, %add3A_1944 : i32
      %broadcast_in_dim3A_1946 = vector.broadcast %add3A_1945 : i32 to vector<16xi32>
      %broadcast_in_dim3A_1947 = vector.broadcast %add3A_1929 : i32 to vector<16xi32>
      %select_n3A_1948 = arith.select %ge3A_6, %broadcast_in_dim3A_1946, %broadcast_in_dim3A_1947 : vector<16xi1>, vector<16xi32>
      %gather3A_1949 = tpu.vector_load_idx %arg6[%broadcast_in_dim3A_1930, %and3A_4, %select_n3A_1943] : memref<8x8x1024xf32, #tpu.memory_space<vmem>>[vector<16xi32>, vector<16xi32>, vector<16xi32>], vector<16xf32>,
      tpu.vector_store_idx %arg7[%and3A_4, %select_n3A_1948], %gather3A_1949 : memref<8x1024xf32, #tpu.memory_space<vmem>>[vector<16xi32>, vector<16xi32>], vector<16xf32>,
      %mul3A_1950 = arith.constant 8 : i32
      %mul3A_1951 = arith.muli %add3A_1884, %mul3A_1950 : i32
      %add3A_1952 = arith.constant 0 : i32
      %add3A_1953 = arith.addi %mul3A_1951, %add3A_1952 : i32
      %add3A_1954 = arith.constant 2 : i32
      %add3A_1955 = arith.addi %add3A_1953, %add3A_1954 : i32
      %broadcast_in_dim3A_1956 = vector.broadcast %select_n3A_1900 : i32 to vector<16xi32>
      %broadcast_in_dim3A_1957 = arith.constant 384 : i32
      %broadcast_in_dim3A_1958 = vector.broadcast %broadcast_in_dim3A_1957 : i32 to vector<16xi32>
      %slice3A_1959 = vector.extract_strided_slice %and3A_1923 {offsets = [3], sizes = [1], strides = [1]} : vector<16xi32> to vector<1xi32>
      %squeeze3A_1960 = vector.extract %slice3A_1959[0] : i32 from vector<1xi32>
      %add3A_1961 = vector.broadcast %squeeze3A_1960 : i32 to vector<16xi32>
      %add3A_1962 = arith.addi %broadcast_in_dim3A_1958, %add3A_1961 : vector<16xi32>
      %broadcast_in_dim3A_1963 = arith.constant 256 : i32
      %broadcast_in_dim3A_1964 = vector.broadcast %broadcast_in_dim3A_1963 : i32 to vector<16xi32>
      %slice3A_1965 = vector.extract_strided_slice %and3A_1923 {offsets = [2], sizes = [1], strides = [1]} : vector<16xi32> to vector<1xi32>
      %squeeze3A_1966 = vector.extract %slice3A_1965[0] : i32 from vector<1xi32>
      %add3A_1967 = vector.broadcast %squeeze3A_1966 : i32 to vector<16xi32>
      %add3A_1968 = arith.addi %broadcast_in_dim3A_1964, %add3A_1967 : vector<16xi32>
      %select_n3A_1969 = arith.select %ge3A_6, %add3A_1962, %add3A_1968 : vector<16xi1>, vector<16xi32>
      %add3A_1970 = arith.constant 1 : i32
      %add3A_1971 = arith.addi %add3A_1955, %add3A_1970 : i32
      %broadcast_in_dim3A_1972 = vector.broadcast %add3A_1971 : i32 to vector<16xi32>
      %broadcast_in_dim3A_1973 = vector.broadcast %add3A_1955 : i32 to vector<16xi32>
      %select_n3A_1974 = arith.select %ge3A_6, %broadcast_in_dim3A_1972, %broadcast_in_dim3A_1973 : vector<16xi1>, vector<16xi32>
      %gather3A_1975 = tpu.vector_load_idx %arg6[%broadcast_in_dim3A_1956, %and3A_4, %select_n3A_1969] : memref<8x8x1024xf32, #tpu.memory_space<vmem>>[vector<16xi32>, vector<16xi32>, vector<16xi32>], vector<16xf32>,
      tpu.vector_store_idx %arg7[%and3A_4, %select_n3A_1974], %gather3A_1975 : memref<8x1024xf32, #tpu.memory_space<vmem>>[vector<16xi32>, vector<16xi32>], vector<16xf32>,
      %mul3A_1976 = arith.constant 8 : i32
      %mul3A_1977 = arith.muli %add3A_1884, %mul3A_1976 : i32
      %add3A_1978 = arith.constant 0 : i32
      %add3A_1979 = arith.addi %mul3A_1977, %add3A_1978 : i32
      %add3A_1980 = arith.constant 4 : i32
      %add3A_1981 = arith.addi %add3A_1979, %add3A_1980 : i32
      %broadcast_in_dim3A_1982 = vector.broadcast %select_n3A_1900 : i32 to vector<16xi32>
      %broadcast_in_dim3A_1983 = arith.constant 640 : i32
      %broadcast_in_dim3A_1984 = vector.broadcast %broadcast_in_dim3A_1983 : i32 to vector<16xi32>
      %slice3A_1985 = vector.extract_strided_slice %and3A_1923 {offsets = [5], sizes = [1], strides = [1]} : vector<16xi32> to vector<1xi32>
      %squeeze3A_1986 = vector.extract %slice3A_1985[0] : i32 from vector<1xi32>
      %add3A_1987 = vector.broadcast %squeeze3A_1986 : i32 to vector<16xi32>
      %add3A_1988 = arith.addi %broadcast_in_dim3A_1984, %add3A_1987 : vector<16xi32>
      %broadcast_in_dim3A_1989 = arith.constant 512 : i32
      %broadcast_in_dim3A_1990 = vector.broadcast %broadcast_in_dim3A_1989 : i32 to vector<16xi32>
      %slice3A_1991 = vector.extract_strided_slice %and3A_1923 {offsets = [4], sizes = [1], strides = [1]} : vector<16xi32> to vector<1xi32>
      %squeeze3A_1992 = vector.extract %slice3A_1991[0] : i32 from vector<1xi32>
      %add3A_1993 = vector.broadcast %squeeze3A_1992 : i32 to vector<16xi32>
      %add3A_1994 = arith.addi %broadcast_in_dim3A_1990, %add3A_1993 : vector<16xi32>
      %select_n3A_1995 = arith.select %ge3A_6, %add3A_1988, %add3A_1994 : vector<16xi1>, vector<16xi32>
      %add3A_1996 = arith.constant 1 : i32
      %add3A_1997 = arith.addi %add3A_1981, %add3A_1996 : i32
      %broadcast_in_dim3A_1998 = vector.broadcast %add3A_1997 : i32 to vector<16xi32>
      %broadcast_in_dim3A_1999 = vector.broadcast %add3A_1981 : i32 to vector<16xi32>
      %select_n3A_2000 = arith.select %ge3A_6, %broadcast_in_dim3A_1998, %broadcast_in_dim3A_1999 : vector<16xi1>, vector<16xi32>
      %gather3A_2001 = tpu.vector_load_idx %arg6[%broadcast_in_dim3A_1982, %and3A_4, %select_n3A_1995] : memref<8x8x1024xf32, #tpu.memory_space<vmem>>[vector<16xi32>, vector<16xi32>, vector<16xi32>], vector<16xf32>,
      tpu.vector_store_idx %arg7[%and3A_4, %select_n3A_2000], %gather3A_2001 : memref<8x1024xf32, #tpu.memory_space<vmem>>[vector<16xi32>, vector<16xi32>], vector<16xf32>,
      %mul3A_2002 = arith.constant 8 : i32
      %mul3A_2003 = arith.muli %add3A_1884, %mul3A_2002 : i32
      %add3A_2004 = arith.constant 0 : i32
      %add3A_2005 = arith.addi %mul3A_2003, %add3A_2004 : i32
      %add3A_2006 = arith.constant 6 : i32
      %add3A_2007 = arith.addi %add3A_2005, %add3A_2006 : i32
      %broadcast_in_dim3A_2008 = vector.broadcast %select_n3A_1900 : i32 to vector<16xi32>
      %broadcast_in_dim3A_2009 = arith.constant 896 : i32
      %broadcast_in_dim3A_2010 = vector.broadcast %broadcast_in_dim3A_2009 : i32 to vector<16xi32>
      %slice3A_2011 = vector.extract_strided_slice %and3A_1923 {offsets = [7], sizes = [1], strides = [1]} : vector<16xi32> to vector<1xi32>
      %squeeze3A_2012 = vector.extract %slice3A_2011[0] : i32 from vector<1xi32>
      %add3A_2013 = vector.broadcast %squeeze3A_2012 : i32 to vector<16xi32>
      %add3A_2014 = arith.addi %broadcast_in_dim3A_2010, %add3A_2013 : vector<16xi32>
      %broadcast_in_dim3A_2015 = arith.constant 768 : i32
      %broadcast_in_dim3A_2016 = vector.broadcast %broadcast_in_dim3A_2015 : i32 to vector<16xi32>
      %slice3A_2017 = vector.extract_strided_slice %and3A_1923 {offsets = [6], sizes = [1], strides = [1]} : vector<16xi32> to vector<1xi32>
      %squeeze3A_2018 = vector.extract %slice3A_2017[0] : i32 from vector<1xi32>
      %add3A_2019 = vector.broadcast %squeeze3A_2018 : i32 to vector<16xi32>
      %add3A_2020 = arith.addi %broadcast_in_dim3A_2016, %add3A_2019 : vector<16xi32>
      %select_n3A_2021 = arith.select %ge3A_6, %add3A_2014, %add3A_2020 : vector<16xi1>, vector<16xi32>
      %add3A_2022 = arith.constant 1 : i32
      %add3A_2023 = arith.addi %add3A_2007, %add3A_2022 : i32
      %broadcast_in_dim3A_2024 = vector.broadcast %add3A_2023 : i32 to vector<16xi32>
      %broadcast_in_dim3A_2025 = vector.broadcast %add3A_2007 : i32 to vector<16xi32>
      %select_n3A_2026 = arith.select %ge3A_6, %broadcast_in_dim3A_2024, %broadcast_in_dim3A_2025 : vector<16xi1>, vector<16xi32>
      %gather3A_2027 = tpu.vector_load_idx %arg6[%broadcast_in_dim3A_2008, %and3A_4, %select_n3A_2021] : memref<8x8x1024xf32, #tpu.memory_space<vmem>>[vector<16xi32>, vector<16xi32>, vector<16xi32>], vector<16xf32>,
      tpu.vector_store_idx %arg7[%and3A_4, %select_n3A_2026], %gather3A_2027 : memref<8x1024xf32, #tpu.memory_space<vmem>>[vector<16xi32>, vector<16xi32>], vector<16xf32>,
      %add3A_2028 = arith.constant 6 : i32
      %add3A_2029 = arith.addi %mul3A_970, %add3A_2028 : i32
      %add3A_2030 = arith.constant 8 : i32
      %add3A_2031 = arith.addi %add3A_2029, %add3A_2030 : i32
      %lt3A_2032 = arith.constant 128 : i32
      %lt3A_2033 = arith.cmpi slt, %add3A_2031, %lt3A_2032 : i32
      %convert_element_type3A_2034 = arith.extui %lt3A_2033 : i1 to i32
      %cond3A_2035 = arith.constant 0 : i32
      %cond3A_2036 = arith.cmpi ne, %convert_element_type3A_2034, %cond3A_2035 : i32
      scf.if %cond3A_2036 {
        %add3A_2192 = arith.constant 6 : i32
        %add3A_2193 = arith.addi %mul3A_970, %add3A_2192 : i32
        %add3A_2194 = arith.constant 8 : i32
        %add3A_2195 = arith.addi %add3A_2193, %add3A_2194 : i32
        %jit3A_2196 = arith.constant 8 : i32
        %eq3A_2197 = arith.constant 0 : i32
        %eq3A_2198 = arith.cmpi eq, %jit3A_2196, %eq3A_2197 : i32
        %jit3A_2199 = arith.constant 1 : i32
        %select_n3A_2200 = arith.select %eq3A_2198, %jit3A_2199, %jit3A_2196 : i32
        %rem3A_2201 = arith.remsi %add3A_2195, %select_n3A_2200 : i32
        %ne3A_2202 = arith.constant 0 : i32
        %ne3A_2203 = arith.cmpi ne, %rem3A_2201, %ne3A_2202 : i32
        %lt3A_2204 = arith.constant 0 : i32
        %lt3A_2205 = arith.cmpi slt, %rem3A_2201, %lt3A_2204 : i32
        %lt3A_2206 = arith.constant 0 : i32
        %lt3A_2207 = arith.cmpi slt, %select_n3A_2200, %lt3A_2206 : i32
        %ne3A_2208 = arith.xori %lt3A_2205, %lt3A_2207 : i1
        %and3A_2209 = arith.andi %ne3A_2208, %ne3A_2203 : i1
        %add3A_2210 = arith.addi %rem3A_2201, %select_n3A_2200 : i32
        %select_n3A_2211 = arith.select %and3A_2209, %add3A_2210, %rem3A_2201 : i32
        %mul3A_2212 = arith.constant 8 : i32
        %mul3A_2213 = arith.muli %add3A_2195, %mul3A_2212 : i32
        %add3A_2214 = arith.constant 0 : i32
        %add3A_2215 = arith.addi %mul3A_2213, %add3A_2214 : i32
        %get3A_2216 = arith.index_cast %add3A_2215 : i32 to index
        %get3A_2217 = tpu.vector_load %arg5[%get3A_2216] {strides = array<i32>} : memref<1040xi32, #tpu.memory_space<vmem>>, vector<16xi32>,
        %shift_right_arithmetic3A_2218 = arith.constant 7 : i32
        %shift_right_arithmetic3A_2219 = vector.broadcast %shift_right_arithmetic3A_2218 : i32 to vector<16xi32>
        %shift_right_arithmetic3A_2220 = arith.shrsi %get3A_2217, %shift_right_arithmetic3A_2219 : vector<16xi32>
        %mul3A_2221 = arith.constant 128 : i32
        %mul3A_2222 = vector.broadcast %mul3A_2221 : i32 to vector<16xi32>
        %mul3A_2223 = arith.muli %shift_right_arithmetic3A_2220, %mul3A_2222 : vector<16xi32>
        %slice3A_2224 = vector.extract_strided_slice %mul3A_2223 {offsets = [0], sizes = [1], strides = [1]} : vector<16xi32> to vector<1xi32>
        %squeeze3A_2225 = vector.extract %slice3A_2224[0] : i32 from vector<1xi32>
        %multiple_of3A_2226 = tpu.assume_multiple %squeeze3A_2225, 128 : i32
        %dma_start3A_2227 = arith.constant 0 : i32
        %dma_start3A_2228 = arith.constant 0 : i32
        %dma_start3A_2229 = tpu.memref_slice %arg6[%select_n3A_2211, %dma_start3A_2227, %dma_start3A_2228] : memref<8x8x1024xf32, #tpu.memory_space<vmem>> -> memref<1x8x128xf32, #tpu.memory_space<vmem>>
        %dma_start3A_2230 = tpu.memref_squeeze %dma_start3A_2229 : memref<1x8x128xf32, #tpu.memory_space<vmem>> -> memref<8x128xf32, #tpu.memory_space<vmem>>
        %dma_start3A_2231 = tpu.memref_slice %arg2[%mul3A_0, %multiple_of3A_2226] : memref<16x1000000xf32, #tpu.memory_space<hbm>> -> memref<8x128xf32, #tpu.memory_space<hbm>>
        %dma_start3A_2232 = arith.constant 0 : i32
        %dma_start3A_2233 = arith.constant 0 : i32
        %dma_start3A_2234 = tpu.memref_slice %arg6[%select_n3A_2211, %dma_start3A_2232, %dma_start3A_2233] : memref<8x8x1024xf32, #tpu.memory_space<vmem>> -> memref<1x8x128xf32, #tpu.memory_space<vmem>>
        %dma_start3A_2235 = tpu.memref_squeeze %dma_start3A_2234 : memref<1x8x128xf32, #tpu.memory_space<vmem>> -> memref<8x128xf32, #tpu.memory_space<vmem>>
        %dma_start3A_2236 = tpu.memref_slice %arg2[%mul3A_0, %multiple_of3A_2226] : memref<16x1000000xf32, #tpu.memory_space<hbm>> -> memref<8x128xf32, #tpu.memory_space<hbm>>
        tpu.enqueue_dma source(%dma_start3A_2236 : memref<8x128xf32, #tpu.memory_space<hbm>>) target(%dma_start3A_2235 : memref<8x128xf32, #tpu.memory_space<vmem>>) target_semaphore(%arg14 : memref<!tpu.dma_semaphore, #tpu.memory_space<semaphore_mem>>)
        %slice3A_2237 = vector.extract_strided_slice %mul3A_2223 {offsets = [1], sizes = [1], strides = [1]} : vector<16xi32> to vector<1xi32>
        %squeeze3A_2238 = vector.extract %slice3A_2237[0] : i32 from vector<1xi32>
        %multiple_of3A_2239 = tpu.assume_multiple %squeeze3A_2238, 128 : i32
        %dma_start3A_2240 = arith.constant 0 : i32
        %dma_start3A_2241 = arith.constant 128 : i32
        %dma_start3A_2242 = tpu.memref_slice %arg6[%select_n3A_2211, %dma_start3A_2240, %dma_start3A_2241] : memref<8x8x1024xf32, #tpu.memory_space<vmem>> -> memref<1x8x128xf32, #tpu.memory_space<vmem>>
        %dma_start3A_2243 = tpu.memref_squeeze %dma_start3A_2242 : memref<1x8x128xf32, #tpu.memory_space<vmem>> -> memref<8x128xf32, #tpu.memory_space<vmem>>
        %dma_start3A_2244 = tpu.memref_slice %arg2[%mul3A_0, %multiple_of3A_2239] : memref<16x1000000xf32, #tpu.memory_space<hbm>> -> memref<8x128xf32, #tpu.memory_space<hbm>>
        %dma_start3A_2245 = arith.constant 0 : i32
        %dma_start3A_2246 = arith.constant 128 : i32
        %dma_start3A_2247 = tpu.memref_slice %arg6[%select_n3A_2211, %dma_start3A_2245, %dma_start3A_2246] : memref<8x8x1024xf32, #tpu.memory_space<vmem>> -> memref<1x8x128xf32, #tpu.memory_space<vmem>>
        %dma_start3A_2248 = tpu.memref_squeeze %dma_start3A_2247 : memref<1x8x128xf32, #tpu.memory_space<vmem>> -> memref<8x128xf32, #tpu.memory_space<vmem>>
        %dma_start3A_2249 = tpu.memref_slice %arg2[%mul3A_0, %multiple_of3A_2239] : memref<16x1000000xf32, #tpu.memory_space<hbm>> -> memref<8x128xf32, #tpu.memory_space<hbm>>
        tpu.enqueue_dma source(%dma_start3A_2249 : memref<8x128xf32, #tpu.memory_space<hbm>>) target(%dma_start3A_2248 : memref<8x128xf32, #tpu.memory_space<vmem>>) target_semaphore(%arg14 : memref<!tpu.dma_semaphore, #tpu.memory_space<semaphore_mem>>)
        %slice3A_2250 = vector.extract_strided_slice %mul3A_2223 {offsets = [2], sizes = [1], strides = [1]} : vector<16xi32> to vector<1xi32>
        %squeeze3A_2251 = vector.extract %slice3A_2250[0] : i32 from vector<1xi32>
        %multiple_of3A_2252 = tpu.assume_multiple %squeeze3A_2251, 128 : i32
        %dma_start3A_2253 = arith.constant 0 : i32
        %dma_start3A_2254 = arith.constant 256 : i32
        %dma_start3A_2255 = tpu.memref_slice %arg6[%select_n3A_2211, %dma_start3A_2253, %dma_start3A_2254] : memref<8x8x1024xf32, #tpu.memory_space<vmem>> -> memref<1x8x128xf32, #tpu.memory_space<vmem>>
        %dma_start3A_2256 = tpu.memref_squeeze %dma_start3A_2255 : memref<1x8x128xf32, #tpu.memory_space<vmem>> -> memref<8x128xf32, #tpu.memory_space<vmem>>
        %dma_start3A_2257 = tpu.memref_slice %arg2[%mul3A_0, %multiple_of3A_2252] : memref<16x1000000xf32, #tpu.memory_space<hbm>> -> memref<8x128xf32, #tpu.memory_space<hbm>>
        %dma_start3A_2258 = arith.constant 0 : i32
        %dma_start3A_2259 = arith.constant 256 : i32
        %dma_start3A_2260 = tpu.memref_slice %arg6[%select_n3A_2211, %dma_start3A_2258, %dma_start3A_2259] : memref<8x8x1024xf32, #tpu.memory_space<vmem>> -> memref<1x8x128xf32, #tpu.memory_space<vmem>>
        %dma_start3A_2261 = tpu.memref_squeeze %dma_start3A_2260 : memref<1x8x128xf32, #tpu.memory_space<vmem>> -> memref<8x128xf32, #tpu.memory_space<vmem>>
        %dma_start3A_2262 = tpu.memref_slice %arg2[%mul3A_0, %multiple_of3A_2252] : memref<16x1000000xf32, #tpu.memory_space<hbm>> -> memref<8x128xf32, #tpu.memory_space<hbm>>
        tpu.enqueue_dma source(%dma_start3A_2262 : memref<8x128xf32, #tpu.memory_space<hbm>>) target(%dma_start3A_2261 : memref<8x128xf32, #tpu.memory_space<vmem>>) target_semaphore(%arg14 : memref<!tpu.dma_semaphore, #tpu.memory_space<semaphore_mem>>)
        %slice3A_2263 = vector.extract_strided_slice %mul3A_2223 {offsets = [3], sizes = [1], strides = [1]} : vector<16xi32> to vector<1xi32>
        %squeeze3A_2264 = vector.extract %slice3A_2263[0] : i32 from vector<1xi32>
        %multiple_of3A_2265 = tpu.assume_multiple %squeeze3A_2264, 128 : i32
        %dma_start3A_2266 = arith.constant 0 : i32
        %dma_start3A_2267 = arith.constant 384 : i32
        %dma_start3A_2268 = tpu.memref_slice %arg6[%select_n3A_2211, %dma_start3A_2266, %dma_start3A_2267] : memref<8x8x1024xf32, #tpu.memory_space<vmem>> -> memref<1x8x128xf32, #tpu.memory_space<vmem>>
        %dma_start3A_2269 = tpu.memref_squeeze %dma_start3A_2268 : memref<1x8x128xf32, #tpu.memory_space<vmem>> -> memref<8x128xf32, #tpu.memory_space<vmem>>
        %dma_start3A_2270 = tpu.memref_slice %arg2[%mul3A_0, %multiple_of3A_2265] : memref<16x1000000xf32, #tpu.memory_space<hbm>> -> memref<8x128xf32, #tpu.memory_space<hbm>>
        %dma_start3A_2271 = arith.constant 0 : i32
        %dma_start3A_2272 = arith.constant 384 : i32
        %dma_start3A_2273 = tpu.memref_slice %arg6[%select_n3A_2211, %dma_start3A_2271, %dma_start3A_2272] : memref<8x8x1024xf32, #tpu.memory_space<vmem>> -> memref<1x8x128xf32, #tpu.memory_space<vmem>>
        %dma_start3A_2274 = tpu.memref_squeeze %dma_start3A_2273 : memref<1x8x128xf32, #tpu.memory_space<vmem>> -> memref<8x128xf32, #tpu.memory_space<vmem>>
        %dma_start3A_2275 = tpu.memref_slice %arg2[%mul3A_0, %multiple_of3A_2265] : memref<16x1000000xf32, #tpu.memory_space<hbm>> -> memref<8x128xf32, #tpu.memory_space<hbm>>
        tpu.enqueue_dma source(%dma_start3A_2275 : memref<8x128xf32, #tpu.memory_space<hbm>>) target(%dma_start3A_2274 : memref<8x128xf32, #tpu.memory_space<vmem>>) target_semaphore(%arg14 : memref<!tpu.dma_semaphore, #tpu.memory_space<semaphore_mem>>)
        %slice3A_2276 = vector.extract_strided_slice %mul3A_2223 {offsets = [4], sizes = [1], strides = [1]} : vector<16xi32> to vector<1xi32>
        %squeeze3A_2277 = vector.extract %slice3A_2276[0] : i32 from vector<1xi32>
        %multiple_of3A_2278 = tpu.assume_multiple %squeeze3A_2277, 128 : i32
        %dma_start3A_2279 = arith.constant 0 : i32
        %dma_start3A_2280 = arith.constant 512 : i32
        %dma_start3A_2281 = tpu.memref_slice %arg6[%select_n3A_2211, %dma_start3A_2279, %dma_start3A_2280] : memref<8x8x1024xf32, #tpu.memory_space<vmem>> -> memref<1x8x128xf32, #tpu.memory_space<vmem>>
        %dma_start3A_2282 = tpu.memref_squeeze %dma_start3A_2281 : memref<1x8x128xf32, #tpu.memory_space<vmem>> -> memref<8x128xf32, #tpu.memory_space<vmem>>
        %dma_start3A_2283 = tpu.memref_slice %arg2[%mul3A_0, %multiple_of3A_2278] : memref<16x1000000xf32, #tpu.memory_space<hbm>> -> memref<8x128xf32, #tpu.memory_space<hbm>>
        %dma_start3A_2284 = arith.constant 0 : i32
        %dma_start3A_2285 = arith.constant 512 : i32
        %dma_start3A_2286 = tpu.memref_slice %arg6[%select_n3A_2211, %dma_start3A_2284, %dma_start3A_2285] : memref<8x8x1024xf32, #tpu.memory_space<vmem>> -> memref<1x8x128xf32, #tpu.memory_space<vmem>>
        %dma_start3A_2287 = tpu.memref_squeeze %dma_start3A_2286 : memref<1x8x128xf32, #tpu.memory_space<vmem>> -> memref<8x128xf32, #tpu.memory_space<vmem>>
        %dma_start3A_2288 = tpu.memref_slice %arg2[%mul3A_0, %multiple_of3A_2278] : memref<16x1000000xf32, #tpu.memory_space<hbm>> -> memref<8x128xf32, #tpu.memory_space<hbm>>
        tpu.enqueue_dma source(%dma_start3A_2288 : memref<8x128xf32, #tpu.memory_space<hbm>>) target(%dma_start3A_2287 : memref<8x128xf32, #tpu.memory_space<vmem>>) target_semaphore(%arg14 : memref<!tpu.dma_semaphore, #tpu.memory_space<semaphore_mem>>)
        %slice3A_2289 = vector.extract_strided_slice %mul3A_2223 {offsets = [5], sizes = [1], strides = [1]} : vector<16xi32> to vector<1xi32>
        %squeeze3A_2290 = vector.extract %slice3A_2289[0] : i32 from vector<1xi32>
        %multiple_of3A_2291 = tpu.assume_multiple %squeeze3A_2290, 128 : i32
        %dma_start3A_2292 = arith.constant 0 : i32
        %dma_start3A_2293 = arith.constant 640 : i32
        %dma_start3A_2294 = tpu.memref_slice %arg6[%select_n3A_2211, %dma_start3A_2292, %dma_start3A_2293] : memref<8x8x1024xf32, #tpu.memory_space<vmem>> -> memref<1x8x128xf32, #tpu.memory_space<vmem>>
        %dma_start3A_2295 = tpu.memref_squeeze %dma_start3A_2294 : memref<1x8x128xf32, #tpu.memory_space<vmem>> -> memref<8x128xf32, #tpu.memory_space<vmem>>
        %dma_start3A_2296 = tpu.memref_slice %arg2[%mul3A_0, %multiple_of3A_2291] : memref<16x1000000xf32, #tpu.memory_space<hbm>> -> memref<8x128xf32, #tpu.memory_space<hbm>>
        %dma_start3A_2297 = arith.constant 0 : i32
        %dma_start3A_2298 = arith.constant 640 : i32
        %dma_start3A_2299 = tpu.memref_slice %arg6[%select_n3A_2211, %dma_start3A_2297, %dma_start3A_2298] : memref<8x8x1024xf32, #tpu.memory_space<vmem>> -> memref<1x8x128xf32, #tpu.memory_space<vmem>>
        %dma_start3A_2300 = tpu.memref_squeeze %dma_start3A_2299 : memref<1x8x128xf32, #tpu.memory_space<vmem>> -> memref<8x128xf32, #tpu.memory_space<vmem>>
        %dma_start3A_2301 = tpu.memref_slice %arg2[%mul3A_0, %multiple_of3A_2291] : memref<16x1000000xf32, #tpu.memory_space<hbm>> -> memref<8x128xf32, #tpu.memory_space<hbm>>
        tpu.enqueue_dma source(%dma_start3A_2301 : memref<8x128xf32, #tpu.memory_space<hbm>>) target(%dma_start3A_2300 : memref<8x128xf32, #tpu.memory_space<vmem>>) target_semaphore(%arg14 : memref<!tpu.dma_semaphore, #tpu.memory_space<semaphore_mem>>)
        %slice3A_2302 = vector.extract_strided_slice %mul3A_2223 {offsets = [6], sizes = [1], strides = [1]} : vector<16xi32> to vector<1xi32>
        %squeeze3A_2303 = vector.extract %slice3A_2302[0] : i32 from vector<1xi32>
        %multiple_of3A_2304 = tpu.assume_multiple %squeeze3A_2303, 128 : i32
        %dma_start3A_2305 = arith.constant 0 : i32
        %dma_start3A_2306 = arith.constant 768 : i32
        %dma_start3A_2307 = tpu.memref_slice %arg6[%select_n3A_2211, %dma_start3A_2305, %dma_start3A_2306] : memref<8x8x1024xf32, #tpu.memory_space<vmem>> -> memref<1x8x128xf32, #tpu.memory_space<vmem>>
        %dma_start3A_2308 = tpu.memref_squeeze %dma_start3A_2307 : memref<1x8x128xf32, #tpu.memory_space<vmem>> -> memref<8x128xf32, #tpu.memory_space<vmem>>
        %dma_start3A_2309 = tpu.memref_slice %arg2[%mul3A_0, %multiple_of3A_2304] : memref<16x1000000xf32, #tpu.memory_space<hbm>> -> memref<8x128xf32, #tpu.memory_space<hbm>>
        %dma_start3A_2310 = arith.constant 0 : i32
        %dma_start3A_2311 = arith.constant 768 : i32
        %dma_start3A_2312 = tpu.memref_slice %arg6[%select_n3A_2211, %dma_start3A_2310, %dma_start3A_2311] : memref<8x8x1024xf32, #tpu.memory_space<vmem>> -> memref<1x8x128xf32, #tpu.memory_space<vmem>>
        %dma_start3A_2313 = tpu.memref_squeeze %dma_start3A_2312 : memref<1x8x128xf32, #tpu.memory_space<vmem>> -> memref<8x128xf32, #tpu.memory_space<vmem>>
        %dma_start3A_2314 = tpu.memref_slice %arg2[%mul3A_0, %multiple_of3A_2304] : memref<16x1000000xf32, #tpu.memory_space<hbm>> -> memref<8x128xf32, #tpu.memory_space<hbm>>
        tpu.enqueue_dma source(%dma_start3A_2314 : memref<8x128xf32, #tpu.memory_space<hbm>>) target(%dma_start3A_2313 : memref<8x128xf32, #tpu.memory_space<vmem>>) target_semaphore(%arg14 : memref<!tpu.dma_semaphore, #tpu.memory_space<semaphore_mem>>)
        %slice3A_2315 = vector.extract_strided_slice %mul3A_2223 {offsets = [7], sizes = [1], strides = [1]} : vector<16xi32> to vector<1xi32>
        %squeeze3A_2316 = vector.extract %slice3A_2315[0] : i32 from vector<1xi32>
        %multiple_of3A_2317 = tpu.assume_multiple %squeeze3A_2316, 128 : i32
        %dma_start3A_2318 = arith.constant 0 : i32
        %dma_start3A_2319 = arith.constant 896 : i32
        %dma_start3A_2320 = tpu.memref_slice %arg6[%select_n3A_2211, %dma_start3A_2318, %dma_start3A_2319] : memref<8x8x1024xf32, #tpu.memory_space<vmem>> -> memref<1x8x128xf32, #tpu.memory_space<vmem>>
        %dma_start3A_2321 = tpu.memref_squeeze %dma_start3A_2320 : memref<1x8x128xf32, #tpu.memory_space<vmem>> -> memref<8x128xf32, #tpu.memory_space<vmem>>
        %dma_start3A_2322 = tpu.memref_slice %arg2[%mul3A_0, %multiple_of3A_2317] : memref<16x1000000xf32, #tpu.memory_space<hbm>> -> memref<8x128xf32, #tpu.memory_space<hbm>>
        %dma_start3A_2323 = arith.constant 0 : i32
        %dma_start3A_2324 = arith.constant 896 : i32
        %dma_start3A_2325 = tpu.memref_slice %arg6[%select_n3A_2211, %dma_start3A_2323, %dma_start3A_2324] : memref<8x8x1024xf32, #tpu.memory_space<vmem>> -> memref<1x8x128xf32, #tpu.memory_space<vmem>>
        %dma_start3A_2326 = tpu.memref_squeeze %dma_start3A_2325 : memref<1x8x128xf32, #tpu.memory_space<vmem>> -> memref<8x128xf32, #tpu.memory_space<vmem>>
        %dma_start3A_2327 = tpu.memref_slice %arg2[%mul3A_0, %multiple_of3A_2317] : memref<16x1000000xf32, #tpu.memory_space<hbm>> -> memref<8x128xf32, #tpu.memory_space<hbm>>
        tpu.enqueue_dma source(%dma_start3A_2327 : memref<8x128xf32, #tpu.memory_space<hbm>>) target(%dma_start3A_2326 : memref<8x128xf32, #tpu.memory_space<vmem>>) target_semaphore(%arg14 : memref<!tpu.dma_semaphore, #tpu.memory_space<semaphore_mem>>)
      } else {
      }
      %add3A_2037 = arith.constant 7 : i32
      %add3A_2038 = arith.addi %mul3A_970, %add3A_2037 : i32
      %jit3A_2039 = arith.constant 8 : i32
      %eq3A_2040 = arith.constant 0 : i32
      %eq3A_2041 = arith.cmpi eq, %jit3A_2039, %eq3A_2040 : i32
      %jit3A_2042 = arith.constant 1 : i32
      %select_n3A_2043 = arith.select %eq3A_2041, %jit3A_2042, %jit3A_2039 : i32
      %rem3A_2044 = arith.remsi %add3A_2038, %select_n3A_2043 : i32
      %ne3A_2045 = arith.constant 0 : i32
      %ne3A_2046 = arith.cmpi ne, %rem3A_2044, %ne3A_2045 : i32
      %lt3A_2047 = arith.constant 0 : i32
      %lt3A_2048 = arith.cmpi slt, %rem3A_2044, %lt3A_2047 : i32
      %lt3A_2049 = arith.constant 0 : i32
      %lt3A_2050 = arith.cmpi slt, %select_n3A_2043, %lt3A_2049 : i32
      %ne3A_2051 = arith.xori %lt3A_2048, %lt3A_2050 : i1
      %and3A_2052 = arith.andi %ne3A_2051, %ne3A_2046 : i1
      %add3A_2053 = arith.addi %rem3A_2044, %select_n3A_2043 : i32
      %select_n3A_2054 = arith.select %and3A_2052, %add3A_2053, %rem3A_2044 : i32
      %dma_wait3A_2055 = arith.constant 0 : i32
      %dma_wait3A_2056 = arith.constant 0 : i32
      %dma_wait3A_2057 = tpu.memref_slice %arg6[%select_n3A_2054, %dma_wait3A_2055, %dma_wait3A_2056] : memref<8x8x1024xf32, #tpu.memory_space<vmem>> -> memref<1x8x1024xf32, #tpu.memory_space<vmem>>
      %dma_wait3A_2058 = tpu.memref_squeeze %dma_wait3A_2057 : memref<1x8x1024xf32, #tpu.memory_space<vmem>> -> memref<8x1024xf32, #tpu.memory_space<vmem>>
      %dma_wait3A_2059 = arith.constant 0 : i32
      %dma_wait3A_2060 = arith.constant 0 : i32
      %dma_wait3A_2061 = tpu.memref_slice %arg2[%dma_wait3A_2059, %dma_wait3A_2060] : memref<16x1000000xf32, #tpu.memory_space<hbm>> -> memref<8x1024xf32, #tpu.memory_space<hbm>>
      %dma_wait3A_2062 = arith.constant 0 : i32
      %dma_wait3A_2063 = arith.constant 0 : i32
      %dma_wait3A_2064 = tpu.memref_slice %arg6[%select_n3A_2054, %dma_wait3A_2062, %dma_wait3A_2063] : memref<8x8x1024xf32, #tpu.memory_space<vmem>> -> memref<1x8x1024xf32, #tpu.memory_space<vmem>>
      %dma_wait3A_2065 = tpu.memref_squeeze %dma_wait3A_2064 : memref<1x8x1024xf32, #tpu.memory_space<vmem>> -> memref<8x1024xf32, #tpu.memory_space<vmem>>
      %dma_wait3A_2066 = arith.constant 0 : i32
      %dma_wait3A_2067 = arith.constant 0 : i32
      %dma_wait3A_2068 = tpu.memref_slice %arg2[%dma_wait3A_2066, %dma_wait3A_2067] : memref<16x1000000xf32, #tpu.memory_space<hbm>> -> memref<8x1024xf32, #tpu.memory_space<hbm>>
      tpu.wait_dma2 semaphore(%arg15 : memref<!tpu.dma_semaphore, #tpu.memory_space<semaphore_mem>>) src(%dma_wait3A_2068 : memref<8x1024xf32, #tpu.memory_space<hbm>>) dst(%dma_wait3A_2065 : memref<8x1024xf32, #tpu.memory_space<vmem>>)
      %mul3A_2069 = arith.constant 8 : i32
      %mul3A_2070 = arith.muli %add3A_2038, %mul3A_2069 : i32
      %add3A_2071 = arith.constant 0 : i32
      %add3A_2072 = arith.addi %mul3A_2070, %add3A_2071 : i32
      %get3A_2073 = arith.index_cast %add3A_2072 : i32 to index
      %get3A_2074 = tpu.vector_load %arg5[%get3A_2073] {strides = array<i32>} : memref<1040xi32, #tpu.memory_space<vmem>>, vector<16xi32>,
      %and3A_2075 = arith.constant 127 : i32
      %and3A_2076 = vector.broadcast %and3A_2075 : i32 to vector<16xi32>
      %and3A_2077 = arith.andi %get3A_2074, %and3A_2076 : vector<16xi32>
      %mul3A_2078 = arith.constant 8 : i32
      %mul3A_2079 = arith.muli %add3A_2038, %mul3A_2078 : i32
      %add3A_2080 = arith.constant 0 : i32
      %add3A_2081 = arith.addi %mul3A_2079, %add3A_2080 : i32
      %add3A_2082 = arith.constant 0 : i32
      %add3A_2083 = arith.addi %add3A_2081, %add3A_2082 : i32
      %broadcast_in_dim3A_2084 = vector.broadcast %select_n3A_2054 : i32 to vector<16xi32>
      %broadcast_in_dim3A_2085 = arith.constant 128 : i32
      %broadcast_in_dim3A_2086 = vector.broadcast %broadcast_in_dim3A_2085 : i32 to vector<16xi32>
      %slice3A_2087 = vector.extract_strided_slice %and3A_2077 {offsets = [1], sizes = [1], strides = [1]} : vector<16xi32> to vector<1xi32>
      %squeeze3A_2088 = vector.extract %slice3A_2087[0] : i32 from vector<1xi32>
      %add3A_2089 = vector.broadcast %squeeze3A_2088 : i32 to vector<16xi32>
      %add3A_2090 = arith.addi %broadcast_in_dim3A_2086, %add3A_2089 : vector<16xi32>
      %broadcast_in_dim3A_2091 = arith.constant 0 : i32
      %broadcast_in_dim3A_2092 = vector.broadcast %broadcast_in_dim3A_2091 : i32 to vector<16xi32>
      %slice3A_2093 = vector.extract_strided_slice %and3A_2077 {offsets = [0], sizes = [1], strides = [1]} : vector<16xi32> to vector<1xi32>
      %squeeze3A_2094 = vector.extract %slice3A_2093[0] : i32 from vector<1xi32>
      %add3A_2095 = vector.broadcast %squeeze3A_2094 : i32 to vector<16xi32>
      %add3A_2096 = arith.addi %broadcast_in_dim3A_2092, %add3A_2095 : vector<16xi32>
      %select_n3A_2097 = arith.select %ge3A_6, %add3A_2090, %add3A_2096 : vector<16xi1>, vector<16xi32>
      %add3A_2098 = arith.constant 1 : i32
      %add3A_2099 = arith.addi %add3A_2083, %add3A_2098 : i32
      %broadcast_in_dim3A_2100 = vector.broadcast %add3A_2099 : i32 to vector<16xi32>
      %broadcast_in_dim3A_2101 = vector.broadcast %add3A_2083 : i32 to vector<16xi32>
      %select_n3A_2102 = arith.select %ge3A_6, %broadcast_in_dim3A_2100, %broadcast_in_dim3A_2101 : vector<16xi1>, vector<16xi32>
      %gather3A_2103 = tpu.vector_load_idx %arg6[%broadcast_in_dim3A_2084, %and3A_4, %select_n3A_2097] : memref<8x8x1024xf32, #tpu.memory_space<vmem>>[vector<16xi32>, vector<16xi32>, vector<16xi32>], vector<16xf32>,
      tpu.vector_store_idx %arg7[%and3A_4, %select_n3A_2102], %gather3A_2103 : memref<8x1024xf32, #tpu.memory_space<vmem>>[vector<16xi32>, vector<16xi32>], vector<16xf32>,
      %mul3A_2104 = arith.constant 8 : i32
      %mul3A_2105 = arith.muli %add3A_2038, %mul3A_2104 : i32
      %add3A_2106 = arith.constant 0 : i32
      %add3A_2107 = arith.addi %mul3A_2105, %add3A_2106 : i32
      %add3A_2108 = arith.constant 2 : i32
      %add3A_2109 = arith.addi %add3A_2107, %add3A_2108 : i32
      %broadcast_in_dim3A_2110 = vector.broadcast %select_n3A_2054 : i32 to vector<16xi32>
      %broadcast_in_dim3A_2111 = arith.constant 384 : i32
      %broadcast_in_dim3A_2112 = vector.broadcast %broadcast_in_dim3A_2111 : i32 to vector<16xi32>
      %slice3A_2113 = vector.extract_strided_slice %and3A_2077 {offsets = [3], sizes = [1], strides = [1]} : vector<16xi32> to vector<1xi32>
      %squeeze3A_2114 = vector.extract %slice3A_2113[0] : i32 from vector<1xi32>
      %add3A_2115 = vector.broadcast %squeeze3A_2114 : i32 to vector<16xi32>
      %add3A_2116 = arith.addi %broadcast_in_dim3A_2112, %add3A_2115 : vector<16xi32>
      %broadcast_in_dim3A_2117 = arith.constant 256 : i32
      %broadcast_in_dim3A_2118 = vector.broadcast %broadcast_in_dim3A_2117 : i32 to vector<16xi32>
      %slice3A_2119 = vector.extract_strided_slice %and3A_2077 {offsets = [2], sizes = [1], strides = [1]} : vector<16xi32> to vector<1xi32>
      %squeeze3A_2120 = vector.extract %slice3A_2119[0] : i32 from vector<1xi32>
      %add3A_2121 = vector.broadcast %squeeze3A_2120 : i32 to vector<16xi32>
      %add3A_2122 = arith.addi %broadcast_in_dim3A_2118, %add3A_2121 : vector<16xi32>
      %select_n3A_2123 = arith.select %ge3A_6, %add3A_2116, %add3A_2122 : vector<16xi1>, vector<16xi32>
      %add3A_2124 = arith.constant 1 : i32
      %add3A_2125 = arith.addi %add3A_2109, %add3A_2124 : i32
      %broadcast_in_dim3A_2126 = vector.broadcast %add3A_2125 : i32 to vector<16xi32>
      %broadcast_in_dim3A_2127 = vector.broadcast %add3A_2109 : i32 to vector<16xi32>
      %select_n3A_2128 = arith.select %ge3A_6, %broadcast_in_dim3A_2126, %broadcast_in_dim3A_2127 : vector<16xi1>, vector<16xi32>
      %gather3A_2129 = tpu.vector_load_idx %arg6[%broadcast_in_dim3A_2110, %and3A_4, %select_n3A_2123] : memref<8x8x1024xf32, #tpu.memory_space<vmem>>[vector<16xi32>, vector<16xi32>, vector<16xi32>], vector<16xf32>,
      tpu.vector_store_idx %arg7[%and3A_4, %select_n3A_2128], %gather3A_2129 : memref<8x1024xf32, #tpu.memory_space<vmem>>[vector<16xi32>, vector<16xi32>], vector<16xf32>,
      %mul3A_2130 = arith.constant 8 : i32
      %mul3A_2131 = arith.muli %add3A_2038, %mul3A_2130 : i32
      %add3A_2132 = arith.constant 0 : i32
      %add3A_2133 = arith.addi %mul3A_2131, %add3A_2132 : i32
      %add3A_2134 = arith.constant 4 : i32
      %add3A_2135 = arith.addi %add3A_2133, %add3A_2134 : i32
      %broadcast_in_dim3A_2136 = vector.broadcast %select_n3A_2054 : i32 to vector<16xi32>
      %broadcast_in_dim3A_2137 = arith.constant 640 : i32
      %broadcast_in_dim3A_2138 = vector.broadcast %broadcast_in_dim3A_2137 : i32 to vector<16xi32>
      %slice3A_2139 = vector.extract_strided_slice %and3A_2077 {offsets = [5], sizes = [1], strides = [1]} : vector<16xi32> to vector<1xi32>
      %squeeze3A_2140 = vector.extract %slice3A_2139[0] : i32 from vector<1xi32>
      %add3A_2141 = vector.broadcast %squeeze3A_2140 : i32 to vector<16xi32>
      %add3A_2142 = arith.addi %broadcast_in_dim3A_2138, %add3A_2141 : vector<16xi32>
      %broadcast_in_dim3A_2143 = arith.constant 512 : i32
      %broadcast_in_dim3A_2144 = vector.broadcast %broadcast_in_dim3A_2143 : i32 to vector<16xi32>
      %slice3A_2145 = vector.extract_strided_slice %and3A_2077 {offsets = [4], sizes = [1], strides = [1]} : vector<16xi32> to vector<1xi32>
      %squeeze3A_2146 = vector.extract %slice3A_2145[0] : i32 from vector<1xi32>
      %add3A_2147 = vector.broadcast %squeeze3A_2146 : i32 to vector<16xi32>
      %add3A_2148 = arith.addi %broadcast_in_dim3A_2144, %add3A_2147 : vector<16xi32>
      %select_n3A_2149 = arith.select %ge3A_6, %add3A_2142, %add3A_2148 : vector<16xi1>, vector<16xi32>
      %add3A_2150 = arith.constant 1 : i32
      %add3A_2151 = arith.addi %add3A_2135, %add3A_2150 : i32
      %broadcast_in_dim3A_2152 = vector.broadcast %add3A_2151 : i32 to vector<16xi32>
      %broadcast_in_dim3A_2153 = vector.broadcast %add3A_2135 : i32 to vector<16xi32>
      %select_n3A_2154 = arith.select %ge3A_6, %broadcast_in_dim3A_2152, %broadcast_in_dim3A_2153 : vector<16xi1>, vector<16xi32>
      %gather3A_2155 = tpu.vector_load_idx %arg6[%broadcast_in_dim3A_2136, %and3A_4, %select_n3A_2149] : memref<8x8x1024xf32, #tpu.memory_space<vmem>>[vector<16xi32>, vector<16xi32>, vector<16xi32>], vector<16xf32>,
      tpu.vector_store_idx %arg7[%and3A_4, %select_n3A_2154], %gather3A_2155 : memref<8x1024xf32, #tpu.memory_space<vmem>>[vector<16xi32>, vector<16xi32>], vector<16xf32>,
      %mul3A_2156 = arith.constant 8 : i32
      %mul3A_2157 = arith.muli %add3A_2038, %mul3A_2156 : i32
      %add3A_2158 = arith.constant 0 : i32
      %add3A_2159 = arith.addi %mul3A_2157, %add3A_2158 : i32
      %add3A_2160 = arith.constant 6 : i32
      %add3A_2161 = arith.addi %add3A_2159, %add3A_2160 : i32
      %broadcast_in_dim3A_2162 = vector.broadcast %select_n3A_2054 : i32 to vector<16xi32>
      %broadcast_in_dim3A_2163 = arith.constant 896 : i32
      %broadcast_in_dim3A_2164 = vector.broadcast %broadcast_in_dim3A_2163 : i32 to vector<16xi32>
      %slice3A_2165 = vector.extract_strided_slice %and3A_2077 {offsets = [7], sizes = [1], strides = [1]} : vector<16xi32> to vector<1xi32>
      %squeeze3A_2166 = vector.extract %slice3A_2165[0] : i32 from vector<1xi32>
      %add3A_2167 = vector.broadcast %squeeze3A_2166 : i32 to vector<16xi32>
      %add3A_2168 = arith.addi %broadcast_in_dim3A_2164, %add3A_2167 : vector<16xi32>
      %broadcast_in_dim3A_2169 = arith.constant 768 : i32
      %broadcast_in_dim3A_2170 = vector.broadcast %broadcast_in_dim3A_2169 : i32 to vector<16xi32>
      %slice3A_2171 = vector.extract_strided_slice %and3A_2077 {offsets = [6], sizes = [1], strides = [1]} : vector<16xi32> to vector<1xi32>
      %squeeze3A_2172 = vector.extract %slice3A_2171[0] : i32 from vector<1xi32>
      %add3A_2173 = vector.broadcast %squeeze3A_2172 : i32 to vector<16xi32>
      %add3A_2174 = arith.addi %broadcast_in_dim3A_2170, %add3A_2173 : vector<16xi32>
      %select_n3A_2175 = arith.select %ge3A_6, %add3A_2168, %add3A_2174 : vector<16xi1>, vector<16xi32>
      %add3A_2176 = arith.constant 1 : i32
      %add3A_2177 = arith.addi %add3A_2161, %add3A_2176 : i32
      %broadcast_in_dim3A_2178 = vector.broadcast %add3A_2177 : i32 to vector<16xi32>
      %broadcast_in_dim3A_2179 = vector.broadcast %add3A_2161 : i32 to vector<16xi32>
      %select_n3A_2180 = arith.select %ge3A_6, %broadcast_in_dim3A_2178, %broadcast_in_dim3A_2179 : vector<16xi1>, vector<16xi32>
      %gather3A_2181 = tpu.vector_load_idx %arg6[%broadcast_in_dim3A_2162, %and3A_4, %select_n3A_2175] : memref<8x8x1024xf32, #tpu.memory_space<vmem>>[vector<16xi32>, vector<16xi32>, vector<16xi32>], vector<16xf32>,
      tpu.vector_store_idx %arg7[%and3A_4, %select_n3A_2180], %gather3A_2181 : memref<8x1024xf32, #tpu.memory_space<vmem>>[vector<16xi32>, vector<16xi32>], vector<16xf32>,
      %add3A_2182 = arith.constant 7 : i32
      %add3A_2183 = arith.addi %mul3A_970, %add3A_2182 : i32
      %add3A_2184 = arith.constant 8 : i32
      %add3A_2185 = arith.addi %add3A_2183, %add3A_2184 : i32
      %lt3A_2186 = arith.constant 128 : i32
      %lt3A_2187 = arith.cmpi slt, %add3A_2185, %lt3A_2186 : i32
      %convert_element_type3A_2188 = arith.extui %lt3A_2187 : i1 to i32
      %cond3A_2189 = arith.constant 0 : i32
      %cond3A_2190 = arith.cmpi ne, %convert_element_type3A_2188, %cond3A_2189 : i32
      scf.if %cond3A_2190 {
        %add3A_2192 = arith.constant 7 : i32
        %add3A_2193 = arith.addi %mul3A_970, %add3A_2192 : i32
        %add3A_2194 = arith.constant 8 : i32
        %add3A_2195 = arith.addi %add3A_2193, %add3A_2194 : i32
        %jit3A_2196 = arith.constant 8 : i32
        %eq3A_2197 = arith.constant 0 : i32
        %eq3A_2198 = arith.cmpi eq, %jit3A_2196, %eq3A_2197 : i32
        %jit3A_2199 = arith.constant 1 : i32
        %select_n3A_2200 = arith.select %eq3A_2198, %jit3A_2199, %jit3A_2196 : i32
        %rem3A_2201 = arith.remsi %add3A_2195, %select_n3A_2200 : i32
        %ne3A_2202 = arith.constant 0 : i32
        %ne3A_2203 = arith.cmpi ne, %rem3A_2201, %ne3A_2202 : i32
        %lt3A_2204 = arith.constant 0 : i32
        %lt3A_2205 = arith.cmpi slt, %rem3A_2201, %lt3A_2204 : i32
        %lt3A_2206 = arith.constant 0 : i32
        %lt3A_2207 = arith.cmpi slt, %select_n3A_2200, %lt3A_2206 : i32
        %ne3A_2208 = arith.xori %lt3A_2205, %lt3A_2207 : i1
        %and3A_2209 = arith.andi %ne3A_2208, %ne3A_2203 : i1
        %add3A_2210 = arith.addi %rem3A_2201, %select_n3A_2200 : i32
        %select_n3A_2211 = arith.select %and3A_2209, %add3A_2210, %rem3A_2201 : i32
        %mul3A_2212 = arith.constant 8 : i32
        %mul3A_2213 = arith.muli %add3A_2195, %mul3A_2212 : i32
        %add3A_2214 = arith.constant 0 : i32
        %add3A_2215 = arith.addi %mul3A_2213, %add3A_2214 : i32
        %get3A_2216 = arith.index_cast %add3A_2215 : i32 to index
        %get3A_2217 = tpu.vector_load %arg5[%get3A_2216] {strides = array<i32>} : memref<1040xi32, #tpu.memory_space<vmem>>, vector<16xi32>,
        %shift_right_arithmetic3A_2218 = arith.constant 7 : i32
        %shift_right_arithmetic3A_2219 = vector.broadcast %shift_right_arithmetic3A_2218 : i32 to vector<16xi32>
        %shift_right_arithmetic3A_2220 = arith.shrsi %get3A_2217, %shift_right_arithmetic3A_2219 : vector<16xi32>
        %mul3A_2221 = arith.constant 128 : i32
        %mul3A_2222 = vector.broadcast %mul3A_2221 : i32 to vector<16xi32>
        %mul3A_2223 = arith.muli %shift_right_arithmetic3A_2220, %mul3A_2222 : vector<16xi32>
        %slice3A_2224 = vector.extract_strided_slice %mul3A_2223 {offsets = [0], sizes = [1], strides = [1]} : vector<16xi32> to vector<1xi32>
        %squeeze3A_2225 = vector.extract %slice3A_2224[0] : i32 from vector<1xi32>
        %multiple_of3A_2226 = tpu.assume_multiple %squeeze3A_2225, 128 : i32
        %dma_start3A_2227 = arith.constant 0 : i32
        %dma_start3A_2228 = arith.constant 0 : i32
        %dma_start3A_2229 = tpu.memref_slice %arg6[%select_n3A_2211, %dma_start3A_2227, %dma_start3A_2228] : memref<8x8x1024xf32, #tpu.memory_space<vmem>> -> memref<1x8x128xf32, #tpu.memory_space<vmem>>
        %dma_start3A_2230 = tpu.memref_squeeze %dma_start3A_2229 : memref<1x8x128xf32, #tpu.memory_space<vmem>> -> memref<8x128xf32, #tpu.memory_space<vmem>>
        %dma_start3A_2231 = tpu.memref_slice %arg2[%mul3A_0, %multiple_of3A_2226] : memref<16x1000000xf32, #tpu.memory_space<hbm>> -> memref<8x128xf32, #tpu.memory_space<hbm>>
        %dma_start3A_2232 = arith.constant 0 : i32
        %dma_start3A_2233 = arith.constant 0 : i32
        %dma_start3A_2234 = tpu.memref_slice %arg6[%select_n3A_2211, %dma_start3A_2232, %dma_start3A_2233] : memref<8x8x1024xf32, #tpu.memory_space<vmem>> -> memref<1x8x128xf32, #tpu.memory_space<vmem>>
        %dma_start3A_2235 = tpu.memref_squeeze %dma_start3A_2234 : memref<1x8x128xf32, #tpu.memory_space<vmem>> -> memref<8x128xf32, #tpu.memory_space<vmem>>
        %dma_start3A_2236 = tpu.memref_slice %arg2[%mul3A_0, %multiple_of3A_2226] : memref<16x1000000xf32, #tpu.memory_space<hbm>> -> memref<8x128xf32, #tpu.memory_space<hbm>>
        tpu.enqueue_dma source(%dma_start3A_2236 : memref<8x128xf32, #tpu.memory_space<hbm>>) target(%dma_start3A_2235 : memref<8x128xf32, #tpu.memory_space<vmem>>) target_semaphore(%arg15 : memref<!tpu.dma_semaphore, #tpu.memory_space<semaphore_mem>>)
        %slice3A_2237 = vector.extract_strided_slice %mul3A_2223 {offsets = [1], sizes = [1], strides = [1]} : vector<16xi32> to vector<1xi32>
        %squeeze3A_2238 = vector.extract %slice3A_2237[0] : i32 from vector<1xi32>
        %multiple_of3A_2239 = tpu.assume_multiple %squeeze3A_2238, 128 : i32
        %dma_start3A_2240 = arith.constant 0 : i32
        %dma_start3A_2241 = arith.constant 128 : i32
        %dma_start3A_2242 = tpu.memref_slice %arg6[%select_n3A_2211, %dma_start3A_2240, %dma_start3A_2241] : memref<8x8x1024xf32, #tpu.memory_space<vmem>> -> memref<1x8x128xf32, #tpu.memory_space<vmem>>
        %dma_start3A_2243 = tpu.memref_squeeze %dma_start3A_2242 : memref<1x8x128xf32, #tpu.memory_space<vmem>> -> memref<8x128xf32, #tpu.memory_space<vmem>>
        %dma_start3A_2244 = tpu.memref_slice %arg2[%mul3A_0, %multiple_of3A_2239] : memref<16x1000000xf32, #tpu.memory_space<hbm>> -> memref<8x128xf32, #tpu.memory_space<hbm>>
        %dma_start3A_2245 = arith.constant 0 : i32
        %dma_start3A_2246 = arith.constant 128 : i32
        %dma_start3A_2247 = tpu.memref_slice %arg6[%select_n3A_2211, %dma_start3A_2245, %dma_start3A_2246] : memref<8x8x1024xf32, #tpu.memory_space<vmem>> -> memref<1x8x128xf32, #tpu.memory_space<vmem>>
        %dma_start3A_2248 = tpu.memref_squeeze %dma_start3A_2247 : memref<1x8x128xf32, #tpu.memory_space<vmem>> -> memref<8x128xf32, #tpu.memory_space<vmem>>
        %dma_start3A_2249 = tpu.memref_slice %arg2[%mul3A_0, %multiple_of3A_2239] : memref<16x1000000xf32, #tpu.memory_space<hbm>> -> memref<8x128xf32, #tpu.memory_space<hbm>>
        tpu.enqueue_dma source(%dma_start3A_2249 : memref<8x128xf32, #tpu.memory_space<hbm>>) target(%dma_start3A_2248 : memref<8x128xf32, #tpu.memory_space<vmem>>) target_semaphore(%arg15 : memref<!tpu.dma_semaphore, #tpu.memory_space<semaphore_mem>>)
        %slice3A_2250 = vector.extract_strided_slice %mul3A_2223 {offsets = [2], sizes = [1], strides = [1]} : vector<16xi32> to vector<1xi32>
        %squeeze3A_2251 = vector.extract %slice3A_2250[0] : i32 from vector<1xi32>
        %multiple_of3A_2252 = tpu.assume_multiple %squeeze3A_2251, 128 : i32
        %dma_start3A_2253 = arith.constant 0 : i32
        %dma_start3A_2254 = arith.constant 256 : i32
        %dma_start3A_2255 = tpu.memref_slice %arg6[%select_n3A_2211, %dma_start3A_2253, %dma_start3A_2254] : memref<8x8x1024xf32, #tpu.memory_space<vmem>> -> memref<1x8x128xf32, #tpu.memory_space<vmem>>
        %dma_start3A_2256 = tpu.memref_squeeze %dma_start3A_2255 : memref<1x8x128xf32, #tpu.memory_space<vmem>> -> memref<8x128xf32, #tpu.memory_space<vmem>>
        %dma_start3A_2257 = tpu.memref_slice %arg2[%mul3A_0, %multiple_of3A_2252] : memref<16x1000000xf32, #tpu.memory_space<hbm>> -> memref<8x128xf32, #tpu.memory_space<hbm>>
        %dma_start3A_2258 = arith.constant 0 : i32
        %dma_start3A_2259 = arith.constant 256 : i32
        %dma_start3A_2260 = tpu.memref_slice %arg6[%select_n3A_2211, %dma_start3A_2258, %dma_start3A_2259] : memref<8x8x1024xf32, #tpu.memory_space<vmem>> -> memref<1x8x128xf32, #tpu.memory_space<vmem>>
        %dma_start3A_2261 = tpu.memref_squeeze %dma_start3A_2260 : memref<1x8x128xf32, #tpu.memory_space<vmem>> -> memref<8x128xf32, #tpu.memory_space<vmem>>
        %dma_start3A_2262 = tpu.memref_slice %arg2[%mul3A_0, %multiple_of3A_2252] : memref<16x1000000xf32, #tpu.memory_space<hbm>> -> memref<8x128xf32, #tpu.memory_space<hbm>>
        tpu.enqueue_dma source(%dma_start3A_2262 : memref<8x128xf32, #tpu.memory_space<hbm>>) target(%dma_start3A_2261 : memref<8x128xf32, #tpu.memory_space<vmem>>) target_semaphore(%arg15 : memref<!tpu.dma_semaphore, #tpu.memory_space<semaphore_mem>>)
        %slice3A_2263 = vector.extract_strided_slice %mul3A_2223 {offsets = [3], sizes = [1], strides = [1]} : vector<16xi32> to vector<1xi32>
        %squeeze3A_2264 = vector.extract %slice3A_2263[0] : i32 from vector<1xi32>
        %multiple_of3A_2265 = tpu.assume_multiple %squeeze3A_2264, 128 : i32
        %dma_start3A_2266 = arith.constant 0 : i32
        %dma_start3A_2267 = arith.constant 384 : i32
        %dma_start3A_2268 = tpu.memref_slice %arg6[%select_n3A_2211, %dma_start3A_2266, %dma_start3A_2267] : memref<8x8x1024xf32, #tpu.memory_space<vmem>> -> memref<1x8x128xf32, #tpu.memory_space<vmem>>
        %dma_start3A_2269 = tpu.memref_squeeze %dma_start3A_2268 : memref<1x8x128xf32, #tpu.memory_space<vmem>> -> memref<8x128xf32, #tpu.memory_space<vmem>>
        %dma_start3A_2270 = tpu.memref_slice %arg2[%mul3A_0, %multiple_of3A_2265] : memref<16x1000000xf32, #tpu.memory_space<hbm>> -> memref<8x128xf32, #tpu.memory_space<hbm>>
        %dma_start3A_2271 = arith.constant 0 : i32
        %dma_start3A_2272 = arith.constant 384 : i32
        %dma_start3A_2273 = tpu.memref_slice %arg6[%select_n3A_2211, %dma_start3A_2271, %dma_start3A_2272] : memref<8x8x1024xf32, #tpu.memory_space<vmem>> -> memref<1x8x128xf32, #tpu.memory_space<vmem>>
        %dma_start3A_2274 = tpu.memref_squeeze %dma_start3A_2273 : memref<1x8x128xf32, #tpu.memory_space<vmem>> -> memref<8x128xf32, #tpu.memory_space<vmem>>
        %dma_start3A_2275 = tpu.memref_slice %arg2[%mul3A_0, %multiple_of3A_2265] : memref<16x1000000xf32, #tpu.memory_space<hbm>> -> memref<8x128xf32, #tpu.memory_space<hbm>>
        tpu.enqueue_dma source(%dma_start3A_2275 : memref<8x128xf32, #tpu.memory_space<hbm>>) target(%dma_start3A_2274 : memref<8x128xf32, #tpu.memory_space<vmem>>) target_semaphore(%arg15 : memref<!tpu.dma_semaphore, #tpu.memory_space<semaphore_mem>>)
        %slice3A_2276 = vector.extract_strided_slice %mul3A_2223 {offsets = [4], sizes = [1], strides = [1]} : vector<16xi32> to vector<1xi32>
        %squeeze3A_2277 = vector.extract %slice3A_2276[0] : i32 from vector<1xi32>
        %multiple_of3A_2278 = tpu.assume_multiple %squeeze3A_2277, 128 : i32
        %dma_start3A_2279 = arith.constant 0 : i32
        %dma_start3A_2280 = arith.constant 512 : i32
        %dma_start3A_2281 = tpu.memref_slice %arg6[%select_n3A_2211, %dma_start3A_2279, %dma_start3A_2280] : memref<8x8x1024xf32, #tpu.memory_space<vmem>> -> memref<1x8x128xf32, #tpu.memory_space<vmem>>
        %dma_start3A_2282 = tpu.memref_squeeze %dma_start3A_2281 : memref<1x8x128xf32, #tpu.memory_space<vmem>> -> memref<8x128xf32, #tpu.memory_space<vmem>>
        %dma_start3A_2283 = tpu.memref_slice %arg2[%mul3A_0, %multiple_of3A_2278] : memref<16x1000000xf32, #tpu.memory_space<hbm>> -> memref<8x128xf32, #tpu.memory_space<hbm>>
        %dma_start3A_2284 = arith.constant 0 : i32
        %dma_start3A_2285 = arith.constant 512 : i32
        %dma_start3A_2286 = tpu.memref_slice %arg6[%select_n3A_2211, %dma_start3A_2284, %dma_start3A_2285] : memref<8x8x1024xf32, #tpu.memory_space<vmem>> -> memref<1x8x128xf32, #tpu.memory_space<vmem>>
        %dma_start3A_2287 = tpu.memref_squeeze %dma_start3A_2286 : memref<1x8x128xf32, #tpu.memory_space<vmem>> -> memref<8x128xf32, #tpu.memory_space<vmem>>
        %dma_start3A_2288 = tpu.memref_slice %arg2[%mul3A_0, %multiple_of3A_2278] : memref<16x1000000xf32, #tpu.memory_space<hbm>> -> memref<8x128xf32, #tpu.memory_space<hbm>>
        tpu.enqueue_dma source(%dma_start3A_2288 : memref<8x128xf32, #tpu.memory_space<hbm>>) target(%dma_start3A_2287 : memref<8x128xf32, #tpu.memory_space<vmem>>) target_semaphore(%arg15 : memref<!tpu.dma_semaphore, #tpu.memory_space<semaphore_mem>>)
        %slice3A_2289 = vector.extract_strided_slice %mul3A_2223 {offsets = [5], sizes = [1], strides = [1]} : vector<16xi32> to vector<1xi32>
        %squeeze3A_2290 = vector.extract %slice3A_2289[0] : i32 from vector<1xi32>
        %multiple_of3A_2291 = tpu.assume_multiple %squeeze3A_2290, 128 : i32
        %dma_start3A_2292 = arith.constant 0 : i32
        %dma_start3A_2293 = arith.constant 640 : i32
        %dma_start3A_2294 = tpu.memref_slice %arg6[%select_n3A_2211, %dma_start3A_2292, %dma_start3A_2293] : memref<8x8x1024xf32, #tpu.memory_space<vmem>> -> memref<1x8x128xf32, #tpu.memory_space<vmem>>
        %dma_start3A_2295 = tpu.memref_squeeze %dma_start3A_2294 : memref<1x8x128xf32, #tpu.memory_space<vmem>> -> memref<8x128xf32, #tpu.memory_space<vmem>>
        %dma_start3A_2296 = tpu.memref_slice %arg2[%mul3A_0, %multiple_of3A_2291] : memref<16x1000000xf32, #tpu.memory_space<hbm>> -> memref<8x128xf32, #tpu.memory_space<hbm>>
        %dma_start3A_2297 = arith.constant 0 : i32
        %dma_start3A_2298 = arith.constant 640 : i32
        %dma_start3A_2299 = tpu.memref_slice %arg6[%select_n3A_2211, %dma_start3A_2297, %dma_start3A_2298] : memref<8x8x1024xf32, #tpu.memory_space<vmem>> -> memref<1x8x128xf32, #tpu.memory_space<vmem>>
        %dma_start3A_2300 = tpu.memref_squeeze %dma_start3A_2299 : memref<1x8x128xf32, #tpu.memory_space<vmem>> -> memref<8x128xf32, #tpu.memory_space<vmem>>
        %dma_start3A_2301 = tpu.memref_slice %arg2[%mul3A_0, %multiple_of3A_2291] : memref<16x1000000xf32, #tpu.memory_space<hbm>> -> memref<8x128xf32, #tpu.memory_space<hbm>>
        tpu.enqueue_dma source(%dma_start3A_2301 : memref<8x128xf32, #tpu.memory_space<hbm>>) target(%dma_start3A_2300 : memref<8x128xf32, #tpu.memory_space<vmem>>) target_semaphore(%arg15 : memref<!tpu.dma_semaphore, #tpu.memory_space<semaphore_mem>>)
        %slice3A_2302 = vector.extract_strided_slice %mul3A_2223 {offsets = [6], sizes = [1], strides = [1]} : vector<16xi32> to vector<1xi32>
        %squeeze3A_2303 = vector.extract %slice3A_2302[0] : i32 from vector<1xi32>
        %multiple_of3A_2304 = tpu.assume_multiple %squeeze3A_2303, 128 : i32
        %dma_start3A_2305 = arith.constant 0 : i32
        %dma_start3A_2306 = arith.constant 768 : i32
        %dma_start3A_2307 = tpu.memref_slice %arg6[%select_n3A_2211, %dma_start3A_2305, %dma_start3A_2306] : memref<8x8x1024xf32, #tpu.memory_space<vmem>> -> memref<1x8x128xf32, #tpu.memory_space<vmem>>
        %dma_start3A_2308 = tpu.memref_squeeze %dma_start3A_2307 : memref<1x8x128xf32, #tpu.memory_space<vmem>> -> memref<8x128xf32, #tpu.memory_space<vmem>>
        %dma_start3A_2309 = tpu.memref_slice %arg2[%mul3A_0, %multiple_of3A_2304] : memref<16x1000000xf32, #tpu.memory_space<hbm>> -> memref<8x128xf32, #tpu.memory_space<hbm>>
        %dma_start3A_2310 = arith.constant 0 : i32
        %dma_start3A_2311 = arith.constant 768 : i32
        %dma_start3A_2312 = tpu.memref_slice %arg6[%select_n3A_2211, %dma_start3A_2310, %dma_start3A_2311] : memref<8x8x1024xf32, #tpu.memory_space<vmem>> -> memref<1x8x128xf32, #tpu.memory_space<vmem>>
        %dma_start3A_2313 = tpu.memref_squeeze %dma_start3A_2312 : memref<1x8x128xf32, #tpu.memory_space<vmem>> -> memref<8x128xf32, #tpu.memory_space<vmem>>
        %dma_start3A_2314 = tpu.memref_slice %arg2[%mul3A_0, %multiple_of3A_2304] : memref<16x1000000xf32, #tpu.memory_space<hbm>> -> memref<8x128xf32, #tpu.memory_space<hbm>>
        tpu.enqueue_dma source(%dma_start3A_2314 : memref<8x128xf32, #tpu.memory_space<hbm>>) target(%dma_start3A_2313 : memref<8x128xf32, #tpu.memory_space<vmem>>) target_semaphore(%arg15 : memref<!tpu.dma_semaphore, #tpu.memory_space<semaphore_mem>>)
        %slice3A_2315 = vector.extract_strided_slice %mul3A_2223 {offsets = [7], sizes = [1], strides = [1]} : vector<16xi32> to vector<1xi32>
        %squeeze3A_2316 = vector.extract %slice3A_2315[0] : i32 from vector<1xi32>
        %multiple_of3A_2317 = tpu.assume_multiple %squeeze3A_2316, 128 : i32
        %dma_start3A_2318 = arith.constant 0 : i32
        %dma_start3A_2319 = arith.constant 896 : i32
        %dma_start3A_2320 = tpu.memref_slice %arg6[%select_n3A_2211, %dma_start3A_2318, %dma_start3A_2319] : memref<8x8x1024xf32, #tpu.memory_space<vmem>> -> memref<1x8x128xf32, #tpu.memory_space<vmem>>
        %dma_start3A_2321 = tpu.memref_squeeze %dma_start3A_2320 : memref<1x8x128xf32, #tpu.memory_space<vmem>> -> memref<8x128xf32, #tpu.memory_space<vmem>>
        %dma_start3A_2322 = tpu.memref_slice %arg2[%mul3A_0, %multiple_of3A_2317] : memref<16x1000000xf32, #tpu.memory_space<hbm>> -> memref<8x128xf32, #tpu.memory_space<hbm>>
        %dma_start3A_2323 = arith.constant 0 : i32
        %dma_start3A_2324 = arith.constant 896 : i32
        %dma_start3A_2325 = tpu.memref_slice %arg6[%select_n3A_2211, %dma_start3A_2323, %dma_start3A_2324] : memref<8x8x1024xf32, #tpu.memory_space<vmem>> -> memref<1x8x128xf32, #tpu.memory_space<vmem>>
        %dma_start3A_2326 = tpu.memref_squeeze %dma_start3A_2325 : memref<1x8x128xf32, #tpu.memory_space<vmem>> -> memref<8x128xf32, #tpu.memory_space<vmem>>
        %dma_start3A_2327 = tpu.memref_slice %arg2[%mul3A_0, %multiple_of3A_2317] : memref<16x1000000xf32, #tpu.memory_space<hbm>> -> memref<8x128xf32, #tpu.memory_space<hbm>>
        tpu.enqueue_dma source(%dma_start3A_2327 : memref<8x128xf32, #tpu.memory_space<hbm>>) target(%dma_start3A_2326 : memref<8x128xf32, #tpu.memory_space<vmem>>) target_semaphore(%arg15 : memref<!tpu.dma_semaphore, #tpu.memory_space<semaphore_mem>>)
      } else {
      }
      %scan3A_2191 = arith.constant 0 : i32
      scf.yield %scan3A_2191 : i32
    }
    %scan3A_966 = arith.constant 16 : i32
    "tpu.region"() ({
      %run_scoped3A = tpu.sem_alloc : memref<!tpu.dma_semaphore, #tpu.memory_space<semaphore_mem>>
      %dma_start3A_967 = tpu.memref_slice %arg4[%mul3A_0, %mul3A_2] : memref<16x16384xf32, #tpu.memory_space<hbm>> -> memref<8x1024xf32, #tpu.memory_space<hbm>>
      %dma_start3A_968 = tpu.memref_slice %arg4[%mul3A_0, %mul3A_2] : memref<16x16384xf32, #tpu.memory_space<hbm>> -> memref<8x1024xf32, #tpu.memory_space<hbm>>
      tpu.enqueue_dma source(%arg7 : memref<8x1024xf32, #tpu.memory_space<vmem>>) target(%dma_start3A_968 : memref<8x1024xf32, #tpu.memory_space<hbm>>) target_semaphore(%run_scoped3A : memref<!tpu.dma_semaphore, #tpu.memory_space<semaphore_mem>>)
      %dma_wait3A = tpu.memref_slice %arg4[%mul3A_0, %mul3A_2] : memref<16x16384xf32, #tpu.memory_space<hbm>> -> memref<8x1024xf32, #tpu.memory_space<hbm>>
      %dma_wait3A_969 = tpu.memref_slice %arg4[%mul3A_0, %mul3A_2] : memref<16x16384xf32, #tpu.memory_space<hbm>> -> memref<8x1024xf32, #tpu.memory_space<hbm>>
      tpu.wait_dma2 semaphore(%run_scoped3A : memref<!tpu.dma_semaphore, #tpu.memory_space<semaphore_mem>>) src(%arg7 : memref<8x1024xf32, #tpu.memory_space<vmem>>) dst(%dma_wait3A_969 : memref<8x1024xf32, #tpu.memory_space<hbm>>)
      tpu.yield
    }) : () -> ()
    return
  }
}

</mosaic_0001>

<sc_bundles>
// kernel: kernel.3.cloned.1.call-start
scs
__scs_entry_jumppad:
0x0: {  	(pc) =	sbr.rel $0x88, $3  }
0x1: {  	(tag) =	ssettag $0x0;
	lr =	simm.s32 $0x1  }
0x2: {  	[smem:$0x3F9F] =	sst lr;
	_ =	strace $0xD0000000  }
0x3: {  	_ = 	snop  }
0x4: {  	_ = 	snop  }
0x5: {  	_ = 	snop  }
0x6: {  	_ = 	snop  }
0x7: {  	_ = 	snop  }
__scs_overlays_trampoline_lowered:
0x8: {  	[smem:$0x3FAE] =	sst s0  }
0x9: {  	[smem:$0x3FAF] =	sst s1  }
0xa: {  	[smem:$0x3FB0] =	sst s2  }
0xb: {  	[smem:$0x3FB1] =	sst s3  }
0xc: {  	[smem:$0x3FB2] =	sst s4  }
0xd: {  	[smem:$0x3FB3] =	sst s5  }
0xe: {  	[smem:$0x3FB4] =	sst s6  }
0xf: {  	[smem:$0x3FB5] =	sst s7  }
0x10: {  	[smem:$0x3FB6] =	sst s8  }
0x11: {  	[smem:$0x3FB7] =	sst s9;
	s0 =	simm.s32 @!p0 $0x0  }
0x12: {  	s1 =	sld [smem:$0x3F9D];
	s0 =	simm.s32 @p0 $0x1  }
0x13: {  	[smem:$0x3FB8] =	sst s0;
	s0 =	simm.s32 @!p1 $0x0  }
0x14: {  	s2 =	sld [smem:$0x3F9C];
	s0 =	simm.s32 @p1 $0x1  }
0x15: {  	[smem:$0x3FB9] =	sst s0;
	s0 =	simm.s32 @!p2 $0x0  }
0x16: {  	s3 =	sld [smem:$0x3FDB];
	s0 =	simm.s32 @p2 $0x1  }
0x17: {  	s4 =	simm.s32 $0x1BF5;
	[smem:$0x3FBB] =	sst s0  }
0x18: {  	s0 =	sld [smem:$0x3F9E];
	_ =	swait.ge [sflag:s4], $0x0  }
0x19: {  	s7 =	sld [smem:$0x3F9F]  }
0x1a: {  	s8 =	sadd.s32 $0xFFFFE003, lr  }
0x1b: {  	s9 =	sadd.s32 $0xFFFFFEF7, lr;
	s5 =	simm.s32 $0xFFFFFFFF;
	p2 =	slt.u32 s8, $0xFFFFF086  }
0x1c: {  	p1 =	slt.u32 s9, $0xF7A;
	s5 =	simm.s32 @!p2 $0x0  }
0x1d: {  	s5 =	simm.s32 @p1 $0x1;
	p0 =	seq.s32 s7, s2  }
0x1e: {  	s7 =	smul.u32 @!p0 $0xF7A, s2;
	p2 =	seq.s32 @!p0 s5, $0x0  }
0x1f: {  	s9 =	smul.u32 $0xF7A, s1;
	s8 =	simm.s32 @!p0 $0x1BF5;
	p2 =	por !p2, p0  }
0x20: {  	[sflag:s8] =	ssyncset.s32 @!p0 $0xFFFFF086;
	s6 =	sadd.s32 @!p0 s3, s7;
	s7 =	simm.s32 @!p0 $0x108  }
0x21: {  	s3 =	sadd.s32 s3, s9;
	s6 =	sadd.s32 @!p0 $0x88, s6;
	s7 =	simm.s32 @p2 $0x1082  }
0x22: {  	[simem:s7], [sflag:s8] =	dma.local @!p0 [hbm:s6], $0xF7A  }
0x23: {  	s9 =	sor.u32 $0xD0000000, s2;
	s6 =	simm.s32 $0x108;
	_ =	swait.ge @!p0 [sflag:s8], $0x0  }
0x24: {  	s3 =	sadd.s32 $0x88, s3;
	s6 =	simm.s32 @!p1 $0x1082;
	[sflag:s4] =	ssyncset.s32 $0xFFFFF086  }
0x25: {  	[simem:s6], [sflag:s4] =	dma.local [hbm:s3], $0xF7A  }
0x26: {  	[smem:$0x3F9F] =	sst s1;
	(tag) =	ssettag s2;
	_ =	strace s9  }
0x27: {  	s1 =	sld [smem:$0x3FAF]  }
0x28: {  	s2 =	sld [smem:$0x3FB0]  }
0x29: {  	s4 =	sld [smem:$0x3FB2]  }
0x2a: {  	p0 =	seq.s32 s5, $0x0;
	s5 =	sld [smem:$0x3FB3]  }
0x2b: {  	s6 =	sld [smem:$0x3FB4]  }
0x2c: {  	s7 =	sld [smem:$0x3FB5]  }
0x2d: {  	s3 =	simm.s32 $0x108;
	s8 =	sld [smem:$0x3FB6]  }
0x2e: {  	s3 =	simm.s32 @!p0 $0x1082;
	s9 =	sld [smem:$0x3FB7]  }
0x2f: {  	lr =	sadd.s32 s0, s3;
	s0 =	sld [smem:$0x3FAE]  }
0x30: {  	s3 =	sld [smem:$0x3FB1]  }
0x31: {  	[smem:$0x3FBA] =	sst s10  }
0x32: {  	s10 =	sld [smem:$0x3FB8];
	_ =	sdelay $0x3  }
0x33: {  	p0 =	seq.s32 s10, $0x1;
	s10 =	sld [smem:$0x3FBA];
	_ =	sdelay $0x3  }
0x34: {  	[smem:$0x3FBA] =	sst s10  }
0x35: {  	s10 =	sld [smem:$0x3FB9];
	_ =	sdelay $0x3  }
0x36: {  	p1 =	seq.s32 s10, $0x1;
	s10 =	sld [smem:$0x3FBA];
	_ =	sdelay $0x3  }
0x37: {  	[smem:$0x3FBA] =	sst s10  }
0x38: {  	s10 =	sld [smem:$0x3FBB]  }
0x39: {  	_ = 	snop;
	(pc) =	sbr.ind lr, $3  }
0x3a: {  	_ = 	snop  }
0x3b: {  	_ = 	snop  }
0x3c: {  	p2 =	seq.s32 s10, $0x1;
	s10 =	sld [smem:$0x3FBA]  }
0x3d: {  	_ =	shalt  }
0x3e: {  	_ =	shalt  }
0x3f: {  	_ =	shalt  }
0x40: {  	_ =	shalt  }
0x41: {  	_ =	shalt  }
0x42: {  	_ =	shalt  }
0x43: {  	_ =	shalt  }
0x44: {  	_ =	shalt  }
0x45: {  	_ =	shalt  }
0x46: {  	_ =	shalt  }
0x47: {  	_ =	shalt  }
0x48: {  	_ =	shalt  }
0x49: {  	_ =	shalt  }
0x4a: {  	_ =	shalt  }
0x4b: {  	_ =	shalt  }
0x4c: {  	_ =	shalt  }
0x4d: {  	_ =	shalt  }
0x4e: {  	_ =	shalt  }
0x4f: {  	_ =	shalt  }
0x50: {  	_ =	shalt  }
0x51: {  	_ =	shalt  }
0x52: {  	_ =	shalt  }
0x53: {  	_ =	shalt  }
0x54: {  	_ =	shalt  }
0x55: {  	_ =	shalt  }
0x56: {  	_ =	shalt  }
0x57: {  	_ =	shalt  }
0x58: {  	_ =	shalt  }
0x59: {  	_ =	shalt  }
0x5a: {  	_ =	shalt  }
0x5b: {  	_ =	shalt  }
0x5c: {  	_ =	shalt  }
0x5d: {  	_ =	shalt  }
0x5e: {  	_ =	shalt  }
0x5f: {  	_ =	shalt  }
0x60: {  	_ =	shalt  }
0x61: {  	_ =	shalt  }
0x62: {  	_ =	shalt  }
0x63: {  	_ =	shalt  }
0x64: {  	_ =	shalt  }
0x65: {  	_ =	shalt  }
0x66: {  	_ =	shalt  }
0x67: {  	_ =	shalt  }
0x68: {  	_ =	shalt  }
0x69: {  	_ =	shalt  }
0x6a: {  	_ =	shalt  }
0x6b: {  	_ =	shalt  }
0x6c: {  	_ =	shalt  }
0x6d: {  	_ =	shalt  }
0x6e: {  	_ =	shalt  }
0x6f: {  	_ =	shalt  }
0x70: {  	_ =	shalt  }
0x71: {  	_ =	shalt  }
0x72: {  	_ =	shalt  }
0x73: {  	_ =	shalt  }
0x74: {  	_ =	shalt  }
0x75: {  	_ =	shalt  }
0x76: {  	_ =	shalt  }
0x77: {  	_ =	shalt  }
0x78: {  	_ =	shalt  }
0x79: {  	_ =	shalt  }
0x7a: {  	_ =	shalt  }
0x7b: {  	_ =	shalt  }
0x7c: {  	_ =	shalt  }
0x7d: {  	_ =	shalt  }
0x7e: {  	_ =	shalt  }
0x7f: {  	_ =	shalt  }
0x80: {  	_ =	shalt  }
0x81: {  	_ =	shalt  }
0x82: {  	_ =	shalt  }
0x83: {  	_ =	shalt  }
0x84: {  	_ =	shalt  }
0x85: {  	_ =	shalt  }
0x86: {  	_ =	shalt  }
0x87: {  	_ =	shalt  }
.Lfunc_end0:
.L_simem_size_0:
called_computation_lowered:
.L_overlay_start_0:
0x88: {  	s2 =	sld [smem:$0x3FD9]  }
0x89: {  	s3 =	sld [smem:$0x3FFE];
	_ =	sdelay $0x1  }
0x8a: {  	s1 =	srdreg.scid  }
0x8b: {  	s0 =	sand.u32 $0x1, s1  }
0x8c: {  	s18 =	sshll.u32 s0, $0xA;
	s2 =	sadd.s32 s3, s2  }
0x8d: {  	s2 =	sadd.s32 s2, s18  }
0x8e: {  	[smem:$0x3FC6] =	sst s2  }
0x8f: {  	_ = 	snop  }
0x90: {  	s2 =	sld [smem:$0x3FC9]  }
0x91: {  	s19 =	sld [smem:$0x3FC8]  }
0x92: {  	s4 =	sld [smem:$0x3FD0];
	(tm) =	ssettm $0x1  }
0x93: {  	s5 =	sld [smem:$0x3FFB];
	_ =	sdelay $0x3  }
0x94: {  	_ =	strace s5  }
0x95: {  	s5 =	sld [smem:$0x3FFC];
	_ =	sdelay $0x3  }
0x96: {  	_ =	strace s5  }
0x97: {  	s5 =	sld [smem:$0x3FFD];
	_ =	sdelay $0x3  }
0x98: {  	_ =	strace s5  }
0x99: {  	_ =	strace $0x8FFFFFFF  }
0x9a: {  	s20 =	sld [smem:$0x3FDB];
	_ =	sdelay $0x1  }
0x9b: {  	s6 =	simm.s32 $_scs_section_size  }
0x9c: {  	s7 =	simm.s32 $_size__tile_overlayer_lowered;
	s8 =	simm.s32 $_tile_overlayer_lowered  }
0x9d: {  	s23 =	simm.s32 $0x1BFF;
	s22 =	sshll.u32 s8, $0x1;
	s5 =	sadd.s32 s6, s20  }
0x9e: {  	s9 =	simm.s32 $0x0;
	s21 =	sshll.u32 s7, $0x1;
	s7 =	sadd.s32 s22, s5  }
0x9f: {  	[timem:s9], [sflag:s23] =	dma.local [hbm:s7], s21  }
0xa0: {  	_ =	swait.ge [sflag:s23], s21  }
0xa1: {  	s6 =	ssub.s32 $0x0, s21;
	[sflag:s23] =	ssyncset.done $0x0  }
0xa2: {  	[sflag:s23] =	ssyncadd.s32 s6;
	_ =	sdelay $0x1  }
0xa3: {  	s24 =	simm.s32 $0x1B8B  }
0xa4: {  	_ =	swait.ge [sflag:s24], $0x1  }
0xa5: {  	[sflag:s24] =	ssyncset.done $0x0  }
0xa6: {  	s25 =	simm.s32 $0x1B8E;
	[sflag:s24] =	ssyncadd.s32 $0xFFFFFFFF  }
0xa7: {  	s26 =	simm.s32 $execute0_lowered;
	[smem:$0x3FD2] =	sst s25  }
0xa8: {  	s6 =	sshll.u32 s26, $0x1;
	_ =	strace $0x80000046;
	[dreg:$0x1] =	wrdreg $0xFFFFFFFF  }
0xa9: {  	s28 =	simm.s32 $_size_execute0_lowered;
	s5 =	sadd.s32 s5, s6;
	[dreg:$0x0] =	wrdreg $0x0  }
0xaa: {  	s6 =	sshll.u32 s28, $0x1;
	[dreg:$0x2] =	wrdreg s5  }
0xab: {  	[dreg:$0x3] =	wrdreg s6  }
0xac: {  	[dreg:$0x4] =	wrdreg $0xC0  }
0xad: {  	_ =	task [dreg:s9], $0x5FFFF  }
0xae: {  	[dreg:$0x1] =	wrdreg $0xFFFFFFFF  }
0xaf: {  	[dreg:$0x0] =	wrdreg $0x60  }
0xb0: {  	[dreg:$0x2] =	wrdreg s19  }
0xb1: {  	[dreg:$0x3] =	wrdreg s2  }
0xb2: {  	[dreg:$0x4] =	wrdreg s4  }
0xb3: {  	[dreg:$0x5] =	wrdreg $0x9  }
0xb4: {  	_ =	task.clear_ibuf [dreg:s9], $0x6FFFF;
	_ =	strace $0x90000046  }
0xb5: {  	s29 =	simm.s32 $0x9;
	_ =	strace $0x80000048  }
0xb6: {  	_ =	swait.ge [sflag:s29], $0x1  }
0xb7: {  	[sflag:s29] =	ssyncadd.s32 $0xFFFFFFFF  }
0xb8: {  	_ =	strace $0x90000048  }
0xb9: {  	_ =	sfence  }
0xba: {  	s30 =	sld [smem:$0x0];
	_ =	sdelay $0x2  }
0xbb: {  	s31 =	sshll.u32 s1, $0xD;
	s1 =	sshrl.u32 s1, $0x2  }
0xbc: {  	s3 =	sand.u32 $0x4000, s31;
	s1 =	sadd.s32 s1, s30  }
0xbd: {  	s0 =	sor.u32 s3, s0;
	s1 =	sshll.u32 s1, $0x11  }
0xbe: {  	s0 =	sor.u32 s1, s0  }
0xbf: {  	s0 =	sadd.s32 $0x8F2B, s0  }
0xc0: {  	[sflag:s0] =	ssyncadd.remote.s32 $0x1  }
0xc1: {  	_ =	sfence.sel $0xFFFF  }
0xc2: {  	[dreg:$0x0] =	wrdreg $0xFFFFFFFF;
	(pc) =	sbr.abs _section_cstart, $3  }
0xc3: {  	[dreg:$0x1] =	wrdreg $0xFFFFFFFF  }
0xc4: {  	_ =	task.clear_ibuf [dreg:s9], $0x2FFFF;
	_ =	strace $0x9FFFFFFF  }
0xc5: {  	(tm) =	ssettm $0x7FFFFFFF  }
tec
execute0_lowered:
.L_overlay_start_1:
0x0: {  	(tag) =	ssettag $0x1  }
0x1: {  	s0 =	rddreg [dreg:$0x0]  }
0x2: {  	s2 =	rddreg [dreg:$0x1]  }
0x3: {  	s1 =	srdreg.scid;
	s4 =	rddreg [dreg:$0x2]  }
0x4: {  	s8 =	stileid.u32;
	s15 =	simm.s32 $0xE080;
	s16 =	simm.s32 $0xE480  }
0x5: {  	s17 =	simm.s32 $0xE880;
	s18 =	simm.s32 $0xEC80;
	s19 =	simm.s32 $0xF080  }
0x6: {  	s20 =	simm.s32 $0xF480;
	s21 =	simm.s32 $0xF880;
	s22 =	simm.s32 $0xFC80  }
0x7: {  	s28 =	simm.s32 $0x3;
	s29 =	simm.s32 $0x4;
	s30 =	simm.s32 $0x5  }
0x8: {  	s31 =	simm.s32 $0x6;
	s9 =	simm.s32 $0x0;
	s5 =	sand.u32 $0x1, s1  }
0x9: {  	s1 =	simm.s32 $0x0;
	s7 =	sshll.u32 s8, $0xA;
	s23 =	sshll.u32 s8, $0x7  }
0xa: {  	v0 =	vlaneseq.u32;
	s8 =	simm.s32 $0x480;
	s3 =	ssub.s32 $0x2, s5;
	[smem:$0x7FF] =	sst s1  }
0xb: {  	v0 =	vand.u32 $0x7, v0;
	s24 =	smul.u32 $0xF4280, s5;
	s25 =	sshll.u32 s5, $0xE;
	s26 =	sadd.s32 s4, s7  }
.Ltmp0:
0xc: {  	s7 =	simm.s32 $0x9;
	v0 =	vmul.u32 $0x80, v0;
	s6 =	sshrl.u32 s3, $0x1;
	(pc) =	sbr.rel .LBB2_1-.Ltmp0, $4  }
0xd: {  	_ =	strace $0x80000047;
	s5 =	sadd.s32 s25, s26;
	s25 =	simm.s32 $0x10480  }
0xe: {  	vm0 =	vmmov $0xff;
	s26 =	simm.s32 $0x2;
	s6 =	ssub.s32 s3, s6;
	s3 =	sadd.s32 s2, s23;
	v1 =	vor.u32 $0x2000, v0  }
0xf: {  	s4 =	sadd.s32 s0, s24;
	s23 =	simm.s32 $0x10080;
	s24 =	simm.s32 $0x1;
	v2 =	vor.u32 $0x4000, v0;
	v3 =	vor.u32 $0x6000, v0;
	v4 =	vor.u32 $0x8000, v0  }
0x10: {  	v5 =	vor.u32 $0xA000, v0;
	v6 =	vor.u32 $0xC000, v0;
	v7 =	vor.u32 $0xE000, v0;
	s0 =	simm.s32 $0x7;
	s2 =	simm.s32 $0x8;
	s6 =	smax.u32 s6, $0x1  }
.LBB2_4:
0x11: {  	s9 =	sadd.s32 $0x1, s9  }
0x12: {  	p0 =	sne.s32 s9, s6  }
.Ltmp1:
0x13: {  	_ = 	snop;
	(pc) =	sbr.rel @!p0 .LBB2_5-.Ltmp1, $4  }
0x14: {  	[hbm4b:s5+s1] =	stream.linear.scatter [tilespmem:s25], [sflag:$0x9], $0x2000, $0x38;
	[tilespmem:$0x12480] =	vst v63  }
0x15: {  	_ =	swait.ge [sflag:s7], $0x2000  }
0x16: {  	[sflag:s7] =	ssyncset.done $0x0  }
0x17: {  	[sflag:s7] =	ssyncadd.s32 $0xFFFFE000  }
.LBB2_1:
0x18: {  	[tilespmem:s1], [sflag:$0x9] =	stream.linear.gather [hbm4b:s3+s1], $0x400, $0x38;
	[tilespmem:$0x12480] =	vst v63  }
0x19: {  	_ =	swait.ge [sflag:s7], $0x400  }
0x1a: {  	[sflag:s7] =	ssyncset.done $0x0  }
0x1b: {  	[sflag:s7] =	ssyncadd.s32 $0xFFFFFC00  }
0x1c: {  	v8 =	vld [tilespmem:$0x0];
	_ =	sdelay $0x4  }
0x1d: {  	v8 =	vand.u32 $0xFFFFFF80, v8  }
0x1e: {  	v8 =	vadd.s32 s4, v8  }
0x1f: {  	(v2sf) =	vpush v8, $0x0;
	_ =	sdelay $0x1  }
0x20: {  	(v2sf) =	vpush v8, $0x1;
	_ =	sdelay $0x1  }
0x21: {  	(v2sf) =	vpush v8, $0x2;
	_ =	sdelay $0x1  }
0x22: {  	(v2sf) =	vpush v8, $0x3;
	_ =	sdelay $0x1  }
0x23: {  	(v2sf) =	vpush v8, $0x4;
	_ =	sdelay $0x1  }
0x24: {  	(v2sf) =	vpush v8, $0x5;
	_ =	sdelay $0x1  }
0x25: {  	(v2sf) =	vpush v8, $0x6;
	_ =	sdelay $0x1  }
0x26: {  	(v2sf) =	vpush v8, $0x7  }
0x27: {  	s10 =	spop (v2sf)  }
0x28: {  	[tilespmem:s8], [sflag:$0x1] =	stream.linear.gather [hbm4b:s10+s1], $0x400, $0x38;
	[tilespmem:$0x12480] =	vst v63  }
0x29: {  	s11 =	simm.s32 $0x880;
	s14 =	spop (v2sf)  }
0x2a: {  	[tilespmem:s11], [sflag:$0x1] =	stream.linear.gather [hbm4b:s14+s1], $0x400, $0x38;
	[tilespmem:$0x12480] =	vst v63  }
0x2b: {  	s12 =	simm.s32 $0xC80;
	s11 =	spop (v2sf)  }
0x2c: {  	[tilespmem:s12], [sflag:$0x1] =	stream.linear.gather [hbm4b:s11+s1], $0x400, $0x38;
	[tilespmem:$0x12480] =	vst v63  }
0x2d: {  	s14 =	simm.s32 $0x1080;
	s13 =	spop (v2sf)  }
0x2e: {  	[tilespmem:s14], [sflag:$0x1] =	stream.linear.gather [hbm4b:s13+s1], $0x400, $0x38;
	[tilespmem:$0x12480] =	vst v63  }
0x2f: {  	s11 =	spop (v2sf);
	s12 =	simm.s32 $0x1480  }
0x30: {  	[tilespmem:s12], [sflag:$0x1] =	stream.linear.gather [hbm4b:s11+s1], $0x400, $0x38;
	[tilespmem:$0x12480] =	vst v63  }
0x31: {  	s13 =	spop (v2sf);
	s14 =	simm.s32 $0x1880  }
0x32: {  	[tilespmem:s14], [sflag:$0x1] =	stream.linear.gather [hbm4b:s13+s1], $0x400, $0x38;
	[tilespmem:$0x12480] =	vst v63  }
0x33: {  	s11 =	spop (v2sf);
	s12 =	simm.s32 $0x1C80  }
0x34: {  	[tilespmem:s12], [sflag:$0x1] =	stream.linear.gather [hbm4b:s11+s1], $0x400, $0x38;
	[tilespmem:$0x12480] =	vst v63  }
0x35: {  	s13 =	spop (v2sf);
	s14 =	simm.s32 $0x2080  }
0x36: {  	[tilespmem:s14], [sflag:$0x1] =	stream.linear.gather [hbm4b:s13+s1], $0x400, $0x38;
	[tilespmem:$0x12480] =	vst v63  }
0x37: {  	v8 =	vld [tilespmem:$0x8];
	_ =	sdelay $0x4  }
0x38: {  	v8 =	vand.u32 $0xFFFFFF80, v8  }
0x39: {  	v8 =	vadd.s32 s4, v8  }
0x3a: {  	(v2sf) =	vpush v8, $0x0;
	_ =	sdelay $0x1  }
0x3b: {  	(v2sf) =	vpush v8, $0x1;
	_ =	sdelay $0x1  }
0x3c: {  	(v2sf) =	vpush v8, $0x2;
	_ =	sdelay $0x1  }
0x3d: {  	(v2sf) =	vpush v8, $0x3;
	_ =	sdelay $0x1  }
0x3e: {  	(v2sf) =	vpush v8, $0x4;
	_ =	sdelay $0x1  }
0x3f: {  	(v2sf) =	vpush v8, $0x5;
	_ =	sdelay $0x1  }
0x40: {  	(v2sf) =	vpush v8, $0x6;
	_ =	sdelay $0x1  }
0x41: {  	(v2sf) =	vpush v8, $0x7  }
0x42: {  	s12 =	simm.s32 $0x2480;
	s11 =	spop (v2sf)  }
0x43: {  	[tilespmem:s12], [sflag:$0x2] =	stream.linear.gather [hbm4b:s11+s1], $0x400, $0x38;
	[tilespmem:$0x12480] =	vst v63  }
0x44: {  	s14 =	simm.s32 $0x2880;
	s13 =	spop (v2sf)  }
0x45: {  	[tilespmem:s14], [sflag:$0x2] =	stream.linear.gather [hbm4b:s13+s1], $0x400, $0x38;
	[tilespmem:$0x12480] =	vst v63  }
0x46: {  	s12 =	simm.s32 $0x2C80;
	s11 =	spop (v2sf)  }
0x47: {  	[tilespmem:s12], [sflag:$0x2] =	stream.linear.gather [hbm4b:s11+s1], $0x400, $0x38;
	[tilespmem:$0x12480] =	vst v63  }
0x48: {  	s13 =	spop (v2sf);
	s14 =	simm.s32 $0x3080  }
0x49: {  	[tilespmem:s14], [sflag:$0x2] =	stream.linear.gather [hbm4b:s13+s1], $0x400, $0x38;
	[tilespmem:$0x12480] =	vst v63  }
0x4a: {  	s11 =	spop (v2sf);
	s12 =	simm.s32 $0x3480  }
0x4b: {  	[tilespmem:s12], [sflag:$0x2] =	stream.linear.gather [hbm4b:s11+s1], $0x400, $0x38;
	[tilespmem:$0x12480] =	vst v63  }
0x4c: {  	s13 =	spop (v2sf);
	s14 =	simm.s32 $0x3880  }
0x4d: {  	[tilespmem:s14], [sflag:$0x2] =	stream.linear.gather [hbm4b:s13+s1], $0x400, $0x38;
	[tilespmem:$0x12480] =	vst v63  }
0x4e: {  	s11 =	spop (v2sf);
	s12 =	simm.s32 $0x3C80  }
0x4f: {  	[tilespmem:s12], [sflag:$0x2] =	stream.linear.gather [hbm4b:s11+s1], $0x400, $0x38;
	[tilespmem:$0x12480] =	vst v63  }
0x50: {  	s13 =	spop (v2sf);
	s14 =	simm.s32 $0x4080  }
0x51: {  	[tilespmem:s14], [sflag:$0x2] =	stream.linear.gather [hbm4b:s13+s1], $0x400, $0x38;
	[tilespmem:$0x12480] =	vst v63  }
0x52: {  	v8 =	vld [tilespmem:$0x10];
	_ =	sdelay $0x4  }
0x53: {  	v8 =	vand.u32 $0xFFFFFF80, v8  }
0x54: {  	v8 =	vadd.s32 s4, v8  }
0x55: {  	(v2sf) =	vpush v8, $0x0;
	_ =	sdelay $0x1  }
0x56: {  	(v2sf) =	vpush v8, $0x1;
	_ =	sdelay $0x1  }
0x57: {  	(v2sf) =	vpush v8, $0x2;
	_ =	sdelay $0x1  }
0x58: {  	(v2sf) =	vpush v8, $0x3;
	_ =	sdelay $0x1  }
0x59: {  	(v2sf) =	vpush v8, $0x4;
	_ =	sdelay $0x1  }
0x5a: {  	(v2sf) =	vpush v8, $0x5;
	_ =	sdelay $0x1  }
0x5b: {  	(v2sf) =	vpush v8, $0x6;
	_ =	sdelay $0x1  }
0x5c: {  	(v2sf) =	vpush v8, $0x7  }
0x5d: {  	s12 =	simm.s32 $0x4480;
	s11 =	spop (v2sf)  }
0x5e: {  	[tilespmem:s12], [sflag:$0x3] =	stream.linear.gather [hbm4b:s11+s1], $0x400, $0x38;
	[tilespmem:$0x12480] =	vst v63  }
0x5f: {  	s14 =	simm.s32 $0x4880;
	s13 =	spop (v2sf)  }
0x60: {  	[tilespmem:s14], [sflag:$0x3] =	stream.linear.gather [hbm4b:s13+s1], $0x400, $0x38;
	[tilespmem:$0x12480] =	vst v63  }
0x61: {  	s12 =	simm.s32 $0x4C80;
	s11 =	spop (v2sf)  }
0x62: {  	[tilespmem:s12], [sflag:$0x3] =	stream.linear.gather [hbm4b:s11+s1], $0x400, $0x38;
	[tilespmem:$0x12480] =	vst v63  }
0x63: {  	s13 =	spop (v2sf);
	s14 =	simm.s32 $0x5080  }
0x64: {  	[tilespmem:s14], [sflag:$0x3] =	stream.linear.gather [hbm4b:s13+s1], $0x400, $0x38;
	[tilespmem:$0x12480] =	vst v63  }
0x65: {  	s11 =	spop (v2sf);
	s12 =	simm.s32 $0x5480  }
0x66: {  	[tilespmem:s12], [sflag:$0x3] =	stream.linear.gather [hbm4b:s11+s1], $0x400, $0x38;
	[tilespmem:$0x12480] =	vst v63  }
0x67: {  	s13 =	spop (v2sf);
	s14 =	simm.s32 $0x5880  }
0x68: {  	[tilespmem:s14], [sflag:$0x3] =	stream.linear.gather [hbm4b:s13+s1], $0x400, $0x38;
	[tilespmem:$0x12480] =	vst v63  }
0x69: {  	s11 =	spop (v2sf);
	s12 =	simm.s32 $0x5C80  }
0x6a: {  	[tilespmem:s12], [sflag:$0x3] =	stream.linear.gather [hbm4b:s11+s1], $0x400, $0x38;
	[tilespmem:$0x12480] =	vst v63  }
0x6b: {  	s13 =	spop (v2sf);
	s14 =	simm.s32 $0x6080  }
0x6c: {  	[tilespmem:s14], [sflag:$0x3] =	stream.linear.gather [hbm4b:s13+s1], $0x400, $0x38;
	[tilespmem:$0x12480] =	vst v63  }
0x6d: {  	v8 =	vld [tilespmem:$0x18];
	_ =	sdelay $0x4  }
0x6e: {  	v8 =	vand.u32 $0xFFFFFF80, v8  }
0x6f: {  	v8 =	vadd.s32 s4, v8  }
0x70: {  	(v2sf) =	vpush v8, $0x0;
	_ =	sdelay $0x1  }
0x71: {  	(v2sf) =	vpush v8, $0x1;
	_ =	sdelay $0x1  }
0x72: {  	(v2sf) =	vpush v8, $0x2;
	_ =	sdelay $0x1  }
0x73: {  	(v2sf) =	vpush v8, $0x3;
	_ =	sdelay $0x1  }
0x74: {  	(v2sf) =	vpush v8, $0x4;
	_ =	sdelay $0x1  }
0x75: {  	(v2sf) =	vpush v8, $0x5;
	_ =	sdelay $0x1  }
0x76: {  	(v2sf) =	vpush v8, $0x6;
	_ =	sdelay $0x1  }
0x77: {  	(v2sf) =	vpush v8, $0x7  }
0x78: {  	s12 =	simm.s32 $0x6480;
	s11 =	spop (v2sf)  }
0x79: {  	[tilespmem:s12], [sflag:$0x4] =	stream.linear.gather [hbm4b:s11+s1], $0x400, $0x38;
	[tilespmem:$0x12480] =	vst v63  }
0x7a: {  	s14 =	simm.s32 $0x6880;
	s13 =	spop (v2sf)  }
0x7b: {  	[tilespmem:s14], [sflag:$0x4] =	stream.linear.gather [hbm4b:s13+s1], $0x400, $0x38;
	[tilespmem:$0x12480] =	vst v63  }
0x7c: {  	s12 =	simm.s32 $0x6C80;
	s11 =	spop (v2sf)  }
0x7d: {  	[tilespmem:s12], [sflag:$0x4] =	stream.linear.gather [hbm4b:s11+s1], $0x400, $0x38;
	[tilespmem:$0x12480] =	vst v63  }
0x7e: {  	s13 =	spop (v2sf);
	s14 =	simm.s32 $0x7080  }
0x7f: {  	[tilespmem:s14], [sflag:$0x4] =	stream.linear.gather [hbm4b:s13+s1], $0x400, $0x38;
	[tilespmem:$0x12480] =	vst v63  }
0x80: {  	s11 =	spop (v2sf);
	s12 =	simm.s32 $0x7480  }
0x81: {  	[tilespmem:s12], [sflag:$0x4] =	stream.linear.gather [hbm4b:s11+s1], $0x400, $0x38;
	[tilespmem:$0x12480] =	vst v63  }
0x82: {  	s13 =	spop (v2sf);
	s14 =	simm.s32 $0x7880  }
0x83: {  	[tilespmem:s14], [sflag:$0x4] =	stream.linear.gather [hbm4b:s13+s1], $0x400, $0x38;
	[tilespmem:$0x12480] =	vst v63  }
0x84: {  	s11 =	spop (v2sf);
	s12 =	simm.s32 $0x7C80  }
0x85: {  	[tilespmem:s12], [sflag:$0x4] =	stream.linear.gather [hbm4b:s11+s1], $0x400, $0x38;
	[tilespmem:$0x12480] =	vst v63  }
0x86: {  	s13 =	spop (v2sf);
	s14 =	simm.s32 $0x8080  }
0x87: {  	[tilespmem:s14], [sflag:$0x4] =	stream.linear.gather [hbm4b:s13+s1], $0x400, $0x38;
	[tilespmem:$0x12480] =	vst v63  }
0x88: {  	v8 =	vld [tilespmem:$0x20];
	_ =	sdelay $0x4  }
0x89: {  	v8 =	vand.u32 $0xFFFFFF80, v8  }
0x8a: {  	v8 =	vadd.s32 s4, v8  }
0x8b: {  	(v2sf) =	vpush v8, $0x0;
	_ =	sdelay $0x1  }
0x8c: {  	(v2sf) =	vpush v8, $0x1;
	_ =	sdelay $0x1  }
0x8d: {  	(v2sf) =	vpush v8, $0x2;
	_ =	sdelay $0x1  }
0x8e: {  	(v2sf) =	vpush v8, $0x3;
	_ =	sdelay $0x1  }
0x8f: {  	(v2sf) =	vpush v8, $0x4;
	_ =	sdelay $0x1  }
0x90: {  	(v2sf) =	vpush v8, $0x5;
	_ =	sdelay $0x1  }
0x91: {  	(v2sf) =	vpush v8, $0x6;
	_ =	sdelay $0x1  }
0x92: {  	(v2sf) =	vpush v8, $0x7  }
0x93: {  	s12 =	simm.s32 $0x8480;
	s11 =	spop (v2sf)  }
0x94: {  	[tilespmem:s12], [sflag:$0x5] =	stream.linear.gather [hbm4b:s11+s1], $0x400, $0x38;
	[tilespmem:$0x12480] =	vst v63  }
0x95: {  	s14 =	simm.s32 $0x8880;
	s13 =	spop (v2sf)  }
0x96: {  	[tilespmem:s14], [sflag:$0x5] =	stream.linear.gather [hbm4b:s13+s1], $0x400, $0x38;
	[tilespmem:$0x12480] =	vst v63  }
0x97: {  	s12 =	simm.s32 $0x8C80;
	s11 =	spop (v2sf)  }
0x98: {  	[tilespmem:s12], [sflag:$0x5] =	stream.linear.gather [hbm4b:s11+s1], $0x400, $0x38;
	[tilespmem:$0x12480] =	vst v63  }
0x99: {  	s13 =	spop (v2sf);
	s14 =	simm.s32 $0x9080  }
0x9a: {  	[tilespmem:s14], [sflag:$0x5] =	stream.linear.gather [hbm4b:s13+s1], $0x400, $0x38;
	[tilespmem:$0x12480] =	vst v63  }
0x9b: {  	s11 =	spop (v2sf);
	s12 =	simm.s32 $0x9480  }
0x9c: {  	[tilespmem:s12], [sflag:$0x5] =	stream.linear.gather [hbm4b:s11+s1], $0x400, $0x38;
	[tilespmem:$0x12480] =	vst v63  }
0x9d: {  	s13 =	spop (v2sf);
	s14 =	simm.s32 $0x9880  }
0x9e: {  	[tilespmem:s14], [sflag:$0x5] =	stream.linear.gather [hbm4b:s13+s1], $0x400, $0x38;
	[tilespmem:$0x12480] =	vst v63  }
0x9f: {  	s11 =	spop (v2sf);
	s12 =	simm.s32 $0x9C80  }
0xa0: {  	[tilespmem:s12], [sflag:$0x5] =	stream.linear.gather [hbm4b:s11+s1], $0x400, $0x38;
	[tilespmem:$0x12480] =	vst v63  }
0xa1: {  	s13 =	spop (v2sf);
	s14 =	simm.s32 $0xA080  }
0xa2: {  	[tilespmem:s14], [sflag:$0x5] =	stream.linear.gather [hbm4b:s13+s1], $0x400, $0x38;
	[tilespmem:$0x12480] =	vst v63  }
0xa3: {  	v8 =	vld [tilespmem:$0x28];
	_ =	sdelay $0x4  }
0xa4: {  	v8 =	vand.u32 $0xFFFFFF80, v8  }
0xa5: {  	v8 =	vadd.s32 s4, v8  }
0xa6: {  	(v2sf) =	vpush v8, $0x0;
	_ =	sdelay $0x1  }
0xa7: {  	(v2sf) =	vpush v8, $0x1;
	_ =	sdelay $0x1  }
0xa8: {  	(v2sf) =	vpush v8, $0x2;
	_ =	sdelay $0x1  }
0xa9: {  	(v2sf) =	vpush v8, $0x3;
	_ =	sdelay $0x1  }
0xaa: {  	(v2sf) =	vpush v8, $0x4;
	_ =	sdelay $0x1  }
0xab: {  	(v2sf) =	vpush v8, $0x5;
	_ =	sdelay $0x1  }
0xac: {  	(v2sf) =	vpush v8, $0x6;
	_ =	sdelay $0x1  }
0xad: {  	(v2sf) =	vpush v8, $0x7  }
0xae: {  	s12 =	simm.s32 $0xA480;
	s11 =	spop (v2sf)  }
0xaf: {  	[tilespmem:s12], [sflag:$0x6] =	stream.linear.gather [hbm4b:s11+s1], $0x400, $0x38;
	[tilespmem:$0x12480] =	vst v63  }
0xb0: {  	s14 =	simm.s32 $0xA880;
	s13 =	spop (v2sf)  }
0xb1: {  	[tilespmem:s14], [sflag:$0x6] =	stream.linear.gather [hbm4b:s13+s1], $0x400, $0x38;
	[tilespmem:$0x12480] =	vst v63  }
0xb2: {  	s12 =	simm.s32 $0xAC80;
	s11 =	spop (v2sf)  }
0xb3: {  	[tilespmem:s12], [sflag:$0x6] =	stream.linear.gather [hbm4b:s11+s1], $0x400, $0x38;
	[tilespmem:$0x12480] =	vst v63  }
0xb4: {  	s13 =	spop (v2sf);
	s14 =	simm.s32 $0xB080  }
0xb5: {  	[tilespmem:s14], [sflag:$0x6] =	stream.linear.gather [hbm4b:s13+s1], $0x400, $0x38;
	[tilespmem:$0x12480] =	vst v63  }
0xb6: {  	s11 =	spop (v2sf);
	s12 =	simm.s32 $0xB480  }
0xb7: {  	[tilespmem:s12], [sflag:$0x6] =	stream.linear.gather [hbm4b:s11+s1], $0x400, $0x38;
	[tilespmem:$0x12480] =	vst v63  }
0xb8: {  	s13 =	spop (v2sf);
	s14 =	simm.s32 $0xB880  }
0xb9: {  	[tilespmem:s14], [sflag:$0x6] =	stream.linear.gather [hbm4b:s13+s1], $0x400, $0x38;
	[tilespmem:$0x12480] =	vst v63  }
0xba: {  	s11 =	spop (v2sf);
	s12 =	simm.s32 $0xBC80  }
0xbb: {  	[tilespmem:s12], [sflag:$0x6] =	stream.linear.gather [hbm4b:s11+s1], $0x400, $0x38;
	[tilespmem:$0x12480] =	vst v63  }
0xbc: {  	s13 =	spop (v2sf);
	s14 =	simm.s32 $0xC080  }
0xbd: {  	[tilespmem:s14], [sflag:$0x6] =	stream.linear.gather [hbm4b:s13+s1], $0x400, $0x38;
	[tilespmem:$0x12480] =	vst v63  }
0xbe: {  	v8 =	vld [tilespmem:$0x30];
	_ =	sdelay $0x4  }
0xbf: {  	v8 =	vand.u32 $0xFFFFFF80, v8  }
0xc0: {  	v8 =	vadd.s32 s4, v8  }
0xc1: {  	(v2sf) =	vpush v8, $0x0;
	_ =	sdelay $0x1  }
0xc2: {  	(v2sf) =	vpush v8, $0x1;
	_ =	sdelay $0x1  }
0xc3: {  	(v2sf) =	vpush v8, $0x2;
	_ =	sdelay $0x1  }
0xc4: {  	(v2sf) =	vpush v8, $0x3;
	_ =	sdelay $0x1  }
0xc5: {  	(v2sf) =	vpush v8, $0x4;
	_ =	sdelay $0x1  }
0xc6: {  	(v2sf) =	vpush v8, $0x5;
	_ =	sdelay $0x1  }
0xc7: {  	(v2sf) =	vpush v8, $0x6;
	_ =	sdelay $0x1  }
0xc8: {  	(v2sf) =	vpush v8, $0x7  }
0xc9: {  	s12 =	simm.s32 $0xC480;
	s11 =	spop (v2sf)  }
0xca: {  	[tilespmem:s12], [sflag:$0x7] =	stream.linear.gather [hbm4b:s11+s1], $0x400, $0x38;
	[tilespmem:$0x12480] =	vst v63  }
0xcb: {  	s14 =	simm.s32 $0xC880;
	s13 =	spop (v2sf)  }
0xcc: {  	[tilespmem:s14], [sflag:$0x7] =	stream.linear.gather [hbm4b:s13+s1], $0x400, $0x38;
	[tilespmem:$0x12480] =	vst v63  }
0xcd: {  	s12 =	simm.s32 $0xCC80;
	s11 =	spop (v2sf)  }
0xce: {  	[tilespmem:s12], [sflag:$0x7] =	stream.linear.gather [hbm4b:s11+s1], $0x400, $0x38;
	[tilespmem:$0x12480] =	vst v63  }
0xcf: {  	s13 =	spop (v2sf);
	s14 =	simm.s32 $0xD080  }
0xd0: {  	[tilespmem:s14], [sflag:$0x7] =	stream.linear.gather [hbm4b:s13+s1], $0x400, $0x38;
	[tilespmem:$0x12480] =	vst v63  }
0xd1: {  	s11 =	spop (v2sf);
	s12 =	simm.s32 $0xD480  }
0xd2: {  	[tilespmem:s12], [sflag:$0x7] =	stream.linear.gather [hbm4b:s11+s1], $0x400, $0x38;
	[tilespmem:$0x12480] =	vst v63  }
0xd3: {  	s13 =	spop (v2sf);
	s14 =	simm.s32 $0xD880  }
0xd4: {  	[tilespmem:s14], [sflag:$0x7] =	stream.linear.gather [hbm4b:s13+s1], $0x400, $0x38;
	[tilespmem:$0x12480] =	vst v63  }
0xd5: {  	s12 =	spop (v2sf);
	s13 =	simm.s32 $0xDC80  }
0xd6: {  	[tilespmem:s13], [sflag:$0x7] =	stream.linear.gather [hbm4b:s12+s1], $0x400, $0x38;
	[tilespmem:$0x12480] =	vst v63  }
0xd7: {  	s14 =	spop (v2sf)  }
0xd8: {  	[tilespmem:s15], [sflag:$0x7] =	stream.linear.gather [hbm4b:s14+s1], $0x400, $0x38;
	[tilespmem:$0x12480] =	vst v63  }
0xd9: {  	v8 =	vld [tilespmem:$0x38];
	_ =	sdelay $0x4  }
0xda: {  	v8 =	vand.u32 $0xFFFFFF80, v8  }
0xdb: {  	v8 =	vadd.s32 s4, v8  }
0xdc: {  	(v2sf) =	vpush v8, $0x0;
	_ =	sdelay $0x1  }
0xdd: {  	(v2sf) =	vpush v8, $0x1;
	_ =	sdelay $0x1  }
0xde: {  	(v2sf) =	vpush v8, $0x2;
	_ =	sdelay $0x1  }
0xdf: {  	(v2sf) =	vpush v8, $0x3;
	_ =	sdelay $0x1  }
0xe0: {  	(v2sf) =	vpush v8, $0x4;
	_ =	sdelay $0x1  }
0xe1: {  	(v2sf) =	vpush v8, $0x5;
	_ =	sdelay $0x1  }
0xe2: {  	(v2sf) =	vpush v8, $0x6;
	_ =	sdelay $0x1  }
0xe3: {  	(v2sf) =	vpush v8, $0x7  }
0xe4: {  	s11 =	spop (v2sf)  }
0xe5: {  	[tilespmem:s16], [sflag:$0x8] =	stream.linear.gather [hbm4b:s11+s1], $0x400, $0x38;
	[tilespmem:$0x12480] =	vst v63  }
0xe6: {  	s12 =	spop (v2sf)  }
0xe7: {  	[tilespmem:s17], [sflag:$0x8] =	stream.linear.gather [hbm4b:s12+s1], $0x400, $0x38;
	[tilespmem:$0x12480] =	vst v63  }
0xe8: {  	s13 =	spop (v2sf)  }
0xe9: {  	[tilespmem:s18], [sflag:$0x8] =	stream.linear.gather [hbm4b:s13+s1], $0x400, $0x38;
	[tilespmem:$0x12480] =	vst v63  }
0xea: {  	s14 =	spop (v2sf)  }
0xeb: {  	[tilespmem:s19], [sflag:$0x8] =	stream.linear.gather [hbm4b:s14+s1], $0x400, $0x38;
	[tilespmem:$0x12480] =	vst v63  }
0xec: {  	s11 =	spop (v2sf)  }
0xed: {  	[tilespmem:s20], [sflag:$0x8] =	stream.linear.gather [hbm4b:s11+s1], $0x400, $0x38;
	[tilespmem:$0x12480] =	vst v63  }
0xee: {  	s12 =	spop (v2sf)  }
0xef: {  	[tilespmem:s21], [sflag:$0x8] =	stream.linear.gather [hbm4b:s12+s1], $0x400, $0x38;
	[tilespmem:$0x12480] =	vst v63  }
0xf0: {  	s13 =	spop (v2sf)  }
0xf1: {  	[tilespmem:s22], [sflag:$0x8] =	stream.linear.gather [hbm4b:s13+s1], $0x400, $0x38;
	[tilespmem:$0x12480] =	vst v63  }
0xf2: {  	s10 =	simm.s32 $0x3F;
	s14 =	spop (v2sf);
	s11 =	simm.s32 $0x40  }
0xf3: {  	[tilespmem:s23], [sflag:$0x8] =	stream.linear.gather [hbm4b:s14+s1], $0x400, $0x38;
	[tilespmem:$0x12480] =	vst v63  }
.LBB2_2:
0xf4: {  	_ =	swait.ge [sflag:s24], $0x2000  }
0xf5: {  	[sflag:s24] =	ssyncset.done $0x0  }
0xf6: {  	[sflag:s24] =	ssyncadd.s32 $0xFFFFE000  }
0xf7: {  	v8 =	vld [tilespmem:s11+$0xFFFFFFC0];
	_ =	sdelay $0x4  }
0xf8: {  	v8 =	vand.u32 $0x7F, v8  }
0xf9: {  	v9 =	vor.u32 $0x80, v8  }
0xfa: {  	v10 =	vbroadcast v8, $0x0;
	v9 =	vbroadcast v9, $0x1;
	_ =	sdelay $0x1  }
0xfb: {  	v9 =	vsel vm0, v10, v9  }
0xfc: {  	s12 =	sadd.s32 $0xFFFFFFC2, s10;
	v11 =	vand.u32 $0x7F, v9;
	v9 =	vshll.u32 v9, $0x3  }
0xfd: {  	v24 =	vmov s12;
	v9 =	vand.u32 $0x400, v9  }
0xfe: {  	v12 =	vor.u32 $0x180, v8;
	v13 =	vor.u32 $0x100, v8;
	v9 =	vor.u32 v9, v11  }
0xff: {  	s13 =	sadd.s32 $0xFFFFFFC1, s10;
	v25 =	vbroadcast v12, $0x3;
	v26 =	vbroadcast v13, $0x2;
	v9 =	vor.u32 v0, v9  }
0x100: {  	v29 =	vor.u32 $0x280, v8;
	v10 =	vsel vm0, s13, v24  }
0x101: {  	v14 =	vor.u32 $0x200, v8;
	v27 =	vshll.u32 v10, $0x3;
	v11 =	vsel vm0, v26, v25  }
0x102: {  	v10 =	vand.u32 $0x41, v10;
	v13 =	vand.u32 $0x7FFFFC00, v27;
	v12 =	vshll.u32 v11, $0x3  }
0x103: {  	v10 =	vor.u32 v13, v10;
	v11 =	vand.u32 $0x7F, v11;
	v12 =	vand.u32 $0xC00, v12  }
0x104: {  	v14 =	vbroadcast v14, $0x4;
	s13 =	sadd.s32 $0xFFFFFFC4, s10;
	v10 =	vor.u32 v0, v10;
	v11 =	vor.u32 v12, v11;
	v9 =	vld.idx.msk [tilespmem:v9+s8+$0x0], $0xffff  }
0x105: {  	s14 =	sadd.s32 $0xFFFFFFC3, s10;
	v28 =	vmov s13;
	v12 =	vbroadcast v29, $0x5;
	v11 =	vor.u32 v0, v11  }
0x106: {  	v33 =	vor.u32 $0x380, v8;
	v13 =	vsel vm0, s14, v28  }
0x107: {  	v8 =	vor.u32 $0x300, v8;
	v15 =	vshll.u32 v13, $0x3;
	v12 =	vsel vm0, v14, v12  }
0x108: {  	v13 =	vand.u32 $0x43, v13;
	v15 =	vand.u32 $0x7FFFFC00, v15;
	v14 =	vshll.u32 v12, $0x3  }
0x109: {  	v13 =	vor.u32 v15, v13;
	v31 =	vand.u32 $0x7F, v12;
	v32 =	vand.u32 $0x1400, v14;
	[tilespmem:v10+s25+$0x0] =	vst.idx.msk $0xffff, v9  }
0x10a: {  	v8 =	vbroadcast v8, $0x6;
	s13 =	sadd.s32 $0xFFFFFFC6, s10;
	v13 =	vor.u32 v0, v13;
	v10 =	vor.u32 v32, v31;
	v11 =	vld.idx.msk [tilespmem:v11+s8+$0x0], $0xffff  }
0x10b: {  	v30 =	vmov s13;
	s14 =	sadd.s32 $0xFFFFFFC5, s10;
	v12 =	vbroadcast v33, $0x7;
	v10 =	vor.u32 v0, v10  }
0x10c: {  	v9 =	vsel vm0, s14, v30  }
0x10d: {  	v8 =	vsel vm0, v8, v12;
	v34 =	vshll.u32 v9, $0x3  }
0x10e: {  	v36 =	vshll.u32 v8, $0x3;
	v9 =	vand.u32 $0x45, v9;
	v35 =	vand.u32 $0x7FFFFC00, v34  }
0x10f: {  	v8 =	vand.u32 $0x7F, v8;
	v37 =	vand.u32 $0x1C00, v36;
	v9 =	vor.u32 v35, v9;
	[tilespmem:v13+s25+$0x0] =	vst.idx.msk $0xffff, v11  }
0x110: {  	s13 =	sadd.s32 $0xFFFFFFC8, s10;
	v8 =	vor.u32 v37, v8;
	v9 =	vor.u32 v0, v9;
	v10 =	vld.idx.msk [tilespmem:v10+s8+$0x0], $0xffff  }
0x111: {  	v38 =	vmov s13;
	s14 =	sadd.s32 $0xFFFFFFC7, s10;
	v8 =	vor.u32 v0, v8  }
0x112: {  	v11 =	vsel vm0, s14, v38  }
0x113: {  	v39 =	vshll.u32 v11, $0x3  }
0x114: {  	v11 =	vand.u32 $0x47, v11;
	v12 =	vand.u32 $0x7FFFFC00, v39  }
0x115: {  	v40 =	vor.u32 v12, v11;
	[tilespmem:v9+s25+$0x0] =	vst.idx.msk $0xffff, v10  }
0x116: {  	v9 =	vor.u32 v0, v40;
	v8 =	vld.idx.msk [tilespmem:v8+s8+$0x0], $0xffff;
	_ =	sdelay $0x4  }
0x117: {  	p0 =	seq.s32 s10, $0x3FF;
	[tilespmem:v9+s25+$0x0] =	vst.idx.msk $0xffff, v8  }
0x118: {  	v8 =	vld @!p0 [tilespmem:s11+$0x0];
	_ =	sdelay $0x4  }
0x119: {  	v8 =	vand.u32 @!p0 $0xFFFFFF80, v8  }
0x11a: {  	v8 =	vadd.s32 @!p0 s4, v8  }
0x11b: {  	(v2sf) =	vpush @!p0 v8, $0x0;
	_ =	sdelay $0x1  }
0x11c: {  	(v2sf) =	vpush @!p0 v8, $0x1;
	_ =	sdelay $0x1  }
0x11d: {  	(v2sf) =	vpush @!p0 v8, $0x2;
	_ =	sdelay $0x1  }
0x11e: {  	(v2sf) =	vpush @!p0 v8, $0x3;
	_ =	sdelay $0x1  }
0x11f: {  	(v2sf) =	vpush @!p0 v8, $0x4;
	_ =	sdelay $0x1  }
0x120: {  	(v2sf) =	vpush @!p0 v8, $0x5;
	_ =	sdelay $0x1  }
0x121: {  	(v2sf) =	vpush @!p0 v8, $0x6;
	_ =	sdelay $0x1  }
0x122: {  	(v2sf) =	vpush @!p0 v8, $0x7  }
0x123: {  	s12 =	simm.s32 @!p0 $0x0;
	s14 =	simm.s32 @!p0 $0x480;
	s13 =	spop @!p0 (v2sf)  }
0x124: {  	[tilespmem:s14], [sflag:$0x1] =	stream.linear.gather @!p0 [hbm4b:s13+s12], $0x400, $0x38;
	[tilespmem:$0x12480] =	vst v63  }
0x125: {  	s13 =	spop @!p0 (v2sf);
	s14 =	simm.s32 @!p0 $0x880  }
0x126: {  	[tilespmem:s14], [sflag:$0x1] =	stream.linear.gather @!p0 [hbm4b:s13+s12], $0x400, $0x38;
	[tilespmem:$0x12480] =	vst v63  }
0x127: {  	s13 =	spop @!p0 (v2sf);
	s14 =	simm.s32 @!p0 $0xC80  }
0x128: {  	[tilespmem:s14], [sflag:$0x1] =	stream.linear.gather @!p0 [hbm4b:s13+s12], $0x400, $0x38;
	[tilespmem:$0x12480] =	vst v63  }
0x129: {  	s13 =	spop @!p0 (v2sf);
	s14 =	simm.s32 @!p0 $0x1080  }
0x12a: {  	[tilespmem:s14], [sflag:$0x1] =	stream.linear.gather @!p0 [hbm4b:s13+s12], $0x400, $0x38;
	[tilespmem:$0x12480] =	vst v63  }
0x12b: {  	s13 =	spop @!p0 (v2sf);
	s14 =	simm.s32 @!p0 $0x1480  }
0x12c: {  	[tilespmem:s14], [sflag:$0x1] =	stream.linear.gather @!p0 [hbm4b:s13+s12], $0x400, $0x38;
	[tilespmem:$0x12480] =	vst v63  }
0x12d: {  	s13 =	spop @!p0 (v2sf);
	s14 =	simm.s32 @!p0 $0x1880  }
0x12e: {  	[tilespmem:s14], [sflag:$0x1] =	stream.linear.gather @!p0 [hbm4b:s13+s12], $0x400, $0x38;
	[tilespmem:$0x12480] =	vst v63  }
0x12f: {  	s13 =	spop @!p0 (v2sf);
	s14 =	simm.s32 @!p0 $0x1C80  }
0x130: {  	[tilespmem:s14], [sflag:$0x1] =	stream.linear.gather @!p0 [hbm4b:s13+s12], $0x400, $0x38;
	[tilespmem:$0x12480] =	vst v63  }
0x131: {  	s13 =	spop @!p0 (v2sf);
	s14 =	simm.s32 @!p0 $0x2080  }
0x132: {  	[tilespmem:s14], [sflag:$0x1] =	stream.linear.gather @!p0 [hbm4b:s13+s12], $0x400, $0x38;
	[tilespmem:$0x12480] =	vst v63  }
0x133: {  	_ =	swait.ge [sflag:s26], $0x2000  }
0x134: {  	[sflag:s26] =	ssyncset.done $0x0  }
0x135: {  	[sflag:s26] =	ssyncadd.s32 $0xFFFFE000  }
0x136: {  	v8 =	vld [tilespmem:s11+$0xFFFFFFC8];
	_ =	sdelay $0x4  }
0x137: {  	v8 =	vand.u32 $0x7F, v8  }
0x138: {  	v41 =	vor.u32 $0x80, v8  }
0x139: {  	v42 =	vbroadcast v8, $0x0;
	v9 =	vbroadcast v41, $0x1;
	_ =	sdelay $0x1  }
0x13a: {  	s13 =	sadd.s32 $0xFFFFFFCA, s10;
	v9 =	vsel vm0, v42, v9  }
0x13b: {  	s14 =	sadd.s32 $0xFFFFFFC9, s10;
	v43 =	vmov s13;
	v44 =	vand.u32 $0x7F, v9;
	v9 =	vshll.u32 v9, $0x3  }
0x13c: {  	v10 =	vsel vm0, s14, v43;
	v9 =	vand.u32 $0x400, v9  }
0x13d: {  	v45 =	vor.u32 $0x180, v8;
	v46 =	vor.u32 $0x100, v8;
	v9 =	vor.u32 v9, v44  }
0x13e: {  	s13 =	sadd.s32 $0xFFFFFFCC, s10;
	v47 =	vbroadcast v45, $0x3;
	v48 =	vbroadcast v46, $0x2;
	v9 =	vor.u32 v1, v9  }
0x13f: {  	v50 =	vmov s13;
	v49 =	vshll.u32 v10, $0x3  }
0x140: {  	s14 =	sadd.s32 $0xFFFFFFCB, s10;
	v10 =	vand.u32 $0x49, v10;
	v13 =	vand.u32 $0x7FFFFC00, v49;
	v11 =	vsel vm0, v48, v47  }
0x141: {  	v10 =	vor.u32 v13, v10;
	v13 =	vsel vm0, s14, v50;
	v12 =	vshll.u32 v11, $0x3  }
0x142: {  	v10 =	vor.u32 v0, v10;
	v11 =	vand.u32 $0x7F, v11;
	v12 =	vand.u32 $0xC00, v12  }
0x143: {  	v51 =	vor.u32 $0x280, v8;
	v52 =	vor.u32 $0x200, v8;
	v11 =	vor.u32 v12, v11;
	v9 =	vld.idx.msk [tilespmem:v9+s8+$0x0], $0xffff  }
0x144: {  	v14 =	vbroadcast v52, $0x4;
	v12 =	vbroadcast v51, $0x5;
	v11 =	vor.u32 v1, v11  }
0x145: {  	v53 =	vshll.u32 v13, $0x3  }
0x146: {  	s14 =	sadd.s32 $0xFFFFFFCE, s10;
	v13 =	vand.u32 $0x4B, v13;
	v15 =	vand.u32 $0x7FFFFC00, v53;
	v12 =	vsel vm0, v14, v12  }
0x147: {  	v54 =	vmov s14;
	v13 =	vor.u32 v15, v13;
	v14 =	vshll.u32 v12, $0x3  }
0x148: {  	v13 =	vor.u32 v0, v13;
	v55 =	vand.u32 $0x7F, v12;
	v56 =	vand.u32 $0x1400, v14;
	[tilespmem:v10+s25+$0x0] =	vst.idx.msk $0xffff, v9  }
0x149: {  	v57 =	vor.u32 $0x380, v8;
	v8 =	vor.u32 $0x300, v8;
	v10 =	vor.u32 v56, v55;
	v11 =	vld.idx.msk [tilespmem:v11+s8+$0x0], $0xffff  }
0x14a: {  	s14 =	sadd.s32 $0xFFFFFFCD, s10;
	v8 =	vbroadcast v8, $0x6;
	v12 =	vbroadcast v57, $0x7;
	v10 =	vor.u32 v1, v10  }
0x14b: {  	v9 =	vsel vm0, s14, v54  }
0x14c: {  	v8 =	vsel vm0, v8, v12;
	v58 =	vshll.u32 v9, $0x3  }
0x14d: {  	v60 =	vshll.u32 v8, $0x3;
	v9 =	vand.u32 $0x4D, v9;
	v59 =	vand.u32 $0x7FFFFC00, v58  }
0x14e: {  	v8 =	vand.u32 $0x7F, v8;
	v61 =	vand.u32 $0x1C00, v60;
	v9 =	vor.u32 v59, v9;
	[tilespmem:v13+s25+$0x0] =	vst.idx.msk $0xffff, v11  }
0x14f: {  	s13 =	sadd.s32 $0xFFFFFFD0, s10;
	v8 =	vor.u32 v61, v8;
	v9 =	vor.u32 v0, v9;
	v10 =	vld.idx.msk [tilespmem:v10+s8+$0x0], $0xffff  }
0x150: {  	v62 =	vmov s13;
	v8 =	vor.u32 v1, v8;
	s14 =	sadd.s32 $0xFFFFFFCF, s10  }
0x151: {  	v11 =	vsel vm0, s14, v62  }
0x152: {  	v63 =	vshll.u32 v11, $0x3  }
0x153: {  	v11 =	vand.u32 $0x4F, v11;
	v12 =	vand.u32 $0x7FFFFC00, v63  }
0x154: {  	v16 =	vor.u32 v12, v11;
	[tilespmem:v9+s25+$0x0] =	vst.idx.msk $0xffff, v10  }
0x155: {  	v9 =	vor.u32 v0, v16;
	v8 =	vld.idx.msk [tilespmem:v8+s8+$0x0], $0xffff;
	_ =	sdelay $0x4  }
0x156: {  	[tilespmem:v9+s25+$0x0] =	vst.idx.msk $0xffff, v8  }
0x157: {  	v8 =	vld @!p0 [tilespmem:s11+$0x8];
	_ =	sdelay $0x4  }
0x158: {  	v8 =	vand.u32 @!p0 $0xFFFFFF80, v8  }
0x159: {  	v8 =	vadd.s32 @!p0 s4, v8  }
0x15a: {  	(v2sf) =	vpush @!p0 v8, $0x0;
	_ =	sdelay $0x1  }
0x15b: {  	(v2sf) =	vpush @!p0 v8, $0x1;
	_ =	sdelay $0x1  }
0x15c: {  	(v2sf) =	vpush @!p0 v8, $0x2;
	_ =	sdelay $0x1  }
0x15d: {  	(v2sf) =	vpush @!p0 v8, $0x3;
	_ =	sdelay $0x1  }
0x15e: {  	(v2sf) =	vpush @!p0 v8, $0x4;
	_ =	sdelay $0x1  }
0x15f: {  	(v2sf) =	vpush @!p0 v8, $0x5;
	_ =	sdelay $0x1  }
0x160: {  	(v2sf) =	vpush @!p0 v8, $0x6;
	_ =	sdelay $0x1  }
0x161: {  	(v2sf) =	vpush @!p0 v8, $0x7  }
0x162: {  	s14 =	simm.s32 @!p0 $0x2480;
	s13 =	spop @!p0 (v2sf)  }
0x163: {  	[tilespmem:s14], [sflag:$0x2] =	stream.linear.gather @!p0 [hbm4b:s13+s12], $0x400, $0x38;
	[tilespmem:$0x12480] =	vst v63  }
0x164: {  	s13 =	spop @!p0 (v2sf);
	s14 =	simm.s32 @!p0 $0x2880  }
0x165: {  	[tilespmem:s14], [sflag:$0x2] =	stream.linear.gather @!p0 [hbm4b:s13+s12], $0x400, $0x38;
	[tilespmem:$0x12480] =	vst v63  }
0x166: {  	s13 =	spop @!p0 (v2sf);
	s14 =	simm.s32 @!p0 $0x2C80  }
0x167: {  	[tilespmem:s14], [sflag:$0x2] =	stream.linear.gather @!p0 [hbm4b:s13+s12], $0x400, $0x38;
	[tilespmem:$0x12480] =	vst v63  }
0x168: {  	s13 =	spop @!p0 (v2sf);
	s14 =	simm.s32 @!p0 $0x3080  }
0x169: {  	[tilespmem:s14], [sflag:$0x2] =	stream.linear.gather @!p0 [hbm4b:s13+s12], $0x400, $0x38;
	[tilespmem:$0x12480] =	vst v63  }
0x16a: {  	s13 =	spop @!p0 (v2sf);
	s14 =	simm.s32 @!p0 $0x3480  }
0x16b: {  	[tilespmem:s14], [sflag:$0x2] =	stream.linear.gather @!p0 [hbm4b:s13+s12], $0x400, $0x38;
	[tilespmem:$0x12480] =	vst v63  }
0x16c: {  	s13 =	spop @!p0 (v2sf);
	s14 =	simm.s32 @!p0 $0x3880  }
0x16d: {  	[tilespmem:s14], [sflag:$0x2] =	stream.linear.gather @!p0 [hbm4b:s13+s12], $0x400, $0x38;
	[tilespmem:$0x12480] =	vst v63  }
0x16e: {  	s13 =	spop @!p0 (v2sf);
	s14 =	simm.s32 @!p0 $0x3C80  }
0x16f: {  	[tilespmem:s14], [sflag:$0x2] =	stream.linear.gather @!p0 [hbm4b:s13+s12], $0x400, $0x38;
	[tilespmem:$0x12480] =	vst v63  }
0x170: {  	s13 =	spop @!p0 (v2sf);
	s14 =	simm.s32 @!p0 $0x4080  }
0x171: {  	[tilespmem:s14], [sflag:$0x2] =	stream.linear.gather @!p0 [hbm4b:s13+s12], $0x400, $0x38;
	[tilespmem:$0x12480] =	vst v63  }
0x172: {  	_ =	swait.ge [sflag:s28], $0x2000  }
0x173: {  	[sflag:s28] =	ssyncset.done $0x0  }
0x174: {  	[sflag:s28] =	ssyncadd.s32 $0xFFFFE000  }
0x175: {  	v8 =	vld [tilespmem:s11+$0xFFFFFFD0];
	_ =	sdelay $0x4  }
0x176: {  	v8 =	vand.u32 $0x7F, v8  }
0x177: {  	v17 =	vor.u32 $0x80, v8  }
0x178: {  	v18 =	vbroadcast v8, $0x0;
	v9 =	vbroadcast v17, $0x1;
	_ =	sdelay $0x1  }
0x179: {  	s13 =	sadd.s32 $0xFFFFFFD2, s10;
	v9 =	vsel vm0, v18, v9  }
0x17a: {  	s14 =	sadd.s32 $0xFFFFFFD1, s10;
	v19 =	vmov s13;
	v20 =	vand.u32 $0x7F, v9;
	v9 =	vshll.u32 v9, $0x3  }
0x17b: {  	v10 =	vsel vm0, s14, v19;
	v9 =	vand.u32 $0x400, v9  }
0x17c: {  	v21 =	vor.u32 $0x180, v8;
	v22 =	vor.u32 $0x100, v8;
	v9 =	vor.u32 v9, v20  }
0x17d: {  	s13 =	sadd.s32 $0xFFFFFFD4, s10;
	v23 =	vbroadcast v21, $0x3;
	v24 =	vbroadcast v22, $0x2;
	v9 =	vor.u32 v2, v9  }
0x17e: {  	v26 =	vmov s13;
	v25 =	vshll.u32 v10, $0x3  }
0x17f: {  	s14 =	sadd.s32 $0xFFFFFFD3, s10;
	v10 =	vand.u32 $0x51, v10;
	v13 =	vand.u32 $0x7FFFFC00, v25;
	v11 =	vsel vm0, v24, v23  }
0x180: {  	v10 =	vor.u32 v13, v10;
	v13 =	vsel vm0, s14, v26;
	v12 =	vshll.u32 v11, $0x3  }
0x181: {  	v10 =	vor.u32 v0, v10;
	v11 =	vand.u32 $0x7F, v11;
	v12 =	vand.u32 $0xC00, v12  }
0x182: {  	v27 =	vor.u32 $0x280, v8;
	v28 =	vor.u32 $0x200, v8;
	v11 =	vor.u32 v12, v11;
	v9 =	vld.idx.msk [tilespmem:v9+s8+$0x0], $0xffff  }
0x183: {  	v14 =	vbroadcast v28, $0x4;
	v12 =	vbroadcast v27, $0x5;
	v11 =	vor.u32 v2, v11  }
0x184: {  	v29 =	vshll.u32 v13, $0x3  }
0x185: {  	s14 =	sadd.s32 $0xFFFFFFD6, s10;
	v13 =	vand.u32 $0x53, v13;
	v15 =	vand.u32 $0x7FFFFC00, v29;
	v12 =	vsel vm0, v14, v12  }
0x186: {  	v30 =	vmov s14;
	v13 =	vor.u32 v15, v13;
	v14 =	vshll.u32 v12, $0x3  }
0x187: {  	v13 =	vor.u32 v0, v13;
	v31 =	vand.u32 $0x7F, v12;
	v32 =	vand.u32 $0x1400, v14;
	[tilespmem:v10+s25+$0x0] =	vst.idx.msk $0xffff, v9  }
0x188: {  	v33 =	vor.u32 $0x380, v8;
	v8 =	vor.u32 $0x300, v8;
	v10 =	vor.u32 v32, v31;
	v11 =	vld.idx.msk [tilespmem:v11+s8+$0x0], $0xffff  }
0x189: {  	s14 =	sadd.s32 $0xFFFFFFD5, s10;
	v8 =	vbroadcast v8, $0x6;
	v12 =	vbroadcast v33, $0x7;
	v10 =	vor.u32 v2, v10  }
0x18a: {  	v9 =	vsel vm0, s14, v30  }
0x18b: {  	v8 =	vsel vm0, v8, v12;
	v34 =	vshll.u32 v9, $0x3  }
0x18c: {  	v36 =	vshll.u32 v8, $0x3;
	v9 =	vand.u32 $0x55, v9;
	v35 =	vand.u32 $0x7FFFFC00, v34  }
0x18d: {  	v8 =	vand.u32 $0x7F, v8;
	v37 =	vand.u32 $0x1C00, v36;
	v9 =	vor.u32 v35, v9;
	[tilespmem:v13+s25+$0x0] =	vst.idx.msk $0xffff, v11  }
0x18e: {  	s13 =	sadd.s32 $0xFFFFFFD8, s10;
	v8 =	vor.u32 v37, v8;
	v9 =	vor.u32 v0, v9;
	v10 =	vld.idx.msk [tilespmem:v10+s8+$0x0], $0xffff  }
0x18f: {  	v38 =	vmov s13;
	v8 =	vor.u32 v2, v8;
	s14 =	sadd.s32 $0xFFFFFFD7, s10  }
0x190: {  	v11 =	vsel vm0, s14, v38  }
0x191: {  	v39 =	vshll.u32 v11, $0x3  }
0x192: {  	v11 =	vand.u32 $0x57, v11;
	v12 =	vand.u32 $0x7FFFFC00, v39  }
0x193: {  	v40 =	vor.u32 v12, v11;
	[tilespmem:v9+s25+$0x0] =	vst.idx.msk $0xffff, v10  }
0x194: {  	v9 =	vor.u32 v0, v40;
	v8 =	vld.idx.msk [tilespmem:v8+s8+$0x0], $0xffff;
	_ =	sdelay $0x4  }
0x195: {  	[tilespmem:v9+s25+$0x0] =	vst.idx.msk $0xffff, v8  }
0x196: {  	v8 =	vld @!p0 [tilespmem:s11+$0x10];
	_ =	sdelay $0x4  }
0x197: {  	v8 =	vand.u32 @!p0 $0xFFFFFF80, v8  }
0x198: {  	v8 =	vadd.s32 @!p0 s4, v8  }
0x199: {  	(v2sf) =	vpush @!p0 v8, $0x0;
	_ =	sdelay $0x1  }
0x19a: {  	(v2sf) =	vpush @!p0 v8, $0x1;
	_ =	sdelay $0x1  }
0x19b: {  	(v2sf) =	vpush @!p0 v8, $0x2;
	_ =	sdelay $0x1  }
0x19c: {  	(v2sf) =	vpush @!p0 v8, $0x3;
	_ =	sdelay $0x1  }
0x19d: {  	(v2sf) =	vpush @!p0 v8, $0x4;
	_ =	sdelay $0x1  }
0x19e: {  	(v2sf) =	vpush @!p0 v8, $0x5;
	_ =	sdelay $0x1  }
0x19f: {  	(v2sf) =	vpush @!p0 v8, $0x6;
	_ =	sdelay $0x1  }
0x1a0: {  	(v2sf) =	vpush @!p0 v8, $0x7  }
0x1a1: {  	s14 =	simm.s32 @!p0 $0x4480;
	s13 =	spop @!p0 (v2sf)  }
0x1a2: {  	[tilespmem:s14], [sflag:$0x3] =	stream.linear.gather @!p0 [hbm4b:s13+s12], $0x400, $0x38;
	[tilespmem:$0x12480] =	vst v63  }
0x1a3: {  	s13 =	spop @!p0 (v2sf);
	s14 =	simm.s32 @!p0 $0x4880  }
0x1a4: {  	[tilespmem:s14], [sflag:$0x3] =	stream.linear.gather @!p0 [hbm4b:s13+s12], $0x400, $0x38;
	[tilespmem:$0x12480] =	vst v63  }
0x1a5: {  	s13 =	spop @!p0 (v2sf);
	s14 =	simm.s32 @!p0 $0x4C80  }
0x1a6: {  	[tilespmem:s14], [sflag:$0x3] =	stream.linear.gather @!p0 [hbm4b:s13+s12], $0x400, $0x38;
	[tilespmem:$0x12480] =	vst v63  }
0x1a7: {  	s13 =	spop @!p0 (v2sf);
	s14 =	simm.s32 @!p0 $0x5080  }
0x1a8: {  	[tilespmem:s14], [sflag:$0x3] =	stream.linear.gather @!p0 [hbm4b:s13+s12], $0x400, $0x38;
	[tilespmem:$0x12480] =	vst v63  }
0x1a9: {  	s13 =	spop @!p0 (v2sf);
	s14 =	simm.s32 @!p0 $0x5480  }
0x1aa: {  	[tilespmem:s14], [sflag:$0x3] =	stream.linear.gather @!p0 [hbm4b:s13+s12], $0x400, $0x38;
	[tilespmem:$0x12480] =	vst v63  }
0x1ab: {  	s13 =	spop @!p0 (v2sf);
	s14 =	simm.s32 @!p0 $0x5880  }
0x1ac: {  	[tilespmem:s14], [sflag:$0x3] =	stream.linear.gather @!p0 [hbm4b:s13+s12], $0x400, $0x38;
	[tilespmem:$0x12480] =	vst v63  }
0x1ad: {  	s13 =	spop @!p0 (v2sf);
	s14 =	simm.s32 @!p0 $0x5C80  }
0x1ae: {  	[tilespmem:s14], [sflag:$0x3] =	stream.linear.gather @!p0 [hbm4b:s13+s12], $0x400, $0x38;
	[tilespmem:$0x12480] =	vst v63  }
0x1af: {  	s13 =	spop @!p0 (v2sf);
	s14 =	simm.s32 @!p0 $0x6080  }
0x1b0: {  	[tilespmem:s14], [sflag:$0x3] =	stream.linear.gather @!p0 [hbm4b:s13+s12], $0x400, $0x38;
	[tilespmem:$0x12480] =	vst v63  }
0x1b1: {  	_ =	swait.ge [sflag:s29], $0x2000  }
0x1b2: {  	[sflag:s29] =	ssyncset.done $0x0  }
0x1b3: {  	[sflag:s29] =	ssyncadd.s32 $0xFFFFE000  }
0x1b4: {  	v8 =	vld [tilespmem:s11+$0xFFFFFFD8];
	_ =	sdelay $0x4  }
0x1b5: {  	v8 =	vand.u32 $0x7F, v8  }
0x1b6: {  	v41 =	vor.u32 $0x80, v8  }
0x1b7: {  	v42 =	vbroadcast v8, $0x0;
	v9 =	vbroadcast v41, $0x1;
	_ =	sdelay $0x1  }
0x1b8: {  	s13 =	sadd.s32 $0xFFFFFFDA, s10;
	v9 =	vsel vm0, v42, v9  }
0x1b9: {  	s14 =	sadd.s32 $0xFFFFFFD9, s10;
	v43 =	vmov s13;
	v44 =	vand.u32 $0x7F, v9;
	v9 =	vshll.u32 v9, $0x3  }
0x1ba: {  	v10 =	vsel vm0, s14, v43;
	v9 =	vand.u32 $0x400, v9  }
0x1bb: {  	v45 =	vor.u32 $0x180, v8;
	v46 =	vor.u32 $0x100, v8;
	v9 =	vor.u32 v9, v44  }
0x1bc: {  	s13 =	sadd.s32 $0xFFFFFFDC, s10;
	v47 =	vbroadcast v45, $0x3;
	v48 =	vbroadcast v46, $0x2;
	v9 =	vor.u32 v3, v9  }
0x1bd: {  	v50 =	vmov s13;
	v49 =	vshll.u32 v10, $0x3  }
0x1be: {  	s14 =	sadd.s32 $0xFFFFFFDB, s10;
	v10 =	vand.u32 $0x59, v10;
	v13 =	vand.u32 $0x7FFFFC00, v49;
	v11 =	vsel vm0, v48, v47  }
0x1bf: {  	v10 =	vor.u32 v13, v10;
	v13 =	vsel vm0, s14, v50;
	v12 =	vshll.u32 v11, $0x3  }
0x1c0: {  	v10 =	vor.u32 v0, v10;
	v11 =	vand.u32 $0x7F, v11;
	v12 =	vand.u32 $0xC00, v12  }
0x1c1: {  	v51 =	vor.u32 $0x280, v8;
	v52 =	vor.u32 $0x200, v8;
	v11 =	vor.u32 v12, v11;
	v9 =	vld.idx.msk [tilespmem:v9+s8+$0x0], $0xffff  }
0x1c2: {  	v14 =	vbroadcast v52, $0x4;
	v12 =	vbroadcast v51, $0x5;
	v11 =	vor.u32 v3, v11  }
0x1c3: {  	v53 =	vshll.u32 v13, $0x3  }
0x1c4: {  	s14 =	sadd.s32 $0xFFFFFFDE, s10;
	v13 =	vand.u32 $0x5B, v13;
	v15 =	vand.u32 $0x7FFFFC00, v53;
	v12 =	vsel vm0, v14, v12  }
0x1c5: {  	v54 =	vmov s14;
	v13 =	vor.u32 v15, v13;
	v14 =	vshll.u32 v12, $0x3  }
0x1c6: {  	v13 =	vor.u32 v0, v13;
	v55 =	vand.u32 $0x7F, v12;
	v56 =	vand.u32 $0x1400, v14;
	[tilespmem:v10+s25+$0x0] =	vst.idx.msk $0xffff, v9  }
0x1c7: {  	v57 =	vor.u32 $0x380, v8;
	v8 =	vor.u32 $0x300, v8;
	v10 =	vor.u32 v56, v55;
	v11 =	vld.idx.msk [tilespmem:v11+s8+$0x0], $0xffff  }
0x1c8: {  	s14 =	sadd.s32 $0xFFFFFFDD, s10;
	v8 =	vbroadcast v8, $0x6;
	v12 =	vbroadcast v57, $0x7;
	v10 =	vor.u32 v3, v10  }
0x1c9: {  	v9 =	vsel vm0, s14, v54  }
0x1ca: {  	v8 =	vsel vm0, v8, v12;
	v58 =	vshll.u32 v9, $0x3  }
0x1cb: {  	v60 =	vshll.u32 v8, $0x3;
	v9 =	vand.u32 $0x5D, v9;
	v59 =	vand.u32 $0x7FFFFC00, v58  }
0x1cc: {  	v8 =	vand.u32 $0x7F, v8;
	v61 =	vand.u32 $0x1C00, v60;
	v9 =	vor.u32 v59, v9;
	[tilespmem:v13+s25+$0x0] =	vst.idx.msk $0xffff, v11  }
0x1cd: {  	s13 =	sadd.s32 $0xFFFFFFE0, s10;
	v8 =	vor.u32 v61, v8;
	v9 =	vor.u32 v0, v9;
	v10 =	vld.idx.msk [tilespmem:v10+s8+$0x0], $0xffff  }
0x1ce: {  	v62 =	vmov s13;
	v8 =	vor.u32 v3, v8;
	s14 =	sadd.s32 $0xFFFFFFDF, s10  }
0x1cf: {  	v11 =	vsel vm0, s14, v62  }
0x1d0: {  	v63 =	vshll.u32 v11, $0x3  }
0x1d1: {  	v11 =	vand.u32 $0x5F, v11;
	v12 =	vand.u32 $0x7FFFFC00, v63  }
0x1d2: {  	v16 =	vor.u32 v12, v11;
	[tilespmem:v9+s25+$0x0] =	vst.idx.msk $0xffff, v10  }
0x1d3: {  	v9 =	vor.u32 v0, v16;
	v8 =	vld.idx.msk [tilespmem:v8+s8+$0x0], $0xffff;
	_ =	sdelay $0x4  }
0x1d4: {  	[tilespmem:v9+s25+$0x0] =	vst.idx.msk $0xffff, v8  }
0x1d5: {  	v8 =	vld @!p0 [tilespmem:s11+$0x18];
	_ =	sdelay $0x4  }
0x1d6: {  	v8 =	vand.u32 @!p0 $0xFFFFFF80, v8  }
0x1d7: {  	v8 =	vadd.s32 @!p0 s4, v8  }
0x1d8: {  	(v2sf) =	vpush @!p0 v8, $0x0;
	_ =	sdelay $0x1  }
0x1d9: {  	(v2sf) =	vpush @!p0 v8, $0x1;
	_ =	sdelay $0x1  }
0x1da: {  	(v2sf) =	vpush @!p0 v8, $0x2;
	_ =	sdelay $0x1  }
0x1db: {  	(v2sf) =	vpush @!p0 v8, $0x3;
	_ =	sdelay $0x1  }
0x1dc: {  	(v2sf) =	vpush @!p0 v8, $0x4;
	_ =	sdelay $0x1  }
0x1dd: {  	(v2sf) =	vpush @!p0 v8, $0x5;
	_ =	sdelay $0x1  }
0x1de: {  	(v2sf) =	vpush @!p0 v8, $0x6;
	_ =	sdelay $0x1  }
0x1df: {  	(v2sf) =	vpush @!p0 v8, $0x7  }
0x1e0: {  	s14 =	simm.s32 @!p0 $0x6480;
	s13 =	spop @!p0 (v2sf)  }
0x1e1: {  	[tilespmem:s14], [sflag:$0x4] =	stream.linear.gather @!p0 [hbm4b:s13+s12], $0x400, $0x38;
	[tilespmem:$0x12480] =	vst v63  }
0x1e2: {  	s13 =	spop @!p0 (v2sf);
	s14 =	simm.s32 @!p0 $0x6880  }
0x1e3: {  	[tilespmem:s14], [sflag:$0x4] =	stream.linear.gather @!p0 [hbm4b:s13+s12], $0x400, $0x38;
	[tilespmem:$0x12480] =	vst v63  }
0x1e4: {  	s13 =	spop @!p0 (v2sf);
	s14 =	simm.s32 @!p0 $0x6C80  }
0x1e5: {  	[tilespmem:s14], [sflag:$0x4] =	stream.linear.gather @!p0 [hbm4b:s13+s12], $0x400, $0x38;
	[tilespmem:$0x12480] =	vst v63  }
0x1e6: {  	s13 =	spop @!p0 (v2sf);
	s14 =	simm.s32 @!p0 $0x7080  }
0x1e7: {  	[tilespmem:s14], [sflag:$0x4] =	stream.linear.gather @!p0 [hbm4b:s13+s12], $0x400, $0x38;
	[tilespmem:$0x12480] =	vst v63  }
0x1e8: {  	s13 =	spop @!p0 (v2sf);
	s14 =	simm.s32 @!p0 $0x7480  }
0x1e9: {  	[tilespmem:s14], [sflag:$0x4] =	stream.linear.gather @!p0 [hbm4b:s13+s12], $0x400, $0x38;
	[tilespmem:$0x12480] =	vst v63  }
0x1ea: {  	s13 =	spop @!p0 (v2sf);
	s14 =	simm.s32 @!p0 $0x7880  }
0x1eb: {  	[tilespmem:s14], [sflag:$0x4] =	stream.linear.gather @!p0 [hbm4b:s13+s12], $0x400, $0x38;
	[tilespmem:$0x12480] =	vst v63  }
0x1ec: {  	s13 =	spop @!p0 (v2sf);
	s14 =	simm.s32 @!p0 $0x7C80  }
0x1ed: {  	[tilespmem:s14], [sflag:$0x4] =	stream.linear.gather @!p0 [hbm4b:s13+s12], $0x400, $0x38;
	[tilespmem:$0x12480] =	vst v63  }
0x1ee: {  	s13 =	spop @!p0 (v2sf);
	s14 =	simm.s32 @!p0 $0x8080  }
0x1ef: {  	[tilespmem:s14], [sflag:$0x4] =	stream.linear.gather @!p0 [hbm4b:s13+s12], $0x400, $0x38;
	[tilespmem:$0x12480] =	vst v63  }
0x1f0: {  	_ =	swait.ge [sflag:s30], $0x2000  }
0x1f1: {  	[sflag:s30] =	ssyncset.done $0x0  }
0x1f2: {  	[sflag:s30] =	ssyncadd.s32 $0xFFFFE000  }
0x1f3: {  	v8 =	vld [tilespmem:s11+$0xFFFFFFE0];
	_ =	sdelay $0x4  }
0x1f4: {  	v8 =	vand.u32 $0x7F, v8  }
0x1f5: {  	v17 =	vor.u32 $0x80, v8  }
0x1f6: {  	v18 =	vbroadcast v8, $0x0;
	v9 =	vbroadcast v17, $0x1;
	_ =	sdelay $0x1  }
0x1f7: {  	s13 =	sadd.s32 $0xFFFFFFE2, s10;
	v9 =	vsel vm0, v18, v9  }
0x1f8: {  	s14 =	sadd.s32 $0xFFFFFFE1, s10;
	v19 =	vmov s13;
	v20 =	vand.u32 $0x7F, v9;
	v9 =	vshll.u32 v9, $0x3  }
0x1f9: {  	v10 =	vsel vm0, s14, v19;
	v9 =	vand.u32 $0x400, v9  }
0x1fa: {  	v21 =	vor.u32 $0x180, v8;
	v22 =	vor.u32 $0x100, v8;
	v9 =	vor.u32 v9, v20  }
0x1fb: {  	s13 =	sadd.s32 $0xFFFFFFE4, s10;
	v23 =	vbroadcast v21, $0x3;
	v24 =	vbroadcast v22, $0x2;
	v9 =	vor.u32 v4, v9  }
0x1fc: {  	v26 =	vmov s13;
	v25 =	vshll.u32 v10, $0x3  }
0x1fd: {  	s14 =	sadd.s32 $0xFFFFFFE3, s10;
	v10 =	vand.u32 $0x61, v10;
	v13 =	vand.u32 $0x7FFFFC00, v25;
	v11 =	vsel vm0, v24, v23  }
0x1fe: {  	v10 =	vor.u32 v13, v10;
	v13 =	vsel vm0, s14, v26;
	v12 =	vshll.u32 v11, $0x3  }
0x1ff: {  	v10 =	vor.u32 v0, v10;
	v11 =	vand.u32 $0x7F, v11;
	v12 =	vand.u32 $0xC00, v12  }
0x200: {  	v27 =	vor.u32 $0x280, v8;
	v28 =	vor.u32 $0x200, v8;
	v11 =	vor.u32 v12, v11;
	v9 =	vld.idx.msk [tilespmem:v9+s8+$0x0], $0xffff  }
0x201: {  	v14 =	vbroadcast v28, $0x4;
	v12 =	vbroadcast v27, $0x5;
	v11 =	vor.u32 v4, v11  }
0x202: {  	v29 =	vshll.u32 v13, $0x3  }
0x203: {  	s14 =	sadd.s32 $0xFFFFFFE6, s10;
	v13 =	vand.u32 $0x63, v13;
	v15 =	vand.u32 $0x7FFFFC00, v29;
	v12 =	vsel vm0, v14, v12  }
0x204: {  	v30 =	vmov s14;
	v13 =	vor.u32 v15, v13;
	v14 =	vshll.u32 v12, $0x3  }
0x205: {  	v13 =	vor.u32 v0, v13;
	v31 =	vand.u32 $0x7F, v12;
	v32 =	vand.u32 $0x1400, v14;
	[tilespmem:v10+s25+$0x0] =	vst.idx.msk $0xffff, v9  }
0x206: {  	v33 =	vor.u32 $0x380, v8;
	v8 =	vor.u32 $0x300, v8;
	v10 =	vor.u32 v32, v31;
	v11 =	vld.idx.msk [tilespmem:v11+s8+$0x0], $0xffff  }
0x207: {  	s14 =	sadd.s32 $0xFFFFFFE5, s10;
	v8 =	vbroadcast v8, $0x6;
	v12 =	vbroadcast v33, $0x7;
	v10 =	vor.u32 v4, v10  }
0x208: {  	v9 =	vsel vm0, s14, v30  }
0x209: {  	v8 =	vsel vm0, v8, v12;
	v34 =	vshll.u32 v9, $0x3  }
0x20a: {  	v36 =	vshll.u32 v8, $0x3;
	v9 =	vand.u32 $0x65, v9;
	v35 =	vand.u32 $0x7FFFFC00, v34  }
0x20b: {  	v8 =	vand.u32 $0x7F, v8;
	v37 =	vand.u32 $0x1C00, v36;
	v9 =	vor.u32 v35, v9;
	[tilespmem:v13+s25+$0x0] =	vst.idx.msk $0xffff, v11  }
0x20c: {  	s13 =	sadd.s32 $0xFFFFFFE8, s10;
	v8 =	vor.u32 v37, v8;
	v9 =	vor.u32 v0, v9;
	v10 =	vld.idx.msk [tilespmem:v10+s8+$0x0], $0xffff  }
0x20d: {  	v38 =	vmov s13;
	v8 =	vor.u32 v4, v8;
	s14 =	sadd.s32 $0xFFFFFFE7, s10  }
0x20e: {  	v11 =	vsel vm0, s14, v38  }
0x20f: {  	v39 =	vshll.u32 v11, $0x3  }
0x210: {  	v11 =	vand.u32 $0x67, v11;
	v12 =	vand.u32 $0x7FFFFC00, v39  }
0x211: {  	v40 =	vor.u32 v12, v11;
	[tilespmem:v9+s25+$0x0] =	vst.idx.msk $0xffff, v10  }
0x212: {  	v9 =	vor.u32 v0, v40;
	v8 =	vld.idx.msk [tilespmem:v8+s8+$0x0], $0xffff;
	_ =	sdelay $0x4  }
0x213: {  	[tilespmem:v9+s25+$0x0] =	vst.idx.msk $0xffff, v8  }
0x214: {  	v8 =	vld @!p0 [tilespmem:s11+$0x20];
	_ =	sdelay $0x4  }
0x215: {  	v8 =	vand.u32 @!p0 $0xFFFFFF80, v8  }
0x216: {  	v8 =	vadd.s32 @!p0 s4, v8  }
0x217: {  	(v2sf) =	vpush @!p0 v8, $0x0;
	_ =	sdelay $0x1  }
0x218: {  	(v2sf) =	vpush @!p0 v8, $0x1;
	_ =	sdelay $0x1  }
0x219: {  	(v2sf) =	vpush @!p0 v8, $0x2;
	_ =	sdelay $0x1  }
0x21a: {  	(v2sf) =	vpush @!p0 v8, $0x3;
	_ =	sdelay $0x1  }
0x21b: {  	(v2sf) =	vpush @!p0 v8, $0x4;
	_ =	sdelay $0x1  }
0x21c: {  	(v2sf) =	vpush @!p0 v8, $0x5;
	_ =	sdelay $0x1  }
0x21d: {  	(v2sf) =	vpush @!p0 v8, $0x6;
	_ =	sdelay $0x1  }
0x21e: {  	(v2sf) =	vpush @!p0 v8, $0x7  }
0x21f: {  	s14 =	simm.s32 @!p0 $0x8480;
	s13 =	spop @!p0 (v2sf)  }
0x220: {  	[tilespmem:s14], [sflag:$0x5] =	stream.linear.gather @!p0 [hbm4b:s13+s12], $0x400, $0x38;
	[tilespmem:$0x12480] =	vst v63  }
0x221: {  	s13 =	spop @!p0 (v2sf);
	s14 =	simm.s32 @!p0 $0x8880  }
0x222: {  	[tilespmem:s14], [sflag:$0x5] =	stream.linear.gather @!p0 [hbm4b:s13+s12], $0x400, $0x38;
	[tilespmem:$0x12480] =	vst v63  }
0x223: {  	s13 =	spop @!p0 (v2sf);
	s14 =	simm.s32 @!p0 $0x8C80  }
0x224: {  	[tilespmem:s14], [sflag:$0x5] =	stream.linear.gather @!p0 [hbm4b:s13+s12], $0x400, $0x38;
	[tilespmem:$0x12480] =	vst v63  }
0x225: {  	s13 =	spop @!p0 (v2sf);
	s14 =	simm.s32 @!p0 $0x9080  }
0x226: {  	[tilespmem:s14], [sflag:$0x5] =	stream.linear.gather @!p0 [hbm4b:s13+s12], $0x400, $0x38;
	[tilespmem:$0x12480] =	vst v63  }
0x227: {  	s13 =	spop @!p0 (v2sf);
	s14 =	simm.s32 @!p0 $0x9480  }
0x228: {  	[tilespmem:s14], [sflag:$0x5] =	stream.linear.gather @!p0 [hbm4b:s13+s12], $0x400, $0x38;
	[tilespmem:$0x12480] =	vst v63  }
0x229: {  	s13 =	spop @!p0 (v2sf);
	s14 =	simm.s32 @!p0 $0x9880  }
0x22a: {  	[tilespmem:s14], [sflag:$0x5] =	stream.linear.gather @!p0 [hbm4b:s13+s12], $0x400, $0x38;
	[tilespmem:$0x12480] =	vst v63  }
0x22b: {  	s13 =	spop @!p0 (v2sf);
	s14 =	simm.s32 @!p0 $0x9C80  }
0x22c: {  	[tilespmem:s14], [sflag:$0x5] =	stream.linear.gather @!p0 [hbm4b:s13+s12], $0x400, $0x38;
	[tilespmem:$0x12480] =	vst v63  }
0x22d: {  	s13 =	spop @!p0 (v2sf);
	s14 =	simm.s32 @!p0 $0xA080  }
0x22e: {  	[tilespmem:s14], [sflag:$0x5] =	stream.linear.gather @!p0 [hbm4b:s13+s12], $0x400, $0x38;
	[tilespmem:$0x12480] =	vst v63  }
0x22f: {  	_ =	swait.ge [sflag:s31], $0x2000  }
0x230: {  	[sflag:s31] =	ssyncset.done $0x0  }
0x231: {  	[sflag:s31] =	ssyncadd.s32 $0xFFFFE000  }
0x232: {  	v8 =	vld [tilespmem:s11+$0xFFFFFFE8];
	_ =	sdelay $0x4  }
0x233: {  	v8 =	vand.u32 $0x7F, v8  }
0x234: {  	v41 =	vor.u32 $0x80, v8  }
0x235: {  	v42 =	vbroadcast v8, $0x0;
	v9 =	vbroadcast v41, $0x1;
	_ =	sdelay $0x1  }
0x236: {  	s13 =	sadd.s32 $0xFFFFFFEA, s10;
	v9 =	vsel vm0, v42, v9  }
0x237: {  	s14 =	sadd.s32 $0xFFFFFFE9, s10;
	v43 =	vmov s13;
	v44 =	vand.u32 $0x7F, v9;
	v9 =	vshll.u32 v9, $0x3  }
0x238: {  	v10 =	vsel vm0, s14, v43;
	v9 =	vand.u32 $0x400, v9  }
0x239: {  	v45 =	vor.u32 $0x180, v8;
	v46 =	vor.u32 $0x100, v8;
	v9 =	vor.u32 v9, v44  }
0x23a: {  	s13 =	sadd.s32 $0xFFFFFFEC, s10;
	v47 =	vbroadcast v45, $0x3;
	v48 =	vbroadcast v46, $0x2;
	v9 =	vor.u32 v5, v9  }
0x23b: {  	v50 =	vmov s13;
	v49 =	vshll.u32 v10, $0x3  }
0x23c: {  	s14 =	sadd.s32 $0xFFFFFFEB, s10;
	v10 =	vand.u32 $0x69, v10;
	v13 =	vand.u32 $0x7FFFFC00, v49;
	v11 =	vsel vm0, v48, v47  }
0x23d: {  	v10 =	vor.u32 v13, v10;
	v13 =	vsel vm0, s14, v50;
	v12 =	vshll.u32 v11, $0x3  }
0x23e: {  	v10 =	vor.u32 v0, v10;
	v11 =	vand.u32 $0x7F, v11;
	v12 =	vand.u32 $0xC00, v12  }
0x23f: {  	v51 =	vor.u32 $0x280, v8;
	v52 =	vor.u32 $0x200, v8;
	v11 =	vor.u32 v12, v11;
	v9 =	vld.idx.msk [tilespmem:v9+s8+$0x0], $0xffff  }
0x240: {  	v14 =	vbroadcast v52, $0x4;
	v12 =	vbroadcast v51, $0x5;
	v11 =	vor.u32 v5, v11  }
0x241: {  	v53 =	vshll.u32 v13, $0x3  }
0x242: {  	s14 =	sadd.s32 $0xFFFFFFEE, s10;
	v13 =	vand.u32 $0x6B, v13;
	v15 =	vand.u32 $0x7FFFFC00, v53;
	v12 =	vsel vm0, v14, v12  }
0x243: {  	v54 =	vmov s14;
	v13 =	vor.u32 v15, v13;
	v14 =	vshll.u32 v12, $0x3  }
0x244: {  	v13 =	vor.u32 v0, v13;
	v55 =	vand.u32 $0x7F, v12;
	v56 =	vand.u32 $0x1400, v14;
	[tilespmem:v10+s25+$0x0] =	vst.idx.msk $0xffff, v9  }
0x245: {  	v57 =	vor.u32 $0x380, v8;
	v8 =	vor.u32 $0x300, v8;
	v10 =	vor.u32 v56, v55;
	v11 =	vld.idx.msk [tilespmem:v11+s8+$0x0], $0xffff  }
0x246: {  	s14 =	sadd.s32 $0xFFFFFFED, s10;
	v8 =	vbroadcast v8, $0x6;
	v12 =	vbroadcast v57, $0x7;
	v10 =	vor.u32 v5, v10  }
0x247: {  	v9 =	vsel vm0, s14, v54  }
0x248: {  	v8 =	vsel vm0, v8, v12;
	v58 =	vshll.u32 v9, $0x3  }
0x249: {  	v60 =	vshll.u32 v8, $0x3;
	v9 =	vand.u32 $0x6D, v9;
	v59 =	vand.u32 $0x7FFFFC00, v58  }
0x24a: {  	v8 =	vand.u32 $0x7F, v8;
	v61 =	vand.u32 $0x1C00, v60;
	v9 =	vor.u32 v59, v9;
	[tilespmem:v13+s25+$0x0] =	vst.idx.msk $0xffff, v11  }
0x24b: {  	s13 =	sadd.s32 $0xFFFFFFF0, s10;
	v8 =	vor.u32 v61, v8;
	v9 =	vor.u32 v0, v9;
	v10 =	vld.idx.msk [tilespmem:v10+s8+$0x0], $0xffff  }
0x24c: {  	v62 =	vmov s13;
	v8 =	vor.u32 v5, v8;
	s14 =	sadd.s32 $0xFFFFFFEF, s10  }
0x24d: {  	v11 =	vsel vm0, s14, v62  }
0x24e: {  	v63 =	vshll.u32 v11, $0x3  }
0x24f: {  	v11 =	vand.u32 $0x6F, v11;
	v12 =	vand.u32 $0x7FFFFC00, v63  }
0x250: {  	v15 =	vor.u32 v12, v11;
	[tilespmem:v9+s25+$0x0] =	vst.idx.msk $0xffff, v10  }
0x251: {  	v9 =	vor.u32 v0, v15;
	v8 =	vld.idx.msk [tilespmem:v8+s8+$0x0], $0xffff;
	_ =	sdelay $0x4  }
0x252: {  	[tilespmem:v9+s25+$0x0] =	vst.idx.msk $0xffff, v8  }
0x253: {  	v8 =	vld @!p0 [tilespmem:s11+$0x28];
	_ =	sdelay $0x4  }
0x254: {  	v8 =	vand.u32 @!p0 $0xFFFFFF80, v8  }
0x255: {  	v8 =	vadd.s32 @!p0 s4, v8  }
0x256: {  	(v2sf) =	vpush @!p0 v8, $0x0;
	_ =	sdelay $0x1  }
0x257: {  	(v2sf) =	vpush @!p0 v8, $0x1;
	_ =	sdelay $0x1  }
0x258: {  	(v2sf) =	vpush @!p0 v8, $0x2;
	_ =	sdelay $0x1  }
0x259: {  	(v2sf) =	vpush @!p0 v8, $0x3;
	_ =	sdelay $0x1  }
0x25a: {  	(v2sf) =	vpush @!p0 v8, $0x4;
	_ =	sdelay $0x1  }
0x25b: {  	(v2sf) =	vpush @!p0 v8, $0x5;
	_ =	sdelay $0x1  }
0x25c: {  	(v2sf) =	vpush @!p0 v8, $0x6;
	_ =	sdelay $0x1  }
0x25d: {  	(v2sf) =	vpush @!p0 v8, $0x7  }
0x25e: {  	s14 =	simm.s32 @!p0 $0xA480;
	s13 =	spop @!p0 (v2sf)  }
0x25f: {  	[tilespmem:s14], [sflag:$0x6] =	stream.linear.gather @!p0 [hbm4b:s13+s12], $0x400, $0x38;
	[tilespmem:$0x12480] =	vst v63  }
0x260: {  	s13 =	spop @!p0 (v2sf);
	s14 =	simm.s32 @!p0 $0xA880  }
0x261: {  	[tilespmem:s14], [sflag:$0x6] =	stream.linear.gather @!p0 [hbm4b:s13+s12], $0x400, $0x38;
	[tilespmem:$0x12480] =	vst v63  }
0x262: {  	s13 =	spop @!p0 (v2sf);
	s14 =	simm.s32 @!p0 $0xAC80  }
0x263: {  	[tilespmem:s14], [sflag:$0x6] =	stream.linear.gather @!p0 [hbm4b:s13+s12], $0x400, $0x38;
	[tilespmem:$0x12480] =	vst v63  }
0x264: {  	s13 =	spop @!p0 (v2sf);
	s14 =	simm.s32 @!p0 $0xB080  }
0x265: {  	[tilespmem:s14], [sflag:$0x6] =	stream.linear.gather @!p0 [hbm4b:s13+s12], $0x400, $0x38;
	[tilespmem:$0x12480] =	vst v63  }
0x266: {  	s13 =	spop @!p0 (v2sf);
	s14 =	simm.s32 @!p0 $0xB480  }
0x267: {  	[tilespmem:s14], [sflag:$0x6] =	stream.linear.gather @!p0 [hbm4b:s13+s12], $0x400, $0x38;
	[tilespmem:$0x12480] =	vst v63  }
0x268: {  	s13 =	spop @!p0 (v2sf);
	s14 =	simm.s32 @!p0 $0xB880  }
0x269: {  	[tilespmem:s14], [sflag:$0x6] =	stream.linear.gather @!p0 [hbm4b:s13+s12], $0x400, $0x38;
	[tilespmem:$0x12480] =	vst v63  }
0x26a: {  	s13 =	spop @!p0 (v2sf);
	s14 =	simm.s32 @!p0 $0xBC80  }
0x26b: {  	[tilespmem:s14], [sflag:$0x6] =	stream.linear.gather @!p0 [hbm4b:s13+s12], $0x400, $0x38;
	[tilespmem:$0x12480] =	vst v63  }
0x26c: {  	s13 =	spop @!p0 (v2sf);
	s14 =	simm.s32 @!p0 $0xC080  }
0x26d: {  	[tilespmem:s14], [sflag:$0x6] =	stream.linear.gather @!p0 [hbm4b:s13+s12], $0x400, $0x38;
	[tilespmem:$0x12480] =	vst v63  }
0x26e: {  	_ =	swait.ge [sflag:s0], $0x2000  }
0x26f: {  	[sflag:s0] =	ssyncset.done $0x0  }
0x270: {  	[sflag:s0] =	ssyncadd.s32 $0xFFFFE000  }
0x271: {  	v8 =	vld [tilespmem:s11+$0xFFFFFFF0];
	_ =	sdelay $0x4  }
0x272: {  	v8 =	vand.u32 $0x7F, v8  }
0x273: {  	v16 =	vor.u32 $0x80, v8  }
0x274: {  	v17 =	vbroadcast v8, $0x0;
	v9 =	vbroadcast v16, $0x1;
	_ =	sdelay $0x1  }
0x275: {  	s13 =	sadd.s32 $0xFFFFFFF2, s10;
	v9 =	vsel vm0, v17, v9  }
0x276: {  	s14 =	sadd.s32 $0xFFFFFFF1, s10;
	v18 =	vmov s13;
	v19 =	vand.u32 $0x7F, v9;
	v9 =	vshll.u32 v9, $0x3  }
0x277: {  	v10 =	vsel vm0, s14, v18;
	v9 =	vand.u32 $0x400, v9  }
0x278: {  	v20 =	vor.u32 $0x180, v8;
	v21 =	vor.u32 $0x100, v8;
	v9 =	vor.u32 v9, v19  }
0x279: {  	s13 =	sadd.s32 $0xFFFFFFF4, s10;
	v22 =	vbroadcast v20, $0x3;
	v23 =	vbroadcast v21, $0x2;
	v9 =	vor.u32 v6, v9  }
0x27a: {  	v25 =	vmov s13;
	v24 =	vshll.u32 v10, $0x3  }
0x27b: {  	s14 =	sadd.s32 $0xFFFFFFF3, s10;
	v10 =	vand.u32 $0x71, v10;
	v13 =	vand.u32 $0x7FFFFC00, v24;
	v11 =	vsel vm0, v23, v22  }
0x27c: {  	v10 =	vor.u32 v13, v10;
	v13 =	vsel vm0, s14, v25;
	v12 =	vshll.u32 v11, $0x3  }
0x27d: {  	v10 =	vor.u32 v0, v10;
	v11 =	vand.u32 $0x7F, v11;
	v12 =	vand.u32 $0xC00, v12  }
0x27e: {  	v26 =	vor.u32 $0x280, v8;
	v27 =	vor.u32 $0x200, v8;
	v11 =	vor.u32 v12, v11;
	v9 =	vld.idx.msk [tilespmem:v9+s8+$0x0], $0xffff  }
0x27f: {  	v14 =	vbroadcast v27, $0x4;
	v12 =	vbroadcast v26, $0x5;
	v11 =	vor.u32 v6, v11  }
0x280: {  	v28 =	vshll.u32 v13, $0x3  }
0x281: {  	s14 =	sadd.s32 $0xFFFFFFF6, s10;
	v13 =	vand.u32 $0x73, v13;
	v15 =	vand.u32 $0x7FFFFC00, v28;
	v12 =	vsel vm0, v14, v12  }
0x282: {  	v29 =	vmov s14;
	v13 =	vor.u32 v15, v13;
	v14 =	vshll.u32 v12, $0x3  }
0x283: {  	v13 =	vor.u32 v0, v13;
	v30 =	vand.u32 $0x7F, v12;
	v31 =	vand.u32 $0x1400, v14;
	[tilespmem:v10+s25+$0x0] =	vst.idx.msk $0xffff, v9  }
0x284: {  	v32 =	vor.u32 $0x380, v8;
	v8 =	vor.u32 $0x300, v8;
	v10 =	vor.u32 v31, v30;
	v11 =	vld.idx.msk [tilespmem:v11+s8+$0x0], $0xffff  }
0x285: {  	s14 =	sadd.s32 $0xFFFFFFF5, s10;
	v8 =	vbroadcast v8, $0x6;
	v12 =	vbroadcast v32, $0x7;
	v10 =	vor.u32 v6, v10  }
0x286: {  	v9 =	vsel vm0, s14, v29  }
0x287: {  	v8 =	vsel vm0, v8, v12;
	v33 =	vshll.u32 v9, $0x3  }
0x288: {  	v35 =	vshll.u32 v8, $0x3;
	v9 =	vand.u32 $0x75, v9;
	v34 =	vand.u32 $0x7FFFFC00, v33  }
0x289: {  	v8 =	vand.u32 $0x7F, v8;
	v36 =	vand.u32 $0x1C00, v35;
	v9 =	vor.u32 v34, v9;
	[tilespmem:v13+s25+$0x0] =	vst.idx.msk $0xffff, v11  }
0x28a: {  	s13 =	sadd.s32 $0xFFFFFFF8, s10;
	v8 =	vor.u32 v36, v8;
	v9 =	vor.u32 v0, v9;
	v10 =	vld.idx.msk [tilespmem:v10+s8+$0x0], $0xffff  }
0x28b: {  	v37 =	vmov s13;
	v8 =	vor.u32 v6, v8;
	s14 =	sadd.s32 $0xFFFFFFF7, s10  }
0x28c: {  	v11 =	vsel vm0, s14, v37  }
0x28d: {  	v38 =	vshll.u32 v11, $0x3  }
0x28e: {  	v11 =	vand.u32 $0x77, v11;
	v12 =	vand.u32 $0x7FFFFC00, v38  }
0x28f: {  	v39 =	vor.u32 v12, v11;
	[tilespmem:v9+s25+$0x0] =	vst.idx.msk $0xffff, v10  }
0x290: {  	v9 =	vor.u32 v0, v39;
	v8 =	vld.idx.msk [tilespmem:v8+s8+$0x0], $0xffff;
	_ =	sdelay $0x4  }
0x291: {  	[tilespmem:v9+s25+$0x0] =	vst.idx.msk $0xffff, v8  }
0x292: {  	v8 =	vld @!p0 [tilespmem:s11+$0x30];
	_ =	sdelay $0x4  }
0x293: {  	v8 =	vand.u32 @!p0 $0xFFFFFF80, v8  }
0x294: {  	v8 =	vadd.s32 @!p0 s4, v8  }
0x295: {  	(v2sf) =	vpush @!p0 v8, $0x0;
	_ =	sdelay $0x1  }
0x296: {  	(v2sf) =	vpush @!p0 v8, $0x1;
	_ =	sdelay $0x1  }
0x297: {  	(v2sf) =	vpush @!p0 v8, $0x2;
	_ =	sdelay $0x1  }
0x298: {  	(v2sf) =	vpush @!p0 v8, $0x3;
	_ =	sdelay $0x1  }
0x299: {  	(v2sf) =	vpush @!p0 v8, $0x4;
	_ =	sdelay $0x1  }
0x29a: {  	(v2sf) =	vpush @!p0 v8, $0x5;
	_ =	sdelay $0x1  }
0x29b: {  	(v2sf) =	vpush @!p0 v8, $0x6;
	_ =	sdelay $0x1  }
0x29c: {  	(v2sf) =	vpush @!p0 v8, $0x7  }
0x29d: {  	s14 =	simm.s32 @!p0 $0xC480;
	s13 =	spop @!p0 (v2sf)  }
0x29e: {  	[tilespmem:s14], [sflag:$0x7] =	stream.linear.gather @!p0 [hbm4b:s13+s12], $0x400, $0x38;
	[tilespmem:$0x12480] =	vst v63  }
0x29f: {  	s13 =	spop @!p0 (v2sf);
	s14 =	simm.s32 @!p0 $0xC880  }
0x2a0: {  	[tilespmem:s14], [sflag:$0x7] =	stream.linear.gather @!p0 [hbm4b:s13+s12], $0x400, $0x38;
	[tilespmem:$0x12480] =	vst v63  }
0x2a1: {  	s13 =	spop @!p0 (v2sf);
	s14 =	simm.s32 @!p0 $0xCC80  }
0x2a2: {  	[tilespmem:s14], [sflag:$0x7] =	stream.linear.gather @!p0 [hbm4b:s13+s12], $0x400, $0x38;
	[tilespmem:$0x12480] =	vst v63  }
0x2a3: {  	s13 =	spop @!p0 (v2sf);
	s14 =	simm.s32 @!p0 $0xD080  }
0x2a4: {  	[tilespmem:s14], [sflag:$0x7] =	stream.linear.gather @!p0 [hbm4b:s13+s12], $0x400, $0x38;
	[tilespmem:$0x12480] =	vst v63  }
0x2a5: {  	s13 =	spop @!p0 (v2sf);
	s14 =	simm.s32 @!p0 $0xD480  }
0x2a6: {  	[tilespmem:s14], [sflag:$0x7] =	stream.linear.gather @!p0 [hbm4b:s13+s12], $0x400, $0x38;
	[tilespmem:$0x12480] =	vst v63  }
0x2a7: {  	s13 =	spop @!p0 (v2sf);
	s14 =	simm.s32 @!p0 $0xD880  }
0x2a8: {  	[tilespmem:s14], [sflag:$0x7] =	stream.linear.gather @!p0 [hbm4b:s13+s12], $0x400, $0x38;
	[tilespmem:$0x12480] =	vst v63  }
0x2a9: {  	s13 =	spop @!p0 (v2sf);
	s14 =	simm.s32 @!p0 $0xDC80  }
0x2aa: {  	[tilespmem:s14], [sflag:$0x7] =	stream.linear.gather @!p0 [hbm4b:s13+s12], $0x400, $0x38;
	[tilespmem:$0x12480] =	vst v63  }
0x2ab: {  	s13 =	spop @!p0 (v2sf);
	s14 =	simm.s32 @!p0 $0xE080  }
0x2ac: {  	[tilespmem:s14], [sflag:$0x7] =	stream.linear.gather @!p0 [hbm4b:s13+s12], $0x400, $0x38;
	[tilespmem:$0x12480] =	vst v63  }
0x2ad: {  	_ =	swait.ge [sflag:s2], $0x2000  }
0x2ae: {  	[sflag:s2] =	ssyncset.done $0x0  }
0x2af: {  	[sflag:s2] =	ssyncadd.s32 $0xFFFFE000  }
0x2b0: {  	v8 =	vld [tilespmem:s11+$0xFFFFFFF8];
	_ =	sdelay $0x4  }
0x2b1: {  	v8 =	vand.u32 $0x7F, v8  }
0x2b2: {  	v40 =	vor.u32 $0x80, v8  }
0x2b3: {  	v41 =	vbroadcast v8, $0x0;
	v9 =	vbroadcast v40, $0x1;
	_ =	sdelay $0x1  }
0x2b4: {  	s13 =	sadd.s32 $0xFFFFFFFA, s10;
	v9 =	vsel vm0, v41, v9  }
0x2b5: {  	s14 =	sadd.s32 $0xFFFFFFF9, s10;
	v42 =	vmov s13;
	v43 =	vand.u32 $0x7F, v9;
	v9 =	vshll.u32 v9, $0x3  }
0x2b6: {  	v10 =	vsel vm0, s14, v42;
	v9 =	vand.u32 $0x400, v9  }
0x2b7: {  	v44 =	vor.u32 $0x180, v8;
	v45 =	vor.u32 $0x100, v8;
	v9 =	vor.u32 v9, v43  }
0x2b8: {  	s13 =	sadd.s32 $0xFFFFFFFC, s10;
	v46 =	vbroadcast v44, $0x3;
	v47 =	vbroadcast v45, $0x2;
	v9 =	vor.u32 v7, v9  }
0x2b9: {  	v49 =	vmov s13;
	v48 =	vshll.u32 v10, $0x3  }
0x2ba: {  	s14 =	sadd.s32 $0xFFFFFFFB, s10;
	v10 =	vand.u32 $0x79, v10;
	v13 =	vand.u32 $0x7FFFFC00, v48;
	v11 =	vsel vm0, v47, v46  }
0x2bb: {  	v10 =	vor.u32 v13, v10;
	v13 =	vsel vm0, s14, v49;
	v12 =	vshll.u32 v11, $0x3  }
0x2bc: {  	v10 =	vor.u32 v0, v10;
	v11 =	vand.u32 $0x7F, v11;
	v12 =	vand.u32 $0xC00, v12  }
0x2bd: {  	v50 =	vor.u32 $0x280, v8;
	v51 =	vor.u32 $0x200, v8;
	v11 =	vor.u32 v12, v11;
	v9 =	vld.idx.msk [tilespmem:v9+s8+$0x0], $0xffff  }
0x2be: {  	v14 =	vbroadcast v51, $0x4;
	v12 =	vbroadcast v50, $0x5;
	v11 =	vor.u32 v7, v11  }
0x2bf: {  	v52 =	vshll.u32 v13, $0x3  }
0x2c0: {  	s14 =	sadd.s32 $0xFFFFFFFE, s10;
	v13 =	vand.u32 $0x7B, v13;
	v15 =	vand.u32 $0x7FFFFC00, v52;
	v12 =	vsel vm0, v14, v12  }
0x2c1: {  	v53 =	vmov s14;
	v13 =	vor.u32 v15, v13;
	v14 =	vshll.u32 v12, $0x3  }
0x2c2: {  	v13 =	vor.u32 v0, v13;
	v54 =	vand.u32 $0x7F, v12;
	v55 =	vand.u32 $0x1400, v14;
	[tilespmem:v10+s25+$0x0] =	vst.idx.msk $0xffff, v9  }
0x2c3: {  	v56 =	vor.u32 $0x380, v8;
	v8 =	vor.u32 $0x300, v8;
	v10 =	vor.u32 v55, v54;
	v11 =	vld.idx.msk [tilespmem:v11+s8+$0x0], $0xffff  }
0x2c4: {  	s13 =	sadd.s32 $0xFFFFFFFD, s10;
	v8 =	vbroadcast v8, $0x6;
	v12 =	vbroadcast v56, $0x7;
	v10 =	vor.u32 v7, v10  }
0x2c5: {  	v9 =	vsel vm0, s13, v53  }
0x2c6: {  	v8 =	vsel vm0, v8, v12;
	v57 =	vshll.u32 v9, $0x3  }
0x2c7: {  	v59 =	vshll.u32 v8, $0x3;
	v9 =	vand.u32 $0x7D, v9;
	v58 =	vand.u32 $0x7FFFFC00, v57  }
0x2c8: {  	v8 =	vand.u32 $0x7F, v8;
	v60 =	vand.u32 $0x1C00, v59;
	v9 =	vor.u32 v58, v9;
	[tilespmem:v13+s25+$0x0] =	vst.idx.msk $0xffff, v11  }
0x2c9: {  	v8 =	vor.u32 v60, v8;
	v9 =	vor.u32 v0, v9;
	v10 =	vld.idx.msk [tilespmem:v10+s8+$0x0], $0xffff  }
0x2ca: {  	v61 =	vmov s10;
	s14 =	sadd.s32 $0xFFFFFFFF, s10;
	v8 =	vor.u32 v7, v8  }
0x2cb: {  	v11 =	vsel vm0, s14, v61  }
0x2cc: {  	v62 =	vshll.u32 v11, $0x3  }
0x2cd: {  	v11 =	vand.u32 $0x7F, v11;
	v12 =	vand.u32 $0x7FFFFC00, v62  }
0x2ce: {  	v63 =	vor.u32 v12, v11;
	[tilespmem:v9+s25+$0x0] =	vst.idx.msk $0xffff, v10  }
0x2cf: {  	v9 =	vor.u32 v0, v63;
	v8 =	vld.idx.msk [tilespmem:v8+s8+$0x0], $0xffff  }
.Ltmp2:
0x2d0: {  	_ = 	snop;
	(pc) =	sbr.rel @p0 .LBB2_4-.Ltmp2, $2  }
0x2d1: {  	_ =	sdelay $0x2  }
0x2d2: {  	[tilespmem:v9+s25+$0x0] =	vst.idx.msk $0xffff, v8  }
0x2d3: {  	v8 =	vld [tilespmem:s11+$0x38];
	_ =	sdelay $0x4  }
0x2d4: {  	v8 =	vand.u32 $0xFFFFFF80, v8  }
0x2d5: {  	v8 =	vadd.s32 s4, v8  }
0x2d6: {  	(v2sf) =	vpush v8, $0x0;
	_ =	sdelay $0x1  }
0x2d7: {  	(v2sf) =	vpush v8, $0x1;
	_ =	sdelay $0x1  }
0x2d8: {  	(v2sf) =	vpush v8, $0x2;
	_ =	sdelay $0x1  }
0x2d9: {  	(v2sf) =	vpush v8, $0x3;
	_ =	sdelay $0x1  }
0x2da: {  	(v2sf) =	vpush v8, $0x4;
	_ =	sdelay $0x1  }
0x2db: {  	(v2sf) =	vpush v8, $0x5;
	_ =	sdelay $0x2  }
0x2dc: {  	(v2sf) =	vpush v8, $0x6;
	_ =	sdelay $0x1  }
0x2dd: {  	(v2sf) =	vpush v8, $0x7;
	s12 =	spop (v2sf)  }
0x2de: {  	[tilespmem:s16], [sflag:$0x8] =	stream.linear.gather [hbm4b:s12+s1], $0x400, $0x38;
	[tilespmem:$0x12480] =	vst v63  }
0x2df: {  	s14 =	spop (v2sf)  }
0x2e0: {  	[tilespmem:s17], [sflag:$0x8] =	stream.linear.gather [hbm4b:s14+s1], $0x400, $0x38;
	[tilespmem:$0x12480] =	vst v63  }
0x2e1: {  	s13 =	spop (v2sf)  }
0x2e2: {  	[tilespmem:s18], [sflag:$0x8] =	stream.linear.gather [hbm4b:s13+s1], $0x400, $0x38;
	[tilespmem:$0x12480] =	vst v63  }
0x2e3: {  	s14 =	spop (v2sf)  }
0x2e4: {  	[tilespmem:s19], [sflag:$0x8] =	stream.linear.gather [hbm4b:s14+s1], $0x400, $0x38;
	[tilespmem:$0x12480] =	vst v63  }
0x2e5: {  	s13 =	spop (v2sf)  }
0x2e6: {  	[tilespmem:s20], [sflag:$0x8] =	stream.linear.gather [hbm4b:s13+s1], $0x400, $0x38;
	[tilespmem:$0x12480] =	vst v63  }
0x2e7: {  	s14 =	spop (v2sf)  }
0x2e8: {  	[tilespmem:s21], [sflag:$0x8] =	stream.linear.gather [hbm4b:s14+s1], $0x400, $0x38;
	[tilespmem:$0x12480] =	vst v63  }
.Ltmp3:
0x2e9: {  	_ = 	snop;
	(pc) =	sbr.rel .LBB2_2-.Ltmp3, $4  }
0x2ea: {  	s13 =	spop (v2sf)  }
0x2eb: {  	[tilespmem:s22], [sflag:$0x8] =	stream.linear.gather [hbm4b:s13+s1], $0x400, $0x38;
	[tilespmem:$0x12480] =	vst v63  }
0x2ec: {  	s10 =	sadd.s32 $0x40, s10;
	s11 =	sadd.s32 $0x40, s11;
	s14 =	spop (v2sf)  }
0x2ed: {  	[tilespmem:s23], [sflag:$0x8] =	stream.linear.gather [hbm4b:s14+s1], $0x400, $0x38;
	[tilespmem:$0x12480] =	vst v63  }
.LBB2_5:
0x2ee: {  	_ =	sfence.sel $0x180000  }
0x2ef: {  	[bflag:$0x0] =	sbarrier.arrive $0xFFFF  }
0x2f0: {  	_ =	strace $0x90000047  }
0x2f1: {  	s0 =	stileid.u32;
	[bflag:$0x2] =	sbarrier.arrive $0xFFFF  }
0x2f2: {  	p0 =	sne.s32 s0, $0x0;
	s0 =	rddreg [dreg:$0x3]  }
0x2f3: {  	s0 =	sadd.s32 @!p0 $0x100000, s0  }
0x2f4: {  	[sflag:s0] =	ssyncadd.tile.s32 @!p0 $0x1;
	_ =	shalt  }
.Lfunc_end2:
_tile_overlayer_lowered:
.L_overlay_start_2:
0x2f5: {  	(tag) =	ssettag $0x2  }
0x2f6: {  	s0 =	rddreg [dreg:$0x0];
	s2 =	stileid.u32  }
0x2f7: {  	s1 =	rddreg [dreg:$0x1];
	p0 =	sne.s32 s2, $0x0  }
0x2f8: {  	s3 =	rddreg [dreg:$0x2];
	[bflag:$0x3] =	sbarrier.arrive $0xFFFF;
	s2 =	simm.s32 @!p0 $0x1C09  }
0x2f9: {  	[timem:s3], [sflag:s2] =	dma.local @!p0 [hbm:s0], s1  }
0x2fa: {  	s0 =	simm.s32 @!p0 $0x9  }
0x2fb: {  	_ =	swait.ge @!p0 [sflag:s0], s1  }
0x2fc: {  	s1 =	ssub.s32 @!p0 $0x0, s1;
	[sflag:s0] =	ssyncset.done @!p0 $0x0  }
0x2fd: {  	[sflag:s0] =	ssyncadd.s32 @!p0 s1  }
0x2fe: {  	[bflag:$0x3] =	sbarrier.arrive $0xFFFF  }
0x2ff: {  	_ =	shalt  }

</sc_bundles>
